<compile_context>
chip_gen: v7x
topology: tpu7x:2x2x1
jax: 0.10.2.dev20260603
libtpu: 0.0.44.dev20260713+nightly
codegen_flags: <defaults>
</compile_context>

<pallas_src>
import functools

import jax
import jax.numpy as jnp
from jax import lax
from jax.experimental import pallas as pl
from jax.experimental.pallas import tpu as pltpu
from jax.experimental.pallas import tpu_sc as plsc

_N = 10000
_E = 320000
_D = 128
_GEO = 16
_B = 16


def _prep_body(node_ref, wn_ref, bn_ref, cond_ref, wc_ref, bc_ref,
               weg_ref, beg_ref, wxb_ref,
               nf_ref, g_ref, b_ref, wg_ref, bg_ref):
    nf_ref[...] = (jnp.dot(node_ref[...], wn_ref[...],
                           preferred_element_type=jnp.float32) + bn_ref[...])
    gb = (jnp.dot(cond_ref[...], wc_ref[...],
                  preferred_element_type=jnp.float32) + bc_ref[...])
    g_ref[...] = gb[:, :_D] + 1.0
    b_ref[...] = gb[:, _D:]
    wg_ref[...] = jnp.dot(weg_ref[...], wxb_ref[...],
                          preferred_element_type=jnp.float32)
    bg_ref[...] = jnp.dot(beg_ref[...], wxb_ref[...],
                          preferred_element_type=jnp.float32)


def _prep(node_feats, W_nproj, b_nproj, cond_feats, W_cond, b_cond,
          W_egeo, b_egeo, wxb):
    return pl.pallas_call(
        _prep_body,
        out_shape=[
            jax.ShapeDtypeStruct((_N, _D), jnp.float32),
            jax.ShapeDtypeStruct((_B, _D), jnp.float32),
            jax.ShapeDtypeStruct((_B, _D), jnp.float32),
            jax.ShapeDtypeStruct((_GEO, _D), jnp.float32),
            jax.ShapeDtypeStruct((1, _D), jnp.float32),
        ],
    )(node_feats, W_nproj, b_nproj.reshape(1, _D),
      cond_feats, W_cond, b_cond.reshape(1, 2 * _D),
      W_egeo, b_egeo.reshape(1, _GEO), wxb)


_CH = 80


def _make_gather_mul():
    info = plsc.get_sparse_core_info()
    nc, ns = info.num_cores, info.num_subcores
    nw = nc * ns
    per_w = _E // nw
    nch = per_w // _CH

    mesh = plsc.VectorSubcoreMesh(core_axis_name="c", subcore_axis_name="s")

    @functools.partial(
        pl.kernel, mesh=mesh,
        compiler_params=pltpu.CompilerParams(needs_layout_passes=False),
        out_type=jax.ShapeDtypeStruct((_E // 2, _D), jnp.float32),
        scratch_types=[
            pltpu.VMEM((nch, _CH), jnp.int32),
            pltpu.VMEM((nch, _CH), jnp.int32),
            pltpu.VMEM((_CH, _D), jnp.float32),
            pltpu.VMEM((_CH, _D), jnp.float32),
            pltpu.VMEM((_CH, _D), jnp.float32),
            pltpu.VMEM((_CH, _D), jnp.float32),
            pltpu.VMEM((_CH, _D), jnp.float32),
            pltpu.VMEM((_CH, _D), jnp.float32),
            pltpu.VMEM((_CH // 2, _D), jnp.float32),
            pltpu.VMEM((_CH // 2, _D), jnp.float32),
            pltpu.VMEM((_CH // 2, _D), jnp.float32),
            pltpu.SemaphoreType.DMA,
            pltpu.SemaphoreType.DMA,
            pltpu.SemaphoreType.DMA,
            pltpu.SemaphoreType.DMA,
            pltpu.SemaphoreType.DMA,
            pltpu.SemaphoreType.DMA,
            pltpu.SemaphoreType.DMA,
            pltpu.SemaphoreType.DMA,
            pltpu.SemaphoreType.DMA,
        ],
    )
    def gather_mul(nf_hbm, src2_hbm, dst2_hbm, out_hbm,
                   sidx, didx, s0, s1, s2, d0, d1, d2, o0, o1, o2,
                   ga0, ga1, ga2, gd0, gd1, gd2, wb0, wb1, wb2):
        srows = (s0, s1, s2)
        drows = (d0, d1, d2)
        orows = (o0, o1, o2)
        gsem_s = (ga0, ga1, ga2)
        gsem_d = (gd0, gd1, gd2)
        wsem = (wb0, wb1, wb2)
        wid = lax.axis_index("s") * nc + lax.axis_index("c")
        ebase = wid * per_w

        def out_slice(i):
            return pl.ds(pl.multiple_of((ebase + i * _CH) // 2, 8), _CH // 2)

        pltpu.sync_copy(src2_hbm.at[wid], sidx)
        pltpu.sync_copy(dst2_hbm.at[wid], didx)

        def start_gather(i, b):
            pltpu.async_copy(nf_hbm.at[sidx.at[i]], srows[b], gsem_s[b])
            pltpu.async_copy(nf_hbm.at[didx.at[i]], drows[b], gsem_d[b])

        def wait_gather(i, b):
            pltpu.make_async_copy(nf_hbm.at[sidx.at[i]], srows[b],
                                  gsem_s[b]).wait()
            pltpu.make_async_copy(nf_hbm.at[didx.at[i]], drows[b],
                                  gsem_d[b]).wait()

        def do_mul(b):
            sb, db, ob = srows[b], drows[b], orows[b]

            @plsc.parallel_loop(0, _CH // 2, 1, unroll=2)
            def _(r2):
                for j in range(_D // 16):
                    sl = pl.ds(j * 16, 16)
                    p = sb[2 * r2, sl] * db[2 * r2, sl]
                    q = sb[2 * r2 + 1, sl] * db[2 * r2 + 1, sl]
                    packed = plsc.pack(p, q, format=plsc.PackFormat.INTERLEAVED)
                    ob[r2, sl] = plsc.bitcast(packed, jnp.float32)

        def start_wb(i, b):
            pltpu.async_copy(orows[b], out_hbm.at[out_slice(i)], wsem[b])

        def wait_wb(i, b):
            pltpu.make_async_copy(orows[b], out_hbm.at[out_slice(i)],
                                  wsem[b]).wait()

        start_gather(0, 0)
        start_gather(1, 1)
        start_gather(2, 2)

        def triple(p, carry):
            i0 = p * 3
            for b in (0, 1, 2):
                i = i0 + b
                wait_gather(i, b)

                @pl.when(p > 0)
                def _():
                    wait_wb(i - 3, b)

                do_mul(b)
                start_wb(i, b)

                @pl.when(i + 3 < nch)
                def _():
                    start_gather(i + 3, b)
            return carry

        lax.fori_loop(0, nch // 3, triple, 0)

        for i, b in ((nch - 2, 0), (nch - 1, 1)):
            wait_gather(i, b)
            wait_wb(i - 3, b)
            do_mul(b)
            start_wb(i, b)
        wait_wb(nch - 3, 2)
        wait_wb(nch - 2, 0)
        wait_wb(nch - 1, 1)

    return gather_mul


_TILE = 3200


def _edge_body(nj_ref, geot_ref, bid_ref, wxt_ref, wg_ref, bg_ref,
               g_ref, b_ref, out_ref):
    njb = pltpu.bitcast(nj_ref[...], jnp.bfloat16)
    x = (jnp.dot(njb, wxt_ref[...],
                 preferred_element_type=jnp.float32)
         + lax.dot_general(geot_ref[...], wg_ref[...],
                           (((0,), (0,)), ((), ())),
                           preferred_element_type=jnp.float32)
         + bg_ref[...])
    oht = (bid_ref[0] == lax.broadcasted_iota(jnp.int32, (_B, _TILE), 0)
           ).astype(jnp.float32)
    gamma = lax.dot_general(oht, g_ref[...], (((0,), (0,)), ((), ())),
                            preferred_element_type=jnp.float32)
    beta = lax.dot_general(oht, b_ref[...], (((0,), (0,)), ((), ())),
                           preferred_element_type=jnp.float32)
    out_ref[...] = jnp.maximum(x * gamma + beta, 0.0)


def _edge_stage(n_join, geot, bid3, wxt, wg, bg, gamma1, beta):
    grid = (_E // _TILE,)
    full = lambda i: (0, 0)
    return pl.pallas_call(
        _edge_body,
        grid=grid,
        in_specs=[
            pl.BlockSpec((_TILE // 2, _D), lambda i: (i, 0)),
            pl.BlockSpec((_GEO, _TILE), lambda i: (0, i)),
            pl.BlockSpec((1, 1, _TILE), lambda i: (i, 0, 0)),
            pl.BlockSpec((_D, _D), full),
            pl.BlockSpec((_GEO, _D), full),
            pl.BlockSpec((1, _D), full),
            pl.BlockSpec((_B, _D), full),
            pl.BlockSpec((_B, _D), full),
        ],
        out_specs=pl.BlockSpec((_TILE, _D), lambda i: (i, 0)),
        out_shape=jax.ShapeDtypeStruct((_E, _D), jnp.float32),
        compiler_params=pltpu.CompilerParams(
            dimension_semantics=("arbitrary",)),
    )(n_join, geot, bid3, wxt, wg, bg, gamma1, beta)


_gather_mul = _make_gather_mul()


def kernel(node_feats, edge_index, edge_geo, cond_feats, batch_ids,
           W_nproj, b_nproj, W_egeo, b_egeo, W_cond, b_cond, W_x):
    nf, gamma1, beta, wg, bg = _prep(node_feats, W_nproj, b_nproj,
                                     cond_feats, W_cond, b_cond,
                                     W_egeo, b_egeo, W_x[_D:])
    src2 = edge_index[0].astype(jnp.int32).reshape(32, _E // (32 * _CH), _CH)
    dst2 = edge_index[1].astype(jnp.int32).reshape(32, _E // (32 * _CH), _CH)
    n_join = _gather_mul(nf, src2, dst2)
    bid3 = batch_ids.astype(jnp.int32).reshape(_E // _TILE, 1, _TILE)
    geot = edge_geo.T
    wxtb = W_x[:_D].astype(jnp.bfloat16)
    return _edge_stage(n_join, geot, bid3, wxtb, wg, bg, gamma1, beta)

# --- scband reference (transcript-rebuilt; emitter-appended) ---
"""Pipeline reference for scband-edge-feat-62027917688906 (READ-ONLY COPY).

The authoritative reference and input builder live on the scoring server;
editing this copy changes nothing except your own understanding.
"""

import jax, jax.numpy as jnp
import numpy as np

N = 10000
E = 320000
D_NODE = 128
D_EDGE = 128
D_COND = 128
GEO = 16
GEO_OUT = 16
B = 16
JOIN = D_EDGE + GEO_OUT


def setup_inputs(seed: int = 0) -> dict:
    key = jax.random.key(seed)
    ks = jax.random.split(key, 12)
    node_feats = jax.random.normal(ks[0], (N, D_NODE), dtype=jnp.float32)
    edge_index = jax.random.randint(ks[1], (2, E), 0, N, dtype=jnp.int64)
    edge_geo = jax.random.normal(ks[2], (E, GEO), dtype=jnp.float32)
    cond_feats = jax.random.normal(ks[3], (B, D_COND), dtype=jnp.float32)
    batch_ids = jnp.sort(jax.random.randint(ks[4], (E,), 0, B, dtype=jnp.int64))
    # learned parameters
    W_nproj = jax.random.normal(ks[5], (D_NODE, D_EDGE), dtype=jnp.float32) * (1.0 / np.sqrt(D_NODE))
    b_nproj = jnp.zeros((D_EDGE,), dtype=jnp.float32)
    W_egeo = jax.random.normal(ks[6], (GEO, GEO_OUT), dtype=jnp.float32) * (1.0 / np.sqrt(GEO))
    b_egeo = jnp.zeros((GEO_OUT,), dtype=jnp.float32)
    W_cond = jax.random.normal(ks[7], (D_COND, 2 * D_EDGE), dtype=jnp.float32) * (1.0 / np.sqrt(D_COND))
    b_cond = jnp.zeros((2 * D_EDGE,), dtype=jnp.float32)
    W_x = jax.random.normal(ks[8], (JOIN, D_EDGE), dtype=jnp.float32) * (1.0 / np.sqrt(JOIN))
    return {
        "node_feats": node_feats,
        "edge_index": edge_index,
        "edge_geo": edge_geo,
        "cond_feats": cond_feats,
        "batch_ids": batch_ids,
        "W_nproj": W_nproj,
        "b_nproj": b_nproj,
        "W_egeo": W_egeo,
        "b_egeo": b_egeo,
        "W_cond": W_cond,
        "b_cond": b_cond,
        "W_x": W_x,
    }


def reference(node_feats, edge_index, edge_geo, cond_feats, batch_ids,
              W_nproj, b_nproj, W_egeo, b_egeo, W_cond, b_cond, W_x):
    # n_proj: project node features to edge_dim
    nf = node_feats @ W_nproj + b_nproj
    # combine_node_attr with n2n='mul': gather src/dst node feats per edge and multiply
    src = edge_index[0]
    dst = edge_index[1]
    n_join_feats = jnp.take(nf, src, axis=0) * jnp.take(nf, dst, axis=0)
    # e_geo_linear on edge geometric features
    e_geo_feats = edge_geo @ W_egeo + b_egeo
    join_feats = jnp.concatenate((n_join_feats, e_geo_feats), axis=-1)
    # FilmFusion: cond_proj -> gamma/beta, indexed per-edge by batch_ids
    gb = cond_feats @ W_cond + b_cond
    gamma, beta = jnp.split(gb, 2, axis=-1)
    gamma = gamma + 1.0
    gamma_e = jnp.take(gamma, batch_ids, axis=0)
    beta_e = jnp.take(beta, batch_ids, axis=0)
    # x_linear (no bias) then FiLM conditioning and relu
    x = join_feats @ W_x
    x = x * gamma_e + beta_e
    return jax.nn.relu(x)

if __name__ == "__main__":
    import jax
    _d = setup_inputs()
    print(jax.jit(kernel)(*tuple(_d.values())))

</pallas_src>

<mosaic_0001>
#map = affine_map<(d0, d1) -> (0, 0)>
#map1 = affine_map<(d0, d1) -> (0, 0, 0)>
module attributes {stable_mosaic.version = 14 : i64} {
  func.func @gather_mul(%arg0: i32, %arg1: i32, %arg2: memref<10000x128xf32, #tpu.memory_space<hbm>>, %arg3: memref<32x125x80xi32, #tpu.memory_space<hbm>>, %arg4: memref<32x125x80xi32, #tpu.memory_space<hbm>>, %arg5: memref<160000x128xf32, #tpu.memory_space<hbm>>, %arg6: memref<125x80xi32, #tpu.memory_space<vmem>>, %arg7: memref<125x80xi32, #tpu.memory_space<vmem>>, %arg8: memref<80x128xf32, #tpu.memory_space<vmem>>, %arg9: memref<80x128xf32, #tpu.memory_space<vmem>>, %arg10: memref<80x128xf32, #tpu.memory_space<vmem>>, %arg11: memref<80x128xf32, #tpu.memory_space<vmem>>, %arg12: memref<80x128xf32, #tpu.memory_space<vmem>>, %arg13: memref<80x128xf32, #tpu.memory_space<vmem>>, %arg14: memref<40x128xf32, #tpu.memory_space<vmem>>, %arg15: memref<40x128xf32, #tpu.memory_space<vmem>>, %arg16: memref<40x128xf32, #tpu.memory_space<vmem>>, %arg17: memref<!tpu.dma_semaphore, #tpu.memory_space<semaphore_mem>>, %arg18: memref<!tpu.dma_semaphore, #tpu.memory_space<semaphore_mem>>, %arg19: memref<!tpu.dma_semaphore, #tpu.memory_space<semaphore_mem>>, %arg20: memref<!tpu.dma_semaphore, #tpu.memory_space<semaphore_mem>>, %arg21: memref<!tpu.dma_semaphore, #tpu.memory_space<semaphore_mem>>, %arg22: memref<!tpu.dma_semaphore, #tpu.memory_space<semaphore_mem>>, %arg23: memref<!tpu.dma_semaphore, #tpu.memory_space<semaphore_mem>>, %arg24: memref<!tpu.dma_semaphore, #tpu.memory_space<semaphore_mem>>, %arg25: memref<!tpu.dma_semaphore, #tpu.memory_space<semaphore_mem>>) attributes {dimension_semantics = [#tpu.dimension_semantics<core_parallel>, #tpu.dimension_semantics<subcore_parallel>], iteration_bounds = array<i64: 2, 16>, scalar_prefetch = 0 : i64, scratch_operands = 20 : i64, tpu.core_type = #tpu.core_type<sc_vector_subcore>, window_params = [{transform_indices = #map}, {transform_indices = #map1}, {transform_indices = #map1}, {transform_indices = #map}]} {
    %mul3A = arith.constant 2 : i32
    %mul3A_0 = arith.muli %arg1, %mul3A : i32
    %add3A = arith.addi %mul3A_0, %arg0 : i32
    %mul3A_1 = arith.constant 10000 : i32
    %mul3A_2 = arith.muli %add3A, %mul3A_1 : i32
    "tpu.region"() ({
      %run_scoped3A = tpu.sem_alloc : memref<!tpu.dma_semaphore, #tpu.memory_space<semaphore_mem>>
      %dma_start3A_289 = arith.constant 0 : i32
      %dma_start3A_290 = arith.constant 0 : i32
      %dma_start3A_291 = tpu.memref_slice %arg3[%add3A, %dma_start3A_289, %dma_start3A_290] : memref<32x125x80xi32, #tpu.memory_space<hbm>> -> memref<1x125x80xi32, #tpu.memory_space<hbm>>
      %dma_start3A_292 = tpu.memref_squeeze %dma_start3A_291 : memref<1x125x80xi32, #tpu.memory_space<hbm>> -> memref<125x80xi32, #tpu.memory_space<hbm>>
      %dma_start3A_293 = arith.constant 0 : i32
      %dma_start3A_294 = arith.constant 0 : i32
      %dma_start3A_295 = tpu.memref_slice %arg3[%add3A, %dma_start3A_293, %dma_start3A_294] : memref<32x125x80xi32, #tpu.memory_space<hbm>> -> memref<1x125x80xi32, #tpu.memory_space<hbm>>
      %dma_start3A_296 = tpu.memref_squeeze %dma_start3A_295 : memref<1x125x80xi32, #tpu.memory_space<hbm>> -> memref<125x80xi32, #tpu.memory_space<hbm>>
      tpu.enqueue_dma source(%dma_start3A_296 : memref<125x80xi32, #tpu.memory_space<hbm>>) target(%arg6 : memref<125x80xi32, #tpu.memory_space<vmem>>) target_semaphore(%run_scoped3A : memref<!tpu.dma_semaphore, #tpu.memory_space<semaphore_mem>>)
      %dma_wait3A_297 = arith.constant 0 : i32
      %dma_wait3A_298 = arith.constant 0 : i32
      %dma_wait3A_299 = tpu.memref_slice %arg3[%add3A, %dma_wait3A_297, %dma_wait3A_298] : memref<32x125x80xi32, #tpu.memory_space<hbm>> -> memref<1x125x80xi32, #tpu.memory_space<hbm>>
      %dma_wait3A_300 = tpu.memref_squeeze %dma_wait3A_299 : memref<1x125x80xi32, #tpu.memory_space<hbm>> -> memref<125x80xi32, #tpu.memory_space<hbm>>
      %dma_wait3A_301 = arith.constant 0 : i32
      %dma_wait3A_302 = arith.constant 0 : i32
      %dma_wait3A_303 = tpu.memref_slice %arg3[%add3A, %dma_wait3A_301, %dma_wait3A_302] : memref<32x125x80xi32, #tpu.memory_space<hbm>> -> memref<1x125x80xi32, #tpu.memory_space<hbm>>
      %dma_wait3A_304 = tpu.memref_squeeze %dma_wait3A_303 : memref<1x125x80xi32, #tpu.memory_space<hbm>> -> memref<125x80xi32, #tpu.memory_space<hbm>>
      tpu.wait_dma2 semaphore(%run_scoped3A : memref<!tpu.dma_semaphore, #tpu.memory_space<semaphore_mem>>) src(%dma_wait3A_304 : memref<125x80xi32, #tpu.memory_space<hbm>>) dst(%arg6 : memref<125x80xi32, #tpu.memory_space<vmem>>)
      tpu.yield
    }) : () -> ()
    "tpu.region"() ({
      %run_scoped3A = tpu.sem_alloc : memref<!tpu.dma_semaphore, #tpu.memory_space<semaphore_mem>>
      %dma_start3A_289 = arith.constant 0 : i32
      %dma_start3A_290 = arith.constant 0 : i32
      %dma_start3A_291 = tpu.memref_slice %arg4[%add3A, %dma_start3A_289, %dma_start3A_290] : memref<32x125x80xi32, #tpu.memory_space<hbm>> -> memref<1x125x80xi32, #tpu.memory_space<hbm>>
      %dma_start3A_292 = tpu.memref_squeeze %dma_start3A_291 : memref<1x125x80xi32, #tpu.memory_space<hbm>> -> memref<125x80xi32, #tpu.memory_space<hbm>>
      %dma_start3A_293 = arith.constant 0 : i32
      %dma_start3A_294 = arith.constant 0 : i32
      %dma_start3A_295 = tpu.memref_slice %arg4[%add3A, %dma_start3A_293, %dma_start3A_294] : memref<32x125x80xi32, #tpu.memory_space<hbm>> -> memref<1x125x80xi32, #tpu.memory_space<hbm>>
      %dma_start3A_296 = tpu.memref_squeeze %dma_start3A_295 : memref<1x125x80xi32, #tpu.memory_space<hbm>> -> memref<125x80xi32, #tpu.memory_space<hbm>>
      tpu.enqueue_dma source(%dma_start3A_296 : memref<125x80xi32, #tpu.memory_space<hbm>>) target(%arg7 : memref<125x80xi32, #tpu.memory_space<vmem>>) target_semaphore(%run_scoped3A : memref<!tpu.dma_semaphore, #tpu.memory_space<semaphore_mem>>)
      %dma_wait3A_297 = arith.constant 0 : i32
      %dma_wait3A_298 = arith.constant 0 : i32
      %dma_wait3A_299 = tpu.memref_slice %arg4[%add3A, %dma_wait3A_297, %dma_wait3A_298] : memref<32x125x80xi32, #tpu.memory_space<hbm>> -> memref<1x125x80xi32, #tpu.memory_space<hbm>>
      %dma_wait3A_300 = tpu.memref_squeeze %dma_wait3A_299 : memref<1x125x80xi32, #tpu.memory_space<hbm>> -> memref<125x80xi32, #tpu.memory_space<hbm>>
      %dma_wait3A_301 = arith.constant 0 : i32
      %dma_wait3A_302 = arith.constant 0 : i32
      %dma_wait3A_303 = tpu.memref_slice %arg4[%add3A, %dma_wait3A_301, %dma_wait3A_302] : memref<32x125x80xi32, #tpu.memory_space<hbm>> -> memref<1x125x80xi32, #tpu.memory_space<hbm>>
      %dma_wait3A_304 = tpu.memref_squeeze %dma_wait3A_303 : memref<1x125x80xi32, #tpu.memory_space<hbm>> -> memref<125x80xi32, #tpu.memory_space<hbm>>
      tpu.wait_dma2 semaphore(%run_scoped3A : memref<!tpu.dma_semaphore, #tpu.memory_space<semaphore_mem>>) src(%dma_wait3A_304 : memref<125x80xi32, #tpu.memory_space<hbm>>) dst(%arg7 : memref<125x80xi32, #tpu.memory_space<vmem>>)
      tpu.yield
    }) : () -> ()
    %dma_start3A = arith.constant 0 : i32
    %dma_start3A_3 = arith.constant 0 : i32
    %dma_start3A_4 = tpu.memref_slice %arg6[%dma_start3A, %dma_start3A_3] : memref<125x80xi32, #tpu.memory_space<vmem>> -> memref<1x80xi32, #tpu.memory_space<vmem>>
    %dma_start3A_5 = tpu.memref_squeeze %dma_start3A_4 : memref<1x80xi32, #tpu.memory_space<vmem>> -> memref<80xi32, #tpu.memory_space<vmem>>
    %dma_start3A_6 = arith.constant 0 : i32
    %dma_start3A_7 = arith.constant 0 : i32
    %dma_start3A_8 = tpu.memref_slice %arg2[%dma_start3A_6, %dma_start3A_7] : memref<10000x128xf32, #tpu.memory_space<hbm>> -> memref<10000x128xf32, #tpu.memory_space<hbm>>
    tpu.enqueue_indirect_dma source(%dma_start3A_8 : memref<10000x128xf32, #tpu.memory_space<hbm>>) target(%arg8 : memref<80x128xf32, #tpu.memory_space<vmem>>) offsets(%dma_start3A_5 : memref<80xi32, #tpu.memory_space<vmem>>) semaphore(%arg17 : memref<!tpu.dma_semaphore, #tpu.memory_space<semaphore_mem>>)
    %dma_start3A_9 = arith.constant 0 : i32
    %dma_start3A_10 = arith.constant 0 : i32
    %dma_start3A_11 = tpu.memref_slice %arg7[%dma_start3A_9, %dma_start3A_10] : memref<125x80xi32, #tpu.memory_space<vmem>> -> memref<1x80xi32, #tpu.memory_space<vmem>>
    %dma_start3A_12 = tpu.memref_squeeze %dma_start3A_11 : memref<1x80xi32, #tpu.memory_space<vmem>> -> memref<80xi32, #tpu.memory_space<vmem>>
    %dma_start3A_13 = arith.constant 0 : i32
    %dma_start3A_14 = arith.constant 0 : i32
    %dma_start3A_15 = tpu.memref_slice %arg2[%dma_start3A_13, %dma_start3A_14] : memref<10000x128xf32, #tpu.memory_space<hbm>> -> memref<10000x128xf32, #tpu.memory_space<hbm>>
    tpu.enqueue_indirect_dma source(%dma_start3A_15 : memref<10000x128xf32, #tpu.memory_space<hbm>>) target(%arg11 : memref<80x128xf32, #tpu.memory_space<vmem>>) offsets(%dma_start3A_12 : memref<80xi32, #tpu.memory_space<vmem>>) semaphore(%arg20 : memref<!tpu.dma_semaphore, #tpu.memory_space<semaphore_mem>>)
    %dma_start3A_16 = arith.constant 1 : i32
    %dma_start3A_17 = arith.constant 0 : i32
    %dma_start3A_18 = tpu.memref_slice %arg6[%dma_start3A_16, %dma_start3A_17] : memref<125x80xi32, #tpu.memory_space<vmem>> -> memref<1x80xi32, #tpu.memory_space<vmem>>
    %dma_start3A_19 = tpu.memref_squeeze %dma_start3A_18 : memref<1x80xi32, #tpu.memory_space<vmem>> -> memref<80xi32, #tpu.memory_space<vmem>>
    %dma_start3A_20 = arith.constant 0 : i32
    %dma_start3A_21 = arith.constant 0 : i32
    %dma_start3A_22 = tpu.memref_slice %arg2[%dma_start3A_20, %dma_start3A_21] : memref<10000x128xf32, #tpu.memory_space<hbm>> -> memref<10000x128xf32, #tpu.memory_space<hbm>>
    tpu.enqueue_indirect_dma source(%dma_start3A_22 : memref<10000x128xf32, #tpu.memory_space<hbm>>) target(%arg9 : memref<80x128xf32, #tpu.memory_space<vmem>>) offsets(%dma_start3A_19 : memref<80xi32, #tpu.memory_space<vmem>>) semaphore(%arg18 : memref<!tpu.dma_semaphore, #tpu.memory_space<semaphore_mem>>)
    %dma_start3A_23 = arith.constant 1 : i32
    %dma_start3A_24 = arith.constant 0 : i32
    %dma_start3A_25 = tpu.memref_slice %arg7[%dma_start3A_23, %dma_start3A_24] : memref<125x80xi32, #tpu.memory_space<vmem>> -> memref<1x80xi32, #tpu.memory_space<vmem>>
    %dma_start3A_26 = tpu.memref_squeeze %dma_start3A_25 : memref<1x80xi32, #tpu.memory_space<vmem>> -> memref<80xi32, #tpu.memory_space<vmem>>
    %dma_start3A_27 = arith.constant 0 : i32
    %dma_start3A_28 = arith.constant 0 : i32
    %dma_start3A_29 = tpu.memref_slice %arg2[%dma_start3A_27, %dma_start3A_28] : memref<10000x128xf32, #tpu.memory_space<hbm>> -> memref<10000x128xf32, #tpu.memory_space<hbm>>
    tpu.enqueue_indirect_dma source(%dma_start3A_29 : memref<10000x128xf32, #tpu.memory_space<hbm>>) target(%arg12 : memref<80x128xf32, #tpu.memory_space<vmem>>) offsets(%dma_start3A_26 : memref<80xi32, #tpu.memory_space<vmem>>) semaphore(%arg21 : memref<!tpu.dma_semaphore, #tpu.memory_space<semaphore_mem>>)
    %dma_start3A_30 = arith.constant 2 : i32
    %dma_start3A_31 = arith.constant 0 : i32
    %dma_start3A_32 = tpu.memref_slice %arg6[%dma_start3A_30, %dma_start3A_31] : memref<125x80xi32, #tpu.memory_space<vmem>> -> memref<1x80xi32, #tpu.memory_space<vmem>>
    %dma_start3A_33 = tpu.memref_squeeze %dma_start3A_32 : memref<1x80xi32, #tpu.memory_space<vmem>> -> memref<80xi32, #tpu.memory_space<vmem>>
    %dma_start3A_34 = arith.constant 0 : i32
    %dma_start3A_35 = arith.constant 0 : i32
    %dma_start3A_36 = tpu.memref_slice %arg2[%dma_start3A_34, %dma_start3A_35] : memref<10000x128xf32, #tpu.memory_space<hbm>> -> memref<10000x128xf32, #tpu.memory_space<hbm>>
    tpu.enqueue_indirect_dma source(%dma_start3A_36 : memref<10000x128xf32, #tpu.memory_space<hbm>>) target(%arg10 : memref<80x128xf32, #tpu.memory_space<vmem>>) offsets(%dma_start3A_33 : memref<80xi32, #tpu.memory_space<vmem>>) semaphore(%arg19 : memref<!tpu.dma_semaphore, #tpu.memory_space<semaphore_mem>>)
    %dma_start3A_37 = arith.constant 2 : i32
    %dma_start3A_38 = arith.constant 0 : i32
    %dma_start3A_39 = tpu.memref_slice %arg7[%dma_start3A_37, %dma_start3A_38] : memref<125x80xi32, #tpu.memory_space<vmem>> -> memref<1x80xi32, #tpu.memory_space<vmem>>
    %dma_start3A_40 = tpu.memref_squeeze %dma_start3A_39 : memref<1x80xi32, #tpu.memory_space<vmem>> -> memref<80xi32, #tpu.memory_space<vmem>>
    %dma_start3A_41 = arith.constant 0 : i32
    %dma_start3A_42 = arith.constant 0 : i32
    %dma_start3A_43 = tpu.memref_slice %arg2[%dma_start3A_41, %dma_start3A_42] : memref<10000x128xf32, #tpu.memory_space<hbm>> -> memref<10000x128xf32, #tpu.memory_space<hbm>>
    tpu.enqueue_indirect_dma source(%dma_start3A_43 : memref<10000x128xf32, #tpu.memory_space<hbm>>) target(%arg13 : memref<80x128xf32, #tpu.memory_space<vmem>>) offsets(%dma_start3A_40 : memref<80xi32, #tpu.memory_space<vmem>>) semaphore(%arg22 : memref<!tpu.dma_semaphore, #tpu.memory_space<semaphore_mem>>)
    %scan3A = arith.constant 0 : i32
    %scan3A_44 = arith.constant 0 : i32
    %scan3A_45 = arith.constant 41 : i32
    %scan3A_46 = arith.addi %scan3A_44, %scan3A_45 : i32
    %scan3A_47 = arith.constant 1 : i32
    scf.for %scan3A_289 = %scan3A_44 to %scan3A_46 step %scan3A_47  : i32 {
      %mul3A_290 = arith.constant 3 : i32
      %mul3A_291 = arith.muli %scan3A_289, %mul3A_290 : i32
      %add3A_292 = arith.constant 0 : i32
      %add3A_293 = arith.addi %mul3A_291, %add3A_292 : i32
      %dma_wait3A_294 = arith.constant 0 : i32
      %dma_wait3A_295 = tpu.memref_slice %arg6[%add3A_293, %dma_wait3A_294] : memref<125x80xi32, #tpu.memory_space<vmem>> -> memref<1x80xi32, #tpu.memory_space<vmem>>
      %dma_wait3A_296 = tpu.memref_squeeze %dma_wait3A_295 : memref<1x80xi32, #tpu.memory_space<vmem>> -> memref<80xi32, #tpu.memory_space<vmem>>
      %dma_wait3A_297 = arith.constant 0 : i32
      %dma_wait3A_298 = arith.constant 0 : i32
      %dma_wait3A_299 = tpu.memref_slice %arg2[%dma_wait3A_297, %dma_wait3A_298] : memref<10000x128xf32, #tpu.memory_space<hbm>> -> memref<10000x128xf32, #tpu.memory_space<hbm>>
      tpu.wait_indirect_dma semaphore(%arg17 : memref<!tpu.dma_semaphore, #tpu.memory_space<semaphore_mem>>) src(%dma_wait3A_299 : memref<10000x128xf32, #tpu.memory_space<hbm>>) dst(%arg8 : memref<80x128xf32, #tpu.memory_space<vmem>>)
      %dma_wait3A_300 = arith.constant 0 : i32
      %dma_wait3A_301 = tpu.memref_slice %arg7[%add3A_293, %dma_wait3A_300] : memref<125x80xi32, #tpu.memory_space<vmem>> -> memref<1x80xi32, #tpu.memory_space<vmem>>
      %dma_wait3A_302 = tpu.memref_squeeze %dma_wait3A_301 : memref<1x80xi32, #tpu.memory_space<vmem>> -> memref<80xi32, #tpu.memory_space<vmem>>
      %dma_wait3A_303 = arith.constant 0 : i32
      %dma_wait3A_304 = arith.constant 0 : i32
      %dma_wait3A_305 = tpu.memref_slice %arg2[%dma_wait3A_303, %dma_wait3A_304] : memref<10000x128xf32, #tpu.memory_space<hbm>> -> memref<10000x128xf32, #tpu.memory_space<hbm>>
      tpu.wait_indirect_dma semaphore(%arg20 : memref<!tpu.dma_semaphore, #tpu.memory_space<semaphore_mem>>) src(%dma_wait3A_305 : memref<10000x128xf32, #tpu.memory_space<hbm>>) dst(%arg11 : memref<80x128xf32, #tpu.memory_space<vmem>>)
      %gt3A = arith.constant 0 : i32
      %gt3A_306 = arith.cmpi sgt, %scan3A_289, %gt3A : i32
      %convert_element_type3A = arith.extui %gt3A_306 : i1 to i32
      %cond3A = arith.constant 0 : i32
      %cond3A_307 = arith.cmpi ne, %convert_element_type3A, %cond3A : i32
      scf.if %cond3A_307 {
        %sub3A_471 = arith.constant 3 : i32
        %sub3A_472 = arith.subi %add3A_293, %sub3A_471 : i32
        %mul3A_473 = arith.constant 80 : i32
        %mul3A_474 = arith.muli %sub3A_472, %mul3A_473 : i32
        %add3A_475 = arith.addi %mul3A_2, %mul3A_474 : i32
        %jit3A_476 = arith.constant 2 : i32
        %div3A_477 = arith.divsi %add3A_475, %jit3A_476 : i32
        %sign3A_478 = arith.constant 0 : i32
        %sign3A_479 = arith.cmpi sgt, %add3A_475, %sign3A_478 : i32
        %sign3A_480 = arith.extui %sign3A_479 : i1 to i32
        %sign3A_481 = arith.constant 0 : i32
        %sign3A_482 = arith.cmpi slt, %add3A_475, %sign3A_481 : i32
        %sign3A_483 = arith.extui %sign3A_482 : i1 to i32
        %sign3A_484 = arith.subi %sign3A_480, %sign3A_483 : i32
        %sign3A_485 = arith.constant 0 : i32
        %sign3A_486 = arith.cmpi sgt, %jit3A_476, %sign3A_485 : i32
        %sign3A_487 = arith.extui %sign3A_486 : i1 to i32
        %sign3A_488 = arith.constant 0 : i32
        %sign3A_489 = arith.cmpi slt, %jit3A_476, %sign3A_488 : i32
        %sign3A_490 = arith.extui %sign3A_489 : i1 to i32
        %sign3A_491 = arith.subi %sign3A_487, %sign3A_490 : i32
        %ne3A_492 = arith.cmpi ne, %sign3A_484, %sign3A_491 : i32
        %rem3A_493 = arith.remsi %add3A_475, %jit3A_476 : i32
        %ne3A_494 = arith.constant 0 : i32
        %ne3A_495 = arith.cmpi ne, %rem3A_493, %ne3A_494 : i32
        %and3A_496 = arith.andi %ne3A_492, %ne3A_495 : i1
        %sub3A_497 = arith.constant 1 : i32
        %sub3A_498 = arith.subi %div3A_477, %sub3A_497 : i32
        %select_n3A_499 = arith.select %and3A_496, %sub3A_498, %div3A_477 : i32
        %multiple_of3A_500 = tpu.assume_multiple %select_n3A_499, 8 : i32
        %dma_wait3A_501 = arith.constant 0 : i32
        %dma_wait3A_502 = tpu.memref_slice %arg5[%multiple_of3A_500, %dma_wait3A_501] : memref<160000x128xf32, #tpu.memory_space<hbm>> -> memref<40x128xf32, #tpu.memory_space<hbm>>
        %dma_wait3A_503 = arith.constant 0 : i32
        %dma_wait3A_504 = tpu.memref_slice %arg5[%multiple_of3A_500, %dma_wait3A_503] : memref<160000x128xf32, #tpu.memory_space<hbm>> -> memref<40x128xf32, #tpu.memory_space<hbm>>
        tpu.wait_dma2 semaphore(%arg23 : memref<!tpu.dma_semaphore, #tpu.memory_space<semaphore_mem>>) src(%arg14 : memref<40x128xf32, #tpu.memory_space<vmem>>) dst(%dma_wait3A_504 : memref<40x128xf32, #tpu.memory_space<hbm>>)
      } else {
      }
      %parallel_loop3A_308 = arith.constant 0 : i32
      %parallel_loop3A_309 = arith.constant 40 : i32
      %parallel_loop3A_310 = arith.constant 1 : i32
      scf.for %parallel_loop3A_471 = %parallel_loop3A_308 to %parallel_loop3A_309 step %parallel_loop3A_310  : i32 {
        %parallel_loop3A_472 = arith.constant 2 : i32
        %parallel_loop3A_473 = arith.muli %parallel_loop3A_472, %parallel_loop3A_471 : i32
        %parallel_loop3A_474 = arith.index_cast %parallel_loop3A_473 : i32 to index
        %parallel_loop3A_475 = arith.constant 0 : index
        %parallel_loop3A_476 = tpu.vector_load %arg8[%parallel_loop3A_474, %parallel_loop3A_475] {strides = array<i32>} : memref<80x128xf32, #tpu.memory_space<vmem>>, vector<16xf32>,
        %parallel_loop3A_477 = arith.constant 2 : i32
        %parallel_loop3A_478 = arith.muli %parallel_loop3A_477, %parallel_loop3A_471 : i32
        %parallel_loop3A_479 = arith.index_cast %parallel_loop3A_478 : i32 to index
        %parallel_loop3A_480 = arith.constant 0 : index
        %parallel_loop3A_481 = tpu.vector_load %arg11[%parallel_loop3A_479, %parallel_loop3A_480] {strides = array<i32>} : memref<80x128xf32, #tpu.memory_space<vmem>>, vector<16xf32>,
        %parallel_loop3A_482 = arith.mulf %parallel_loop3A_476, %parallel_loop3A_481 : vector<16xf32>
        %parallel_loop3A_483 = arith.constant 2 : i32
        %parallel_loop3A_484 = arith.muli %parallel_loop3A_483, %parallel_loop3A_471 : i32
        %parallel_loop3A_485 = arith.constant 1 : i32
        %parallel_loop3A_486 = arith.addi %parallel_loop3A_484, %parallel_loop3A_485 : i32
        %parallel_loop3A_487 = arith.index_cast %parallel_loop3A_486 : i32 to index
        %parallel_loop3A_488 = arith.constant 0 : index
        %parallel_loop3A_489 = tpu.vector_load %arg8[%parallel_loop3A_487, %parallel_loop3A_488] {strides = array<i32>} : memref<80x128xf32, #tpu.memory_space<vmem>>, vector<16xf32>,
        %parallel_loop3A_490 = arith.constant 2 : i32
        %parallel_loop3A_491 = arith.muli %parallel_loop3A_490, %parallel_loop3A_471 : i32
        %parallel_loop3A_492 = arith.constant 1 : i32
        %parallel_loop3A_493 = arith.addi %parallel_loop3A_491, %parallel_loop3A_492 : i32
        %parallel_loop3A_494 = arith.index_cast %parallel_loop3A_493 : i32 to index
        %parallel_loop3A_495 = arith.constant 0 : index
        %parallel_loop3A_496 = tpu.vector_load %arg11[%parallel_loop3A_494, %parallel_loop3A_495] {strides = array<i32>} : memref<80x128xf32, #tpu.memory_space<vmem>>, vector<16xf32>,
        %parallel_loop3A_497 = arith.mulf %parallel_loop3A_489, %parallel_loop3A_496 : vector<16xf32>
        %parallel_loop3A_498 = tpu.pack_subelements %parallel_loop3A_482, %parallel_loop3A_497 {pack_format = #tpu.pack_format<interleaved>, positions = array<i32: 0, 1>} : vector<16xf32>, vector<16xf32> -> vector<32xbf16>
        %parallel_loop3A_499 = vector.bitcast %parallel_loop3A_498 : vector<32xbf16> to vector<16xf32>
        %parallel_loop3A_500 = arith.index_cast %parallel_loop3A_471 : i32 to index
        %parallel_loop3A_501 = arith.constant 0 : index
        %parallel_loop3A_502 = tpu.vector_load %arg14[%parallel_loop3A_500, %parallel_loop3A_501] {strides = array<i32>} : memref<40x128xf32, #tpu.memory_space<vmem>>, vector<16xf32>,
        tpu.vector_store %arg14[%parallel_loop3A_500, %parallel_loop3A_501], %parallel_loop3A_499 {strides = array<i32>} : memref<40x128xf32, #tpu.memory_space<vmem>>, vector<16xf32>,
        %parallel_loop3A_503 = arith.constant 2 : i32
        %parallel_loop3A_504 = arith.muli %parallel_loop3A_503, %parallel_loop3A_471 : i32
        %parallel_loop3A_505 = arith.index_cast %parallel_loop3A_504 : i32 to index
        %parallel_loop3A_506 = arith.constant 16 : index
        %parallel_loop3A_507 = tpu.vector_load %arg8[%parallel_loop3A_505, %parallel_loop3A_506] {strides = array<i32>} : memref<80x128xf32, #tpu.memory_space<vmem>>, vector<16xf32>,
        %parallel_loop3A_508 = arith.constant 2 : i32
        %parallel_loop3A_509 = arith.muli %parallel_loop3A_508, %parallel_loop3A_471 : i32
        %parallel_loop3A_510 = arith.index_cast %parallel_loop3A_509 : i32 to index
        %parallel_loop3A_511 = arith.constant 16 : index
        %parallel_loop3A_512 = tpu.vector_load %arg11[%parallel_loop3A_510, %parallel_loop3A_511] {strides = array<i32>} : memref<80x128xf32, #tpu.memory_space<vmem>>, vector<16xf32>,
        %parallel_loop3A_513 = arith.mulf %parallel_loop3A_507, %parallel_loop3A_512 : vector<16xf32>
        %parallel_loop3A_514 = arith.constant 2 : i32
        %parallel_loop3A_515 = arith.muli %parallel_loop3A_514, %parallel_loop3A_471 : i32
        %parallel_loop3A_516 = arith.constant 1 : i32
        %parallel_loop3A_517 = arith.addi %parallel_loop3A_515, %parallel_loop3A_516 : i32
        %parallel_loop3A_518 = arith.index_cast %parallel_loop3A_517 : i32 to index
        %parallel_loop3A_519 = arith.constant 16 : index
        %parallel_loop3A_520 = tpu.vector_load %arg8[%parallel_loop3A_518, %parallel_loop3A_519] {strides = array<i32>} : memref<80x128xf32, #tpu.memory_space<vmem>>, vector<16xf32>,
        %parallel_loop3A_521 = arith.constant 2 : i32
        %parallel_loop3A_522 = arith.muli %parallel_loop3A_521, %parallel_loop3A_471 : i32
        %parallel_loop3A_523 = arith.constant 1 : i32
        %parallel_loop3A_524 = arith.addi %parallel_loop3A_522, %parallel_loop3A_523 : i32
        %parallel_loop3A_525 = arith.index_cast %parallel_loop3A_524 : i32 to index
        %parallel_loop3A_526 = arith.constant 16 : index
        %parallel_loop3A_527 = tpu.vector_load %arg11[%parallel_loop3A_525, %parallel_loop3A_526] {strides = array<i32>} : memref<80x128xf32, #tpu.memory_space<vmem>>, vector<16xf32>,
        %parallel_loop3A_528 = arith.mulf %parallel_loop3A_520, %parallel_loop3A_527 : vector<16xf32>
        %parallel_loop3A_529 = tpu.pack_subelements %parallel_loop3A_513, %parallel_loop3A_528 {pack_format = #tpu.pack_format<interleaved>, positions = array<i32: 0, 1>} : vector<16xf32>, vector<16xf32> -> vector<32xbf16>
        %parallel_loop3A_530 = vector.bitcast %parallel_loop3A_529 : vector<32xbf16> to vector<16xf32>
        %parallel_loop3A_531 = arith.index_cast %parallel_loop3A_471 : i32 to index
        %parallel_loop3A_532 = arith.constant 16 : index
        %parallel_loop3A_533 = tpu.vector_load %arg14[%parallel_loop3A_531, %parallel_loop3A_532] {strides = array<i32>} : memref<40x128xf32, #tpu.memory_space<vmem>>, vector<16xf32>,
        tpu.vector_store %arg14[%parallel_loop3A_531, %parallel_loop3A_532], %parallel_loop3A_530 {strides = array<i32>} : memref<40x128xf32, #tpu.memory_space<vmem>>, vector<16xf32>,
        %parallel_loop3A_534 = arith.constant 2 : i32
        %parallel_loop3A_535 = arith.muli %parallel_loop3A_534, %parallel_loop3A_471 : i32
        %parallel_loop3A_536 = arith.index_cast %parallel_loop3A_535 : i32 to index
        %parallel_loop3A_537 = arith.constant 32 : index
        %parallel_loop3A_538 = tpu.vector_load %arg8[%parallel_loop3A_536, %parallel_loop3A_537] {strides = array<i32>} : memref<80x128xf32, #tpu.memory_space<vmem>>, vector<16xf32>,
        %parallel_loop3A_539 = arith.constant 2 : i32
        %parallel_loop3A_540 = arith.muli %parallel_loop3A_539, %parallel_loop3A_471 : i32
        %parallel_loop3A_541 = arith.index_cast %parallel_loop3A_540 : i32 to index
        %parallel_loop3A_542 = arith.constant 32 : index
        %parallel_loop3A_543 = tpu.vector_load %arg11[%parallel_loop3A_541, %parallel_loop3A_542] {strides = array<i32>} : memref<80x128xf32, #tpu.memory_space<vmem>>, vector<16xf32>,
        %parallel_loop3A_544 = arith.mulf %parallel_loop3A_538, %parallel_loop3A_543 : vector<16xf32>
        %parallel_loop3A_545 = arith.constant 2 : i32
        %parallel_loop3A_546 = arith.muli %parallel_loop3A_545, %parallel_loop3A_471 : i32
        %parallel_loop3A_547 = arith.constant 1 : i32
        %parallel_loop3A_548 = arith.addi %parallel_loop3A_546, %parallel_loop3A_547 : i32
        %parallel_loop3A_549 = arith.index_cast %parallel_loop3A_548 : i32 to index
        %parallel_loop3A_550 = arith.constant 32 : index
        %parallel_loop3A_551 = tpu.vector_load %arg8[%parallel_loop3A_549, %parallel_loop3A_550] {strides = array<i32>} : memref<80x128xf32, #tpu.memory_space<vmem>>, vector<16xf32>,
        %parallel_loop3A_552 = arith.constant 2 : i32
        %parallel_loop3A_553 = arith.muli %parallel_loop3A_552, %parallel_loop3A_471 : i32
        %parallel_loop3A_554 = arith.constant 1 : i32
        %parallel_loop3A_555 = arith.addi %parallel_loop3A_553, %parallel_loop3A_554 : i32
        %parallel_loop3A_556 = arith.index_cast %parallel_loop3A_555 : i32 to index
        %parallel_loop3A_557 = arith.constant 32 : index
        %parallel_loop3A_558 = tpu.vector_load %arg11[%parallel_loop3A_556, %parallel_loop3A_557] {strides = array<i32>} : memref<80x128xf32, #tpu.memory_space<vmem>>, vector<16xf32>,
        %parallel_loop3A_559 = arith.mulf %parallel_loop3A_551, %parallel_loop3A_558 : vector<16xf32>
        %parallel_loop3A_560 = tpu.pack_subelements %parallel_loop3A_544, %parallel_loop3A_559 {pack_format = #tpu.pack_format<interleaved>, positions = array<i32: 0, 1>} : vector<16xf32>, vector<16xf32> -> vector<32xbf16>
        %parallel_loop3A_561 = vector.bitcast %parallel_loop3A_560 : vector<32xbf16> to vector<16xf32>
        %parallel_loop3A_562 = arith.index_cast %parallel_loop3A_471 : i32 to index
        %parallel_loop3A_563 = arith.constant 32 : index
        %parallel_loop3A_564 = tpu.vector_load %arg14[%parallel_loop3A_562, %parallel_loop3A_563] {strides = array<i32>} : memref<40x128xf32, #tpu.memory_space<vmem>>, vector<16xf32>,
        tpu.vector_store %arg14[%parallel_loop3A_562, %parallel_loop3A_563], %parallel_loop3A_561 {strides = array<i32>} : memref<40x128xf32, #tpu.memory_space<vmem>>, vector<16xf32>,
        %parallel_loop3A_565 = arith.constant 2 : i32
        %parallel_loop3A_566 = arith.muli %parallel_loop3A_565, %parallel_loop3A_471 : i32
        %parallel_loop3A_567 = arith.index_cast %parallel_loop3A_566 : i32 to index
        %parallel_loop3A_568 = arith.constant 48 : index
        %parallel_loop3A_569 = tpu.vector_load %arg8[%parallel_loop3A_567, %parallel_loop3A_568] {strides = array<i32>} : memref<80x128xf32, #tpu.memory_space<vmem>>, vector<16xf32>,
        %parallel_loop3A_570 = arith.constant 2 : i32
        %parallel_loop3A_571 = arith.muli %parallel_loop3A_570, %parallel_loop3A_471 : i32
        %parallel_loop3A_572 = arith.index_cast %parallel_loop3A_571 : i32 to index
        %parallel_loop3A_573 = arith.constant 48 : index
        %parallel_loop3A_574 = tpu.vector_load %arg11[%parallel_loop3A_572, %parallel_loop3A_573] {strides = array<i32>} : memref<80x128xf32, #tpu.memory_space<vmem>>, vector<16xf32>,
        %parallel_loop3A_575 = arith.mulf %parallel_loop3A_569, %parallel_loop3A_574 : vector<16xf32>
        %parallel_loop3A_576 = arith.constant 2 : i32
        %parallel_loop3A_577 = arith.muli %parallel_loop3A_576, %parallel_loop3A_471 : i32
        %parallel_loop3A_578 = arith.constant 1 : i32
        %parallel_loop3A_579 = arith.addi %parallel_loop3A_577, %parallel_loop3A_578 : i32
        %parallel_loop3A_580 = arith.index_cast %parallel_loop3A_579 : i32 to index
        %parallel_loop3A_581 = arith.constant 48 : index
        %parallel_loop3A_582 = tpu.vector_load %arg8[%parallel_loop3A_580, %parallel_loop3A_581] {strides = array<i32>} : memref<80x128xf32, #tpu.memory_space<vmem>>, vector<16xf32>,
        %parallel_loop3A_583 = arith.constant 2 : i32
        %parallel_loop3A_584 = arith.muli %parallel_loop3A_583, %parallel_loop3A_471 : i32
        %parallel_loop3A_585 = arith.constant 1 : i32
        %parallel_loop3A_586 = arith.addi %parallel_loop3A_584, %parallel_loop3A_585 : i32
        %parallel_loop3A_587 = arith.index_cast %parallel_loop3A_586 : i32 to index
        %parallel_loop3A_588 = arith.constant 48 : index
        %parallel_loop3A_589 = tpu.vector_load %arg11[%parallel_loop3A_587, %parallel_loop3A_588] {strides = array<i32>} : memref<80x128xf32, #tpu.memory_space<vmem>>, vector<16xf32>,
        %parallel_loop3A_590 = arith.mulf %parallel_loop3A_582, %parallel_loop3A_589 : vector<16xf32>
        %parallel_loop3A_591 = tpu.pack_subelements %parallel_loop3A_575, %parallel_loop3A_590 {pack_format = #tpu.pack_format<interleaved>, positions = array<i32: 0, 1>} : vector<16xf32>, vector<16xf32> -> vector<32xbf16>
        %parallel_loop3A_592 = vector.bitcast %parallel_loop3A_591 : vector<32xbf16> to vector<16xf32>
        %parallel_loop3A_593 = arith.index_cast %parallel_loop3A_471 : i32 to index
        %parallel_loop3A_594 = arith.constant 48 : index
        %parallel_loop3A_595 = tpu.vector_load %arg14[%parallel_loop3A_593, %parallel_loop3A_594] {strides = array<i32>} : memref<40x128xf32, #tpu.memory_space<vmem>>, vector<16xf32>,
        tpu.vector_store %arg14[%parallel_loop3A_593, %parallel_loop3A_594], %parallel_loop3A_592 {strides = array<i32>} : memref<40x128xf32, #tpu.memory_space<vmem>>, vector<16xf32>,
        %parallel_loop3A_596 = arith.constant 2 : i32
        %parallel_loop3A_597 = arith.muli %parallel_loop3A_596, %parallel_loop3A_471 : i32
        %parallel_loop3A_598 = arith.index_cast %parallel_loop3A_597 : i32 to index
        %parallel_loop3A_599 = arith.constant 64 : index
        %parallel_loop3A_600 = tpu.vector_load %arg8[%parallel_loop3A_598, %parallel_loop3A_599] {strides = array<i32>} : memref<80x128xf32, #tpu.memory_space<vmem>>, vector<16xf32>,
        %parallel_loop3A_601 = arith.constant 2 : i32
        %parallel_loop3A_602 = arith.muli %parallel_loop3A_601, %parallel_loop3A_471 : i32
        %parallel_loop3A_603 = arith.index_cast %parallel_loop3A_602 : i32 to index
        %parallel_loop3A_604 = arith.constant 64 : index
        %parallel_loop3A_605 = tpu.vector_load %arg11[%parallel_loop3A_603, %parallel_loop3A_604] {strides = array<i32>} : memref<80x128xf32, #tpu.memory_space<vmem>>, vector<16xf32>,
        %parallel_loop3A_606 = arith.mulf %parallel_loop3A_600, %parallel_loop3A_605 : vector<16xf32>
        %parallel_loop3A_607 = arith.constant 2 : i32
        %parallel_loop3A_608 = arith.muli %parallel_loop3A_607, %parallel_loop3A_471 : i32
        %parallel_loop3A_609 = arith.constant 1 : i32
        %parallel_loop3A_610 = arith.addi %parallel_loop3A_608, %parallel_loop3A_609 : i32
        %parallel_loop3A_611 = arith.index_cast %parallel_loop3A_610 : i32 to index
        %parallel_loop3A_612 = arith.constant 64 : index
        %parallel_loop3A_613 = tpu.vector_load %arg8[%parallel_loop3A_611, %parallel_loop3A_612] {strides = array<i32>} : memref<80x128xf32, #tpu.memory_space<vmem>>, vector<16xf32>,
        %parallel_loop3A_614 = arith.constant 2 : i32
        %parallel_loop3A_615 = arith.muli %parallel_loop3A_614, %parallel_loop3A_471 : i32
        %parallel_loop3A_616 = arith.constant 1 : i32
        %parallel_loop3A_617 = arith.addi %parallel_loop3A_615, %parallel_loop3A_616 : i32
        %parallel_loop3A_618 = arith.index_cast %parallel_loop3A_617 : i32 to index
        %parallel_loop3A_619 = arith.constant 64 : index
        %parallel_loop3A_620 = tpu.vector_load %arg11[%parallel_loop3A_618, %parallel_loop3A_619] {strides = array<i32>} : memref<80x128xf32, #tpu.memory_space<vmem>>, vector<16xf32>,
        %parallel_loop3A_621 = arith.mulf %parallel_loop3A_613, %parallel_loop3A_620 : vector<16xf32>
        %parallel_loop3A_622 = tpu.pack_subelements %parallel_loop3A_606, %parallel_loop3A_621 {pack_format = #tpu.pack_format<interleaved>, positions = array<i32: 0, 1>} : vector<16xf32>, vector<16xf32> -> vector<32xbf16>
        %parallel_loop3A_623 = vector.bitcast %parallel_loop3A_622 : vector<32xbf16> to vector<16xf32>
        %parallel_loop3A_624 = arith.index_cast %parallel_loop3A_471 : i32 to index
        %parallel_loop3A_625 = arith.constant 64 : index
        %parallel_loop3A_626 = tpu.vector_load %arg14[%parallel_loop3A_624, %parallel_loop3A_625] {strides = array<i32>} : memref<40x128xf32, #tpu.memory_space<vmem>>, vector<16xf32>,
        tpu.vector_store %arg14[%parallel_loop3A_624, %parallel_loop3A_625], %parallel_loop3A_623 {strides = array<i32>} : memref<40x128xf32, #tpu.memory_space<vmem>>, vector<16xf32>,
        %parallel_loop3A_627 = arith.constant 2 : i32
        %parallel_loop3A_628 = arith.muli %parallel_loop3A_627, %parallel_loop3A_471 : i32
        %parallel_loop3A_629 = arith.index_cast %parallel_loop3A_628 : i32 to index
        %parallel_loop3A_630 = arith.constant 80 : index
        %parallel_loop3A_631 = tpu.vector_load %arg8[%parallel_loop3A_629, %parallel_loop3A_630] {strides = array<i32>} : memref<80x128xf32, #tpu.memory_space<vmem>>, vector<16xf32>,
        %parallel_loop3A_632 = arith.constant 2 : i32
        %parallel_loop3A_633 = arith.muli %parallel_loop3A_632, %parallel_loop3A_471 : i32
        %parallel_loop3A_634 = arith.index_cast %parallel_loop3A_633 : i32 to index
        %parallel_loop3A_635 = arith.constant 80 : index
        %parallel_loop3A_636 = tpu.vector_load %arg11[%parallel_loop3A_634, %parallel_loop3A_635] {strides = array<i32>} : memref<80x128xf32, #tpu.memory_space<vmem>>, vector<16xf32>,
        %parallel_loop3A_637 = arith.mulf %parallel_loop3A_631, %parallel_loop3A_636 : vector<16xf32>
        %parallel_loop3A_638 = arith.constant 2 : i32
        %parallel_loop3A_639 = arith.muli %parallel_loop3A_638, %parallel_loop3A_471 : i32
        %parallel_loop3A_640 = arith.constant 1 : i32
        %parallel_loop3A_641 = arith.addi %parallel_loop3A_639, %parallel_loop3A_640 : i32
        %parallel_loop3A_642 = arith.index_cast %parallel_loop3A_641 : i32 to index
        %parallel_loop3A_643 = arith.constant 80 : index
        %parallel_loop3A_644 = tpu.vector_load %arg8[%parallel_loop3A_642, %parallel_loop3A_643] {strides = array<i32>} : memref<80x128xf32, #tpu.memory_space<vmem>>, vector<16xf32>,
        %parallel_loop3A_645 = arith.constant 2 : i32
        %parallel_loop3A_646 = arith.muli %parallel_loop3A_645, %parallel_loop3A_471 : i32
        %parallel_loop3A_647 = arith.constant 1 : i32
        %parallel_loop3A_648 = arith.addi %parallel_loop3A_646, %parallel_loop3A_647 : i32
        %parallel_loop3A_649 = arith.index_cast %parallel_loop3A_648 : i32 to index
        %parallel_loop3A_650 = arith.constant 80 : index
        %parallel_loop3A_651 = tpu.vector_load %arg11[%parallel_loop3A_649, %parallel_loop3A_650] {strides = array<i32>} : memref<80x128xf32, #tpu.memory_space<vmem>>, vector<16xf32>,
        %parallel_loop3A_652 = arith.mulf %parallel_loop3A_644, %parallel_loop3A_651 : vector<16xf32>
        %parallel_loop3A_653 = tpu.pack_subelements %parallel_loop3A_637, %parallel_loop3A_652 {pack_format = #tpu.pack_format<interleaved>, positions = array<i32: 0, 1>} : vector<16xf32>, vector<16xf32> -> vector<32xbf16>
        %parallel_loop3A_654 = vector.bitcast %parallel_loop3A_653 : vector<32xbf16> to vector<16xf32>
        %parallel_loop3A_655 = arith.index_cast %parallel_loop3A_471 : i32 to index
        %parallel_loop3A_656 = arith.constant 80 : index
        %parallel_loop3A_657 = tpu.vector_load %arg14[%parallel_loop3A_655, %parallel_loop3A_656] {strides = array<i32>} : memref<40x128xf32, #tpu.memory_space<vmem>>, vector<16xf32>,
        tpu.vector_store %arg14[%parallel_loop3A_655, %parallel_loop3A_656], %parallel_loop3A_654 {strides = array<i32>} : memref<40x128xf32, #tpu.memory_space<vmem>>, vector<16xf32>,
        %parallel_loop3A_658 = arith.constant 2 : i32
        %parallel_loop3A_659 = arith.muli %parallel_loop3A_658, %parallel_loop3A_471 : i32
        %parallel_loop3A_660 = arith.index_cast %parallel_loop3A_659 : i32 to index
        %parallel_loop3A_661 = arith.constant 96 : index
        %parallel_loop3A_662 = tpu.vector_load %arg8[%parallel_loop3A_660, %parallel_loop3A_661] {strides = array<i32>} : memref<80x128xf32, #tpu.memory_space<vmem>>, vector<16xf32>,
        %parallel_loop3A_663 = arith.constant 2 : i32
        %parallel_loop3A_664 = arith.muli %parallel_loop3A_663, %parallel_loop3A_471 : i32
        %parallel_loop3A_665 = arith.index_cast %parallel_loop3A_664 : i32 to index
        %parallel_loop3A_666 = arith.constant 96 : index
        %parallel_loop3A_667 = tpu.vector_load %arg11[%parallel_loop3A_665, %parallel_loop3A_666] {strides = array<i32>} : memref<80x128xf32, #tpu.memory_space<vmem>>, vector<16xf32>,
        %parallel_loop3A_668 = arith.mulf %parallel_loop3A_662, %parallel_loop3A_667 : vector<16xf32>
        %parallel_loop3A_669 = arith.constant 2 : i32
        %parallel_loop3A_670 = arith.muli %parallel_loop3A_669, %parallel_loop3A_471 : i32
        %parallel_loop3A_671 = arith.constant 1 : i32
        %parallel_loop3A_672 = arith.addi %parallel_loop3A_670, %parallel_loop3A_671 : i32
        %parallel_loop3A_673 = arith.index_cast %parallel_loop3A_672 : i32 to index
        %parallel_loop3A_674 = arith.constant 96 : index
        %parallel_loop3A_675 = tpu.vector_load %arg8[%parallel_loop3A_673, %parallel_loop3A_674] {strides = array<i32>} : memref<80x128xf32, #tpu.memory_space<vmem>>, vector<16xf32>,
        %parallel_loop3A_676 = arith.constant 2 : i32
        %parallel_loop3A_677 = arith.muli %parallel_loop3A_676, %parallel_loop3A_471 : i32
        %parallel_loop3A_678 = arith.constant 1 : i32
        %parallel_loop3A_679 = arith.addi %parallel_loop3A_677, %parallel_loop3A_678 : i32
        %parallel_loop3A_680 = arith.index_cast %parallel_loop3A_679 : i32 to index
        %parallel_loop3A_681 = arith.constant 96 : index
        %parallel_loop3A_682 = tpu.vector_load %arg11[%parallel_loop3A_680, %parallel_loop3A_681] {strides = array<i32>} : memref<80x128xf32, #tpu.memory_space<vmem>>, vector<16xf32>,
        %parallel_loop3A_683 = arith.mulf %parallel_loop3A_675, %parallel_loop3A_682 : vector<16xf32>
        %parallel_loop3A_684 = tpu.pack_subelements %parallel_loop3A_668, %parallel_loop3A_683 {pack_format = #tpu.pack_format<interleaved>, positions = array<i32: 0, 1>} : vector<16xf32>, vector<16xf32> -> vector<32xbf16>
        %parallel_loop3A_685 = vector.bitcast %parallel_loop3A_684 : vector<32xbf16> to vector<16xf32>
        %parallel_loop3A_686 = arith.index_cast %parallel_loop3A_471 : i32 to index
        %parallel_loop3A_687 = arith.constant 96 : index
        %parallel_loop3A_688 = tpu.vector_load %arg14[%parallel_loop3A_686, %parallel_loop3A_687] {strides = array<i32>} : memref<40x128xf32, #tpu.memory_space<vmem>>, vector<16xf32>,
        tpu.vector_store %arg14[%parallel_loop3A_686, %parallel_loop3A_687], %parallel_loop3A_685 {strides = array<i32>} : memref<40x128xf32, #tpu.memory_space<vmem>>, vector<16xf32>,
        %parallel_loop3A_689 = arith.constant 2 : i32
        %parallel_loop3A_690 = arith.muli %parallel_loop3A_689, %parallel_loop3A_471 : i32
        %parallel_loop3A_691 = arith.index_cast %parallel_loop3A_690 : i32 to index
        %parallel_loop3A_692 = arith.constant 112 : index
        %parallel_loop3A_693 = tpu.vector_load %arg8[%parallel_loop3A_691, %parallel_loop3A_692] {strides = array<i32>} : memref<80x128xf32, #tpu.memory_space<vmem>>, vector<16xf32>,
        %parallel_loop3A_694 = arith.constant 2 : i32
        %parallel_loop3A_695 = arith.muli %parallel_loop3A_694, %parallel_loop3A_471 : i32
        %parallel_loop3A_696 = arith.index_cast %parallel_loop3A_695 : i32 to index
        %parallel_loop3A_697 = arith.constant 112 : index
        %parallel_loop3A_698 = tpu.vector_load %arg11[%parallel_loop3A_696, %parallel_loop3A_697] {strides = array<i32>} : memref<80x128xf32, #tpu.memory_space<vmem>>, vector<16xf32>,
        %parallel_loop3A_699 = arith.mulf %parallel_loop3A_693, %parallel_loop3A_698 : vector<16xf32>
        %parallel_loop3A_700 = arith.constant 2 : i32
        %parallel_loop3A_701 = arith.muli %parallel_loop3A_700, %parallel_loop3A_471 : i32
        %parallel_loop3A_702 = arith.constant 1 : i32
        %parallel_loop3A_703 = arith.addi %parallel_loop3A_701, %parallel_loop3A_702 : i32
        %parallel_loop3A_704 = arith.index_cast %parallel_loop3A_703 : i32 to index
        %parallel_loop3A_705 = arith.constant 112 : index
        %parallel_loop3A_706 = tpu.vector_load %arg8[%parallel_loop3A_704, %parallel_loop3A_705] {strides = array<i32>} : memref<80x128xf32, #tpu.memory_space<vmem>>, vector<16xf32>,
        %parallel_loop3A_707 = arith.constant 2 : i32
        %parallel_loop3A_708 = arith.muli %parallel_loop3A_707, %parallel_loop3A_471 : i32
        %parallel_loop3A_709 = arith.constant 1 : i32
        %parallel_loop3A_710 = arith.addi %parallel_loop3A_708, %parallel_loop3A_709 : i32
        %parallel_loop3A_711 = arith.index_cast %parallel_loop3A_710 : i32 to index
        %parallel_loop3A_712 = arith.constant 112 : index
        %parallel_loop3A_713 = tpu.vector_load %arg11[%parallel_loop3A_711, %parallel_loop3A_712] {strides = array<i32>} : memref<80x128xf32, #tpu.memory_space<vmem>>, vector<16xf32>,
        %parallel_loop3A_714 = arith.mulf %parallel_loop3A_706, %parallel_loop3A_713 : vector<16xf32>
        %parallel_loop3A_715 = tpu.pack_subelements %parallel_loop3A_699, %parallel_loop3A_714 {pack_format = #tpu.pack_format<interleaved>, positions = array<i32: 0, 1>} : vector<16xf32>, vector<16xf32> -> vector<32xbf16>
        %parallel_loop3A_716 = vector.bitcast %parallel_loop3A_715 : vector<32xbf16> to vector<16xf32>
        %parallel_loop3A_717 = arith.index_cast %parallel_loop3A_471 : i32 to index
        %parallel_loop3A_718 = arith.constant 112 : index
        %parallel_loop3A_719 = tpu.vector_load %arg14[%parallel_loop3A_717, %parallel_loop3A_718] {strides = array<i32>} : memref<40x128xf32, #tpu.memory_space<vmem>>, vector<16xf32>,
        tpu.vector_store %arg14[%parallel_loop3A_717, %parallel_loop3A_718], %parallel_loop3A_716 {strides = array<i32>} : memref<40x128xf32, #tpu.memory_space<vmem>>, vector<16xf32>,
      } {sc.loop_unroll_factor = 2 : i64, sc.parallel_access}
      %mul3A_311 = arith.constant 80 : i32
      %mul3A_312 = arith.muli %add3A_293, %mul3A_311 : i32
      %add3A_313 = arith.addi %mul3A_2, %mul3A_312 : i32
      %jit3A_314 = arith.constant 2 : i32
      %div3A_315 = arith.divsi %add3A_313, %jit3A_314 : i32
      %sign3A_316 = arith.constant 0 : i32
      %sign3A_317 = arith.cmpi sgt, %add3A_313, %sign3A_316 : i32
      %sign3A_318 = arith.extui %sign3A_317 : i1 to i32
      %sign3A_319 = arith.constant 0 : i32
      %sign3A_320 = arith.cmpi slt, %add3A_313, %sign3A_319 : i32
      %sign3A_321 = arith.extui %sign3A_320 : i1 to i32
      %sign3A_322 = arith.subi %sign3A_318, %sign3A_321 : i32
      %sign3A_323 = arith.constant 0 : i32
      %sign3A_324 = arith.cmpi sgt, %jit3A_314, %sign3A_323 : i32
      %sign3A_325 = arith.extui %sign3A_324 : i1 to i32
      %sign3A_326 = arith.constant 0 : i32
      %sign3A_327 = arith.cmpi slt, %jit3A_314, %sign3A_326 : i32
      %sign3A_328 = arith.extui %sign3A_327 : i1 to i32
      %sign3A_329 = arith.subi %sign3A_325, %sign3A_328 : i32
      %ne3A_330 = arith.cmpi ne, %sign3A_322, %sign3A_329 : i32
      %rem3A_331 = arith.remsi %add3A_313, %jit3A_314 : i32
      %ne3A_332 = arith.constant 0 : i32
      %ne3A_333 = arith.cmpi ne, %rem3A_331, %ne3A_332 : i32
      %and3A_334 = arith.andi %ne3A_330, %ne3A_333 : i1
      %sub3A_335 = arith.constant 1 : i32
      %sub3A_336 = arith.subi %div3A_315, %sub3A_335 : i32
      %select_n3A_337 = arith.select %and3A_334, %sub3A_336, %div3A_315 : i32
      %multiple_of3A_338 = tpu.assume_multiple %select_n3A_337, 8 : i32
      %dma_start3A_339 = arith.constant 0 : i32
      %dma_start3A_340 = tpu.memref_slice %arg5[%multiple_of3A_338, %dma_start3A_339] : memref<160000x128xf32, #tpu.memory_space<hbm>> -> memref<40x128xf32, #tpu.memory_space<hbm>>
      %dma_start3A_341 = arith.constant 0 : i32
      %dma_start3A_342 = tpu.memref_slice %arg5[%multiple_of3A_338, %dma_start3A_341] : memref<160000x128xf32, #tpu.memory_space<hbm>> -> memref<40x128xf32, #tpu.memory_space<hbm>>
      tpu.enqueue_dma source(%arg14 : memref<40x128xf32, #tpu.memory_space<vmem>>) target(%dma_start3A_342 : memref<40x128xf32, #tpu.memory_space<hbm>>) target_semaphore(%arg23 : memref<!tpu.dma_semaphore, #tpu.memory_space<semaphore_mem>>)
      %add3A_343 = arith.constant 3 : i32
      %add3A_344 = arith.addi %add3A_293, %add3A_343 : i32
      %lt3A = arith.constant 125 : i32
      %lt3A_345 = arith.cmpi slt, %add3A_344, %lt3A : i32
      %convert_element_type3A_346 = arith.extui %lt3A_345 : i1 to i32
      %cond3A_347 = arith.constant 0 : i32
      %cond3A_348 = arith.cmpi ne, %convert_element_type3A_346, %cond3A_347 : i32
      scf.if %cond3A_348 {
        %add3A_471 = arith.constant 3 : i32
        %add3A_472 = arith.addi %add3A_293, %add3A_471 : i32
        %dma_start3A_473 = arith.constant 0 : i32
        %dma_start3A_474 = tpu.memref_slice %arg6[%add3A_472, %dma_start3A_473] : memref<125x80xi32, #tpu.memory_space<vmem>> -> memref<1x80xi32, #tpu.memory_space<vmem>>
        %dma_start3A_475 = tpu.memref_squeeze %dma_start3A_474 : memref<1x80xi32, #tpu.memory_space<vmem>> -> memref<80xi32, #tpu.memory_space<vmem>>
        %dma_start3A_476 = arith.constant 0 : i32
        %dma_start3A_477 = arith.constant 0 : i32
        %dma_start3A_478 = tpu.memref_slice %arg2[%dma_start3A_476, %dma_start3A_477] : memref<10000x128xf32, #tpu.memory_space<hbm>> -> memref<10000x128xf32, #tpu.memory_space<hbm>>
        tpu.enqueue_indirect_dma source(%dma_start3A_478 : memref<10000x128xf32, #tpu.memory_space<hbm>>) target(%arg8 : memref<80x128xf32, #tpu.memory_space<vmem>>) offsets(%dma_start3A_475 : memref<80xi32, #tpu.memory_space<vmem>>) semaphore(%arg17 : memref<!tpu.dma_semaphore, #tpu.memory_space<semaphore_mem>>)
        %dma_start3A_479 = arith.constant 0 : i32
        %dma_start3A_480 = tpu.memref_slice %arg7[%add3A_472, %dma_start3A_479] : memref<125x80xi32, #tpu.memory_space<vmem>> -> memref<1x80xi32, #tpu.memory_space<vmem>>
        %dma_start3A_481 = tpu.memref_squeeze %dma_start3A_480 : memref<1x80xi32, #tpu.memory_space<vmem>> -> memref<80xi32, #tpu.memory_space<vmem>>
        %dma_start3A_482 = arith.constant 0 : i32
        %dma_start3A_483 = arith.constant 0 : i32
        %dma_start3A_484 = tpu.memref_slice %arg2[%dma_start3A_482, %dma_start3A_483] : memref<10000x128xf32, #tpu.memory_space<hbm>> -> memref<10000x128xf32, #tpu.memory_space<hbm>>
        tpu.enqueue_indirect_dma source(%dma_start3A_484 : memref<10000x128xf32, #tpu.memory_space<hbm>>) target(%arg11 : memref<80x128xf32, #tpu.memory_space<vmem>>) offsets(%dma_start3A_481 : memref<80xi32, #tpu.memory_space<vmem>>) semaphore(%arg20 : memref<!tpu.dma_semaphore, #tpu.memory_space<semaphore_mem>>)
      } else {
      }
      %add3A_349 = arith.constant 1 : i32
      %add3A_350 = arith.addi %mul3A_291, %add3A_349 : i32
      %dma_wait3A_351 = arith.constant 0 : i32
      %dma_wait3A_352 = tpu.memref_slice %arg6[%add3A_350, %dma_wait3A_351] : memref<125x80xi32, #tpu.memory_space<vmem>> -> memref<1x80xi32, #tpu.memory_space<vmem>>
      %dma_wait3A_353 = tpu.memref_squeeze %dma_wait3A_352 : memref<1x80xi32, #tpu.memory_space<vmem>> -> memref<80xi32, #tpu.memory_space<vmem>>
      %dma_wait3A_354 = arith.constant 0 : i32
      %dma_wait3A_355 = arith.constant 0 : i32
      %dma_wait3A_356 = tpu.memref_slice %arg2[%dma_wait3A_354, %dma_wait3A_355] : memref<10000x128xf32, #tpu.memory_space<hbm>> -> memref<10000x128xf32, #tpu.memory_space<hbm>>
      tpu.wait_indirect_dma semaphore(%arg18 : memref<!tpu.dma_semaphore, #tpu.memory_space<semaphore_mem>>) src(%dma_wait3A_356 : memref<10000x128xf32, #tpu.memory_space<hbm>>) dst(%arg9 : memref<80x128xf32, #tpu.memory_space<vmem>>)
      %dma_wait3A_357 = arith.constant 0 : i32
      %dma_wait3A_358 = tpu.memref_slice %arg7[%add3A_350, %dma_wait3A_357] : memref<125x80xi32, #tpu.memory_space<vmem>> -> memref<1x80xi32, #tpu.memory_space<vmem>>
      %dma_wait3A_359 = tpu.memref_squeeze %dma_wait3A_358 : memref<1x80xi32, #tpu.memory_space<vmem>> -> memref<80xi32, #tpu.memory_space<vmem>>
      %dma_wait3A_360 = arith.constant 0 : i32
      %dma_wait3A_361 = arith.constant 0 : i32
      %dma_wait3A_362 = tpu.memref_slice %arg2[%dma_wait3A_360, %dma_wait3A_361] : memref<10000x128xf32, #tpu.memory_space<hbm>> -> memref<10000x128xf32, #tpu.memory_space<hbm>>
      tpu.wait_indirect_dma semaphore(%arg21 : memref<!tpu.dma_semaphore, #tpu.memory_space<semaphore_mem>>) src(%dma_wait3A_362 : memref<10000x128xf32, #tpu.memory_space<hbm>>) dst(%arg12 : memref<80x128xf32, #tpu.memory_space<vmem>>)
      %gt3A_363 = arith.constant 0 : i32
      %gt3A_364 = arith.cmpi sgt, %scan3A_289, %gt3A_363 : i32
      %convert_element_type3A_365 = arith.extui %gt3A_364 : i1 to i32
      %cond3A_366 = arith.constant 0 : i32
      %cond3A_367 = arith.cmpi ne, %convert_element_type3A_365, %cond3A_366 : i32
      scf.if %cond3A_367 {
        %sub3A_471 = arith.constant 3 : i32
        %sub3A_472 = arith.subi %add3A_350, %sub3A_471 : i32
        %mul3A_473 = arith.constant 80 : i32
        %mul3A_474 = arith.muli %sub3A_472, %mul3A_473 : i32
        %add3A_475 = arith.addi %mul3A_2, %mul3A_474 : i32
        %jit3A_476 = arith.constant 2 : i32
        %div3A_477 = arith.divsi %add3A_475, %jit3A_476 : i32
        %sign3A_478 = arith.constant 0 : i32
        %sign3A_479 = arith.cmpi sgt, %add3A_475, %sign3A_478 : i32
        %sign3A_480 = arith.extui %sign3A_479 : i1 to i32
        %sign3A_481 = arith.constant 0 : i32
        %sign3A_482 = arith.cmpi slt, %add3A_475, %sign3A_481 : i32
        %sign3A_483 = arith.extui %sign3A_482 : i1 to i32
        %sign3A_484 = arith.subi %sign3A_480, %sign3A_483 : i32
        %sign3A_485 = arith.constant 0 : i32
        %sign3A_486 = arith.cmpi sgt, %jit3A_476, %sign3A_485 : i32
        %sign3A_487 = arith.extui %sign3A_486 : i1 to i32
        %sign3A_488 = arith.constant 0 : i32
        %sign3A_489 = arith.cmpi slt, %jit3A_476, %sign3A_488 : i32
        %sign3A_490 = arith.extui %sign3A_489 : i1 to i32
        %sign3A_491 = arith.subi %sign3A_487, %sign3A_490 : i32
        %ne3A_492 = arith.cmpi ne, %sign3A_484, %sign3A_491 : i32
        %rem3A_493 = arith.remsi %add3A_475, %jit3A_476 : i32
        %ne3A_494 = arith.constant 0 : i32
        %ne3A_495 = arith.cmpi ne, %rem3A_493, %ne3A_494 : i32
        %and3A_496 = arith.andi %ne3A_492, %ne3A_495 : i1
        %sub3A_497 = arith.constant 1 : i32
        %sub3A_498 = arith.subi %div3A_477, %sub3A_497 : i32
        %select_n3A_499 = arith.select %and3A_496, %sub3A_498, %div3A_477 : i32
        %multiple_of3A_500 = tpu.assume_multiple %select_n3A_499, 8 : i32
        %dma_wait3A_501 = arith.constant 0 : i32
        %dma_wait3A_502 = tpu.memref_slice %arg5[%multiple_of3A_500, %dma_wait3A_501] : memref<160000x128xf32, #tpu.memory_space<hbm>> -> memref<40x128xf32, #tpu.memory_space<hbm>>
        %dma_wait3A_503 = arith.constant 0 : i32
        %dma_wait3A_504 = tpu.memref_slice %arg5[%multiple_of3A_500, %dma_wait3A_503] : memref<160000x128xf32, #tpu.memory_space<hbm>> -> memref<40x128xf32, #tpu.memory_space<hbm>>
        tpu.wait_dma2 semaphore(%arg24 : memref<!tpu.dma_semaphore, #tpu.memory_space<semaphore_mem>>) src(%arg15 : memref<40x128xf32, #tpu.memory_space<vmem>>) dst(%dma_wait3A_504 : memref<40x128xf32, #tpu.memory_space<hbm>>)
      } else {
      }
      %parallel_loop3A_368 = arith.constant 0 : i32
      %parallel_loop3A_369 = arith.constant 40 : i32
      %parallel_loop3A_370 = arith.constant 1 : i32
      scf.for %parallel_loop3A_471 = %parallel_loop3A_368 to %parallel_loop3A_369 step %parallel_loop3A_370  : i32 {
        %parallel_loop3A_472 = arith.constant 2 : i32
        %parallel_loop3A_473 = arith.muli %parallel_loop3A_472, %parallel_loop3A_471 : i32
        %parallel_loop3A_474 = arith.index_cast %parallel_loop3A_473 : i32 to index
        %parallel_loop3A_475 = arith.constant 0 : index
        %parallel_loop3A_476 = tpu.vector_load %arg9[%parallel_loop3A_474, %parallel_loop3A_475] {strides = array<i32>} : memref<80x128xf32, #tpu.memory_space<vmem>>, vector<16xf32>,
        %parallel_loop3A_477 = arith.constant 2 : i32
        %parallel_loop3A_478 = arith.muli %parallel_loop3A_477, %parallel_loop3A_471 : i32
        %parallel_loop3A_479 = arith.index_cast %parallel_loop3A_478 : i32 to index
        %parallel_loop3A_480 = arith.constant 0 : index
        %parallel_loop3A_481 = tpu.vector_load %arg12[%parallel_loop3A_479, %parallel_loop3A_480] {strides = array<i32>} : memref<80x128xf32, #tpu.memory_space<vmem>>, vector<16xf32>,
        %parallel_loop3A_482 = arith.mulf %parallel_loop3A_476, %parallel_loop3A_481 : vector<16xf32>
        %parallel_loop3A_483 = arith.constant 2 : i32
        %parallel_loop3A_484 = arith.muli %parallel_loop3A_483, %parallel_loop3A_471 : i32
        %parallel_loop3A_485 = arith.constant 1 : i32
        %parallel_loop3A_486 = arith.addi %parallel_loop3A_484, %parallel_loop3A_485 : i32
        %parallel_loop3A_487 = arith.index_cast %parallel_loop3A_486 : i32 to index
        %parallel_loop3A_488 = arith.constant 0 : index
        %parallel_loop3A_489 = tpu.vector_load %arg9[%parallel_loop3A_487, %parallel_loop3A_488] {strides = array<i32>} : memref<80x128xf32, #tpu.memory_space<vmem>>, vector<16xf32>,
        %parallel_loop3A_490 = arith.constant 2 : i32
        %parallel_loop3A_491 = arith.muli %parallel_loop3A_490, %parallel_loop3A_471 : i32
        %parallel_loop3A_492 = arith.constant 1 : i32
        %parallel_loop3A_493 = arith.addi %parallel_loop3A_491, %parallel_loop3A_492 : i32
        %parallel_loop3A_494 = arith.index_cast %parallel_loop3A_493 : i32 to index
        %parallel_loop3A_495 = arith.constant 0 : index
        %parallel_loop3A_496 = tpu.vector_load %arg12[%parallel_loop3A_494, %parallel_loop3A_495] {strides = array<i32>} : memref<80x128xf32, #tpu.memory_space<vmem>>, vector<16xf32>,
        %parallel_loop3A_497 = arith.mulf %parallel_loop3A_489, %parallel_loop3A_496 : vector<16xf32>
        %parallel_loop3A_498 = tpu.pack_subelements %parallel_loop3A_482, %parallel_loop3A_497 {pack_format = #tpu.pack_format<interleaved>, positions = array<i32: 0, 1>} : vector<16xf32>, vector<16xf32> -> vector<32xbf16>
        %parallel_loop3A_499 = vector.bitcast %parallel_loop3A_498 : vector<32xbf16> to vector<16xf32>
        %parallel_loop3A_500 = arith.index_cast %parallel_loop3A_471 : i32 to index
        %parallel_loop3A_501 = arith.constant 0 : index
        %parallel_loop3A_502 = tpu.vector_load %arg15[%parallel_loop3A_500, %parallel_loop3A_501] {strides = array<i32>} : memref<40x128xf32, #tpu.memory_space<vmem>>, vector<16xf32>,
        tpu.vector_store %arg15[%parallel_loop3A_500, %parallel_loop3A_501], %parallel_loop3A_499 {strides = array<i32>} : memref<40x128xf32, #tpu.memory_space<vmem>>, vector<16xf32>,
        %parallel_loop3A_503 = arith.constant 2 : i32
        %parallel_loop3A_504 = arith.muli %parallel_loop3A_503, %parallel_loop3A_471 : i32
        %parallel_loop3A_505 = arith.index_cast %parallel_loop3A_504 : i32 to index
        %parallel_loop3A_506 = arith.constant 16 : index
        %parallel_loop3A_507 = tpu.vector_load %arg9[%parallel_loop3A_505, %parallel_loop3A_506] {strides = array<i32>} : memref<80x128xf32, #tpu.memory_space<vmem>>, vector<16xf32>,
        %parallel_loop3A_508 = arith.constant 2 : i32
        %parallel_loop3A_509 = arith.muli %parallel_loop3A_508, %parallel_loop3A_471 : i32
        %parallel_loop3A_510 = arith.index_cast %parallel_loop3A_509 : i32 to index
        %parallel_loop3A_511 = arith.constant 16 : index
        %parallel_loop3A_512 = tpu.vector_load %arg12[%parallel_loop3A_510, %parallel_loop3A_511] {strides = array<i32>} : memref<80x128xf32, #tpu.memory_space<vmem>>, vector<16xf32>,
        %parallel_loop3A_513 = arith.mulf %parallel_loop3A_507, %parallel_loop3A_512 : vector<16xf32>
        %parallel_loop3A_514 = arith.constant 2 : i32
        %parallel_loop3A_515 = arith.muli %parallel_loop3A_514, %parallel_loop3A_471 : i32
        %parallel_loop3A_516 = arith.constant 1 : i32
        %parallel_loop3A_517 = arith.addi %parallel_loop3A_515, %parallel_loop3A_516 : i32
        %parallel_loop3A_518 = arith.index_cast %parallel_loop3A_517 : i32 to index
        %parallel_loop3A_519 = arith.constant 16 : index
        %parallel_loop3A_520 = tpu.vector_load %arg9[%parallel_loop3A_518, %parallel_loop3A_519] {strides = array<i32>} : memref<80x128xf32, #tpu.memory_space<vmem>>, vector<16xf32>,
        %parallel_loop3A_521 = arith.constant 2 : i32
        %parallel_loop3A_522 = arith.muli %parallel_loop3A_521, %parallel_loop3A_471 : i32
        %parallel_loop3A_523 = arith.constant 1 : i32
        %parallel_loop3A_524 = arith.addi %parallel_loop3A_522, %parallel_loop3A_523 : i32
        %parallel_loop3A_525 = arith.index_cast %parallel_loop3A_524 : i32 to index
        %parallel_loop3A_526 = arith.constant 16 : index
        %parallel_loop3A_527 = tpu.vector_load %arg12[%parallel_loop3A_525, %parallel_loop3A_526] {strides = array<i32>} : memref<80x128xf32, #tpu.memory_space<vmem>>, vector<16xf32>,
        %parallel_loop3A_528 = arith.mulf %parallel_loop3A_520, %parallel_loop3A_527 : vector<16xf32>
        %parallel_loop3A_529 = tpu.pack_subelements %parallel_loop3A_513, %parallel_loop3A_528 {pack_format = #tpu.pack_format<interleaved>, positions = array<i32: 0, 1>} : vector<16xf32>, vector<16xf32> -> vector<32xbf16>
        %parallel_loop3A_530 = vector.bitcast %parallel_loop3A_529 : vector<32xbf16> to vector<16xf32>
        %parallel_loop3A_531 = arith.index_cast %parallel_loop3A_471 : i32 to index
        %parallel_loop3A_532 = arith.constant 16 : index
        %parallel_loop3A_533 = tpu.vector_load %arg15[%parallel_loop3A_531, %parallel_loop3A_532] {strides = array<i32>} : memref<40x128xf32, #tpu.memory_space<vmem>>, vector<16xf32>,
        tpu.vector_store %arg15[%parallel_loop3A_531, %parallel_loop3A_532], %parallel_loop3A_530 {strides = array<i32>} : memref<40x128xf32, #tpu.memory_space<vmem>>, vector<16xf32>,
        %parallel_loop3A_534 = arith.constant 2 : i32
        %parallel_loop3A_535 = arith.muli %parallel_loop3A_534, %parallel_loop3A_471 : i32
        %parallel_loop3A_536 = arith.index_cast %parallel_loop3A_535 : i32 to index
        %parallel_loop3A_537 = arith.constant 32 : index
        %parallel_loop3A_538 = tpu.vector_load %arg9[%parallel_loop3A_536, %parallel_loop3A_537] {strides = array<i32>} : memref<80x128xf32, #tpu.memory_space<vmem>>, vector<16xf32>,
        %parallel_loop3A_539 = arith.constant 2 : i32
        %parallel_loop3A_540 = arith.muli %parallel_loop3A_539, %parallel_loop3A_471 : i32
        %parallel_loop3A_541 = arith.index_cast %parallel_loop3A_540 : i32 to index
        %parallel_loop3A_542 = arith.constant 32 : index
        %parallel_loop3A_543 = tpu.vector_load %arg12[%parallel_loop3A_541, %parallel_loop3A_542] {strides = array<i32>} : memref<80x128xf32, #tpu.memory_space<vmem>>, vector<16xf32>,
        %parallel_loop3A_544 = arith.mulf %parallel_loop3A_538, %parallel_loop3A_543 : vector<16xf32>
        %parallel_loop3A_545 = arith.constant 2 : i32
        %parallel_loop3A_546 = arith.muli %parallel_loop3A_545, %parallel_loop3A_471 : i32
        %parallel_loop3A_547 = arith.constant 1 : i32
        %parallel_loop3A_548 = arith.addi %parallel_loop3A_546, %parallel_loop3A_547 : i32
        %parallel_loop3A_549 = arith.index_cast %parallel_loop3A_548 : i32 to index
        %parallel_loop3A_550 = arith.constant 32 : index
        %parallel_loop3A_551 = tpu.vector_load %arg9[%parallel_loop3A_549, %parallel_loop3A_550] {strides = array<i32>} : memref<80x128xf32, #tpu.memory_space<vmem>>, vector<16xf32>,
        %parallel_loop3A_552 = arith.constant 2 : i32
        %parallel_loop3A_553 = arith.muli %parallel_loop3A_552, %parallel_loop3A_471 : i32
        %parallel_loop3A_554 = arith.constant 1 : i32
        %parallel_loop3A_555 = arith.addi %parallel_loop3A_553, %parallel_loop3A_554 : i32
        %parallel_loop3A_556 = arith.index_cast %parallel_loop3A_555 : i32 to index
        %parallel_loop3A_557 = arith.constant 32 : index
        %parallel_loop3A_558 = tpu.vector_load %arg12[%parallel_loop3A_556, %parallel_loop3A_557] {strides = array<i32>} : memref<80x128xf32, #tpu.memory_space<vmem>>, vector<16xf32>,
        %parallel_loop3A_559 = arith.mulf %parallel_loop3A_551, %parallel_loop3A_558 : vector<16xf32>
        %parallel_loop3A_560 = tpu.pack_subelements %parallel_loop3A_544, %parallel_loop3A_559 {pack_format = #tpu.pack_format<interleaved>, positions = array<i32: 0, 1>} : vector<16xf32>, vector<16xf32> -> vector<32xbf16>
        %parallel_loop3A_561 = vector.bitcast %parallel_loop3A_560 : vector<32xbf16> to vector<16xf32>
        %parallel_loop3A_562 = arith.index_cast %parallel_loop3A_471 : i32 to index
        %parallel_loop3A_563 = arith.constant 32 : index
        %parallel_loop3A_564 = tpu.vector_load %arg15[%parallel_loop3A_562, %parallel_loop3A_563] {strides = array<i32>} : memref<40x128xf32, #tpu.memory_space<vmem>>, vector<16xf32>,
        tpu.vector_store %arg15[%parallel_loop3A_562, %parallel_loop3A_563], %parallel_loop3A_561 {strides = array<i32>} : memref<40x128xf32, #tpu.memory_space<vmem>>, vector<16xf32>,
        %parallel_loop3A_565 = arith.constant 2 : i32
        %parallel_loop3A_566 = arith.muli %parallel_loop3A_565, %parallel_loop3A_471 : i32
        %parallel_loop3A_567 = arith.index_cast %parallel_loop3A_566 : i32 to index
        %parallel_loop3A_568 = arith.constant 48 : index
        %parallel_loop3A_569 = tpu.vector_load %arg9[%parallel_loop3A_567, %parallel_loop3A_568] {strides = array<i32>} : memref<80x128xf32, #tpu.memory_space<vmem>>, vector<16xf32>,
        %parallel_loop3A_570 = arith.constant 2 : i32
        %parallel_loop3A_571 = arith.muli %parallel_loop3A_570, %parallel_loop3A_471 : i32
        %parallel_loop3A_572 = arith.index_cast %parallel_loop3A_571 : i32 to index
        %parallel_loop3A_573 = arith.constant 48 : index
        %parallel_loop3A_574 = tpu.vector_load %arg12[%parallel_loop3A_572, %parallel_loop3A_573] {strides = array<i32>} : memref<80x128xf32, #tpu.memory_space<vmem>>, vector<16xf32>,
        %parallel_loop3A_575 = arith.mulf %parallel_loop3A_569, %parallel_loop3A_574 : vector<16xf32>
        %parallel_loop3A_576 = arith.constant 2 : i32
        %parallel_loop3A_577 = arith.muli %parallel_loop3A_576, %parallel_loop3A_471 : i32
        %parallel_loop3A_578 = arith.constant 1 : i32
        %parallel_loop3A_579 = arith.addi %parallel_loop3A_577, %parallel_loop3A_578 : i32
        %parallel_loop3A_580 = arith.index_cast %parallel_loop3A_579 : i32 to index
        %parallel_loop3A_581 = arith.constant 48 : index
        %parallel_loop3A_582 = tpu.vector_load %arg9[%parallel_loop3A_580, %parallel_loop3A_581] {strides = array<i32>} : memref<80x128xf32, #tpu.memory_space<vmem>>, vector<16xf32>,
        %parallel_loop3A_583 = arith.constant 2 : i32
        %parallel_loop3A_584 = arith.muli %parallel_loop3A_583, %parallel_loop3A_471 : i32
        %parallel_loop3A_585 = arith.constant 1 : i32
        %parallel_loop3A_586 = arith.addi %parallel_loop3A_584, %parallel_loop3A_585 : i32
        %parallel_loop3A_587 = arith.index_cast %parallel_loop3A_586 : i32 to index
        %parallel_loop3A_588 = arith.constant 48 : index
        %parallel_loop3A_589 = tpu.vector_load %arg12[%parallel_loop3A_587, %parallel_loop3A_588] {strides = array<i32>} : memref<80x128xf32, #tpu.memory_space<vmem>>, vector<16xf32>,
        %parallel_loop3A_590 = arith.mulf %parallel_loop3A_582, %parallel_loop3A_589 : vector<16xf32>
        %parallel_loop3A_591 = tpu.pack_subelements %parallel_loop3A_575, %parallel_loop3A_590 {pack_format = #tpu.pack_format<interleaved>, positions = array<i32: 0, 1>} : vector<16xf32>, vector<16xf32> -> vector<32xbf16>
        %parallel_loop3A_592 = vector.bitcast %parallel_loop3A_591 : vector<32xbf16> to vector<16xf32>
        %parallel_loop3A_593 = arith.index_cast %parallel_loop3A_471 : i32 to index
        %parallel_loop3A_594 = arith.constant 48 : index
        %parallel_loop3A_595 = tpu.vector_load %arg15[%parallel_loop3A_593, %parallel_loop3A_594] {strides = array<i32>} : memref<40x128xf32, #tpu.memory_space<vmem>>, vector<16xf32>,
        tpu.vector_store %arg15[%parallel_loop3A_593, %parallel_loop3A_594], %parallel_loop3A_592 {strides = array<i32>} : memref<40x128xf32, #tpu.memory_space<vmem>>, vector<16xf32>,
        %parallel_loop3A_596 = arith.constant 2 : i32
        %parallel_loop3A_597 = arith.muli %parallel_loop3A_596, %parallel_loop3A_471 : i32
        %parallel_loop3A_598 = arith.index_cast %parallel_loop3A_597 : i32 to index
        %parallel_loop3A_599 = arith.constant 64 : index
        %parallel_loop3A_600 = tpu.vector_load %arg9[%parallel_loop3A_598, %parallel_loop3A_599] {strides = array<i32>} : memref<80x128xf32, #tpu.memory_space<vmem>>, vector<16xf32>,
        %parallel_loop3A_601 = arith.constant 2 : i32
        %parallel_loop3A_602 = arith.muli %parallel_loop3A_601, %parallel_loop3A_471 : i32
        %parallel_loop3A_603 = arith.index_cast %parallel_loop3A_602 : i32 to index
        %parallel_loop3A_604 = arith.constant 64 : index
        %parallel_loop3A_605 = tpu.vector_load %arg12[%parallel_loop3A_603, %parallel_loop3A_604] {strides = array<i32>} : memref<80x128xf32, #tpu.memory_space<vmem>>, vector<16xf32>,
        %parallel_loop3A_606 = arith.mulf %parallel_loop3A_600, %parallel_loop3A_605 : vector<16xf32>
        %parallel_loop3A_607 = arith.constant 2 : i32
        %parallel_loop3A_608 = arith.muli %parallel_loop3A_607, %parallel_loop3A_471 : i32
        %parallel_loop3A_609 = arith.constant 1 : i32
        %parallel_loop3A_610 = arith.addi %parallel_loop3A_608, %parallel_loop3A_609 : i32
        %parallel_loop3A_611 = arith.index_cast %parallel_loop3A_610 : i32 to index
        %parallel_loop3A_612 = arith.constant 64 : index
        %parallel_loop3A_613 = tpu.vector_load %arg9[%parallel_loop3A_611, %parallel_loop3A_612] {strides = array<i32>} : memref<80x128xf32, #tpu.memory_space<vmem>>, vector<16xf32>,
        %parallel_loop3A_614 = arith.constant 2 : i32
        %parallel_loop3A_615 = arith.muli %parallel_loop3A_614, %parallel_loop3A_471 : i32
        %parallel_loop3A_616 = arith.constant 1 : i32
        %parallel_loop3A_617 = arith.addi %parallel_loop3A_615, %parallel_loop3A_616 : i32
        %parallel_loop3A_618 = arith.index_cast %parallel_loop3A_617 : i32 to index
        %parallel_loop3A_619 = arith.constant 64 : index
        %parallel_loop3A_620 = tpu.vector_load %arg12[%parallel_loop3A_618, %parallel_loop3A_619] {strides = array<i32>} : memref<80x128xf32, #tpu.memory_space<vmem>>, vector<16xf32>,
        %parallel_loop3A_621 = arith.mulf %parallel_loop3A_613, %parallel_loop3A_620 : vector<16xf32>
        %parallel_loop3A_622 = tpu.pack_subelements %parallel_loop3A_606, %parallel_loop3A_621 {pack_format = #tpu.pack_format<interleaved>, positions = array<i32: 0, 1>} : vector<16xf32>, vector<16xf32> -> vector<32xbf16>
        %parallel_loop3A_623 = vector.bitcast %parallel_loop3A_622 : vector<32xbf16> to vector<16xf32>
        %parallel_loop3A_624 = arith.index_cast %parallel_loop3A_471 : i32 to index
        %parallel_loop3A_625 = arith.constant 64 : index
        %parallel_loop3A_626 = tpu.vector_load %arg15[%parallel_loop3A_624, %parallel_loop3A_625] {strides = array<i32>} : memref<40x128xf32, #tpu.memory_space<vmem>>, vector<16xf32>,
        tpu.vector_store %arg15[%parallel_loop3A_624, %parallel_loop3A_625], %parallel_loop3A_623 {strides = array<i32>} : memref<40x128xf32, #tpu.memory_space<vmem>>, vector<16xf32>,
        %parallel_loop3A_627 = arith.constant 2 : i32
        %parallel_loop3A_628 = arith.muli %parallel_loop3A_627, %parallel_loop3A_471 : i32
        %parallel_loop3A_629 = arith.index_cast %parallel_loop3A_628 : i32 to index
        %parallel_loop3A_630 = arith.constant 80 : index
        %parallel_loop3A_631 = tpu.vector_load %arg9[%parallel_loop3A_629, %parallel_loop3A_630] {strides = array<i32>} : memref<80x128xf32, #tpu.memory_space<vmem>>, vector<16xf32>,
        %parallel_loop3A_632 = arith.constant 2 : i32
        %parallel_loop3A_633 = arith.muli %parallel_loop3A_632, %parallel_loop3A_471 : i32
        %parallel_loop3A_634 = arith.index_cast %parallel_loop3A_633 : i32 to index
        %parallel_loop3A_635 = arith.constant 80 : index
        %parallel_loop3A_636 = tpu.vector_load %arg12[%parallel_loop3A_634, %parallel_loop3A_635] {strides = array<i32>} : memref<80x128xf32, #tpu.memory_space<vmem>>, vector<16xf32>,
        %parallel_loop3A_637 = arith.mulf %parallel_loop3A_631, %parallel_loop3A_636 : vector<16xf32>
        %parallel_loop3A_638 = arith.constant 2 : i32
        %parallel_loop3A_639 = arith.muli %parallel_loop3A_638, %parallel_loop3A_471 : i32
        %parallel_loop3A_640 = arith.constant 1 : i32
        %parallel_loop3A_641 = arith.addi %parallel_loop3A_639, %parallel_loop3A_640 : i32
        %parallel_loop3A_642 = arith.index_cast %parallel_loop3A_641 : i32 to index
        %parallel_loop3A_643 = arith.constant 80 : index
        %parallel_loop3A_644 = tpu.vector_load %arg9[%parallel_loop3A_642, %parallel_loop3A_643] {strides = array<i32>} : memref<80x128xf32, #tpu.memory_space<vmem>>, vector<16xf32>,
        %parallel_loop3A_645 = arith.constant 2 : i32
        %parallel_loop3A_646 = arith.muli %parallel_loop3A_645, %parallel_loop3A_471 : i32
        %parallel_loop3A_647 = arith.constant 1 : i32
        %parallel_loop3A_648 = arith.addi %parallel_loop3A_646, %parallel_loop3A_647 : i32
        %parallel_loop3A_649 = arith.index_cast %parallel_loop3A_648 : i32 to index
        %parallel_loop3A_650 = arith.constant 80 : index
        %parallel_loop3A_651 = tpu.vector_load %arg12[%parallel_loop3A_649, %parallel_loop3A_650] {strides = array<i32>} : memref<80x128xf32, #tpu.memory_space<vmem>>, vector<16xf32>,
        %parallel_loop3A_652 = arith.mulf %parallel_loop3A_644, %parallel_loop3A_651 : vector<16xf32>
        %parallel_loop3A_653 = tpu.pack_subelements %parallel_loop3A_637, %parallel_loop3A_652 {pack_format = #tpu.pack_format<interleaved>, positions = array<i32: 0, 1>} : vector<16xf32>, vector<16xf32> -> vector<32xbf16>
        %parallel_loop3A_654 = vector.bitcast %parallel_loop3A_653 : vector<32xbf16> to vector<16xf32>
        %parallel_loop3A_655 = arith.index_cast %parallel_loop3A_471 : i32 to index
        %parallel_loop3A_656 = arith.constant 80 : index
        %parallel_loop3A_657 = tpu.vector_load %arg15[%parallel_loop3A_655, %parallel_loop3A_656] {strides = array<i32>} : memref<40x128xf32, #tpu.memory_space<vmem>>, vector<16xf32>,
        tpu.vector_store %arg15[%parallel_loop3A_655, %parallel_loop3A_656], %parallel_loop3A_654 {strides = array<i32>} : memref<40x128xf32, #tpu.memory_space<vmem>>, vector<16xf32>,
        %parallel_loop3A_658 = arith.constant 2 : i32
        %parallel_loop3A_659 = arith.muli %parallel_loop3A_658, %parallel_loop3A_471 : i32
        %parallel_loop3A_660 = arith.index_cast %parallel_loop3A_659 : i32 to index
        %parallel_loop3A_661 = arith.constant 96 : index
        %parallel_loop3A_662 = tpu.vector_load %arg9[%parallel_loop3A_660, %parallel_loop3A_661] {strides = array<i32>} : memref<80x128xf32, #tpu.memory_space<vmem>>, vector<16xf32>,
        %parallel_loop3A_663 = arith.constant 2 : i32
        %parallel_loop3A_664 = arith.muli %parallel_loop3A_663, %parallel_loop3A_471 : i32
        %parallel_loop3A_665 = arith.index_cast %parallel_loop3A_664 : i32 to index
        %parallel_loop3A_666 = arith.constant 96 : index
        %parallel_loop3A_667 = tpu.vector_load %arg12[%parallel_loop3A_665, %parallel_loop3A_666] {strides = array<i32>} : memref<80x128xf32, #tpu.memory_space<vmem>>, vector<16xf32>,
        %parallel_loop3A_668 = arith.mulf %parallel_loop3A_662, %parallel_loop3A_667 : vector<16xf32>
        %parallel_loop3A_669 = arith.constant 2 : i32
        %parallel_loop3A_670 = arith.muli %parallel_loop3A_669, %parallel_loop3A_471 : i32
        %parallel_loop3A_671 = arith.constant 1 : i32
        %parallel_loop3A_672 = arith.addi %parallel_loop3A_670, %parallel_loop3A_671 : i32
        %parallel_loop3A_673 = arith.index_cast %parallel_loop3A_672 : i32 to index
        %parallel_loop3A_674 = arith.constant 96 : index
        %parallel_loop3A_675 = tpu.vector_load %arg9[%parallel_loop3A_673, %parallel_loop3A_674] {strides = array<i32>} : memref<80x128xf32, #tpu.memory_space<vmem>>, vector<16xf32>,
        %parallel_loop3A_676 = arith.constant 2 : i32
        %parallel_loop3A_677 = arith.muli %parallel_loop3A_676, %parallel_loop3A_471 : i32
        %parallel_loop3A_678 = arith.constant 1 : i32
        %parallel_loop3A_679 = arith.addi %parallel_loop3A_677, %parallel_loop3A_678 : i32
        %parallel_loop3A_680 = arith.index_cast %parallel_loop3A_679 : i32 to index
        %parallel_loop3A_681 = arith.constant 96 : index
        %parallel_loop3A_682 = tpu.vector_load %arg12[%parallel_loop3A_680, %parallel_loop3A_681] {strides = array<i32>} : memref<80x128xf32, #tpu.memory_space<vmem>>, vector<16xf32>,
        %parallel_loop3A_683 = arith.mulf %parallel_loop3A_675, %parallel_loop3A_682 : vector<16xf32>
        %parallel_loop3A_684 = tpu.pack_subelements %parallel_loop3A_668, %parallel_loop3A_683 {pack_format = #tpu.pack_format<interleaved>, positions = array<i32: 0, 1>} : vector<16xf32>, vector<16xf32> -> vector<32xbf16>
        %parallel_loop3A_685 = vector.bitcast %parallel_loop3A_684 : vector<32xbf16> to vector<16xf32>
        %parallel_loop3A_686 = arith.index_cast %parallel_loop3A_471 : i32 to index
        %parallel_loop3A_687 = arith.constant 96 : index
        %parallel_loop3A_688 = tpu.vector_load %arg15[%parallel_loop3A_686, %parallel_loop3A_687] {strides = array<i32>} : memref<40x128xf32, #tpu.memory_space<vmem>>, vector<16xf32>,
        tpu.vector_store %arg15[%parallel_loop3A_686, %parallel_loop3A_687], %parallel_loop3A_685 {strides = array<i32>} : memref<40x128xf32, #tpu.memory_space<vmem>>, vector<16xf32>,
        %parallel_loop3A_689 = arith.constant 2 : i32
        %parallel_loop3A_690 = arith.muli %parallel_loop3A_689, %parallel_loop3A_471 : i32
        %parallel_loop3A_691 = arith.index_cast %parallel_loop3A_690 : i32 to index
        %parallel_loop3A_692 = arith.constant 112 : index
        %parallel_loop3A_693 = tpu.vector_load %arg9[%parallel_loop3A_691, %parallel_loop3A_692] {strides = array<i32>} : memref<80x128xf32, #tpu.memory_space<vmem>>, vector<16xf32>,
        %parallel_loop3A_694 = arith.constant 2 : i32
        %parallel_loop3A_695 = arith.muli %parallel_loop3A_694, %parallel_loop3A_471 : i32
        %parallel_loop3A_696 = arith.index_cast %parallel_loop3A_695 : i32 to index
        %parallel_loop3A_697 = arith.constant 112 : index
        %parallel_loop3A_698 = tpu.vector_load %arg12[%parallel_loop3A_696, %parallel_loop3A_697] {strides = array<i32>} : memref<80x128xf32, #tpu.memory_space<vmem>>, vector<16xf32>,
        %parallel_loop3A_699 = arith.mulf %parallel_loop3A_693, %parallel_loop3A_698 : vector<16xf32>
        %parallel_loop3A_700 = arith.constant 2 : i32
        %parallel_loop3A_701 = arith.muli %parallel_loop3A_700, %parallel_loop3A_471 : i32
        %parallel_loop3A_702 = arith.constant 1 : i32
        %parallel_loop3A_703 = arith.addi %parallel_loop3A_701, %parallel_loop3A_702 : i32
        %parallel_loop3A_704 = arith.index_cast %parallel_loop3A_703 : i32 to index
        %parallel_loop3A_705 = arith.constant 112 : index
        %parallel_loop3A_706 = tpu.vector_load %arg9[%parallel_loop3A_704, %parallel_loop3A_705] {strides = array<i32>} : memref<80x128xf32, #tpu.memory_space<vmem>>, vector<16xf32>,
        %parallel_loop3A_707 = arith.constant 2 : i32
        %parallel_loop3A_708 = arith.muli %parallel_loop3A_707, %parallel_loop3A_471 : i32
        %parallel_loop3A_709 = arith.constant 1 : i32
        %parallel_loop3A_710 = arith.addi %parallel_loop3A_708, %parallel_loop3A_709 : i32
        %parallel_loop3A_711 = arith.index_cast %parallel_loop3A_710 : i32 to index
        %parallel_loop3A_712 = arith.constant 112 : index
        %parallel_loop3A_713 = tpu.vector_load %arg12[%parallel_loop3A_711, %parallel_loop3A_712] {strides = array<i32>} : memref<80x128xf32, #tpu.memory_space<vmem>>, vector<16xf32>,
        %parallel_loop3A_714 = arith.mulf %parallel_loop3A_706, %parallel_loop3A_713 : vector<16xf32>
        %parallel_loop3A_715 = tpu.pack_subelements %parallel_loop3A_699, %parallel_loop3A_714 {pack_format = #tpu.pack_format<interleaved>, positions = array<i32: 0, 1>} : vector<16xf32>, vector<16xf32> -> vector<32xbf16>
        %parallel_loop3A_716 = vector.bitcast %parallel_loop3A_715 : vector<32xbf16> to vector<16xf32>
        %parallel_loop3A_717 = arith.index_cast %parallel_loop3A_471 : i32 to index
        %parallel_loop3A_718 = arith.constant 112 : index
        %parallel_loop3A_719 = tpu.vector_load %arg15[%parallel_loop3A_717, %parallel_loop3A_718] {strides = array<i32>} : memref<40x128xf32, #tpu.memory_space<vmem>>, vector<16xf32>,
        tpu.vector_store %arg15[%parallel_loop3A_717, %parallel_loop3A_718], %parallel_loop3A_716 {strides = array<i32>} : memref<40x128xf32, #tpu.memory_space<vmem>>, vector<16xf32>,
      } {sc.loop_unroll_factor = 2 : i64, sc.parallel_access}
      %mul3A_371 = arith.constant 80 : i32
      %mul3A_372 = arith.muli %add3A_350, %mul3A_371 : i32
      %add3A_373 = arith.addi %mul3A_2, %mul3A_372 : i32
      %jit3A_374 = arith.constant 2 : i32
      %div3A_375 = arith.divsi %add3A_373, %jit3A_374 : i32
      %sign3A_376 = arith.constant 0 : i32
      %sign3A_377 = arith.cmpi sgt, %add3A_373, %sign3A_376 : i32
      %sign3A_378 = arith.extui %sign3A_377 : i1 to i32
      %sign3A_379 = arith.constant 0 : i32
      %sign3A_380 = arith.cmpi slt, %add3A_373, %sign3A_379 : i32
      %sign3A_381 = arith.extui %sign3A_380 : i1 to i32
      %sign3A_382 = arith.subi %sign3A_378, %sign3A_381 : i32
      %sign3A_383 = arith.constant 0 : i32
      %sign3A_384 = arith.cmpi sgt, %jit3A_374, %sign3A_383 : i32
      %sign3A_385 = arith.extui %sign3A_384 : i1 to i32
      %sign3A_386 = arith.constant 0 : i32
      %sign3A_387 = arith.cmpi slt, %jit3A_374, %sign3A_386 : i32
      %sign3A_388 = arith.extui %sign3A_387 : i1 to i32
      %sign3A_389 = arith.subi %sign3A_385, %sign3A_388 : i32
      %ne3A_390 = arith.cmpi ne, %sign3A_382, %sign3A_389 : i32
      %rem3A_391 = arith.remsi %add3A_373, %jit3A_374 : i32
      %ne3A_392 = arith.constant 0 : i32
      %ne3A_393 = arith.cmpi ne, %rem3A_391, %ne3A_392 : i32
      %and3A_394 = arith.andi %ne3A_390, %ne3A_393 : i1
      %sub3A_395 = arith.constant 1 : i32
      %sub3A_396 = arith.subi %div3A_375, %sub3A_395 : i32
      %select_n3A_397 = arith.select %and3A_394, %sub3A_396, %div3A_375 : i32
      %multiple_of3A_398 = tpu.assume_multiple %select_n3A_397, 8 : i32
      %dma_start3A_399 = arith.constant 0 : i32
      %dma_start3A_400 = tpu.memref_slice %arg5[%multiple_of3A_398, %dma_start3A_399] : memref<160000x128xf32, #tpu.memory_space<hbm>> -> memref<40x128xf32, #tpu.memory_space<hbm>>
      %dma_start3A_401 = arith.constant 0 : i32
      %dma_start3A_402 = tpu.memref_slice %arg5[%multiple_of3A_398, %dma_start3A_401] : memref<160000x128xf32, #tpu.memory_space<hbm>> -> memref<40x128xf32, #tpu.memory_space<hbm>>
      tpu.enqueue_dma source(%arg15 : memref<40x128xf32, #tpu.memory_space<vmem>>) target(%dma_start3A_402 : memref<40x128xf32, #tpu.memory_space<hbm>>) target_semaphore(%arg24 : memref<!tpu.dma_semaphore, #tpu.memory_space<semaphore_mem>>)
      %add3A_403 = arith.constant 3 : i32
      %add3A_404 = arith.addi %add3A_350, %add3A_403 : i32
      %lt3A_405 = arith.constant 125 : i32
      %lt3A_406 = arith.cmpi slt, %add3A_404, %lt3A_405 : i32
      %convert_element_type3A_407 = arith.extui %lt3A_406 : i1 to i32
      %cond3A_408 = arith.constant 0 : i32
      %cond3A_409 = arith.cmpi ne, %convert_element_type3A_407, %cond3A_408 : i32
      scf.if %cond3A_409 {
        %add3A_471 = arith.constant 3 : i32
        %add3A_472 = arith.addi %add3A_350, %add3A_471 : i32
        %dma_start3A_473 = arith.constant 0 : i32
        %dma_start3A_474 = tpu.memref_slice %arg6[%add3A_472, %dma_start3A_473] : memref<125x80xi32, #tpu.memory_space<vmem>> -> memref<1x80xi32, #tpu.memory_space<vmem>>
        %dma_start3A_475 = tpu.memref_squeeze %dma_start3A_474 : memref<1x80xi32, #tpu.memory_space<vmem>> -> memref<80xi32, #tpu.memory_space<vmem>>
        %dma_start3A_476 = arith.constant 0 : i32
        %dma_start3A_477 = arith.constant 0 : i32
        %dma_start3A_478 = tpu.memref_slice %arg2[%dma_start3A_476, %dma_start3A_477] : memref<10000x128xf32, #tpu.memory_space<hbm>> -> memref<10000x128xf32, #tpu.memory_space<hbm>>
        tpu.enqueue_indirect_dma source(%dma_start3A_478 : memref<10000x128xf32, #tpu.memory_space<hbm>>) target(%arg9 : memref<80x128xf32, #tpu.memory_space<vmem>>) offsets(%dma_start3A_475 : memref<80xi32, #tpu.memory_space<vmem>>) semaphore(%arg18 : memref<!tpu.dma_semaphore, #tpu.memory_space<semaphore_mem>>)
        %dma_start3A_479 = arith.constant 0 : i32
        %dma_start3A_480 = tpu.memref_slice %arg7[%add3A_472, %dma_start3A_479] : memref<125x80xi32, #tpu.memory_space<vmem>> -> memref<1x80xi32, #tpu.memory_space<vmem>>
        %dma_start3A_481 = tpu.memref_squeeze %dma_start3A_480 : memref<1x80xi32, #tpu.memory_space<vmem>> -> memref<80xi32, #tpu.memory_space<vmem>>
        %dma_start3A_482 = arith.constant 0 : i32
        %dma_start3A_483 = arith.constant 0 : i32
        %dma_start3A_484 = tpu.memref_slice %arg2[%dma_start3A_482, %dma_start3A_483] : memref<10000x128xf32, #tpu.memory_space<hbm>> -> memref<10000x128xf32, #tpu.memory_space<hbm>>
        tpu.enqueue_indirect_dma source(%dma_start3A_484 : memref<10000x128xf32, #tpu.memory_space<hbm>>) target(%arg12 : memref<80x128xf32, #tpu.memory_space<vmem>>) offsets(%dma_start3A_481 : memref<80xi32, #tpu.memory_space<vmem>>) semaphore(%arg21 : memref<!tpu.dma_semaphore, #tpu.memory_space<semaphore_mem>>)
      } else {
      }
      %add3A_410 = arith.constant 2 : i32
      %add3A_411 = arith.addi %mul3A_291, %add3A_410 : i32
      %dma_wait3A_412 = arith.constant 0 : i32
      %dma_wait3A_413 = tpu.memref_slice %arg6[%add3A_411, %dma_wait3A_412] : memref<125x80xi32, #tpu.memory_space<vmem>> -> memref<1x80xi32, #tpu.memory_space<vmem>>
      %dma_wait3A_414 = tpu.memref_squeeze %dma_wait3A_413 : memref<1x80xi32, #tpu.memory_space<vmem>> -> memref<80xi32, #tpu.memory_space<vmem>>
      %dma_wait3A_415 = arith.constant 0 : i32
      %dma_wait3A_416 = arith.constant 0 : i32
      %dma_wait3A_417 = tpu.memref_slice %arg2[%dma_wait3A_415, %dma_wait3A_416] : memref<10000x128xf32, #tpu.memory_space<hbm>> -> memref<10000x128xf32, #tpu.memory_space<hbm>>
      tpu.wait_indirect_dma semaphore(%arg19 : memref<!tpu.dma_semaphore, #tpu.memory_space<semaphore_mem>>) src(%dma_wait3A_417 : memref<10000x128xf32, #tpu.memory_space<hbm>>) dst(%arg10 : memref<80x128xf32, #tpu.memory_space<vmem>>)
      %dma_wait3A_418 = arith.constant 0 : i32
      %dma_wait3A_419 = tpu.memref_slice %arg7[%add3A_411, %dma_wait3A_418] : memref<125x80xi32, #tpu.memory_space<vmem>> -> memref<1x80xi32, #tpu.memory_space<vmem>>
      %dma_wait3A_420 = tpu.memref_squeeze %dma_wait3A_419 : memref<1x80xi32, #tpu.memory_space<vmem>> -> memref<80xi32, #tpu.memory_space<vmem>>
      %dma_wait3A_421 = arith.constant 0 : i32
      %dma_wait3A_422 = arith.constant 0 : i32
      %dma_wait3A_423 = tpu.memref_slice %arg2[%dma_wait3A_421, %dma_wait3A_422] : memref<10000x128xf32, #tpu.memory_space<hbm>> -> memref<10000x128xf32, #tpu.memory_space<hbm>>
      tpu.wait_indirect_dma semaphore(%arg22 : memref<!tpu.dma_semaphore, #tpu.memory_space<semaphore_mem>>) src(%dma_wait3A_423 : memref<10000x128xf32, #tpu.memory_space<hbm>>) dst(%arg13 : memref<80x128xf32, #tpu.memory_space<vmem>>)
      %gt3A_424 = arith.constant 0 : i32
      %gt3A_425 = arith.cmpi sgt, %scan3A_289, %gt3A_424 : i32
      %convert_element_type3A_426 = arith.extui %gt3A_425 : i1 to i32
      %cond3A_427 = arith.constant 0 : i32
      %cond3A_428 = arith.cmpi ne, %convert_element_type3A_426, %cond3A_427 : i32
      scf.if %cond3A_428 {
        %sub3A_471 = arith.constant 3 : i32
        %sub3A_472 = arith.subi %add3A_411, %sub3A_471 : i32
        %mul3A_473 = arith.constant 80 : i32
        %mul3A_474 = arith.muli %sub3A_472, %mul3A_473 : i32
        %add3A_475 = arith.addi %mul3A_2, %mul3A_474 : i32
        %jit3A_476 = arith.constant 2 : i32
        %div3A_477 = arith.divsi %add3A_475, %jit3A_476 : i32
        %sign3A_478 = arith.constant 0 : i32
        %sign3A_479 = arith.cmpi sgt, %add3A_475, %sign3A_478 : i32
        %sign3A_480 = arith.extui %sign3A_479 : i1 to i32
        %sign3A_481 = arith.constant 0 : i32
        %sign3A_482 = arith.cmpi slt, %add3A_475, %sign3A_481 : i32
        %sign3A_483 = arith.extui %sign3A_482 : i1 to i32
        %sign3A_484 = arith.subi %sign3A_480, %sign3A_483 : i32
        %sign3A_485 = arith.constant 0 : i32
        %sign3A_486 = arith.cmpi sgt, %jit3A_476, %sign3A_485 : i32
        %sign3A_487 = arith.extui %sign3A_486 : i1 to i32
        %sign3A_488 = arith.constant 0 : i32
        %sign3A_489 = arith.cmpi slt, %jit3A_476, %sign3A_488 : i32
        %sign3A_490 = arith.extui %sign3A_489 : i1 to i32
        %sign3A_491 = arith.subi %sign3A_487, %sign3A_490 : i32
        %ne3A_492 = arith.cmpi ne, %sign3A_484, %sign3A_491 : i32
        %rem3A_493 = arith.remsi %add3A_475, %jit3A_476 : i32
        %ne3A_494 = arith.constant 0 : i32
        %ne3A_495 = arith.cmpi ne, %rem3A_493, %ne3A_494 : i32
        %and3A_496 = arith.andi %ne3A_492, %ne3A_495 : i1
        %sub3A_497 = arith.constant 1 : i32
        %sub3A_498 = arith.subi %div3A_477, %sub3A_497 : i32
        %select_n3A_499 = arith.select %and3A_496, %sub3A_498, %div3A_477 : i32
        %multiple_of3A_500 = tpu.assume_multiple %select_n3A_499, 8 : i32
        %dma_wait3A_501 = arith.constant 0 : i32
        %dma_wait3A_502 = tpu.memref_slice %arg5[%multiple_of3A_500, %dma_wait3A_501] : memref<160000x128xf32, #tpu.memory_space<hbm>> -> memref<40x128xf32, #tpu.memory_space<hbm>>
        %dma_wait3A_503 = arith.constant 0 : i32
        %dma_wait3A_504 = tpu.memref_slice %arg5[%multiple_of3A_500, %dma_wait3A_503] : memref<160000x128xf32, #tpu.memory_space<hbm>> -> memref<40x128xf32, #tpu.memory_space<hbm>>
        tpu.wait_dma2 semaphore(%arg25 : memref<!tpu.dma_semaphore, #tpu.memory_space<semaphore_mem>>) src(%arg16 : memref<40x128xf32, #tpu.memory_space<vmem>>) dst(%dma_wait3A_504 : memref<40x128xf32, #tpu.memory_space<hbm>>)
      } else {
      }
      %parallel_loop3A_429 = arith.constant 0 : i32
      %parallel_loop3A_430 = arith.constant 40 : i32
      %parallel_loop3A_431 = arith.constant 1 : i32
      scf.for %parallel_loop3A_471 = %parallel_loop3A_429 to %parallel_loop3A_430 step %parallel_loop3A_431  : i32 {
        %parallel_loop3A_472 = arith.constant 2 : i32
        %parallel_loop3A_473 = arith.muli %parallel_loop3A_472, %parallel_loop3A_471 : i32
        %parallel_loop3A_474 = arith.index_cast %parallel_loop3A_473 : i32 to index
        %parallel_loop3A_475 = arith.constant 0 : index
        %parallel_loop3A_476 = tpu.vector_load %arg10[%parallel_loop3A_474, %parallel_loop3A_475] {strides = array<i32>} : memref<80x128xf32, #tpu.memory_space<vmem>>, vector<16xf32>,
        %parallel_loop3A_477 = arith.constant 2 : i32
        %parallel_loop3A_478 = arith.muli %parallel_loop3A_477, %parallel_loop3A_471 : i32
        %parallel_loop3A_479 = arith.index_cast %parallel_loop3A_478 : i32 to index
        %parallel_loop3A_480 = arith.constant 0 : index
        %parallel_loop3A_481 = tpu.vector_load %arg13[%parallel_loop3A_479, %parallel_loop3A_480] {strides = array<i32>} : memref<80x128xf32, #tpu.memory_space<vmem>>, vector<16xf32>,
        %parallel_loop3A_482 = arith.mulf %parallel_loop3A_476, %parallel_loop3A_481 : vector<16xf32>
        %parallel_loop3A_483 = arith.constant 2 : i32
        %parallel_loop3A_484 = arith.muli %parallel_loop3A_483, %parallel_loop3A_471 : i32
        %parallel_loop3A_485 = arith.constant 1 : i32
        %parallel_loop3A_486 = arith.addi %parallel_loop3A_484, %parallel_loop3A_485 : i32
        %parallel_loop3A_487 = arith.index_cast %parallel_loop3A_486 : i32 to index
        %parallel_loop3A_488 = arith.constant 0 : index
        %parallel_loop3A_489 = tpu.vector_load %arg10[%parallel_loop3A_487, %parallel_loop3A_488] {strides = array<i32>} : memref<80x128xf32, #tpu.memory_space<vmem>>, vector<16xf32>,
        %parallel_loop3A_490 = arith.constant 2 : i32
        %parallel_loop3A_491 = arith.muli %parallel_loop3A_490, %parallel_loop3A_471 : i32
        %parallel_loop3A_492 = arith.constant 1 : i32
        %parallel_loop3A_493 = arith.addi %parallel_loop3A_491, %parallel_loop3A_492 : i32
        %parallel_loop3A_494 = arith.index_cast %parallel_loop3A_493 : i32 to index
        %parallel_loop3A_495 = arith.constant 0 : index
        %parallel_loop3A_496 = tpu.vector_load %arg13[%parallel_loop3A_494, %parallel_loop3A_495] {strides = array<i32>} : memref<80x128xf32, #tpu.memory_space<vmem>>, vector<16xf32>,
        %parallel_loop3A_497 = arith.mulf %parallel_loop3A_489, %parallel_loop3A_496 : vector<16xf32>
        %parallel_loop3A_498 = tpu.pack_subelements %parallel_loop3A_482, %parallel_loop3A_497 {pack_format = #tpu.pack_format<interleaved>, positions = array<i32: 0, 1>} : vector<16xf32>, vector<16xf32> -> vector<32xbf16>
        %parallel_loop3A_499 = vector.bitcast %parallel_loop3A_498 : vector<32xbf16> to vector<16xf32>
        %parallel_loop3A_500 = arith.index_cast %parallel_loop3A_471 : i32 to index
        %parallel_loop3A_501 = arith.constant 0 : index
        %parallel_loop3A_502 = tpu.vector_load %arg16[%parallel_loop3A_500, %parallel_loop3A_501] {strides = array<i32>} : memref<40x128xf32, #tpu.memory_space<vmem>>, vector<16xf32>,
        tpu.vector_store %arg16[%parallel_loop3A_500, %parallel_loop3A_501], %parallel_loop3A_499 {strides = array<i32>} : memref<40x128xf32, #tpu.memory_space<vmem>>, vector<16xf32>,
        %parallel_loop3A_503 = arith.constant 2 : i32
        %parallel_loop3A_504 = arith.muli %parallel_loop3A_503, %parallel_loop3A_471 : i32
        %parallel_loop3A_505 = arith.index_cast %parallel_loop3A_504 : i32 to index
        %parallel_loop3A_506 = arith.constant 16 : index
        %parallel_loop3A_507 = tpu.vector_load %arg10[%parallel_loop3A_505, %parallel_loop3A_506] {strides = array<i32>} : memref<80x128xf32, #tpu.memory_space<vmem>>, vector<16xf32>,
        %parallel_loop3A_508 = arith.constant 2 : i32
        %parallel_loop3A_509 = arith.muli %parallel_loop3A_508, %parallel_loop3A_471 : i32
        %parallel_loop3A_510 = arith.index_cast %parallel_loop3A_509 : i32 to index
        %parallel_loop3A_511 = arith.constant 16 : index
        %parallel_loop3A_512 = tpu.vector_load %arg13[%parallel_loop3A_510, %parallel_loop3A_511] {strides = array<i32>} : memref<80x128xf32, #tpu.memory_space<vmem>>, vector<16xf32>,
        %parallel_loop3A_513 = arith.mulf %parallel_loop3A_507, %parallel_loop3A_512 : vector<16xf32>
        %parallel_loop3A_514 = arith.constant 2 : i32
        %parallel_loop3A_515 = arith.muli %parallel_loop3A_514, %parallel_loop3A_471 : i32
        %parallel_loop3A_516 = arith.constant 1 : i32
        %parallel_loop3A_517 = arith.addi %parallel_loop3A_515, %parallel_loop3A_516 : i32
        %parallel_loop3A_518 = arith.index_cast %parallel_loop3A_517 : i32 to index
        %parallel_loop3A_519 = arith.constant 16 : index
        %parallel_loop3A_520 = tpu.vector_load %arg10[%parallel_loop3A_518, %parallel_loop3A_519] {strides = array<i32>} : memref<80x128xf32, #tpu.memory_space<vmem>>, vector<16xf32>,
        %parallel_loop3A_521 = arith.constant 2 : i32
        %parallel_loop3A_522 = arith.muli %parallel_loop3A_521, %parallel_loop3A_471 : i32
        %parallel_loop3A_523 = arith.constant 1 : i32
        %parallel_loop3A_524 = arith.addi %parallel_loop3A_522, %parallel_loop3A_523 : i32
        %parallel_loop3A_525 = arith.index_cast %parallel_loop3A_524 : i32 to index
        %parallel_loop3A_526 = arith.constant 16 : index
        %parallel_loop3A_527 = tpu.vector_load %arg13[%parallel_loop3A_525, %parallel_loop3A_526] {strides = array<i32>} : memref<80x128xf32, #tpu.memory_space<vmem>>, vector<16xf32>,
        %parallel_loop3A_528 = arith.mulf %parallel_loop3A_520, %parallel_loop3A_527 : vector<16xf32>
        %parallel_loop3A_529 = tpu.pack_subelements %parallel_loop3A_513, %parallel_loop3A_528 {pack_format = #tpu.pack_format<interleaved>, positions = array<i32: 0, 1>} : vector<16xf32>, vector<16xf32> -> vector<32xbf16>
        %parallel_loop3A_530 = vector.bitcast %parallel_loop3A_529 : vector<32xbf16> to vector<16xf32>
        %parallel_loop3A_531 = arith.index_cast %parallel_loop3A_471 : i32 to index
        %parallel_loop3A_532 = arith.constant 16 : index
        %parallel_loop3A_533 = tpu.vector_load %arg16[%parallel_loop3A_531, %parallel_loop3A_532] {strides = array<i32>} : memref<40x128xf32, #tpu.memory_space<vmem>>, vector<16xf32>,
        tpu.vector_store %arg16[%parallel_loop3A_531, %parallel_loop3A_532], %parallel_loop3A_530 {strides = array<i32>} : memref<40x128xf32, #tpu.memory_space<vmem>>, vector<16xf32>,
        %parallel_loop3A_534 = arith.constant 2 : i32
        %parallel_loop3A_535 = arith.muli %parallel_loop3A_534, %parallel_loop3A_471 : i32
        %parallel_loop3A_536 = arith.index_cast %parallel_loop3A_535 : i32 to index
        %parallel_loop3A_537 = arith.constant 32 : index
        %parallel_loop3A_538 = tpu.vector_load %arg10[%parallel_loop3A_536, %parallel_loop3A_537] {strides = array<i32>} : memref<80x128xf32, #tpu.memory_space<vmem>>, vector<16xf32>,
        %parallel_loop3A_539 = arith.constant 2 : i32
        %parallel_loop3A_540 = arith.muli %parallel_loop3A_539, %parallel_loop3A_471 : i32
        %parallel_loop3A_541 = arith.index_cast %parallel_loop3A_540 : i32 to index
        %parallel_loop3A_542 = arith.constant 32 : index
        %parallel_loop3A_543 = tpu.vector_load %arg13[%parallel_loop3A_541, %parallel_loop3A_542] {strides = array<i32>} : memref<80x128xf32, #tpu.memory_space<vmem>>, vector<16xf32>,
        %parallel_loop3A_544 = arith.mulf %parallel_loop3A_538, %parallel_loop3A_543 : vector<16xf32>
        %parallel_loop3A_545 = arith.constant 2 : i32
        %parallel_loop3A_546 = arith.muli %parallel_loop3A_545, %parallel_loop3A_471 : i32
        %parallel_loop3A_547 = arith.constant 1 : i32
        %parallel_loop3A_548 = arith.addi %parallel_loop3A_546, %parallel_loop3A_547 : i32
        %parallel_loop3A_549 = arith.index_cast %parallel_loop3A_548 : i32 to index
        %parallel_loop3A_550 = arith.constant 32 : index
        %parallel_loop3A_551 = tpu.vector_load %arg10[%parallel_loop3A_549, %parallel_loop3A_550] {strides = array<i32>} : memref<80x128xf32, #tpu.memory_space<vmem>>, vector<16xf32>,
        %parallel_loop3A_552 = arith.constant 2 : i32
        %parallel_loop3A_553 = arith.muli %parallel_loop3A_552, %parallel_loop3A_471 : i32
        %parallel_loop3A_554 = arith.constant 1 : i32
        %parallel_loop3A_555 = arith.addi %parallel_loop3A_553, %parallel_loop3A_554 : i32
        %parallel_loop3A_556 = arith.index_cast %parallel_loop3A_555 : i32 to index
        %parallel_loop3A_557 = arith.constant 32 : index
        %parallel_loop3A_558 = tpu.vector_load %arg13[%parallel_loop3A_556, %parallel_loop3A_557] {strides = array<i32>} : memref<80x128xf32, #tpu.memory_space<vmem>>, vector<16xf32>,
        %parallel_loop3A_559 = arith.mulf %parallel_loop3A_551, %parallel_loop3A_558 : vector<16xf32>
        %parallel_loop3A_560 = tpu.pack_subelements %parallel_loop3A_544, %parallel_loop3A_559 {pack_format = #tpu.pack_format<interleaved>, positions = array<i32: 0, 1>} : vector<16xf32>, vector<16xf32> -> vector<32xbf16>
        %parallel_loop3A_561 = vector.bitcast %parallel_loop3A_560 : vector<32xbf16> to vector<16xf32>
        %parallel_loop3A_562 = arith.index_cast %parallel_loop3A_471 : i32 to index
        %parallel_loop3A_563 = arith.constant 32 : index
        %parallel_loop3A_564 = tpu.vector_load %arg16[%parallel_loop3A_562, %parallel_loop3A_563] {strides = array<i32>} : memref<40x128xf32, #tpu.memory_space<vmem>>, vector<16xf32>,
        tpu.vector_store %arg16[%parallel_loop3A_562, %parallel_loop3A_563], %parallel_loop3A_561 {strides = array<i32>} : memref<40x128xf32, #tpu.memory_space<vmem>>, vector<16xf32>,
        %parallel_loop3A_565 = arith.constant 2 : i32
        %parallel_loop3A_566 = arith.muli %parallel_loop3A_565, %parallel_loop3A_471 : i32
        %parallel_loop3A_567 = arith.index_cast %parallel_loop3A_566 : i32 to index
        %parallel_loop3A_568 = arith.constant 48 : index
        %parallel_loop3A_569 = tpu.vector_load %arg10[%parallel_loop3A_567, %parallel_loop3A_568] {strides = array<i32>} : memref<80x128xf32, #tpu.memory_space<vmem>>, vector<16xf32>,
        %parallel_loop3A_570 = arith.constant 2 : i32
        %parallel_loop3A_571 = arith.muli %parallel_loop3A_570, %parallel_loop3A_471 : i32
        %parallel_loop3A_572 = arith.index_cast %parallel_loop3A_571 : i32 to index
        %parallel_loop3A_573 = arith.constant 48 : index
        %parallel_loop3A_574 = tpu.vector_load %arg13[%parallel_loop3A_572, %parallel_loop3A_573] {strides = array<i32>} : memref<80x128xf32, #tpu.memory_space<vmem>>, vector<16xf32>,
        %parallel_loop3A_575 = arith.mulf %parallel_loop3A_569, %parallel_loop3A_574 : vector<16xf32>
        %parallel_loop3A_576 = arith.constant 2 : i32
        %parallel_loop3A_577 = arith.muli %parallel_loop3A_576, %parallel_loop3A_471 : i32
        %parallel_loop3A_578 = arith.constant 1 : i32
        %parallel_loop3A_579 = arith.addi %parallel_loop3A_577, %parallel_loop3A_578 : i32
        %parallel_loop3A_580 = arith.index_cast %parallel_loop3A_579 : i32 to index
        %parallel_loop3A_581 = arith.constant 48 : index
        %parallel_loop3A_582 = tpu.vector_load %arg10[%parallel_loop3A_580, %parallel_loop3A_581] {strides = array<i32>} : memref<80x128xf32, #tpu.memory_space<vmem>>, vector<16xf32>,
        %parallel_loop3A_583 = arith.constant 2 : i32
        %parallel_loop3A_584 = arith.muli %parallel_loop3A_583, %parallel_loop3A_471 : i32
        %parallel_loop3A_585 = arith.constant 1 : i32
        %parallel_loop3A_586 = arith.addi %parallel_loop3A_584, %parallel_loop3A_585 : i32
        %parallel_loop3A_587 = arith.index_cast %parallel_loop3A_586 : i32 to index
        %parallel_loop3A_588 = arith.constant 48 : index
        %parallel_loop3A_589 = tpu.vector_load %arg13[%parallel_loop3A_587, %parallel_loop3A_588] {strides = array<i32>} : memref<80x128xf32, #tpu.memory_space<vmem>>, vector<16xf32>,
        %parallel_loop3A_590 = arith.mulf %parallel_loop3A_582, %parallel_loop3A_589 : vector<16xf32>
        %parallel_loop3A_591 = tpu.pack_subelements %parallel_loop3A_575, %parallel_loop3A_590 {pack_format = #tpu.pack_format<interleaved>, positions = array<i32: 0, 1>} : vector<16xf32>, vector<16xf32> -> vector<32xbf16>
        %parallel_loop3A_592 = vector.bitcast %parallel_loop3A_591 : vector<32xbf16> to vector<16xf32>
        %parallel_loop3A_593 = arith.index_cast %parallel_loop3A_471 : i32 to index
        %parallel_loop3A_594 = arith.constant 48 : index
        %parallel_loop3A_595 = tpu.vector_load %arg16[%parallel_loop3A_593, %parallel_loop3A_594] {strides = array<i32>} : memref<40x128xf32, #tpu.memory_space<vmem>>, vector<16xf32>,
        tpu.vector_store %arg16[%parallel_loop3A_593, %parallel_loop3A_594], %parallel_loop3A_592 {strides = array<i32>} : memref<40x128xf32, #tpu.memory_space<vmem>>, vector<16xf32>,
        %parallel_loop3A_596 = arith.constant 2 : i32
        %parallel_loop3A_597 = arith.muli %parallel_loop3A_596, %parallel_loop3A_471 : i32
        %parallel_loop3A_598 = arith.index_cast %parallel_loop3A_597 : i32 to index
        %parallel_loop3A_599 = arith.constant 64 : index
        %parallel_loop3A_600 = tpu.vector_load %arg10[%parallel_loop3A_598, %parallel_loop3A_599] {strides = array<i32>} : memref<80x128xf32, #tpu.memory_space<vmem>>, vector<16xf32>,
        %parallel_loop3A_601 = arith.constant 2 : i32
        %parallel_loop3A_602 = arith.muli %parallel_loop3A_601, %parallel_loop3A_471 : i32
        %parallel_loop3A_603 = arith.index_cast %parallel_loop3A_602 : i32 to index
        %parallel_loop3A_604 = arith.constant 64 : index
        %parallel_loop3A_605 = tpu.vector_load %arg13[%parallel_loop3A_603, %parallel_loop3A_604] {strides = array<i32>} : memref<80x128xf32, #tpu.memory_space<vmem>>, vector<16xf32>,
        %parallel_loop3A_606 = arith.mulf %parallel_loop3A_600, %parallel_loop3A_605 : vector<16xf32>
        %parallel_loop3A_607 = arith.constant 2 : i32
        %parallel_loop3A_608 = arith.muli %parallel_loop3A_607, %parallel_loop3A_471 : i32
        %parallel_loop3A_609 = arith.constant 1 : i32
        %parallel_loop3A_610 = arith.addi %parallel_loop3A_608, %parallel_loop3A_609 : i32
        %parallel_loop3A_611 = arith.index_cast %parallel_loop3A_610 : i32 to index
        %parallel_loop3A_612 = arith.constant 64 : index
        %parallel_loop3A_613 = tpu.vector_load %arg10[%parallel_loop3A_611, %parallel_loop3A_612] {strides = array<i32>} : memref<80x128xf32, #tpu.memory_space<vmem>>, vector<16xf32>,
        %parallel_loop3A_614 = arith.constant 2 : i32
        %parallel_loop3A_615 = arith.muli %parallel_loop3A_614, %parallel_loop3A_471 : i32
        %parallel_loop3A_616 = arith.constant 1 : i32
        %parallel_loop3A_617 = arith.addi %parallel_loop3A_615, %parallel_loop3A_616 : i32
        %parallel_loop3A_618 = arith.index_cast %parallel_loop3A_617 : i32 to index
        %parallel_loop3A_619 = arith.constant 64 : index
        %parallel_loop3A_620 = tpu.vector_load %arg13[%parallel_loop3A_618, %parallel_loop3A_619] {strides = array<i32>} : memref<80x128xf32, #tpu.memory_space<vmem>>, vector<16xf32>,
        %parallel_loop3A_621 = arith.mulf %parallel_loop3A_613, %parallel_loop3A_620 : vector<16xf32>
        %parallel_loop3A_622 = tpu.pack_subelements %parallel_loop3A_606, %parallel_loop3A_621 {pack_format = #tpu.pack_format<interleaved>, positions = array<i32: 0, 1>} : vector<16xf32>, vector<16xf32> -> vector<32xbf16>
        %parallel_loop3A_623 = vector.bitcast %parallel_loop3A_622 : vector<32xbf16> to vector<16xf32>
        %parallel_loop3A_624 = arith.index_cast %parallel_loop3A_471 : i32 to index
        %parallel_loop3A_625 = arith.constant 64 : index
        %parallel_loop3A_626 = tpu.vector_load %arg16[%parallel_loop3A_624, %parallel_loop3A_625] {strides = array<i32>} : memref<40x128xf32, #tpu.memory_space<vmem>>, vector<16xf32>,
        tpu.vector_store %arg16[%parallel_loop3A_624, %parallel_loop3A_625], %parallel_loop3A_623 {strides = array<i32>} : memref<40x128xf32, #tpu.memory_space<vmem>>, vector<16xf32>,
        %parallel_loop3A_627 = arith.constant 2 : i32
        %parallel_loop3A_628 = arith.muli %parallel_loop3A_627, %parallel_loop3A_471 : i32
        %parallel_loop3A_629 = arith.index_cast %parallel_loop3A_628 : i32 to index
        %parallel_loop3A_630 = arith.constant 80 : index
        %parallel_loop3A_631 = tpu.vector_load %arg10[%parallel_loop3A_629, %parallel_loop3A_630] {strides = array<i32>} : memref<80x128xf32, #tpu.memory_space<vmem>>, vector<16xf32>,
        %parallel_loop3A_632 = arith.constant 2 : i32
        %parallel_loop3A_633 = arith.muli %parallel_loop3A_632, %parallel_loop3A_471 : i32
        %parallel_loop3A_634 = arith.index_cast %parallel_loop3A_633 : i32 to index
        %parallel_loop3A_635 = arith.constant 80 : index
        %parallel_loop3A_636 = tpu.vector_load %arg13[%parallel_loop3A_634, %parallel_loop3A_635] {strides = array<i32>} : memref<80x128xf32, #tpu.memory_space<vmem>>, vector<16xf32>,
        %parallel_loop3A_637 = arith.mulf %parallel_loop3A_631, %parallel_loop3A_636 : vector<16xf32>
        %parallel_loop3A_638 = arith.constant 2 : i32
        %parallel_loop3A_639 = arith.muli %parallel_loop3A_638, %parallel_loop3A_471 : i32
        %parallel_loop3A_640 = arith.constant 1 : i32
        %parallel_loop3A_641 = arith.addi %parallel_loop3A_639, %parallel_loop3A_640 : i32
        %parallel_loop3A_642 = arith.index_cast %parallel_loop3A_641 : i32 to index
        %parallel_loop3A_643 = arith.constant 80 : index
        %parallel_loop3A_644 = tpu.vector_load %arg10[%parallel_loop3A_642, %parallel_loop3A_643] {strides = array<i32>} : memref<80x128xf32, #tpu.memory_space<vmem>>, vector<16xf32>,
        %parallel_loop3A_645 = arith.constant 2 : i32
        %parallel_loop3A_646 = arith.muli %parallel_loop3A_645, %parallel_loop3A_471 : i32
        %parallel_loop3A_647 = arith.constant 1 : i32
        %parallel_loop3A_648 = arith.addi %parallel_loop3A_646, %parallel_loop3A_647 : i32
        %parallel_loop3A_649 = arith.index_cast %parallel_loop3A_648 : i32 to index
        %parallel_loop3A_650 = arith.constant 80 : index
        %parallel_loop3A_651 = tpu.vector_load %arg13[%parallel_loop3A_649, %parallel_loop3A_650] {strides = array<i32>} : memref<80x128xf32, #tpu.memory_space<vmem>>, vector<16xf32>,
        %parallel_loop3A_652 = arith.mulf %parallel_loop3A_644, %parallel_loop3A_651 : vector<16xf32>
        %parallel_loop3A_653 = tpu.pack_subelements %parallel_loop3A_637, %parallel_loop3A_652 {pack_format = #tpu.pack_format<interleaved>, positions = array<i32: 0, 1>} : vector<16xf32>, vector<16xf32> -> vector<32xbf16>
        %parallel_loop3A_654 = vector.bitcast %parallel_loop3A_653 : vector<32xbf16> to vector<16xf32>
        %parallel_loop3A_655 = arith.index_cast %parallel_loop3A_471 : i32 to index
        %parallel_loop3A_656 = arith.constant 80 : index
        %parallel_loop3A_657 = tpu.vector_load %arg16[%parallel_loop3A_655, %parallel_loop3A_656] {strides = array<i32>} : memref<40x128xf32, #tpu.memory_space<vmem>>, vector<16xf32>,
        tpu.vector_store %arg16[%parallel_loop3A_655, %parallel_loop3A_656], %parallel_loop3A_654 {strides = array<i32>} : memref<40x128xf32, #tpu.memory_space<vmem>>, vector<16xf32>,
        %parallel_loop3A_658 = arith.constant 2 : i32
        %parallel_loop3A_659 = arith.muli %parallel_loop3A_658, %parallel_loop3A_471 : i32
        %parallel_loop3A_660 = arith.index_cast %parallel_loop3A_659 : i32 to index
        %parallel_loop3A_661 = arith.constant 96 : index
        %parallel_loop3A_662 = tpu.vector_load %arg10[%parallel_loop3A_660, %parallel_loop3A_661] {strides = array<i32>} : memref<80x128xf32, #tpu.memory_space<vmem>>, vector<16xf32>,
        %parallel_loop3A_663 = arith.constant 2 : i32
        %parallel_loop3A_664 = arith.muli %parallel_loop3A_663, %parallel_loop3A_471 : i32
        %parallel_loop3A_665 = arith.index_cast %parallel_loop3A_664 : i32 to index
        %parallel_loop3A_666 = arith.constant 96 : index
        %parallel_loop3A_667 = tpu.vector_load %arg13[%parallel_loop3A_665, %parallel_loop3A_666] {strides = array<i32>} : memref<80x128xf32, #tpu.memory_space<vmem>>, vector<16xf32>,
        %parallel_loop3A_668 = arith.mulf %parallel_loop3A_662, %parallel_loop3A_667 : vector<16xf32>
        %parallel_loop3A_669 = arith.constant 2 : i32
        %parallel_loop3A_670 = arith.muli %parallel_loop3A_669, %parallel_loop3A_471 : i32
        %parallel_loop3A_671 = arith.constant 1 : i32
        %parallel_loop3A_672 = arith.addi %parallel_loop3A_670, %parallel_loop3A_671 : i32
        %parallel_loop3A_673 = arith.index_cast %parallel_loop3A_672 : i32 to index
        %parallel_loop3A_674 = arith.constant 96 : index
        %parallel_loop3A_675 = tpu.vector_load %arg10[%parallel_loop3A_673, %parallel_loop3A_674] {strides = array<i32>} : memref<80x128xf32, #tpu.memory_space<vmem>>, vector<16xf32>,
        %parallel_loop3A_676 = arith.constant 2 : i32
        %parallel_loop3A_677 = arith.muli %parallel_loop3A_676, %parallel_loop3A_471 : i32
        %parallel_loop3A_678 = arith.constant 1 : i32
        %parallel_loop3A_679 = arith.addi %parallel_loop3A_677, %parallel_loop3A_678 : i32
        %parallel_loop3A_680 = arith.index_cast %parallel_loop3A_679 : i32 to index
        %parallel_loop3A_681 = arith.constant 96 : index
        %parallel_loop3A_682 = tpu.vector_load %arg13[%parallel_loop3A_680, %parallel_loop3A_681] {strides = array<i32>} : memref<80x128xf32, #tpu.memory_space<vmem>>, vector<16xf32>,
        %parallel_loop3A_683 = arith.mulf %parallel_loop3A_675, %parallel_loop3A_682 : vector<16xf32>
        %parallel_loop3A_684 = tpu.pack_subelements %parallel_loop3A_668, %parallel_loop3A_683 {pack_format = #tpu.pack_format<interleaved>, positions = array<i32: 0, 1>} : vector<16xf32>, vector<16xf32> -> vector<32xbf16>
        %parallel_loop3A_685 = vector.bitcast %parallel_loop3A_684 : vector<32xbf16> to vector<16xf32>
        %parallel_loop3A_686 = arith.index_cast %parallel_loop3A_471 : i32 to index
        %parallel_loop3A_687 = arith.constant 96 : index
        %parallel_loop3A_688 = tpu.vector_load %arg16[%parallel_loop3A_686, %parallel_loop3A_687] {strides = array<i32>} : memref<40x128xf32, #tpu.memory_space<vmem>>, vector<16xf32>,
        tpu.vector_store %arg16[%parallel_loop3A_686, %parallel_loop3A_687], %parallel_loop3A_685 {strides = array<i32>} : memref<40x128xf32, #tpu.memory_space<vmem>>, vector<16xf32>,
        %parallel_loop3A_689 = arith.constant 2 : i32
        %parallel_loop3A_690 = arith.muli %parallel_loop3A_689, %parallel_loop3A_471 : i32
        %parallel_loop3A_691 = arith.index_cast %parallel_loop3A_690 : i32 to index
        %parallel_loop3A_692 = arith.constant 112 : index
        %parallel_loop3A_693 = tpu.vector_load %arg10[%parallel_loop3A_691, %parallel_loop3A_692] {strides = array<i32>} : memref<80x128xf32, #tpu.memory_space<vmem>>, vector<16xf32>,
        %parallel_loop3A_694 = arith.constant 2 : i32
        %parallel_loop3A_695 = arith.muli %parallel_loop3A_694, %parallel_loop3A_471 : i32
        %parallel_loop3A_696 = arith.index_cast %parallel_loop3A_695 : i32 to index
        %parallel_loop3A_697 = arith.constant 112 : index
        %parallel_loop3A_698 = tpu.vector_load %arg13[%parallel_loop3A_696, %parallel_loop3A_697] {strides = array<i32>} : memref<80x128xf32, #tpu.memory_space<vmem>>, vector<16xf32>,
        %parallel_loop3A_699 = arith.mulf %parallel_loop3A_693, %parallel_loop3A_698 : vector<16xf32>
        %parallel_loop3A_700 = arith.constant 2 : i32
        %parallel_loop3A_701 = arith.muli %parallel_loop3A_700, %parallel_loop3A_471 : i32
        %parallel_loop3A_702 = arith.constant 1 : i32
        %parallel_loop3A_703 = arith.addi %parallel_loop3A_701, %parallel_loop3A_702 : i32
        %parallel_loop3A_704 = arith.index_cast %parallel_loop3A_703 : i32 to index
        %parallel_loop3A_705 = arith.constant 112 : index
        %parallel_loop3A_706 = tpu.vector_load %arg10[%parallel_loop3A_704, %parallel_loop3A_705] {strides = array<i32>} : memref<80x128xf32, #tpu.memory_space<vmem>>, vector<16xf32>,
        %parallel_loop3A_707 = arith.constant 2 : i32
        %parallel_loop3A_708 = arith.muli %parallel_loop3A_707, %parallel_loop3A_471 : i32
        %parallel_loop3A_709 = arith.constant 1 : i32
        %parallel_loop3A_710 = arith.addi %parallel_loop3A_708, %parallel_loop3A_709 : i32
        %parallel_loop3A_711 = arith.index_cast %parallel_loop3A_710 : i32 to index
        %parallel_loop3A_712 = arith.constant 112 : index
        %parallel_loop3A_713 = tpu.vector_load %arg13[%parallel_loop3A_711, %parallel_loop3A_712] {strides = array<i32>} : memref<80x128xf32, #tpu.memory_space<vmem>>, vector<16xf32>,
        %parallel_loop3A_714 = arith.mulf %parallel_loop3A_706, %parallel_loop3A_713 : vector<16xf32>
        %parallel_loop3A_715 = tpu.pack_subelements %parallel_loop3A_699, %parallel_loop3A_714 {pack_format = #tpu.pack_format<interleaved>, positions = array<i32: 0, 1>} : vector<16xf32>, vector<16xf32> -> vector<32xbf16>
        %parallel_loop3A_716 = vector.bitcast %parallel_loop3A_715 : vector<32xbf16> to vector<16xf32>
        %parallel_loop3A_717 = arith.index_cast %parallel_loop3A_471 : i32 to index
        %parallel_loop3A_718 = arith.constant 112 : index
        %parallel_loop3A_719 = tpu.vector_load %arg16[%parallel_loop3A_717, %parallel_loop3A_718] {strides = array<i32>} : memref<40x128xf32, #tpu.memory_space<vmem>>, vector<16xf32>,
        tpu.vector_store %arg16[%parallel_loop3A_717, %parallel_loop3A_718], %parallel_loop3A_716 {strides = array<i32>} : memref<40x128xf32, #tpu.memory_space<vmem>>, vector<16xf32>,
      } {sc.loop_unroll_factor = 2 : i64, sc.parallel_access}
      %mul3A_432 = arith.constant 80 : i32
      %mul3A_433 = arith.muli %add3A_411, %mul3A_432 : i32
      %add3A_434 = arith.addi %mul3A_2, %mul3A_433 : i32
      %jit3A_435 = arith.constant 2 : i32
      %div3A_436 = arith.divsi %add3A_434, %jit3A_435 : i32
      %sign3A_437 = arith.constant 0 : i32
      %sign3A_438 = arith.cmpi sgt, %add3A_434, %sign3A_437 : i32
      %sign3A_439 = arith.extui %sign3A_438 : i1 to i32
      %sign3A_440 = arith.constant 0 : i32
      %sign3A_441 = arith.cmpi slt, %add3A_434, %sign3A_440 : i32
      %sign3A_442 = arith.extui %sign3A_441 : i1 to i32
      %sign3A_443 = arith.subi %sign3A_439, %sign3A_442 : i32
      %sign3A_444 = arith.constant 0 : i32
      %sign3A_445 = arith.cmpi sgt, %jit3A_435, %sign3A_444 : i32
      %sign3A_446 = arith.extui %sign3A_445 : i1 to i32
      %sign3A_447 = arith.constant 0 : i32
      %sign3A_448 = arith.cmpi slt, %jit3A_435, %sign3A_447 : i32
      %sign3A_449 = arith.extui %sign3A_448 : i1 to i32
      %sign3A_450 = arith.subi %sign3A_446, %sign3A_449 : i32
      %ne3A_451 = arith.cmpi ne, %sign3A_443, %sign3A_450 : i32
      %rem3A_452 = arith.remsi %add3A_434, %jit3A_435 : i32
      %ne3A_453 = arith.constant 0 : i32
      %ne3A_454 = arith.cmpi ne, %rem3A_452, %ne3A_453 : i32
      %and3A_455 = arith.andi %ne3A_451, %ne3A_454 : i1
      %sub3A_456 = arith.constant 1 : i32
      %sub3A_457 = arith.subi %div3A_436, %sub3A_456 : i32
      %select_n3A_458 = arith.select %and3A_455, %sub3A_457, %div3A_436 : i32
      %multiple_of3A_459 = tpu.assume_multiple %select_n3A_458, 8 : i32
      %dma_start3A_460 = arith.constant 0 : i32
      %dma_start3A_461 = tpu.memref_slice %arg5[%multiple_of3A_459, %dma_start3A_460] : memref<160000x128xf32, #tpu.memory_space<hbm>> -> memref<40x128xf32, #tpu.memory_space<hbm>>
      %dma_start3A_462 = arith.constant 0 : i32
      %dma_start3A_463 = tpu.memref_slice %arg5[%multiple_of3A_459, %dma_start3A_462] : memref<160000x128xf32, #tpu.memory_space<hbm>> -> memref<40x128xf32, #tpu.memory_space<hbm>>
      tpu.enqueue_dma source(%arg16 : memref<40x128xf32, #tpu.memory_space<vmem>>) target(%dma_start3A_463 : memref<40x128xf32, #tpu.memory_space<hbm>>) target_semaphore(%arg25 : memref<!tpu.dma_semaphore, #tpu.memory_space<semaphore_mem>>)
      %add3A_464 = arith.constant 3 : i32
      %add3A_465 = arith.addi %add3A_411, %add3A_464 : i32
      %lt3A_466 = arith.constant 125 : i32
      %lt3A_467 = arith.cmpi slt, %add3A_465, %lt3A_466 : i32
      %convert_element_type3A_468 = arith.extui %lt3A_467 : i1 to i32
      %cond3A_469 = arith.constant 0 : i32
      %cond3A_470 = arith.cmpi ne, %convert_element_type3A_468, %cond3A_469 : i32
      scf.if %cond3A_470 {
        %add3A_471 = arith.constant 3 : i32
        %add3A_472 = arith.addi %add3A_411, %add3A_471 : i32
        %dma_start3A_473 = arith.constant 0 : i32
        %dma_start3A_474 = tpu.memref_slice %arg6[%add3A_472, %dma_start3A_473] : memref<125x80xi32, #tpu.memory_space<vmem>> -> memref<1x80xi32, #tpu.memory_space<vmem>>
        %dma_start3A_475 = tpu.memref_squeeze %dma_start3A_474 : memref<1x80xi32, #tpu.memory_space<vmem>> -> memref<80xi32, #tpu.memory_space<vmem>>
        %dma_start3A_476 = arith.constant 0 : i32
        %dma_start3A_477 = arith.constant 0 : i32
        %dma_start3A_478 = tpu.memref_slice %arg2[%dma_start3A_476, %dma_start3A_477] : memref<10000x128xf32, #tpu.memory_space<hbm>> -> memref<10000x128xf32, #tpu.memory_space<hbm>>
        tpu.enqueue_indirect_dma source(%dma_start3A_478 : memref<10000x128xf32, #tpu.memory_space<hbm>>) target(%arg10 : memref<80x128xf32, #tpu.memory_space<vmem>>) offsets(%dma_start3A_475 : memref<80xi32, #tpu.memory_space<vmem>>) semaphore(%arg19 : memref<!tpu.dma_semaphore, #tpu.memory_space<semaphore_mem>>)
        %dma_start3A_479 = arith.constant 0 : i32
        %dma_start3A_480 = tpu.memref_slice %arg7[%add3A_472, %dma_start3A_479] : memref<125x80xi32, #tpu.memory_space<vmem>> -> memref<1x80xi32, #tpu.memory_space<vmem>>
        %dma_start3A_481 = tpu.memref_squeeze %dma_start3A_480 : memref<1x80xi32, #tpu.memory_space<vmem>> -> memref<80xi32, #tpu.memory_space<vmem>>
        %dma_start3A_482 = arith.constant 0 : i32
        %dma_start3A_483 = arith.constant 0 : i32
        %dma_start3A_484 = tpu.memref_slice %arg2[%dma_start3A_482, %dma_start3A_483] : memref<10000x128xf32, #tpu.memory_space<hbm>> -> memref<10000x128xf32, #tpu.memory_space<hbm>>
        tpu.enqueue_indirect_dma source(%dma_start3A_484 : memref<10000x128xf32, #tpu.memory_space<hbm>>) target(%arg13 : memref<80x128xf32, #tpu.memory_space<vmem>>) offsets(%dma_start3A_481 : memref<80xi32, #tpu.memory_space<vmem>>) semaphore(%arg22 : memref<!tpu.dma_semaphore, #tpu.memory_space<semaphore_mem>>)
      } else {
      }
    }
    %scan3A_48 = arith.constant 41 : i32
    %dma_wait3A = arith.constant 123 : i32
    %dma_wait3A_49 = arith.constant 0 : i32
    %dma_wait3A_50 = tpu.memref_slice %arg6[%dma_wait3A, %dma_wait3A_49] : memref<125x80xi32, #tpu.memory_space<vmem>> -> memref<1x80xi32, #tpu.memory_space<vmem>>
    %dma_wait3A_51 = tpu.memref_squeeze %dma_wait3A_50 : memref<1x80xi32, #tpu.memory_space<vmem>> -> memref<80xi32, #tpu.memory_space<vmem>>
    %dma_wait3A_52 = arith.constant 0 : i32
    %dma_wait3A_53 = arith.constant 0 : i32
    %dma_wait3A_54 = tpu.memref_slice %arg2[%dma_wait3A_52, %dma_wait3A_53] : memref<10000x128xf32, #tpu.memory_space<hbm>> -> memref<10000x128xf32, #tpu.memory_space<hbm>>
    tpu.wait_indirect_dma semaphore(%arg17 : memref<!tpu.dma_semaphore, #tpu.memory_space<semaphore_mem>>) src(%dma_wait3A_54 : memref<10000x128xf32, #tpu.memory_space<hbm>>) dst(%arg8 : memref<80x128xf32, #tpu.memory_space<vmem>>)
    %dma_wait3A_55 = arith.constant 123 : i32
    %dma_wait3A_56 = arith.constant 0 : i32
    %dma_wait3A_57 = tpu.memref_slice %arg7[%dma_wait3A_55, %dma_wait3A_56] : memref<125x80xi32, #tpu.memory_space<vmem>> -> memref<1x80xi32, #tpu.memory_space<vmem>>
    %dma_wait3A_58 = tpu.memref_squeeze %dma_wait3A_57 : memref<1x80xi32, #tpu.memory_space<vmem>> -> memref<80xi32, #tpu.memory_space<vmem>>
    %dma_wait3A_59 = arith.constant 0 : i32
    %dma_wait3A_60 = arith.constant 0 : i32
    %dma_wait3A_61 = tpu.memref_slice %arg2[%dma_wait3A_59, %dma_wait3A_60] : memref<10000x128xf32, #tpu.memory_space<hbm>> -> memref<10000x128xf32, #tpu.memory_space<hbm>>
    tpu.wait_indirect_dma semaphore(%arg20 : memref<!tpu.dma_semaphore, #tpu.memory_space<semaphore_mem>>) src(%dma_wait3A_61 : memref<10000x128xf32, #tpu.memory_space<hbm>>) dst(%arg11 : memref<80x128xf32, #tpu.memory_space<vmem>>)
    %add3A_62 = arith.constant 9600 : i32
    %add3A_63 = arith.addi %mul3A_2, %add3A_62 : i32
    %jit3A = arith.constant 2 : i32
    %div3A = arith.divsi %add3A_63, %jit3A : i32
    %sign3A = arith.constant 0 : i32
    %sign3A_64 = arith.cmpi sgt, %add3A_63, %sign3A : i32
    %sign3A_65 = arith.extui %sign3A_64 : i1 to i32
    %sign3A_66 = arith.constant 0 : i32
    %sign3A_67 = arith.cmpi slt, %add3A_63, %sign3A_66 : i32
    %sign3A_68 = arith.extui %sign3A_67 : i1 to i32
    %sign3A_69 = arith.subi %sign3A_65, %sign3A_68 : i32
    %sign3A_70 = arith.constant 0 : i32
    %sign3A_71 = arith.cmpi sgt, %jit3A, %sign3A_70 : i32
    %sign3A_72 = arith.extui %sign3A_71 : i1 to i32
    %sign3A_73 = arith.constant 0 : i32
    %sign3A_74 = arith.cmpi slt, %jit3A, %sign3A_73 : i32
    %sign3A_75 = arith.extui %sign3A_74 : i1 to i32
    %sign3A_76 = arith.subi %sign3A_72, %sign3A_75 : i32
    %ne3A = arith.cmpi ne, %sign3A_69, %sign3A_76 : i32
    %rem3A = arith.remsi %add3A_63, %jit3A : i32
    %ne3A_77 = arith.constant 0 : i32
    %ne3A_78 = arith.cmpi ne, %rem3A, %ne3A_77 : i32
    %and3A = arith.andi %ne3A, %ne3A_78 : i1
    %sub3A = arith.constant 1 : i32
    %sub3A_79 = arith.subi %div3A, %sub3A : i32
    %select_n3A = arith.select %and3A, %sub3A_79, %div3A : i32
    %multiple_of3A = tpu.assume_multiple %select_n3A, 8 : i32
    %dma_wait3A_80 = arith.constant 0 : i32
    %dma_wait3A_81 = tpu.memref_slice %arg5[%multiple_of3A, %dma_wait3A_80] : memref<160000x128xf32, #tpu.memory_space<hbm>> -> memref<40x128xf32, #tpu.memory_space<hbm>>
    %dma_wait3A_82 = arith.constant 0 : i32
    %dma_wait3A_83 = tpu.memref_slice %arg5[%multiple_of3A, %dma_wait3A_82] : memref<160000x128xf32, #tpu.memory_space<hbm>> -> memref<40x128xf32, #tpu.memory_space<hbm>>
    tpu.wait_dma2 semaphore(%arg23 : memref<!tpu.dma_semaphore, #tpu.memory_space<semaphore_mem>>) src(%arg14 : memref<40x128xf32, #tpu.memory_space<vmem>>) dst(%dma_wait3A_83 : memref<40x128xf32, #tpu.memory_space<hbm>>)
    %parallel_loop3A = arith.constant 0 : i32
    %parallel_loop3A_84 = arith.constant 40 : i32
    %parallel_loop3A_85 = arith.constant 1 : i32
    scf.for %parallel_loop3A_289 = %parallel_loop3A to %parallel_loop3A_84 step %parallel_loop3A_85  : i32 {
      %parallel_loop3A_290 = arith.constant 2 : i32
      %parallel_loop3A_291 = arith.muli %parallel_loop3A_290, %parallel_loop3A_289 : i32
      %parallel_loop3A_292 = arith.index_cast %parallel_loop3A_291 : i32 to index
      %parallel_loop3A_293 = arith.constant 0 : index
      %parallel_loop3A_294 = tpu.vector_load %arg8[%parallel_loop3A_292, %parallel_loop3A_293] {strides = array<i32>} : memref<80x128xf32, #tpu.memory_space<vmem>>, vector<16xf32>,
      %parallel_loop3A_295 = arith.constant 2 : i32
      %parallel_loop3A_296 = arith.muli %parallel_loop3A_295, %parallel_loop3A_289 : i32
      %parallel_loop3A_297 = arith.index_cast %parallel_loop3A_296 : i32 to index
      %parallel_loop3A_298 = arith.constant 0 : index
      %parallel_loop3A_299 = tpu.vector_load %arg11[%parallel_loop3A_297, %parallel_loop3A_298] {strides = array<i32>} : memref<80x128xf32, #tpu.memory_space<vmem>>, vector<16xf32>,
      %parallel_loop3A_300 = arith.mulf %parallel_loop3A_294, %parallel_loop3A_299 : vector<16xf32>
      %parallel_loop3A_301 = arith.constant 2 : i32
      %parallel_loop3A_302 = arith.muli %parallel_loop3A_301, %parallel_loop3A_289 : i32
      %parallel_loop3A_303 = arith.constant 1 : i32
      %parallel_loop3A_304 = arith.addi %parallel_loop3A_302, %parallel_loop3A_303 : i32
      %parallel_loop3A_305 = arith.index_cast %parallel_loop3A_304 : i32 to index
      %parallel_loop3A_306 = arith.constant 0 : index
      %parallel_loop3A_307 = tpu.vector_load %arg8[%parallel_loop3A_305, %parallel_loop3A_306] {strides = array<i32>} : memref<80x128xf32, #tpu.memory_space<vmem>>, vector<16xf32>,
      %parallel_loop3A_308 = arith.constant 2 : i32
      %parallel_loop3A_309 = arith.muli %parallel_loop3A_308, %parallel_loop3A_289 : i32
      %parallel_loop3A_310 = arith.constant 1 : i32
      %parallel_loop3A_311 = arith.addi %parallel_loop3A_309, %parallel_loop3A_310 : i32
      %parallel_loop3A_312 = arith.index_cast %parallel_loop3A_311 : i32 to index
      %parallel_loop3A_313 = arith.constant 0 : index
      %parallel_loop3A_314 = tpu.vector_load %arg11[%parallel_loop3A_312, %parallel_loop3A_313] {strides = array<i32>} : memref<80x128xf32, #tpu.memory_space<vmem>>, vector<16xf32>,
      %parallel_loop3A_315 = arith.mulf %parallel_loop3A_307, %parallel_loop3A_314 : vector<16xf32>
      %parallel_loop3A_316 = tpu.pack_subelements %parallel_loop3A_300, %parallel_loop3A_315 {pack_format = #tpu.pack_format<interleaved>, positions = array<i32: 0, 1>} : vector<16xf32>, vector<16xf32> -> vector<32xbf16>
      %parallel_loop3A_317 = vector.bitcast %parallel_loop3A_316 : vector<32xbf16> to vector<16xf32>
      %parallel_loop3A_318 = arith.index_cast %parallel_loop3A_289 : i32 to index
      %parallel_loop3A_319 = arith.constant 0 : index
      %parallel_loop3A_320 = tpu.vector_load %arg14[%parallel_loop3A_318, %parallel_loop3A_319] {strides = array<i32>} : memref<40x128xf32, #tpu.memory_space<vmem>>, vector<16xf32>,
      tpu.vector_store %arg14[%parallel_loop3A_318, %parallel_loop3A_319], %parallel_loop3A_317 {strides = array<i32>} : memref<40x128xf32, #tpu.memory_space<vmem>>, vector<16xf32>,
      %parallel_loop3A_321 = arith.constant 2 : i32
      %parallel_loop3A_322 = arith.muli %parallel_loop3A_321, %parallel_loop3A_289 : i32
      %parallel_loop3A_323 = arith.index_cast %parallel_loop3A_322 : i32 to index
      %parallel_loop3A_324 = arith.constant 16 : index
      %parallel_loop3A_325 = tpu.vector_load %arg8[%parallel_loop3A_323, %parallel_loop3A_324] {strides = array<i32>} : memref<80x128xf32, #tpu.memory_space<vmem>>, vector<16xf32>,
      %parallel_loop3A_326 = arith.constant 2 : i32
      %parallel_loop3A_327 = arith.muli %parallel_loop3A_326, %parallel_loop3A_289 : i32
      %parallel_loop3A_328 = arith.index_cast %parallel_loop3A_327 : i32 to index
      %parallel_loop3A_329 = arith.constant 16 : index
      %parallel_loop3A_330 = tpu.vector_load %arg11[%parallel_loop3A_328, %parallel_loop3A_329] {strides = array<i32>} : memref<80x128xf32, #tpu.memory_space<vmem>>, vector<16xf32>,
      %parallel_loop3A_331 = arith.mulf %parallel_loop3A_325, %parallel_loop3A_330 : vector<16xf32>
      %parallel_loop3A_332 = arith.constant 2 : i32
      %parallel_loop3A_333 = arith.muli %parallel_loop3A_332, %parallel_loop3A_289 : i32
      %parallel_loop3A_334 = arith.constant 1 : i32
      %parallel_loop3A_335 = arith.addi %parallel_loop3A_333, %parallel_loop3A_334 : i32
      %parallel_loop3A_336 = arith.index_cast %parallel_loop3A_335 : i32 to index
      %parallel_loop3A_337 = arith.constant 16 : index
      %parallel_loop3A_338 = tpu.vector_load %arg8[%parallel_loop3A_336, %parallel_loop3A_337] {strides = array<i32>} : memref<80x128xf32, #tpu.memory_space<vmem>>, vector<16xf32>,
      %parallel_loop3A_339 = arith.constant 2 : i32
      %parallel_loop3A_340 = arith.muli %parallel_loop3A_339, %parallel_loop3A_289 : i32
      %parallel_loop3A_341 = arith.constant 1 : i32
      %parallel_loop3A_342 = arith.addi %parallel_loop3A_340, %parallel_loop3A_341 : i32
      %parallel_loop3A_343 = arith.index_cast %parallel_loop3A_342 : i32 to index
      %parallel_loop3A_344 = arith.constant 16 : index
      %parallel_loop3A_345 = tpu.vector_load %arg11[%parallel_loop3A_343, %parallel_loop3A_344] {strides = array<i32>} : memref<80x128xf32, #tpu.memory_space<vmem>>, vector<16xf32>,
      %parallel_loop3A_346 = arith.mulf %parallel_loop3A_338, %parallel_loop3A_345 : vector<16xf32>
      %parallel_loop3A_347 = tpu.pack_subelements %parallel_loop3A_331, %parallel_loop3A_346 {pack_format = #tpu.pack_format<interleaved>, positions = array<i32: 0, 1>} : vector<16xf32>, vector<16xf32> -> vector<32xbf16>
      %parallel_loop3A_348 = vector.bitcast %parallel_loop3A_347 : vector<32xbf16> to vector<16xf32>
      %parallel_loop3A_349 = arith.index_cast %parallel_loop3A_289 : i32 to index
      %parallel_loop3A_350 = arith.constant 16 : index
      %parallel_loop3A_351 = tpu.vector_load %arg14[%parallel_loop3A_349, %parallel_loop3A_350] {strides = array<i32>} : memref<40x128xf32, #tpu.memory_space<vmem>>, vector<16xf32>,
      tpu.vector_store %arg14[%parallel_loop3A_349, %parallel_loop3A_350], %parallel_loop3A_348 {strides = array<i32>} : memref<40x128xf32, #tpu.memory_space<vmem>>, vector<16xf32>,
      %parallel_loop3A_352 = arith.constant 2 : i32
      %parallel_loop3A_353 = arith.muli %parallel_loop3A_352, %parallel_loop3A_289 : i32
      %parallel_loop3A_354 = arith.index_cast %parallel_loop3A_353 : i32 to index
      %parallel_loop3A_355 = arith.constant 32 : index
      %parallel_loop3A_356 = tpu.vector_load %arg8[%parallel_loop3A_354, %parallel_loop3A_355] {strides = array<i32>} : memref<80x128xf32, #tpu.memory_space<vmem>>, vector<16xf32>,
      %parallel_loop3A_357 = arith.constant 2 : i32
      %parallel_loop3A_358 = arith.muli %parallel_loop3A_357, %parallel_loop3A_289 : i32
      %parallel_loop3A_359 = arith.index_cast %parallel_loop3A_358 : i32 to index
      %parallel_loop3A_360 = arith.constant 32 : index
      %parallel_loop3A_361 = tpu.vector_load %arg11[%parallel_loop3A_359, %parallel_loop3A_360] {strides = array<i32>} : memref<80x128xf32, #tpu.memory_space<vmem>>, vector<16xf32>,
      %parallel_loop3A_362 = arith.mulf %parallel_loop3A_356, %parallel_loop3A_361 : vector<16xf32>
      %parallel_loop3A_363 = arith.constant 2 : i32
      %parallel_loop3A_364 = arith.muli %parallel_loop3A_363, %parallel_loop3A_289 : i32
      %parallel_loop3A_365 = arith.constant 1 : i32
      %parallel_loop3A_366 = arith.addi %parallel_loop3A_364, %parallel_loop3A_365 : i32
      %parallel_loop3A_367 = arith.index_cast %parallel_loop3A_366 : i32 to index
      %parallel_loop3A_368 = arith.constant 32 : index
      %parallel_loop3A_369 = tpu.vector_load %arg8[%parallel_loop3A_367, %parallel_loop3A_368] {strides = array<i32>} : memref<80x128xf32, #tpu.memory_space<vmem>>, vector<16xf32>,
      %parallel_loop3A_370 = arith.constant 2 : i32
      %parallel_loop3A_371 = arith.muli %parallel_loop3A_370, %parallel_loop3A_289 : i32
      %parallel_loop3A_372 = arith.constant 1 : i32
      %parallel_loop3A_373 = arith.addi %parallel_loop3A_371, %parallel_loop3A_372 : i32
      %parallel_loop3A_374 = arith.index_cast %parallel_loop3A_373 : i32 to index
      %parallel_loop3A_375 = arith.constant 32 : index
      %parallel_loop3A_376 = tpu.vector_load %arg11[%parallel_loop3A_374, %parallel_loop3A_375] {strides = array<i32>} : memref<80x128xf32, #tpu.memory_space<vmem>>, vector<16xf32>,
      %parallel_loop3A_377 = arith.mulf %parallel_loop3A_369, %parallel_loop3A_376 : vector<16xf32>
      %parallel_loop3A_378 = tpu.pack_subelements %parallel_loop3A_362, %parallel_loop3A_377 {pack_format = #tpu.pack_format<interleaved>, positions = array<i32: 0, 1>} : vector<16xf32>, vector<16xf32> -> vector<32xbf16>
      %parallel_loop3A_379 = vector.bitcast %parallel_loop3A_378 : vector<32xbf16> to vector<16xf32>
      %parallel_loop3A_380 = arith.index_cast %parallel_loop3A_289 : i32 to index
      %parallel_loop3A_381 = arith.constant 32 : index
      %parallel_loop3A_382 = tpu.vector_load %arg14[%parallel_loop3A_380, %parallel_loop3A_381] {strides = array<i32>} : memref<40x128xf32, #tpu.memory_space<vmem>>, vector<16xf32>,
      tpu.vector_store %arg14[%parallel_loop3A_380, %parallel_loop3A_381], %parallel_loop3A_379 {strides = array<i32>} : memref<40x128xf32, #tpu.memory_space<vmem>>, vector<16xf32>,
      %parallel_loop3A_383 = arith.constant 2 : i32
      %parallel_loop3A_384 = arith.muli %parallel_loop3A_383, %parallel_loop3A_289 : i32
      %parallel_loop3A_385 = arith.index_cast %parallel_loop3A_384 : i32 to index
      %parallel_loop3A_386 = arith.constant 48 : index
      %parallel_loop3A_387 = tpu.vector_load %arg8[%parallel_loop3A_385, %parallel_loop3A_386] {strides = array<i32>} : memref<80x128xf32, #tpu.memory_space<vmem>>, vector<16xf32>,
      %parallel_loop3A_388 = arith.constant 2 : i32
      %parallel_loop3A_389 = arith.muli %parallel_loop3A_388, %parallel_loop3A_289 : i32
      %parallel_loop3A_390 = arith.index_cast %parallel_loop3A_389 : i32 to index
      %parallel_loop3A_391 = arith.constant 48 : index
      %parallel_loop3A_392 = tpu.vector_load %arg11[%parallel_loop3A_390, %parallel_loop3A_391] {strides = array<i32>} : memref<80x128xf32, #tpu.memory_space<vmem>>, vector<16xf32>,
      %parallel_loop3A_393 = arith.mulf %parallel_loop3A_387, %parallel_loop3A_392 : vector<16xf32>
      %parallel_loop3A_394 = arith.constant 2 : i32
      %parallel_loop3A_395 = arith.muli %parallel_loop3A_394, %parallel_loop3A_289 : i32
      %parallel_loop3A_396 = arith.constant 1 : i32
      %parallel_loop3A_397 = arith.addi %parallel_loop3A_395, %parallel_loop3A_396 : i32
      %parallel_loop3A_398 = arith.index_cast %parallel_loop3A_397 : i32 to index
      %parallel_loop3A_399 = arith.constant 48 : index
      %parallel_loop3A_400 = tpu.vector_load %arg8[%parallel_loop3A_398, %parallel_loop3A_399] {strides = array<i32>} : memref<80x128xf32, #tpu.memory_space<vmem>>, vector<16xf32>,
      %parallel_loop3A_401 = arith.constant 2 : i32
      %parallel_loop3A_402 = arith.muli %parallel_loop3A_401, %parallel_loop3A_289 : i32
      %parallel_loop3A_403 = arith.constant 1 : i32
      %parallel_loop3A_404 = arith.addi %parallel_loop3A_402, %parallel_loop3A_403 : i32
      %parallel_loop3A_405 = arith.index_cast %parallel_loop3A_404 : i32 to index
      %parallel_loop3A_406 = arith.constant 48 : index
      %parallel_loop3A_407 = tpu.vector_load %arg11[%parallel_loop3A_405, %parallel_loop3A_406] {strides = array<i32>} : memref<80x128xf32, #tpu.memory_space<vmem>>, vector<16xf32>,
      %parallel_loop3A_408 = arith.mulf %parallel_loop3A_400, %parallel_loop3A_407 : vector<16xf32>
      %parallel_loop3A_409 = tpu.pack_subelements %parallel_loop3A_393, %parallel_loop3A_408 {pack_format = #tpu.pack_format<interleaved>, positions = array<i32: 0, 1>} : vector<16xf32>, vector<16xf32> -> vector<32xbf16>
      %parallel_loop3A_410 = vector.bitcast %parallel_loop3A_409 : vector<32xbf16> to vector<16xf32>
      %parallel_loop3A_411 = arith.index_cast %parallel_loop3A_289 : i32 to index
      %parallel_loop3A_412 = arith.constant 48 : index
      %parallel_loop3A_413 = tpu.vector_load %arg14[%parallel_loop3A_411, %parallel_loop3A_412] {strides = array<i32>} : memref<40x128xf32, #tpu.memory_space<vmem>>, vector<16xf32>,
      tpu.vector_store %arg14[%parallel_loop3A_411, %parallel_loop3A_412], %parallel_loop3A_410 {strides = array<i32>} : memref<40x128xf32, #tpu.memory_space<vmem>>, vector<16xf32>,
      %parallel_loop3A_414 = arith.constant 2 : i32
      %parallel_loop3A_415 = arith.muli %parallel_loop3A_414, %parallel_loop3A_289 : i32
      %parallel_loop3A_416 = arith.index_cast %parallel_loop3A_415 : i32 to index
      %parallel_loop3A_417 = arith.constant 64 : index
      %parallel_loop3A_418 = tpu.vector_load %arg8[%parallel_loop3A_416, %parallel_loop3A_417] {strides = array<i32>} : memref<80x128xf32, #tpu.memory_space<vmem>>, vector<16xf32>,
      %parallel_loop3A_419 = arith.constant 2 : i32
      %parallel_loop3A_420 = arith.muli %parallel_loop3A_419, %parallel_loop3A_289 : i32
      %parallel_loop3A_421 = arith.index_cast %parallel_loop3A_420 : i32 to index
      %parallel_loop3A_422 = arith.constant 64 : index
      %parallel_loop3A_423 = tpu.vector_load %arg11[%parallel_loop3A_421, %parallel_loop3A_422] {strides = array<i32>} : memref<80x128xf32, #tpu.memory_space<vmem>>, vector<16xf32>,
      %parallel_loop3A_424 = arith.mulf %parallel_loop3A_418, %parallel_loop3A_423 : vector<16xf32>
      %parallel_loop3A_425 = arith.constant 2 : i32
      %parallel_loop3A_426 = arith.muli %parallel_loop3A_425, %parallel_loop3A_289 : i32
      %parallel_loop3A_427 = arith.constant 1 : i32
      %parallel_loop3A_428 = arith.addi %parallel_loop3A_426, %parallel_loop3A_427 : i32
      %parallel_loop3A_429 = arith.index_cast %parallel_loop3A_428 : i32 to index
      %parallel_loop3A_430 = arith.constant 64 : index
      %parallel_loop3A_431 = tpu.vector_load %arg8[%parallel_loop3A_429, %parallel_loop3A_430] {strides = array<i32>} : memref<80x128xf32, #tpu.memory_space<vmem>>, vector<16xf32>,
      %parallel_loop3A_432 = arith.constant 2 : i32
      %parallel_loop3A_433 = arith.muli %parallel_loop3A_432, %parallel_loop3A_289 : i32
      %parallel_loop3A_434 = arith.constant 1 : i32
      %parallel_loop3A_435 = arith.addi %parallel_loop3A_433, %parallel_loop3A_434 : i32
      %parallel_loop3A_436 = arith.index_cast %parallel_loop3A_435 : i32 to index
      %parallel_loop3A_437 = arith.constant 64 : index
      %parallel_loop3A_438 = tpu.vector_load %arg11[%parallel_loop3A_436, %parallel_loop3A_437] {strides = array<i32>} : memref<80x128xf32, #tpu.memory_space<vmem>>, vector<16xf32>,
      %parallel_loop3A_439 = arith.mulf %parallel_loop3A_431, %parallel_loop3A_438 : vector<16xf32>
      %parallel_loop3A_440 = tpu.pack_subelements %parallel_loop3A_424, %parallel_loop3A_439 {pack_format = #tpu.pack_format<interleaved>, positions = array<i32: 0, 1>} : vector<16xf32>, vector<16xf32> -> vector<32xbf16>
      %parallel_loop3A_441 = vector.bitcast %parallel_loop3A_440 : vector<32xbf16> to vector<16xf32>
      %parallel_loop3A_442 = arith.index_cast %parallel_loop3A_289 : i32 to index
      %parallel_loop3A_443 = arith.constant 64 : index
      %parallel_loop3A_444 = tpu.vector_load %arg14[%parallel_loop3A_442, %parallel_loop3A_443] {strides = array<i32>} : memref<40x128xf32, #tpu.memory_space<vmem>>, vector<16xf32>,
      tpu.vector_store %arg14[%parallel_loop3A_442, %parallel_loop3A_443], %parallel_loop3A_441 {strides = array<i32>} : memref<40x128xf32, #tpu.memory_space<vmem>>, vector<16xf32>,
      %parallel_loop3A_445 = arith.constant 2 : i32
      %parallel_loop3A_446 = arith.muli %parallel_loop3A_445, %parallel_loop3A_289 : i32
      %parallel_loop3A_447 = arith.index_cast %parallel_loop3A_446 : i32 to index
      %parallel_loop3A_448 = arith.constant 80 : index
      %parallel_loop3A_449 = tpu.vector_load %arg8[%parallel_loop3A_447, %parallel_loop3A_448] {strides = array<i32>} : memref<80x128xf32, #tpu.memory_space<vmem>>, vector<16xf32>,
      %parallel_loop3A_450 = arith.constant 2 : i32
      %parallel_loop3A_451 = arith.muli %parallel_loop3A_450, %parallel_loop3A_289 : i32
      %parallel_loop3A_452 = arith.index_cast %parallel_loop3A_451 : i32 to index
      %parallel_loop3A_453 = arith.constant 80 : index
      %parallel_loop3A_454 = tpu.vector_load %arg11[%parallel_loop3A_452, %parallel_loop3A_453] {strides = array<i32>} : memref<80x128xf32, #tpu.memory_space<vmem>>, vector<16xf32>,
      %parallel_loop3A_455 = arith.mulf %parallel_loop3A_449, %parallel_loop3A_454 : vector<16xf32>
      %parallel_loop3A_456 = arith.constant 2 : i32
      %parallel_loop3A_457 = arith.muli %parallel_loop3A_456, %parallel_loop3A_289 : i32
      %parallel_loop3A_458 = arith.constant 1 : i32
      %parallel_loop3A_459 = arith.addi %parallel_loop3A_457, %parallel_loop3A_458 : i32
      %parallel_loop3A_460 = arith.index_cast %parallel_loop3A_459 : i32 to index
      %parallel_loop3A_461 = arith.constant 80 : index
      %parallel_loop3A_462 = tpu.vector_load %arg8[%parallel_loop3A_460, %parallel_loop3A_461] {strides = array<i32>} : memref<80x128xf32, #tpu.memory_space<vmem>>, vector<16xf32>,
      %parallel_loop3A_463 = arith.constant 2 : i32
      %parallel_loop3A_464 = arith.muli %parallel_loop3A_463, %parallel_loop3A_289 : i32
      %parallel_loop3A_465 = arith.constant 1 : i32
      %parallel_loop3A_466 = arith.addi %parallel_loop3A_464, %parallel_loop3A_465 : i32
      %parallel_loop3A_467 = arith.index_cast %parallel_loop3A_466 : i32 to index
      %parallel_loop3A_468 = arith.constant 80 : index
      %parallel_loop3A_469 = tpu.vector_load %arg11[%parallel_loop3A_467, %parallel_loop3A_468] {strides = array<i32>} : memref<80x128xf32, #tpu.memory_space<vmem>>, vector<16xf32>,
      %parallel_loop3A_470 = arith.mulf %parallel_loop3A_462, %parallel_loop3A_469 : vector<16xf32>
      %parallel_loop3A_471 = tpu.pack_subelements %parallel_loop3A_455, %parallel_loop3A_470 {pack_format = #tpu.pack_format<interleaved>, positions = array<i32: 0, 1>} : vector<16xf32>, vector<16xf32> -> vector<32xbf16>
      %parallel_loop3A_472 = vector.bitcast %parallel_loop3A_471 : vector<32xbf16> to vector<16xf32>
      %parallel_loop3A_473 = arith.index_cast %parallel_loop3A_289 : i32 to index
      %parallel_loop3A_474 = arith.constant 80 : index
      %parallel_loop3A_475 = tpu.vector_load %arg14[%parallel_loop3A_473, %parallel_loop3A_474] {strides = array<i32>} : memref<40x128xf32, #tpu.memory_space<vmem>>, vector<16xf32>,
      tpu.vector_store %arg14[%parallel_loop3A_473, %parallel_loop3A_474], %parallel_loop3A_472 {strides = array<i32>} : memref<40x128xf32, #tpu.memory_space<vmem>>, vector<16xf32>,
      %parallel_loop3A_476 = arith.constant 2 : i32
      %parallel_loop3A_477 = arith.muli %parallel_loop3A_476, %parallel_loop3A_289 : i32
      %parallel_loop3A_478 = arith.index_cast %parallel_loop3A_477 : i32 to index
      %parallel_loop3A_479 = arith.constant 96 : index
      %parallel_loop3A_480 = tpu.vector_load %arg8[%parallel_loop3A_478, %parallel_loop3A_479] {strides = array<i32>} : memref<80x128xf32, #tpu.memory_space<vmem>>, vector<16xf32>,
      %parallel_loop3A_481 = arith.constant 2 : i32
      %parallel_loop3A_482 = arith.muli %parallel_loop3A_481, %parallel_loop3A_289 : i32
      %parallel_loop3A_483 = arith.index_cast %parallel_loop3A_482 : i32 to index
      %parallel_loop3A_484 = arith.constant 96 : index
      %parallel_loop3A_485 = tpu.vector_load %arg11[%parallel_loop3A_483, %parallel_loop3A_484] {strides = array<i32>} : memref<80x128xf32, #tpu.memory_space<vmem>>, vector<16xf32>,
      %parallel_loop3A_486 = arith.mulf %parallel_loop3A_480, %parallel_loop3A_485 : vector<16xf32>
      %parallel_loop3A_487 = arith.constant 2 : i32
      %parallel_loop3A_488 = arith.muli %parallel_loop3A_487, %parallel_loop3A_289 : i32
      %parallel_loop3A_489 = arith.constant 1 : i32
      %parallel_loop3A_490 = arith.addi %parallel_loop3A_488, %parallel_loop3A_489 : i32
      %parallel_loop3A_491 = arith.index_cast %parallel_loop3A_490 : i32 to index
      %parallel_loop3A_492 = arith.constant 96 : index
      %parallel_loop3A_493 = tpu.vector_load %arg8[%parallel_loop3A_491, %parallel_loop3A_492] {strides = array<i32>} : memref<80x128xf32, #tpu.memory_space<vmem>>, vector<16xf32>,
      %parallel_loop3A_494 = arith.constant 2 : i32
      %parallel_loop3A_495 = arith.muli %parallel_loop3A_494, %parallel_loop3A_289 : i32
      %parallel_loop3A_496 = arith.constant 1 : i32
      %parallel_loop3A_497 = arith.addi %parallel_loop3A_495, %parallel_loop3A_496 : i32
      %parallel_loop3A_498 = arith.index_cast %parallel_loop3A_497 : i32 to index
      %parallel_loop3A_499 = arith.constant 96 : index
      %parallel_loop3A_500 = tpu.vector_load %arg11[%parallel_loop3A_498, %parallel_loop3A_499] {strides = array<i32>} : memref<80x128xf32, #tpu.memory_space<vmem>>, vector<16xf32>,
      %parallel_loop3A_501 = arith.mulf %parallel_loop3A_493, %parallel_loop3A_500 : vector<16xf32>
      %parallel_loop3A_502 = tpu.pack_subelements %parallel_loop3A_486, %parallel_loop3A_501 {pack_format = #tpu.pack_format<interleaved>, positions = array<i32: 0, 1>} : vector<16xf32>, vector<16xf32> -> vector<32xbf16>
      %parallel_loop3A_503 = vector.bitcast %parallel_loop3A_502 : vector<32xbf16> to vector<16xf32>
      %parallel_loop3A_504 = arith.index_cast %parallel_loop3A_289 : i32 to index
      %parallel_loop3A_505 = arith.constant 96 : index
      %parallel_loop3A_506 = tpu.vector_load %arg14[%parallel_loop3A_504, %parallel_loop3A_505] {strides = array<i32>} : memref<40x128xf32, #tpu.memory_space<vmem>>, vector<16xf32>,
      tpu.vector_store %arg14[%parallel_loop3A_504, %parallel_loop3A_505], %parallel_loop3A_503 {strides = array<i32>} : memref<40x128xf32, #tpu.memory_space<vmem>>, vector<16xf32>,
      %parallel_loop3A_507 = arith.constant 2 : i32
      %parallel_loop3A_508 = arith.muli %parallel_loop3A_507, %parallel_loop3A_289 : i32
      %parallel_loop3A_509 = arith.index_cast %parallel_loop3A_508 : i32 to index
      %parallel_loop3A_510 = arith.constant 112 : index
      %parallel_loop3A_511 = tpu.vector_load %arg8[%parallel_loop3A_509, %parallel_loop3A_510] {strides = array<i32>} : memref<80x128xf32, #tpu.memory_space<vmem>>, vector<16xf32>,
      %parallel_loop3A_512 = arith.constant 2 : i32
      %parallel_loop3A_513 = arith.muli %parallel_loop3A_512, %parallel_loop3A_289 : i32
      %parallel_loop3A_514 = arith.index_cast %parallel_loop3A_513 : i32 to index
      %parallel_loop3A_515 = arith.constant 112 : index
      %parallel_loop3A_516 = tpu.vector_load %arg11[%parallel_loop3A_514, %parallel_loop3A_515] {strides = array<i32>} : memref<80x128xf32, #tpu.memory_space<vmem>>, vector<16xf32>,
      %parallel_loop3A_517 = arith.mulf %parallel_loop3A_511, %parallel_loop3A_516 : vector<16xf32>
      %parallel_loop3A_518 = arith.constant 2 : i32
      %parallel_loop3A_519 = arith.muli %parallel_loop3A_518, %parallel_loop3A_289 : i32
      %parallel_loop3A_520 = arith.constant 1 : i32
      %parallel_loop3A_521 = arith.addi %parallel_loop3A_519, %parallel_loop3A_520 : i32
      %parallel_loop3A_522 = arith.index_cast %parallel_loop3A_521 : i32 to index
      %parallel_loop3A_523 = arith.constant 112 : index
      %parallel_loop3A_524 = tpu.vector_load %arg8[%parallel_loop3A_522, %parallel_loop3A_523] {strides = array<i32>} : memref<80x128xf32, #tpu.memory_space<vmem>>, vector<16xf32>,
      %parallel_loop3A_525 = arith.constant 2 : i32
      %parallel_loop3A_526 = arith.muli %parallel_loop3A_525, %parallel_loop3A_289 : i32
      %parallel_loop3A_527 = arith.constant 1 : i32
      %parallel_loop3A_528 = arith.addi %parallel_loop3A_526, %parallel_loop3A_527 : i32
      %parallel_loop3A_529 = arith.index_cast %parallel_loop3A_528 : i32 to index
      %parallel_loop3A_530 = arith.constant 112 : index
      %parallel_loop3A_531 = tpu.vector_load %arg11[%parallel_loop3A_529, %parallel_loop3A_530] {strides = array<i32>} : memref<80x128xf32, #tpu.memory_space<vmem>>, vector<16xf32>,
      %parallel_loop3A_532 = arith.mulf %parallel_loop3A_524, %parallel_loop3A_531 : vector<16xf32>
      %parallel_loop3A_533 = tpu.pack_subelements %parallel_loop3A_517, %parallel_loop3A_532 {pack_format = #tpu.pack_format<interleaved>, positions = array<i32: 0, 1>} : vector<16xf32>, vector<16xf32> -> vector<32xbf16>
      %parallel_loop3A_534 = vector.bitcast %parallel_loop3A_533 : vector<32xbf16> to vector<16xf32>
      %parallel_loop3A_535 = arith.index_cast %parallel_loop3A_289 : i32 to index
      %parallel_loop3A_536 = arith.constant 112 : index
      %parallel_loop3A_537 = tpu.vector_load %arg14[%parallel_loop3A_535, %parallel_loop3A_536] {strides = array<i32>} : memref<40x128xf32, #tpu.memory_space<vmem>>, vector<16xf32>,
      tpu.vector_store %arg14[%parallel_loop3A_535, %parallel_loop3A_536], %parallel_loop3A_534 {strides = array<i32>} : memref<40x128xf32, #tpu.memory_space<vmem>>, vector<16xf32>,
    } {sc.loop_unroll_factor = 2 : i64, sc.parallel_access}
    %add3A_86 = arith.constant 9840 : i32
    %add3A_87 = arith.addi %mul3A_2, %add3A_86 : i32
    %jit3A_88 = arith.constant 2 : i32
    %div3A_89 = arith.divsi %add3A_87, %jit3A_88 : i32
    %sign3A_90 = arith.constant 0 : i32
    %sign3A_91 = arith.cmpi sgt, %add3A_87, %sign3A_90 : i32
    %sign3A_92 = arith.extui %sign3A_91 : i1 to i32
    %sign3A_93 = arith.constant 0 : i32
    %sign3A_94 = arith.cmpi slt, %add3A_87, %sign3A_93 : i32
    %sign3A_95 = arith.extui %sign3A_94 : i1 to i32
    %sign3A_96 = arith.subi %sign3A_92, %sign3A_95 : i32
    %sign3A_97 = arith.constant 0 : i32
    %sign3A_98 = arith.cmpi sgt, %jit3A_88, %sign3A_97 : i32
    %sign3A_99 = arith.extui %sign3A_98 : i1 to i32
    %sign3A_100 = arith.constant 0 : i32
    %sign3A_101 = arith.cmpi slt, %jit3A_88, %sign3A_100 : i32
    %sign3A_102 = arith.extui %sign3A_101 : i1 to i32
    %sign3A_103 = arith.subi %sign3A_99, %sign3A_102 : i32
    %ne3A_104 = arith.cmpi ne, %sign3A_96, %sign3A_103 : i32
    %rem3A_105 = arith.remsi %add3A_87, %jit3A_88 : i32
    %ne3A_106 = arith.constant 0 : i32
    %ne3A_107 = arith.cmpi ne, %rem3A_105, %ne3A_106 : i32
    %and3A_108 = arith.andi %ne3A_104, %ne3A_107 : i1
    %sub3A_109 = arith.constant 1 : i32
    %sub3A_110 = arith.subi %div3A_89, %sub3A_109 : i32
    %select_n3A_111 = arith.select %and3A_108, %sub3A_110, %div3A_89 : i32
    %multiple_of3A_112 = tpu.assume_multiple %select_n3A_111, 8 : i32
    %dma_start3A_113 = arith.constant 0 : i32
    %dma_start3A_114 = tpu.memref_slice %arg5[%multiple_of3A_112, %dma_start3A_113] : memref<160000x128xf32, #tpu.memory_space<hbm>> -> memref<40x128xf32, #tpu.memory_space<hbm>>
    %dma_start3A_115 = arith.constant 0 : i32
    %dma_start3A_116 = tpu.memref_slice %arg5[%multiple_of3A_112, %dma_start3A_115] : memref<160000x128xf32, #tpu.memory_space<hbm>> -> memref<40x128xf32, #tpu.memory_space<hbm>>
    tpu.enqueue_dma source(%arg14 : memref<40x128xf32, #tpu.memory_space<vmem>>) target(%dma_start3A_116 : memref<40x128xf32, #tpu.memory_space<hbm>>) target_semaphore(%arg23 : memref<!tpu.dma_semaphore, #tpu.memory_space<semaphore_mem>>)
    %dma_wait3A_117 = arith.constant 124 : i32
    %dma_wait3A_118 = arith.constant 0 : i32
    %dma_wait3A_119 = tpu.memref_slice %arg6[%dma_wait3A_117, %dma_wait3A_118] : memref<125x80xi32, #tpu.memory_space<vmem>> -> memref<1x80xi32, #tpu.memory_space<vmem>>
    %dma_wait3A_120 = tpu.memref_squeeze %dma_wait3A_119 : memref<1x80xi32, #tpu.memory_space<vmem>> -> memref<80xi32, #tpu.memory_space<vmem>>
    %dma_wait3A_121 = arith.constant 0 : i32
    %dma_wait3A_122 = arith.constant 0 : i32
    %dma_wait3A_123 = tpu.memref_slice %arg2[%dma_wait3A_121, %dma_wait3A_122] : memref<10000x128xf32, #tpu.memory_space<hbm>> -> memref<10000x128xf32, #tpu.memory_space<hbm>>
    tpu.wait_indirect_dma semaphore(%arg18 : memref<!tpu.dma_semaphore, #tpu.memory_space<semaphore_mem>>) src(%dma_wait3A_123 : memref<10000x128xf32, #tpu.memory_space<hbm>>) dst(%arg9 : memref<80x128xf32, #tpu.memory_space<vmem>>)
    %dma_wait3A_124 = arith.constant 124 : i32
    %dma_wait3A_125 = arith.constant 0 : i32
    %dma_wait3A_126 = tpu.memref_slice %arg7[%dma_wait3A_124, %dma_wait3A_125] : memref<125x80xi32, #tpu.memory_space<vmem>> -> memref<1x80xi32, #tpu.memory_space<vmem>>
    %dma_wait3A_127 = tpu.memref_squeeze %dma_wait3A_126 : memref<1x80xi32, #tpu.memory_space<vmem>> -> memref<80xi32, #tpu.memory_space<vmem>>
    %dma_wait3A_128 = arith.constant 0 : i32
    %dma_wait3A_129 = arith.constant 0 : i32
    %dma_wait3A_130 = tpu.memref_slice %arg2[%dma_wait3A_128, %dma_wait3A_129] : memref<10000x128xf32, #tpu.memory_space<hbm>> -> memref<10000x128xf32, #tpu.memory_space<hbm>>
    tpu.wait_indirect_dma semaphore(%arg21 : memref<!tpu.dma_semaphore, #tpu.memory_space<semaphore_mem>>) src(%dma_wait3A_130 : memref<10000x128xf32, #tpu.memory_space<hbm>>) dst(%arg12 : memref<80x128xf32, #tpu.memory_space<vmem>>)
    %add3A_131 = arith.constant 9680 : i32
    %add3A_132 = arith.addi %mul3A_2, %add3A_131 : i32
    %jit3A_133 = arith.constant 2 : i32
    %div3A_134 = arith.divsi %add3A_132, %jit3A_133 : i32
    %sign3A_135 = arith.constant 0 : i32
    %sign3A_136 = arith.cmpi sgt, %add3A_132, %sign3A_135 : i32
    %sign3A_137 = arith.extui %sign3A_136 : i1 to i32
    %sign3A_138 = arith.constant 0 : i32
    %sign3A_139 = arith.cmpi slt, %add3A_132, %sign3A_138 : i32
    %sign3A_140 = arith.extui %sign3A_139 : i1 to i32
    %sign3A_141 = arith.subi %sign3A_137, %sign3A_140 : i32
    %sign3A_142 = arith.constant 0 : i32
    %sign3A_143 = arith.cmpi sgt, %jit3A_133, %sign3A_142 : i32
    %sign3A_144 = arith.extui %sign3A_143 : i1 to i32
    %sign3A_145 = arith.constant 0 : i32
    %sign3A_146 = arith.cmpi slt, %jit3A_133, %sign3A_145 : i32
    %sign3A_147 = arith.extui %sign3A_146 : i1 to i32
    %sign3A_148 = arith.subi %sign3A_144, %sign3A_147 : i32
    %ne3A_149 = arith.cmpi ne, %sign3A_141, %sign3A_148 : i32
    %rem3A_150 = arith.remsi %add3A_132, %jit3A_133 : i32
    %ne3A_151 = arith.constant 0 : i32
    %ne3A_152 = arith.cmpi ne, %rem3A_150, %ne3A_151 : i32
    %and3A_153 = arith.andi %ne3A_149, %ne3A_152 : i1
    %sub3A_154 = arith.constant 1 : i32
    %sub3A_155 = arith.subi %div3A_134, %sub3A_154 : i32
    %select_n3A_156 = arith.select %and3A_153, %sub3A_155, %div3A_134 : i32
    %multiple_of3A_157 = tpu.assume_multiple %select_n3A_156, 8 : i32
    %dma_wait3A_158 = arith.constant 0 : i32
    %dma_wait3A_159 = tpu.memref_slice %arg5[%multiple_of3A_157, %dma_wait3A_158] : memref<160000x128xf32, #tpu.memory_space<hbm>> -> memref<40x128xf32, #tpu.memory_space<hbm>>
    %dma_wait3A_160 = arith.constant 0 : i32
    %dma_wait3A_161 = tpu.memref_slice %arg5[%multiple_of3A_157, %dma_wait3A_160] : memref<160000x128xf32, #tpu.memory_space<hbm>> -> memref<40x128xf32, #tpu.memory_space<hbm>>
    tpu.wait_dma2 semaphore(%arg24 : memref<!tpu.dma_semaphore, #tpu.memory_space<semaphore_mem>>) src(%arg15 : memref<40x128xf32, #tpu.memory_space<vmem>>) dst(%dma_wait3A_161 : memref<40x128xf32, #tpu.memory_space<hbm>>)
    %parallel_loop3A_162 = arith.constant 0 : i32
    %parallel_loop3A_163 = arith.constant 40 : i32
    %parallel_loop3A_164 = arith.constant 1 : i32
    scf.for %parallel_loop3A_289 = %parallel_loop3A_162 to %parallel_loop3A_163 step %parallel_loop3A_164  : i32 {
      %parallel_loop3A_290 = arith.constant 2 : i32
      %parallel_loop3A_291 = arith.muli %parallel_loop3A_290, %parallel_loop3A_289 : i32
      %parallel_loop3A_292 = arith.index_cast %parallel_loop3A_291 : i32 to index
      %parallel_loop3A_293 = arith.constant 0 : index
      %parallel_loop3A_294 = tpu.vector_load %arg9[%parallel_loop3A_292, %parallel_loop3A_293] {strides = array<i32>} : memref<80x128xf32, #tpu.memory_space<vmem>>, vector<16xf32>,
      %parallel_loop3A_295 = arith.constant 2 : i32
      %parallel_loop3A_296 = arith.muli %parallel_loop3A_295, %parallel_loop3A_289 : i32
      %parallel_loop3A_297 = arith.index_cast %parallel_loop3A_296 : i32 to index
      %parallel_loop3A_298 = arith.constant 0 : index
      %parallel_loop3A_299 = tpu.vector_load %arg12[%parallel_loop3A_297, %parallel_loop3A_298] {strides = array<i32>} : memref<80x128xf32, #tpu.memory_space<vmem>>, vector<16xf32>,
      %parallel_loop3A_300 = arith.mulf %parallel_loop3A_294, %parallel_loop3A_299 : vector<16xf32>
      %parallel_loop3A_301 = arith.constant 2 : i32
      %parallel_loop3A_302 = arith.muli %parallel_loop3A_301, %parallel_loop3A_289 : i32
      %parallel_loop3A_303 = arith.constant 1 : i32
      %parallel_loop3A_304 = arith.addi %parallel_loop3A_302, %parallel_loop3A_303 : i32
      %parallel_loop3A_305 = arith.index_cast %parallel_loop3A_304 : i32 to index
      %parallel_loop3A_306 = arith.constant 0 : index
      %parallel_loop3A_307 = tpu.vector_load %arg9[%parallel_loop3A_305, %parallel_loop3A_306] {strides = array<i32>} : memref<80x128xf32, #tpu.memory_space<vmem>>, vector<16xf32>,
      %parallel_loop3A_308 = arith.constant 2 : i32
      %parallel_loop3A_309 = arith.muli %parallel_loop3A_308, %parallel_loop3A_289 : i32
      %parallel_loop3A_310 = arith.constant 1 : i32
      %parallel_loop3A_311 = arith.addi %parallel_loop3A_309, %parallel_loop3A_310 : i32
      %parallel_loop3A_312 = arith.index_cast %parallel_loop3A_311 : i32 to index
      %parallel_loop3A_313 = arith.constant 0 : index
      %parallel_loop3A_314 = tpu.vector_load %arg12[%parallel_loop3A_312, %parallel_loop3A_313] {strides = array<i32>} : memref<80x128xf32, #tpu.memory_space<vmem>>, vector<16xf32>,
      %parallel_loop3A_315 = arith.mulf %parallel_loop3A_307, %parallel_loop3A_314 : vector<16xf32>
      %parallel_loop3A_316 = tpu.pack_subelements %parallel_loop3A_300, %parallel_loop3A_315 {pack_format = #tpu.pack_format<interleaved>, positions = array<i32: 0, 1>} : vector<16xf32>, vector<16xf32> -> vector<32xbf16>
      %parallel_loop3A_317 = vector.bitcast %parallel_loop3A_316 : vector<32xbf16> to vector<16xf32>
      %parallel_loop3A_318 = arith.index_cast %parallel_loop3A_289 : i32 to index
      %parallel_loop3A_319 = arith.constant 0 : index
      %parallel_loop3A_320 = tpu.vector_load %arg15[%parallel_loop3A_318, %parallel_loop3A_319] {strides = array<i32>} : memref<40x128xf32, #tpu.memory_space<vmem>>, vector<16xf32>,
      tpu.vector_store %arg15[%parallel_loop3A_318, %parallel_loop3A_319], %parallel_loop3A_317 {strides = array<i32>} : memref<40x128xf32, #tpu.memory_space<vmem>>, vector<16xf32>,
      %parallel_loop3A_321 = arith.constant 2 : i32
      %parallel_loop3A_322 = arith.muli %parallel_loop3A_321, %parallel_loop3A_289 : i32
      %parallel_loop3A_323 = arith.index_cast %parallel_loop3A_322 : i32 to index
      %parallel_loop3A_324 = arith.constant 16 : index
      %parallel_loop3A_325 = tpu.vector_load %arg9[%parallel_loop3A_323, %parallel_loop3A_324] {strides = array<i32>} : memref<80x128xf32, #tpu.memory_space<vmem>>, vector<16xf32>,
      %parallel_loop3A_326 = arith.constant 2 : i32
      %parallel_loop3A_327 = arith.muli %parallel_loop3A_326, %parallel_loop3A_289 : i32
      %parallel_loop3A_328 = arith.index_cast %parallel_loop3A_327 : i32 to index
      %parallel_loop3A_329 = arith.constant 16 : index
      %parallel_loop3A_330 = tpu.vector_load %arg12[%parallel_loop3A_328, %parallel_loop3A_329] {strides = array<i32>} : memref<80x128xf32, #tpu.memory_space<vmem>>, vector<16xf32>,
      %parallel_loop3A_331 = arith.mulf %parallel_loop3A_325, %parallel_loop3A_330 : vector<16xf32>
      %parallel_loop3A_332 = arith.constant 2 : i32
      %parallel_loop3A_333 = arith.muli %parallel_loop3A_332, %parallel_loop3A_289 : i32
      %parallel_loop3A_334 = arith.constant 1 : i32
      %parallel_loop3A_335 = arith.addi %parallel_loop3A_333, %parallel_loop3A_334 : i32
      %parallel_loop3A_336 = arith.index_cast %parallel_loop3A_335 : i32 to index
      %parallel_loop3A_337 = arith.constant 16 : index
      %parallel_loop3A_338 = tpu.vector_load %arg9[%parallel_loop3A_336, %parallel_loop3A_337] {strides = array<i32>} : memref<80x128xf32, #tpu.memory_space<vmem>>, vector<16xf32>,
      %parallel_loop3A_339 = arith.constant 2 : i32
      %parallel_loop3A_340 = arith.muli %parallel_loop3A_339, %parallel_loop3A_289 : i32
      %parallel_loop3A_341 = arith.constant 1 : i32
      %parallel_loop3A_342 = arith.addi %parallel_loop3A_340, %parallel_loop3A_341 : i32
      %parallel_loop3A_343 = arith.index_cast %parallel_loop3A_342 : i32 to index
      %parallel_loop3A_344 = arith.constant 16 : index
      %parallel_loop3A_345 = tpu.vector_load %arg12[%parallel_loop3A_343, %parallel_loop3A_344] {strides = array<i32>} : memref<80x128xf32, #tpu.memory_space<vmem>>, vector<16xf32>,
      %parallel_loop3A_346 = arith.mulf %parallel_loop3A_338, %parallel_loop3A_345 : vector<16xf32>
      %parallel_loop3A_347 = tpu.pack_subelements %parallel_loop3A_331, %parallel_loop3A_346 {pack_format = #tpu.pack_format<interleaved>, positions = array<i32: 0, 1>} : vector<16xf32>, vector<16xf32> -> vector<32xbf16>
      %parallel_loop3A_348 = vector.bitcast %parallel_loop3A_347 : vector<32xbf16> to vector<16xf32>
      %parallel_loop3A_349 = arith.index_cast %parallel_loop3A_289 : i32 to index
      %parallel_loop3A_350 = arith.constant 16 : index
      %parallel_loop3A_351 = tpu.vector_load %arg15[%parallel_loop3A_349, %parallel_loop3A_350] {strides = array<i32>} : memref<40x128xf32, #tpu.memory_space<vmem>>, vector<16xf32>,
      tpu.vector_store %arg15[%parallel_loop3A_349, %parallel_loop3A_350], %parallel_loop3A_348 {strides = array<i32>} : memref<40x128xf32, #tpu.memory_space<vmem>>, vector<16xf32>,
      %parallel_loop3A_352 = arith.constant 2 : i32
      %parallel_loop3A_353 = arith.muli %parallel_loop3A_352, %parallel_loop3A_289 : i32
      %parallel_loop3A_354 = arith.index_cast %parallel_loop3A_353 : i32 to index
      %parallel_loop3A_355 = arith.constant 32 : index
      %parallel_loop3A_356 = tpu.vector_load %arg9[%parallel_loop3A_354, %parallel_loop3A_355] {strides = array<i32>} : memref<80x128xf32, #tpu.memory_space<vmem>>, vector<16xf32>,
      %parallel_loop3A_357 = arith.constant 2 : i32
      %parallel_loop3A_358 = arith.muli %parallel_loop3A_357, %parallel_loop3A_289 : i32
      %parallel_loop3A_359 = arith.index_cast %parallel_loop3A_358 : i32 to index
      %parallel_loop3A_360 = arith.constant 32 : index
      %parallel_loop3A_361 = tpu.vector_load %arg12[%parallel_loop3A_359, %parallel_loop3A_360] {strides = array<i32>} : memref<80x128xf32, #tpu.memory_space<vmem>>, vector<16xf32>,
      %parallel_loop3A_362 = arith.mulf %parallel_loop3A_356, %parallel_loop3A_361 : vector<16xf32>
      %parallel_loop3A_363 = arith.constant 2 : i32
      %parallel_loop3A_364 = arith.muli %parallel_loop3A_363, %parallel_loop3A_289 : i32
      %parallel_loop3A_365 = arith.constant 1 : i32
      %parallel_loop3A_366 = arith.addi %parallel_loop3A_364, %parallel_loop3A_365 : i32
      %parallel_loop3A_367 = arith.index_cast %parallel_loop3A_366 : i32 to index
      %parallel_loop3A_368 = arith.constant 32 : index
      %parallel_loop3A_369 = tpu.vector_load %arg9[%parallel_loop3A_367, %parallel_loop3A_368] {strides = array<i32>} : memref<80x128xf32, #tpu.memory_space<vmem>>, vector<16xf32>,
      %parallel_loop3A_370 = arith.constant 2 : i32
      %parallel_loop3A_371 = arith.muli %parallel_loop3A_370, %parallel_loop3A_289 : i32
      %parallel_loop3A_372 = arith.constant 1 : i32
      %parallel_loop3A_373 = arith.addi %parallel_loop3A_371, %parallel_loop3A_372 : i32
      %parallel_loop3A_374 = arith.index_cast %parallel_loop3A_373 : i32 to index
      %parallel_loop3A_375 = arith.constant 32 : index
      %parallel_loop3A_376 = tpu.vector_load %arg12[%parallel_loop3A_374, %parallel_loop3A_375] {strides = array<i32>} : memref<80x128xf32, #tpu.memory_space<vmem>>, vector<16xf32>,
      %parallel_loop3A_377 = arith.mulf %parallel_loop3A_369, %parallel_loop3A_376 : vector<16xf32>
      %parallel_loop3A_378 = tpu.pack_subelements %parallel_loop3A_362, %parallel_loop3A_377 {pack_format = #tpu.pack_format<interleaved>, positions = array<i32: 0, 1>} : vector<16xf32>, vector<16xf32> -> vector<32xbf16>
      %parallel_loop3A_379 = vector.bitcast %parallel_loop3A_378 : vector<32xbf16> to vector<16xf32>
      %parallel_loop3A_380 = arith.index_cast %parallel_loop3A_289 : i32 to index
      %parallel_loop3A_381 = arith.constant 32 : index
      %parallel_loop3A_382 = tpu.vector_load %arg15[%parallel_loop3A_380, %parallel_loop3A_381] {strides = array<i32>} : memref<40x128xf32, #tpu.memory_space<vmem>>, vector<16xf32>,
      tpu.vector_store %arg15[%parallel_loop3A_380, %parallel_loop3A_381], %parallel_loop3A_379 {strides = array<i32>} : memref<40x128xf32, #tpu.memory_space<vmem>>, vector<16xf32>,
      %parallel_loop3A_383 = arith.constant 2 : i32
      %parallel_loop3A_384 = arith.muli %parallel_loop3A_383, %parallel_loop3A_289 : i32
      %parallel_loop3A_385 = arith.index_cast %parallel_loop3A_384 : i32 to index
      %parallel_loop3A_386 = arith.constant 48 : index
      %parallel_loop3A_387 = tpu.vector_load %arg9[%parallel_loop3A_385, %parallel_loop3A_386] {strides = array<i32>} : memref<80x128xf32, #tpu.memory_space<vmem>>, vector<16xf32>,
      %parallel_loop3A_388 = arith.constant 2 : i32
      %parallel_loop3A_389 = arith.muli %parallel_loop3A_388, %parallel_loop3A_289 : i32
      %parallel_loop3A_390 = arith.index_cast %parallel_loop3A_389 : i32 to index
      %parallel_loop3A_391 = arith.constant 48 : index
      %parallel_loop3A_392 = tpu.vector_load %arg12[%parallel_loop3A_390, %parallel_loop3A_391] {strides = array<i32>} : memref<80x128xf32, #tpu.memory_space<vmem>>, vector<16xf32>,
      %parallel_loop3A_393 = arith.mulf %parallel_loop3A_387, %parallel_loop3A_392 : vector<16xf32>
      %parallel_loop3A_394 = arith.constant 2 : i32
      %parallel_loop3A_395 = arith.muli %parallel_loop3A_394, %parallel_loop3A_289 : i32
      %parallel_loop3A_396 = arith.constant 1 : i32
      %parallel_loop3A_397 = arith.addi %parallel_loop3A_395, %parallel_loop3A_396 : i32
      %parallel_loop3A_398 = arith.index_cast %parallel_loop3A_397 : i32 to index
      %parallel_loop3A_399 = arith.constant 48 : index
      %parallel_loop3A_400 = tpu.vector_load %arg9[%parallel_loop3A_398, %parallel_loop3A_399] {strides = array<i32>} : memref<80x128xf32, #tpu.memory_space<vmem>>, vector<16xf32>,
      %parallel_loop3A_401 = arith.constant 2 : i32
      %parallel_loop3A_402 = arith.muli %parallel_loop3A_401, %parallel_loop3A_289 : i32
      %parallel_loop3A_403 = arith.constant 1 : i32
      %parallel_loop3A_404 = arith.addi %parallel_loop3A_402, %parallel_loop3A_403 : i32
      %parallel_loop3A_405 = arith.index_cast %parallel_loop3A_404 : i32 to index
      %parallel_loop3A_406 = arith.constant 48 : index
      %parallel_loop3A_407 = tpu.vector_load %arg12[%parallel_loop3A_405, %parallel_loop3A_406] {strides = array<i32>} : memref<80x128xf32, #tpu.memory_space<vmem>>, vector<16xf32>,
      %parallel_loop3A_408 = arith.mulf %parallel_loop3A_400, %parallel_loop3A_407 : vector<16xf32>
      %parallel_loop3A_409 = tpu.pack_subelements %parallel_loop3A_393, %parallel_loop3A_408 {pack_format = #tpu.pack_format<interleaved>, positions = array<i32: 0, 1>} : vector<16xf32>, vector<16xf32> -> vector<32xbf16>
      %parallel_loop3A_410 = vector.bitcast %parallel_loop3A_409 : vector<32xbf16> to vector<16xf32>
      %parallel_loop3A_411 = arith.index_cast %parallel_loop3A_289 : i32 to index
      %parallel_loop3A_412 = arith.constant 48 : index
      %parallel_loop3A_413 = tpu.vector_load %arg15[%parallel_loop3A_411, %parallel_loop3A_412] {strides = array<i32>} : memref<40x128xf32, #tpu.memory_space<vmem>>, vector<16xf32>,
      tpu.vector_store %arg15[%parallel_loop3A_411, %parallel_loop3A_412], %parallel_loop3A_410 {strides = array<i32>} : memref<40x128xf32, #tpu.memory_space<vmem>>, vector<16xf32>,
      %parallel_loop3A_414 = arith.constant 2 : i32
      %parallel_loop3A_415 = arith.muli %parallel_loop3A_414, %parallel_loop3A_289 : i32
      %parallel_loop3A_416 = arith.index_cast %parallel_loop3A_415 : i32 to index
      %parallel_loop3A_417 = arith.constant 64 : index
      %parallel_loop3A_418 = tpu.vector_load %arg9[%parallel_loop3A_416, %parallel_loop3A_417] {strides = array<i32>} : memref<80x128xf32, #tpu.memory_space<vmem>>, vector<16xf32>,
      %parallel_loop3A_419 = arith.constant 2 : i32
      %parallel_loop3A_420 = arith.muli %parallel_loop3A_419, %parallel_loop3A_289 : i32
      %parallel_loop3A_421 = arith.index_cast %parallel_loop3A_420 : i32 to index
      %parallel_loop3A_422 = arith.constant 64 : index
      %parallel_loop3A_423 = tpu.vector_load %arg12[%parallel_loop3A_421, %parallel_loop3A_422] {strides = array<i32>} : memref<80x128xf32, #tpu.memory_space<vmem>>, vector<16xf32>,
      %parallel_loop3A_424 = arith.mulf %parallel_loop3A_418, %parallel_loop3A_423 : vector<16xf32>
      %parallel_loop3A_425 = arith.constant 2 : i32
      %parallel_loop3A_426 = arith.muli %parallel_loop3A_425, %parallel_loop3A_289 : i32
      %parallel_loop3A_427 = arith.constant 1 : i32
      %parallel_loop3A_428 = arith.addi %parallel_loop3A_426, %parallel_loop3A_427 : i32
      %parallel_loop3A_429 = arith.index_cast %parallel_loop3A_428 : i32 to index
      %parallel_loop3A_430 = arith.constant 64 : index
      %parallel_loop3A_431 = tpu.vector_load %arg9[%parallel_loop3A_429, %parallel_loop3A_430] {strides = array<i32>} : memref<80x128xf32, #tpu.memory_space<vmem>>, vector<16xf32>,
      %parallel_loop3A_432 = arith.constant 2 : i32
      %parallel_loop3A_433 = arith.muli %parallel_loop3A_432, %parallel_loop3A_289 : i32
      %parallel_loop3A_434 = arith.constant 1 : i32
      %parallel_loop3A_435 = arith.addi %parallel_loop3A_433, %parallel_loop3A_434 : i32
      %parallel_loop3A_436 = arith.index_cast %parallel_loop3A_435 : i32 to index
      %parallel_loop3A_437 = arith.constant 64 : index
      %parallel_loop3A_438 = tpu.vector_load %arg12[%parallel_loop3A_436, %parallel_loop3A_437] {strides = array<i32>} : memref<80x128xf32, #tpu.memory_space<vmem>>, vector<16xf32>,
      %parallel_loop3A_439 = arith.mulf %parallel_loop3A_431, %parallel_loop3A_438 : vector<16xf32>
      %parallel_loop3A_440 = tpu.pack_subelements %parallel_loop3A_424, %parallel_loop3A_439 {pack_format = #tpu.pack_format<interleaved>, positions = array<i32: 0, 1>} : vector<16xf32>, vector<16xf32> -> vector<32xbf16>
      %parallel_loop3A_441 = vector.bitcast %parallel_loop3A_440 : vector<32xbf16> to vector<16xf32>
      %parallel_loop3A_442 = arith.index_cast %parallel_loop3A_289 : i32 to index
      %parallel_loop3A_443 = arith.constant 64 : index
      %parallel_loop3A_444 = tpu.vector_load %arg15[%parallel_loop3A_442, %parallel_loop3A_443] {strides = array<i32>} : memref<40x128xf32, #tpu.memory_space<vmem>>, vector<16xf32>,
      tpu.vector_store %arg15[%parallel_loop3A_442, %parallel_loop3A_443], %parallel_loop3A_441 {strides = array<i32>} : memref<40x128xf32, #tpu.memory_space<vmem>>, vector<16xf32>,
      %parallel_loop3A_445 = arith.constant 2 : i32
      %parallel_loop3A_446 = arith.muli %parallel_loop3A_445, %parallel_loop3A_289 : i32
      %parallel_loop3A_447 = arith.index_cast %parallel_loop3A_446 : i32 to index
      %parallel_loop3A_448 = arith.constant 80 : index
      %parallel_loop3A_449 = tpu.vector_load %arg9[%parallel_loop3A_447, %parallel_loop3A_448] {strides = array<i32>} : memref<80x128xf32, #tpu.memory_space<vmem>>, vector<16xf32>,
      %parallel_loop3A_450 = arith.constant 2 : i32
      %parallel_loop3A_451 = arith.muli %parallel_loop3A_450, %parallel_loop3A_289 : i32
      %parallel_loop3A_452 = arith.index_cast %parallel_loop3A_451 : i32 to index
      %parallel_loop3A_453 = arith.constant 80 : index
      %parallel_loop3A_454 = tpu.vector_load %arg12[%parallel_loop3A_452, %parallel_loop3A_453] {strides = array<i32>} : memref<80x128xf32, #tpu.memory_space<vmem>>, vector<16xf32>,
      %parallel_loop3A_455 = arith.mulf %parallel_loop3A_449, %parallel_loop3A_454 : vector<16xf32>
      %parallel_loop3A_456 = arith.constant 2 : i32
      %parallel_loop3A_457 = arith.muli %parallel_loop3A_456, %parallel_loop3A_289 : i32
      %parallel_loop3A_458 = arith.constant 1 : i32
      %parallel_loop3A_459 = arith.addi %parallel_loop3A_457, %parallel_loop3A_458 : i32
      %parallel_loop3A_460 = arith.index_cast %parallel_loop3A_459 : i32 to index
      %parallel_loop3A_461 = arith.constant 80 : index
      %parallel_loop3A_462 = tpu.vector_load %arg9[%parallel_loop3A_460, %parallel_loop3A_461] {strides = array<i32>} : memref<80x128xf32, #tpu.memory_space<vmem>>, vector<16xf32>,
      %parallel_loop3A_463 = arith.constant 2 : i32
      %parallel_loop3A_464 = arith.muli %parallel_loop3A_463, %parallel_loop3A_289 : i32
      %parallel_loop3A_465 = arith.constant 1 : i32
      %parallel_loop3A_466 = arith.addi %parallel_loop3A_464, %parallel_loop3A_465 : i32
      %parallel_loop3A_467 = arith.index_cast %parallel_loop3A_466 : i32 to index
      %parallel_loop3A_468 = arith.constant 80 : index
      %parallel_loop3A_469 = tpu.vector_load %arg12[%parallel_loop3A_467, %parallel_loop3A_468] {strides = array<i32>} : memref<80x128xf32, #tpu.memory_space<vmem>>, vector<16xf32>,
      %parallel_loop3A_470 = arith.mulf %parallel_loop3A_462, %parallel_loop3A_469 : vector<16xf32>
      %parallel_loop3A_471 = tpu.pack_subelements %parallel_loop3A_455, %parallel_loop3A_470 {pack_format = #tpu.pack_format<interleaved>, positions = array<i32: 0, 1>} : vector<16xf32>, vector<16xf32> -> vector<32xbf16>
      %parallel_loop3A_472 = vector.bitcast %parallel_loop3A_471 : vector<32xbf16> to vector<16xf32>
      %parallel_loop3A_473 = arith.index_cast %parallel_loop3A_289 : i32 to index
      %parallel_loop3A_474 = arith.constant 80 : index
      %parallel_loop3A_475 = tpu.vector_load %arg15[%parallel_loop3A_473, %parallel_loop3A_474] {strides = array<i32>} : memref<40x128xf32, #tpu.memory_space<vmem>>, vector<16xf32>,
      tpu.vector_store %arg15[%parallel_loop3A_473, %parallel_loop3A_474], %parallel_loop3A_472 {strides = array<i32>} : memref<40x128xf32, #tpu.memory_space<vmem>>, vector<16xf32>,
      %parallel_loop3A_476 = arith.constant 2 : i32
      %parallel_loop3A_477 = arith.muli %parallel_loop3A_476, %parallel_loop3A_289 : i32
      %parallel_loop3A_478 = arith.index_cast %parallel_loop3A_477 : i32 to index
      %parallel_loop3A_479 = arith.constant 96 : index
      %parallel_loop3A_480 = tpu.vector_load %arg9[%parallel_loop3A_478, %parallel_loop3A_479] {strides = array<i32>} : memref<80x128xf32, #tpu.memory_space<vmem>>, vector<16xf32>,
      %parallel_loop3A_481 = arith.constant 2 : i32
      %parallel_loop3A_482 = arith.muli %parallel_loop3A_481, %parallel_loop3A_289 : i32
      %parallel_loop3A_483 = arith.index_cast %parallel_loop3A_482 : i32 to index
      %parallel_loop3A_484 = arith.constant 96 : index
      %parallel_loop3A_485 = tpu.vector_load %arg12[%parallel_loop3A_483, %parallel_loop3A_484] {strides = array<i32>} : memref<80x128xf32, #tpu.memory_space<vmem>>, vector<16xf32>,
      %parallel_loop3A_486 = arith.mulf %parallel_loop3A_480, %parallel_loop3A_485 : vector<16xf32>
      %parallel_loop3A_487 = arith.constant 2 : i32
      %parallel_loop3A_488 = arith.muli %parallel_loop3A_487, %parallel_loop3A_289 : i32
      %parallel_loop3A_489 = arith.constant 1 : i32
      %parallel_loop3A_490 = arith.addi %parallel_loop3A_488, %parallel_loop3A_489 : i32
      %parallel_loop3A_491 = arith.index_cast %parallel_loop3A_490 : i32 to index
      %parallel_loop3A_492 = arith.constant 96 : index
      %parallel_loop3A_493 = tpu.vector_load %arg9[%parallel_loop3A_491, %parallel_loop3A_492] {strides = array<i32>} : memref<80x128xf32, #tpu.memory_space<vmem>>, vector<16xf32>,
      %parallel_loop3A_494 = arith.constant 2 : i32
      %parallel_loop3A_495 = arith.muli %parallel_loop3A_494, %parallel_loop3A_289 : i32
      %parallel_loop3A_496 = arith.constant 1 : i32
      %parallel_loop3A_497 = arith.addi %parallel_loop3A_495, %parallel_loop3A_496 : i32
      %parallel_loop3A_498 = arith.index_cast %parallel_loop3A_497 : i32 to index
      %parallel_loop3A_499 = arith.constant 96 : index
      %parallel_loop3A_500 = tpu.vector_load %arg12[%parallel_loop3A_498, %parallel_loop3A_499] {strides = array<i32>} : memref<80x128xf32, #tpu.memory_space<vmem>>, vector<16xf32>,
      %parallel_loop3A_501 = arith.mulf %parallel_loop3A_493, %parallel_loop3A_500 : vector<16xf32>
      %parallel_loop3A_502 = tpu.pack_subelements %parallel_loop3A_486, %parallel_loop3A_501 {pack_format = #tpu.pack_format<interleaved>, positions = array<i32: 0, 1>} : vector<16xf32>, vector<16xf32> -> vector<32xbf16>
      %parallel_loop3A_503 = vector.bitcast %parallel_loop3A_502 : vector<32xbf16> to vector<16xf32>
      %parallel_loop3A_504 = arith.index_cast %parallel_loop3A_289 : i32 to index
      %parallel_loop3A_505 = arith.constant 96 : index
      %parallel_loop3A_506 = tpu.vector_load %arg15[%parallel_loop3A_504, %parallel_loop3A_505] {strides = array<i32>} : memref<40x128xf32, #tpu.memory_space<vmem>>, vector<16xf32>,
      tpu.vector_store %arg15[%parallel_loop3A_504, %parallel_loop3A_505], %parallel_loop3A_503 {strides = array<i32>} : memref<40x128xf32, #tpu.memory_space<vmem>>, vector<16xf32>,
      %parallel_loop3A_507 = arith.constant 2 : i32
      %parallel_loop3A_508 = arith.muli %parallel_loop3A_507, %parallel_loop3A_289 : i32
      %parallel_loop3A_509 = arith.index_cast %parallel_loop3A_508 : i32 to index
      %parallel_loop3A_510 = arith.constant 112 : index
      %parallel_loop3A_511 = tpu.vector_load %arg9[%parallel_loop3A_509, %parallel_loop3A_510] {strides = array<i32>} : memref<80x128xf32, #tpu.memory_space<vmem>>, vector<16xf32>,
      %parallel_loop3A_512 = arith.constant 2 : i32
      %parallel_loop3A_513 = arith.muli %parallel_loop3A_512, %parallel_loop3A_289 : i32
      %parallel_loop3A_514 = arith.index_cast %parallel_loop3A_513 : i32 to index
      %parallel_loop3A_515 = arith.constant 112 : index
      %parallel_loop3A_516 = tpu.vector_load %arg12[%parallel_loop3A_514, %parallel_loop3A_515] {strides = array<i32>} : memref<80x128xf32, #tpu.memory_space<vmem>>, vector<16xf32>,
      %parallel_loop3A_517 = arith.mulf %parallel_loop3A_511, %parallel_loop3A_516 : vector<16xf32>
      %parallel_loop3A_518 = arith.constant 2 : i32
      %parallel_loop3A_519 = arith.muli %parallel_loop3A_518, %parallel_loop3A_289 : i32
      %parallel_loop3A_520 = arith.constant 1 : i32
      %parallel_loop3A_521 = arith.addi %parallel_loop3A_519, %parallel_loop3A_520 : i32
      %parallel_loop3A_522 = arith.index_cast %parallel_loop3A_521 : i32 to index
      %parallel_loop3A_523 = arith.constant 112 : index
      %parallel_loop3A_524 = tpu.vector_load %arg9[%parallel_loop3A_522, %parallel_loop3A_523] {strides = array<i32>} : memref<80x128xf32, #tpu.memory_space<vmem>>, vector<16xf32>,
      %parallel_loop3A_525 = arith.constant 2 : i32
      %parallel_loop3A_526 = arith.muli %parallel_loop3A_525, %parallel_loop3A_289 : i32
      %parallel_loop3A_527 = arith.constant 1 : i32
      %parallel_loop3A_528 = arith.addi %parallel_loop3A_526, %parallel_loop3A_527 : i32
      %parallel_loop3A_529 = arith.index_cast %parallel_loop3A_528 : i32 to index
      %parallel_loop3A_530 = arith.constant 112 : index
      %parallel_loop3A_531 = tpu.vector_load %arg12[%parallel_loop3A_529, %parallel_loop3A_530] {strides = array<i32>} : memref<80x128xf32, #tpu.memory_space<vmem>>, vector<16xf32>,
      %parallel_loop3A_532 = arith.mulf %parallel_loop3A_524, %parallel_loop3A_531 : vector<16xf32>
      %parallel_loop3A_533 = tpu.pack_subelements %parallel_loop3A_517, %parallel_loop3A_532 {pack_format = #tpu.pack_format<interleaved>, positions = array<i32: 0, 1>} : vector<16xf32>, vector<16xf32> -> vector<32xbf16>
      %parallel_loop3A_534 = vector.bitcast %parallel_loop3A_533 : vector<32xbf16> to vector<16xf32>
      %parallel_loop3A_535 = arith.index_cast %parallel_loop3A_289 : i32 to index
      %parallel_loop3A_536 = arith.constant 112 : index
      %parallel_loop3A_537 = tpu.vector_load %arg15[%parallel_loop3A_535, %parallel_loop3A_536] {strides = array<i32>} : memref<40x128xf32, #tpu.memory_space<vmem>>, vector<16xf32>,
      tpu.vector_store %arg15[%parallel_loop3A_535, %parallel_loop3A_536], %parallel_loop3A_534 {strides = array<i32>} : memref<40x128xf32, #tpu.memory_space<vmem>>, vector<16xf32>,
    } {sc.loop_unroll_factor = 2 : i64, sc.parallel_access}
    %add3A_165 = arith.constant 9920 : i32
    %add3A_166 = arith.addi %mul3A_2, %add3A_165 : i32
    %jit3A_167 = arith.constant 2 : i32
    %div3A_168 = arith.divsi %add3A_166, %jit3A_167 : i32
    %sign3A_169 = arith.constant 0 : i32
    %sign3A_170 = arith.cmpi sgt, %add3A_166, %sign3A_169 : i32
    %sign3A_171 = arith.extui %sign3A_170 : i1 to i32
    %sign3A_172 = arith.constant 0 : i32
    %sign3A_173 = arith.cmpi slt, %add3A_166, %sign3A_172 : i32
    %sign3A_174 = arith.extui %sign3A_173 : i1 to i32
    %sign3A_175 = arith.subi %sign3A_171, %sign3A_174 : i32
    %sign3A_176 = arith.constant 0 : i32
    %sign3A_177 = arith.cmpi sgt, %jit3A_167, %sign3A_176 : i32
    %sign3A_178 = arith.extui %sign3A_177 : i1 to i32
    %sign3A_179 = arith.constant 0 : i32
    %sign3A_180 = arith.cmpi slt, %jit3A_167, %sign3A_179 : i32
    %sign3A_181 = arith.extui %sign3A_180 : i1 to i32
    %sign3A_182 = arith.subi %sign3A_178, %sign3A_181 : i32
    %ne3A_183 = arith.cmpi ne, %sign3A_175, %sign3A_182 : i32
    %rem3A_184 = arith.remsi %add3A_166, %jit3A_167 : i32
    %ne3A_185 = arith.constant 0 : i32
    %ne3A_186 = arith.cmpi ne, %rem3A_184, %ne3A_185 : i32
    %and3A_187 = arith.andi %ne3A_183, %ne3A_186 : i1
    %sub3A_188 = arith.constant 1 : i32
    %sub3A_189 = arith.subi %div3A_168, %sub3A_188 : i32
    %select_n3A_190 = arith.select %and3A_187, %sub3A_189, %div3A_168 : i32
    %multiple_of3A_191 = tpu.assume_multiple %select_n3A_190, 8 : i32
    %dma_start3A_192 = arith.constant 0 : i32
    %dma_start3A_193 = tpu.memref_slice %arg5[%multiple_of3A_191, %dma_start3A_192] : memref<160000x128xf32, #tpu.memory_space<hbm>> -> memref<40x128xf32, #tpu.memory_space<hbm>>
    %dma_start3A_194 = arith.constant 0 : i32
    %dma_start3A_195 = tpu.memref_slice %arg5[%multiple_of3A_191, %dma_start3A_194] : memref<160000x128xf32, #tpu.memory_space<hbm>> -> memref<40x128xf32, #tpu.memory_space<hbm>>
    tpu.enqueue_dma source(%arg15 : memref<40x128xf32, #tpu.memory_space<vmem>>) target(%dma_start3A_195 : memref<40x128xf32, #tpu.memory_space<hbm>>) target_semaphore(%arg24 : memref<!tpu.dma_semaphore, #tpu.memory_space<semaphore_mem>>)
    %add3A_196 = arith.constant 9760 : i32
    %add3A_197 = arith.addi %mul3A_2, %add3A_196 : i32
    %jit3A_198 = arith.constant 2 : i32
    %div3A_199 = arith.divsi %add3A_197, %jit3A_198 : i32
    %sign3A_200 = arith.constant 0 : i32
    %sign3A_201 = arith.cmpi sgt, %add3A_197, %sign3A_200 : i32
    %sign3A_202 = arith.extui %sign3A_201 : i1 to i32
    %sign3A_203 = arith.constant 0 : i32
    %sign3A_204 = arith.cmpi slt, %add3A_197, %sign3A_203 : i32
    %sign3A_205 = arith.extui %sign3A_204 : i1 to i32
    %sign3A_206 = arith.subi %sign3A_202, %sign3A_205 : i32
    %sign3A_207 = arith.constant 0 : i32
    %sign3A_208 = arith.cmpi sgt, %jit3A_198, %sign3A_207 : i32
    %sign3A_209 = arith.extui %sign3A_208 : i1 to i32
    %sign3A_210 = arith.constant 0 : i32
    %sign3A_211 = arith.cmpi slt, %jit3A_198, %sign3A_210 : i32
    %sign3A_212 = arith.extui %sign3A_211 : i1 to i32
    %sign3A_213 = arith.subi %sign3A_209, %sign3A_212 : i32
    %ne3A_214 = arith.cmpi ne, %sign3A_206, %sign3A_213 : i32
    %rem3A_215 = arith.remsi %add3A_197, %jit3A_198 : i32
    %ne3A_216 = arith.constant 0 : i32
    %ne3A_217 = arith.cmpi ne, %rem3A_215, %ne3A_216 : i32
    %and3A_218 = arith.andi %ne3A_214, %ne3A_217 : i1
    %sub3A_219 = arith.constant 1 : i32
    %sub3A_220 = arith.subi %div3A_199, %sub3A_219 : i32
    %select_n3A_221 = arith.select %and3A_218, %sub3A_220, %div3A_199 : i32
    %multiple_of3A_222 = tpu.assume_multiple %select_n3A_221, 8 : i32
    %dma_wait3A_223 = arith.constant 0 : i32
    %dma_wait3A_224 = tpu.memref_slice %arg5[%multiple_of3A_222, %dma_wait3A_223] : memref<160000x128xf32, #tpu.memory_space<hbm>> -> memref<40x128xf32, #tpu.memory_space<hbm>>
    %dma_wait3A_225 = arith.constant 0 : i32
    %dma_wait3A_226 = tpu.memref_slice %arg5[%multiple_of3A_222, %dma_wait3A_225] : memref<160000x128xf32, #tpu.memory_space<hbm>> -> memref<40x128xf32, #tpu.memory_space<hbm>>
    tpu.wait_dma2 semaphore(%arg25 : memref<!tpu.dma_semaphore, #tpu.memory_space<semaphore_mem>>) src(%arg16 : memref<40x128xf32, #tpu.memory_space<vmem>>) dst(%dma_wait3A_226 : memref<40x128xf32, #tpu.memory_space<hbm>>)
    %add3A_227 = arith.constant 9840 : i32
    %add3A_228 = arith.addi %mul3A_2, %add3A_227 : i32
    %jit3A_229 = arith.constant 2 : i32
    %div3A_230 = arith.divsi %add3A_228, %jit3A_229 : i32
    %sign3A_231 = arith.constant 0 : i32
    %sign3A_232 = arith.cmpi sgt, %add3A_228, %sign3A_231 : i32
    %sign3A_233 = arith.extui %sign3A_232 : i1 to i32
    %sign3A_234 = arith.constant 0 : i32
    %sign3A_235 = arith.cmpi slt, %add3A_228, %sign3A_234 : i32
    %sign3A_236 = arith.extui %sign3A_235 : i1 to i32
    %sign3A_237 = arith.subi %sign3A_233, %sign3A_236 : i32
    %sign3A_238 = arith.constant 0 : i32
    %sign3A_239 = arith.cmpi sgt, %jit3A_229, %sign3A_238 : i32
    %sign3A_240 = arith.extui %sign3A_239 : i1 to i32
    %sign3A_241 = arith.constant 0 : i32
    %sign3A_242 = arith.cmpi slt, %jit3A_229, %sign3A_241 : i32
    %sign3A_243 = arith.extui %sign3A_242 : i1 to i32
    %sign3A_244 = arith.subi %sign3A_240, %sign3A_243 : i32
    %ne3A_245 = arith.cmpi ne, %sign3A_237, %sign3A_244 : i32
    %rem3A_246 = arith.remsi %add3A_228, %jit3A_229 : i32
    %ne3A_247 = arith.constant 0 : i32
    %ne3A_248 = arith.cmpi ne, %rem3A_246, %ne3A_247 : i32
    %and3A_249 = arith.andi %ne3A_245, %ne3A_248 : i1
    %sub3A_250 = arith.constant 1 : i32
    %sub3A_251 = arith.subi %div3A_230, %sub3A_250 : i32
    %select_n3A_252 = arith.select %and3A_249, %sub3A_251, %div3A_230 : i32
    %multiple_of3A_253 = tpu.assume_multiple %select_n3A_252, 8 : i32
    %dma_wait3A_254 = arith.constant 0 : i32
    %dma_wait3A_255 = tpu.memref_slice %arg5[%multiple_of3A_253, %dma_wait3A_254] : memref<160000x128xf32, #tpu.memory_space<hbm>> -> memref<40x128xf32, #tpu.memory_space<hbm>>
    %dma_wait3A_256 = arith.constant 0 : i32
    %dma_wait3A_257 = tpu.memref_slice %arg5[%multiple_of3A_253, %dma_wait3A_256] : memref<160000x128xf32, #tpu.memory_space<hbm>> -> memref<40x128xf32, #tpu.memory_space<hbm>>
    tpu.wait_dma2 semaphore(%arg23 : memref<!tpu.dma_semaphore, #tpu.memory_space<semaphore_mem>>) src(%arg14 : memref<40x128xf32, #tpu.memory_space<vmem>>) dst(%dma_wait3A_257 : memref<40x128xf32, #tpu.memory_space<hbm>>)
    %add3A_258 = arith.constant 9920 : i32
    %add3A_259 = arith.addi %mul3A_2, %add3A_258 : i32
    %jit3A_260 = arith.constant 2 : i32
    %div3A_261 = arith.divsi %add3A_259, %jit3A_260 : i32
    %sign3A_262 = arith.constant 0 : i32
    %sign3A_263 = arith.cmpi sgt, %add3A_259, %sign3A_262 : i32
    %sign3A_264 = arith.extui %sign3A_263 : i1 to i32
    %sign3A_265 = arith.constant 0 : i32
    %sign3A_266 = arith.cmpi slt, %add3A_259, %sign3A_265 : i32
    %sign3A_267 = arith.extui %sign3A_266 : i1 to i32
    %sign3A_268 = arith.subi %sign3A_264, %sign3A_267 : i32
    %sign3A_269 = arith.constant 0 : i32
    %sign3A_270 = arith.cmpi sgt, %jit3A_260, %sign3A_269 : i32
    %sign3A_271 = arith.extui %sign3A_270 : i1 to i32
    %sign3A_272 = arith.constant 0 : i32
    %sign3A_273 = arith.cmpi slt, %jit3A_260, %sign3A_272 : i32
    %sign3A_274 = arith.extui %sign3A_273 : i1 to i32
    %sign3A_275 = arith.subi %sign3A_271, %sign3A_274 : i32
    %ne3A_276 = arith.cmpi ne, %sign3A_268, %sign3A_275 : i32
    %rem3A_277 = arith.remsi %add3A_259, %jit3A_260 : i32
    %ne3A_278 = arith.constant 0 : i32
    %ne3A_279 = arith.cmpi ne, %rem3A_277, %ne3A_278 : i32
    %and3A_280 = arith.andi %ne3A_276, %ne3A_279 : i1
    %sub3A_281 = arith.constant 1 : i32
    %sub3A_282 = arith.subi %div3A_261, %sub3A_281 : i32
    %select_n3A_283 = arith.select %and3A_280, %sub3A_282, %div3A_261 : i32
    %multiple_of3A_284 = tpu.assume_multiple %select_n3A_283, 8 : i32
    %dma_wait3A_285 = arith.constant 0 : i32
    %dma_wait3A_286 = tpu.memref_slice %arg5[%multiple_of3A_284, %dma_wait3A_285] : memref<160000x128xf32, #tpu.memory_space<hbm>> -> memref<40x128xf32, #tpu.memory_space<hbm>>
    %dma_wait3A_287 = arith.constant 0 : i32
    %dma_wait3A_288 = tpu.memref_slice %arg5[%multiple_of3A_284, %dma_wait3A_287] : memref<160000x128xf32, #tpu.memory_space<hbm>> -> memref<40x128xf32, #tpu.memory_space<hbm>>
    tpu.wait_dma2 semaphore(%arg24 : memref<!tpu.dma_semaphore, #tpu.memory_space<semaphore_mem>>) src(%arg15 : memref<40x128xf32, #tpu.memory_space<vmem>>) dst(%dma_wait3A_288 : memref<40x128xf32, #tpu.memory_space<hbm>>)
    return
  }
}

module attributes {stable_mosaic.version = 14 : i64} {
  func.func @_prep_body(%arg0: memref<10000x128xf32, #tpu.memory_space<vmem>>, %arg1: memref<128x128xf32, #tpu.memory_space<vmem>>, %arg2: memref<1x128xf32, #tpu.memory_space<vmem>>, %arg3: memref<16x128xf32, #tpu.memory_space<vmem>>, %arg4: memref<128x256xf32, #tpu.memory_space<vmem>>, %arg5: memref<1x256xf32, #tpu.memory_space<vmem>>, %arg6: memref<16x16xf32, #tpu.memory_space<vmem>>, %arg7: memref<1x16xf32, #tpu.memory_space<vmem>>, %arg8: memref<16x128xf32, #tpu.memory_space<vmem>>, %arg9: memref<10000x128xf32, #tpu.memory_space<vmem>>, %arg10: memref<16x128xf32, #tpu.memory_space<vmem>>, %arg11: memref<16x128xf32, #tpu.memory_space<vmem>>, %arg12: memref<16x128xf32, #tpu.memory_space<vmem>>, %arg13: memref<1x128xf32, #tpu.memory_space<vmem>>) attributes {dimension_semantics = [], scalar_prefetch = 0 : i64, scratch_operands = 0 : i64, tpu.core_type = #tpu.core_type<tc>} {
    %get3A = arith.constant 0 : index
    %get3A_0 = arith.constant 0 : index
    %get3A_1 = vector.load %arg0[%get3A, %get3A_0] : memref<10000x128xf32, #tpu.memory_space<vmem>>, vector<10000x128xf32>
    %get3A_2 = arith.constant 0 : index
    %get3A_3 = arith.constant 0 : index
    %get3A_4 = vector.load %arg1[%get3A_2, %get3A_3] : memref<128x128xf32, #tpu.memory_space<vmem>>, vector<128x128xf32>
    %dot_general3A = arith.constant dense<0.000000e+00> : vector<10000x128xf32>
    %dot_general3A_5 = tpu.matmul %get3A_1, %get3A_4, %dot_general3A {dimension_numbers = #tpu.dot_dimension_numbers<[1], [0], [0], [1], [0, 0, 1, 1], [], []>, transpose_lhs_hint = false} : vector<10000x128xf32>, vector<128x128xf32>, vector<10000x128xf32> -> vector<10000x128xf32>
    %get3A_6 = arith.constant 0 : index
    %get3A_7 = arith.constant 0 : index
    %get3A_8 = vector.load %arg2[%get3A_6, %get3A_7] : memref<1x128xf32, #tpu.memory_space<vmem>>, vector<1x128xf32>
    %add3A = vector.broadcast %get3A_8 : vector<1x128xf32> to vector<10000x128xf32>
    %add3A_9 = arith.addf %dot_general3A_5, %add3A : vector<10000x128xf32>
    %swap3A = arith.constant 0 : index
    %swap3A_10 = arith.constant 0 : index
    %swap3A_11 = vector.load %arg9[%swap3A, %swap3A_10] : memref<10000x128xf32, #tpu.memory_space<vmem>>, vector<10000x128xf32>
    tpu.vector_store %arg9[%swap3A, %swap3A_10], %add3A_9 {strides = array<i32>} : memref<10000x128xf32, #tpu.memory_space<vmem>>, vector<10000x128xf32>,
    %get3A_12 = arith.constant 0 : index
    %get3A_13 = arith.constant 0 : index
    %get3A_14 = vector.load %arg3[%get3A_12, %get3A_13] : memref<16x128xf32, #tpu.memory_space<vmem>>, vector<16x128xf32>
    %get3A_15 = arith.constant 0 : index
    %get3A_16 = arith.constant 0 : index
    %get3A_17 = vector.load %arg4[%get3A_15, %get3A_16] : memref<128x256xf32, #tpu.memory_space<vmem>>, vector<128x256xf32>
    %dot_general3A_18 = arith.constant dense<0.000000e+00> : vector<16x256xf32>
    %dot_general3A_19 = tpu.matmul %get3A_14, %get3A_17, %dot_general3A_18 {dimension_numbers = #tpu.dot_dimension_numbers<[1], [0], [0], [1], [0, 0, 1, 1], [], []>, transpose_lhs_hint = false} : vector<16x128xf32>, vector<128x256xf32>, vector<16x256xf32> -> vector<16x256xf32>
    %get3A_20 = arith.constant 0 : index
    %get3A_21 = arith.constant 0 : index
    %get3A_22 = vector.load %arg5[%get3A_20, %get3A_21] : memref<1x256xf32, #tpu.memory_space<vmem>>, vector<1x256xf32>
    %add3A_23 = vector.broadcast %get3A_22 : vector<1x256xf32> to vector<16x256xf32>
    %add3A_24 = arith.addf %dot_general3A_19, %add3A_23 : vector<16x256xf32>
    %slice3A = vector.extract_strided_slice %add3A_24 {offsets = [0, 0], sizes = [16, 128], strides = [1, 1]} : vector<16x256xf32> to vector<16x128xf32>
    %add3A_25 = arith.constant 1.000000e+00 : f32
    %add3A_26 = vector.broadcast %add3A_25 : f32 to vector<16x128xf32>
    %add3A_27 = arith.addf %slice3A, %add3A_26 : vector<16x128xf32>
    %swap3A_28 = arith.constant 0 : index
    %swap3A_29 = arith.constant 0 : index
    %swap3A_30 = vector.load %arg10[%swap3A_28, %swap3A_29] : memref<16x128xf32, #tpu.memory_space<vmem>>, vector<16x128xf32>
    tpu.vector_store %arg10[%swap3A_28, %swap3A_29], %add3A_27 {strides = array<i32>} : memref<16x128xf32, #tpu.memory_space<vmem>>, vector<16x128xf32>,
    %slice3A_31 = vector.extract_strided_slice %add3A_24 {offsets = [0, 128], sizes = [16, 128], strides = [1, 1]} : vector<16x256xf32> to vector<16x128xf32>
    %swap3A_32 = arith.constant 0 : index
    %swap3A_33 = arith.constant 0 : index
    %swap3A_34 = vector.load %arg11[%swap3A_32, %swap3A_33] : memref<16x128xf32, #tpu.memory_space<vmem>>, vector<16x128xf32>
    tpu.vector_store %arg11[%swap3A_32, %swap3A_33], %slice3A_31 {strides = array<i32>} : memref<16x128xf32, #tpu.memory_space<vmem>>, vector<16x128xf32>,
    %get3A_35 = arith.constant 0 : index
    %get3A_36 = arith.constant 0 : index
    %get3A_37 = vector.load %arg6[%get3A_35, %get3A_36] : memref<16x16xf32, #tpu.memory_space<vmem>>, vector<16x16xf32>
    %get3A_38 = arith.constant 0 : index
    %get3A_39 = arith.constant 0 : index
    %get3A_40 = vector.load %arg8[%get3A_38, %get3A_39] : memref<16x128xf32, #tpu.memory_space<vmem>>, vector<16x128xf32>
    %dot_general3A_41 = arith.constant dense<0.000000e+00> : vector<16x128xf32>
    %dot_general3A_42 = tpu.matmul %get3A_37, %get3A_40, %dot_general3A_41 {dimension_numbers = #tpu.dot_dimension_numbers<[1], [0], [0], [1], [0, 0, 1, 1], [], []>, transpose_lhs_hint = false} : vector<16x16xf32>, vector<16x128xf32>, vector<16x128xf32> -> vector<16x128xf32>
    %swap3A_43 = arith.constant 0 : index
    %swap3A_44 = arith.constant 0 : index
    %swap3A_45 = vector.load %arg12[%swap3A_43, %swap3A_44] : memref<16x128xf32, #tpu.memory_space<vmem>>, vector<16x128xf32>
    tpu.vector_store %arg12[%swap3A_43, %swap3A_44], %dot_general3A_42 {strides = array<i32>} : memref<16x128xf32, #tpu.memory_space<vmem>>, vector<16x128xf32>,
    %get3A_46 = arith.constant 0 : index
    %get3A_47 = arith.constant 0 : index
    %get3A_48 = vector.load %arg7[%get3A_46, %get3A_47] : memref<1x16xf32, #tpu.memory_space<vmem>>, vector<1x16xf32>
    %get3A_49 = arith.constant 0 : index
    %get3A_50 = arith.constant 0 : index
    %get3A_51 = vector.load %arg8[%get3A_49, %get3A_50] : memref<16x128xf32, #tpu.memory_space<vmem>>, vector<16x128xf32>
    %dot_general3A_52 = arith.constant dense<0.000000e+00> : vector<1x128xf32>
    %dot_general3A_53 = tpu.matmul %get3A_48, %get3A_51, %dot_general3A_52 {dimension_numbers = #tpu.dot_dimension_numbers<[1], [0], [0], [1], [0, 0, 1, 1], [], []>, transpose_lhs_hint = false} : vector<1x16xf32>, vector<16x128xf32>, vector<1x128xf32> -> vector<1x128xf32>
    %swap3A_54 = arith.constant 0 : index
    %swap3A_55 = arith.constant 0 : index
    %swap3A_56 = vector.load %arg13[%swap3A_54, %swap3A_55] : memref<1x128xf32, #tpu.memory_space<vmem>>, vector<1x128xf32>
    tpu.vector_store %arg13[%swap3A_54, %swap3A_55], %dot_general3A_53 {strides = array<i32>} : memref<1x128xf32, #tpu.memory_space<vmem>>, vector<1x128xf32>,
    return
  }
}

module attributes {stable_mosaic.version = 14 : i64} {
  func.func @_edge_body(%arg0: i32, %arg1: memref<1600x128xf32, #tpu.memory_space<vmem>>, %arg2: memref<16x3200xf32, #tpu.memory_space<vmem>>, %arg3: memref<1x1x3200xi32, #tpu.memory_space<vmem>>, %arg4: memref<128x128xbf16, #tpu.memory_space<vmem>>, %arg5: memref<16x128xf32, #tpu.memory_space<vmem>>, %arg6: memref<1x128xf32, #tpu.memory_space<vmem>>, %arg7: memref<16x128xf32, #tpu.memory_space<vmem>>, %arg8: memref<16x128xf32, #tpu.memory_space<vmem>>, %arg9: memref<3200x128xf32, #tpu.memory_space<vmem>>) attributes {dimension_semantics = [#tpu.dimension_semantics<arbitrary>], iteration_bounds = array<i64: 100>, scalar_prefetch = 0 : i64, scratch_operands = 0 : i64, tpu.core_type = #tpu.core_type<tc>, window_params = [{transform_indices = @transform_0, window_bounds = array<i64: 1600, 128>}, {transform_indices = @transform_1, window_bounds = array<i64: 16, 3200>}, {transform_indices = @transform_2, window_bounds = array<i64: 1, 1, 3200>}, {pipeline_mode = #tpu.pipeline_mode<synchronous>, transform_indices = @transform_3, window_bounds = array<i64: 128, 128>}, {pipeline_mode = #tpu.pipeline_mode<synchronous>, transform_indices = @transform_4, window_bounds = array<i64: 16, 128>}, {pipeline_mode = #tpu.pipeline_mode<synchronous>, transform_indices = @transform_5, window_bounds = array<i64: 1, 128>}, {pipeline_mode = #tpu.pipeline_mode<synchronous>, transform_indices = @transform_6, window_bounds = array<i64: 16, 128>}, {pipeline_mode = #tpu.pipeline_mode<synchronous>, transform_indices = @transform_7, window_bounds = array<i64: 16, 128>}, {transform_indices = @transform_8, window_bounds = array<i64: 3200, 128>}]} {
    %get3A = arith.constant 0 : index
    %get3A_0 = arith.constant 0 : index
    %get3A_1 = vector.load %arg1[%get3A, %get3A_0] : memref<1600x128xf32, #tpu.memory_space<vmem>>, vector<1600x128xf32>
    %bitcast3A = tpu.bitcast %get3A_1 : vector<1600x128xf32> -> vector<3200x128xbf16>
    %get3A_2 = arith.constant 0 : index
    %get3A_3 = arith.constant 0 : index
    %get3A_4 = vector.load %arg4[%get3A_2, %get3A_3] : memref<128x128xbf16, #tpu.memory_space<vmem>>, vector<128x128xbf16>
    %dot_general3A = arith.constant dense<0.000000e+00> : vector<3200x128xf32>
    %dot_general3A_5 = tpu.matmul %bitcast3A, %get3A_4, %dot_general3A {dimension_numbers = #tpu.dot_dimension_numbers<[1], [0], [0], [1], [0, 0, 1, 1], [], []>, transpose_lhs_hint = false} : vector<3200x128xbf16>, vector<128x128xbf16>, vector<3200x128xf32> -> vector<3200x128xf32>
    %get3A_6 = arith.constant 0 : index
    %get3A_7 = arith.constant 0 : index
    %get3A_8 = vector.load %arg2[%get3A_6, %get3A_7] : memref<16x3200xf32, #tpu.memory_space<vmem>>, vector<16x3200xf32>
    %get3A_9 = arith.constant 0 : index
    %get3A_10 = arith.constant 0 : index
    %get3A_11 = vector.load %arg5[%get3A_9, %get3A_10] : memref<16x128xf32, #tpu.memory_space<vmem>>, vector<16x128xf32>
    %dot_general3A_12 = arith.constant dense<0.000000e+00> : vector<3200x128xf32>
    %dot_general3A_13 = tpu.matmul %get3A_8, %get3A_11, %dot_general3A_12 {dimension_numbers = #tpu.dot_dimension_numbers<[0], [0], [1], [1], [0, 1, 1, 1], [], []>, transpose_lhs_hint = false} : vector<16x3200xf32>, vector<16x128xf32>, vector<3200x128xf32> -> vector<3200x128xf32>
    %add3A = arith.addf %dot_general3A_5, %dot_general3A_13 : vector<3200x128xf32>
    %get3A_14 = arith.constant 0 : index
    %get3A_15 = arith.constant 0 : index
    %get3A_16 = vector.load %arg6[%get3A_14, %get3A_15] : memref<1x128xf32, #tpu.memory_space<vmem>>, vector<1x128xf32>
    %add3A_17 = vector.broadcast %get3A_16 : vector<1x128xf32> to vector<3200x128xf32>
    %add3A_18 = arith.addf %add3A, %add3A_17 : vector<3200x128xf32>
    %get3A_19 = arith.constant 0 : index
    %get3A_20 = arith.constant 0 : index
    %get3A_21 = arith.constant 0 : index
    %get3A_22 = vector.load %arg3[%get3A_19, %get3A_20, %get3A_21] : memref<1x1x3200xi32, #tpu.memory_space<vmem>>, vector<1x1x3200xi32>
    %get3A_23 = vector.shape_cast %get3A_22 : vector<1x1x3200xi32> to vector<1x3200xi32>
    %iota3A = tpu.iota {dimensions = array<i32: 0>} : vector<16x3200xi32>
    %eq3A = vector.broadcast %get3A_23 : vector<1x3200xi32> to vector<16x3200xi32>
    %eq3A_24 = arith.cmpi eq, %eq3A, %iota3A : vector<16x3200xi32>
    %convert_element_type3A = arith.extui %eq3A_24 : vector<16x3200xi1> to vector<16x3200xi32>
    %convert_element_type3A_25 = arith.sitofp %convert_element_type3A : vector<16x3200xi32> to vector<16x3200xf32>
    %get3A_26 = arith.constant 0 : index
    %get3A_27 = arith.constant 0 : index
    %get3A_28 = vector.load %arg7[%get3A_26, %get3A_27] : memref<16x128xf32, #tpu.memory_space<vmem>>, vector<16x128xf32>
    %dot_general3A_29 = arith.constant dense<0.000000e+00> : vector<3200x128xf32>
    %dot_general3A_30 = tpu.matmul %convert_element_type3A_25, %get3A_28, %dot_general3A_29 {dimension_numbers = #tpu.dot_dimension_numbers<[0], [0], [1], [1], [0, 1, 1, 1], [], []>, transpose_lhs_hint = false} : vector<16x3200xf32>, vector<16x128xf32>, vector<3200x128xf32> -> vector<3200x128xf32>
    %get3A_31 = arith.constant 0 : index
    %get3A_32 = arith.constant 0 : index
    %get3A_33 = vector.load %arg8[%get3A_31, %get3A_32] : memref<16x128xf32, #tpu.memory_space<vmem>>, vector<16x128xf32>
    %dot_general3A_34 = arith.constant dense<0.000000e+00> : vector<3200x128xf32>
    %dot_general3A_35 = tpu.matmul %convert_element_type3A_25, %get3A_33, %dot_general3A_34 {dimension_numbers = #tpu.dot_dimension_numbers<[0], [0], [1], [1], [0, 1, 1, 1], [], []>, transpose_lhs_hint = false} : vector<16x3200xf32>, vector<16x128xf32>, vector<3200x128xf32> -> vector<3200x128xf32>
    %mul3A = arith.mulf %add3A_18, %dot_general3A_30 : vector<3200x128xf32>
    %add3A_36 = arith.addf %mul3A, %dot_general3A_35 : vector<3200x128xf32>
    %max3A = arith.constant 0.000000e+00 : f32
    %max3A_37 = vector.broadcast %max3A : f32 to vector<3200x128xf32>
    %max3A_38 = arith.maximumf %add3A_36, %max3A_37 : vector<3200x128xf32>
    %swap3A = arith.constant 0 : index
    %swap3A_39 = arith.constant 0 : index
    %swap3A_40 = vector.load %arg9[%swap3A, %swap3A_39] : memref<3200x128xf32, #tpu.memory_space<vmem>>, vector<3200x128xf32>
    tpu.vector_store %arg9[%swap3A, %swap3A_39], %max3A_38 {strides = array<i32>} : memref<3200x128xf32, #tpu.memory_space<vmem>>, vector<3200x128xf32>,
    return
  }
  func.func @transform_0(%arg0: i32) -> (i32, i32) {
    %c0_i32 = arith.constant 0 : i32
    %c0_i32_0 = arith.constant 0 : i32
    return %arg0, %c0_i32 : i32, i32
  }
  func.func @transform_1(%arg0: i32) -> (i32, i32) {
    %c0_i32 = arith.constant 0 : i32
    %c0_i32_0 = arith.constant 0 : i32
    return %c0_i32, %arg0 : i32, i32
  }
  func.func @transform_2(%arg0: i32) -> (i32, i32, i32) {
    %c0_i32 = arith.constant 0 : i32
    %c0_i32_0 = arith.constant 0 : i32
    %c0_i32_1 = arith.constant 0 : i32
    return %arg0, %c0_i32, %c0_i32_0 : i32, i32, i32
  }
  func.func @transform_3(%arg0: i32) -> (i32, i32) {
    %c0_i32 = arith.constant 0 : i32
    %c0_i32_0 = arith.constant 0 : i32
    %c0_i32_1 = arith.constant 0 : i32
    return %c0_i32, %c0_i32_0 : i32, i32
  }
  func.func @transform_4(%arg0: i32) -> (i32, i32) {
    %c0_i32 = arith.constant 0 : i32
    %c0_i32_0 = arith.constant 0 : i32
    %c0_i32_1 = arith.constant 0 : i32
    return %c0_i32, %c0_i32_0 : i32, i32
  }
  func.func @transform_5(%arg0: i32) -> (i32, i32) {
    %c0_i32 = arith.constant 0 : i32
    %c0_i32_0 = arith.constant 0 : i32
    %c0_i32_1 = arith.constant 0 : i32
    return %c0_i32, %c0_i32_0 : i32, i32
  }
  func.func @transform_6(%arg0: i32) -> (i32, i32) {
    %c0_i32 = arith.constant 0 : i32
    %c0_i32_0 = arith.constant 0 : i32
    %c0_i32_1 = arith.constant 0 : i32
    return %c0_i32, %c0_i32_0 : i32, i32
  }
  func.func @transform_7(%arg0: i32) -> (i32, i32) {
    %c0_i32 = arith.constant 0 : i32
    %c0_i32_0 = arith.constant 0 : i32
    %c0_i32_1 = arith.constant 0 : i32
    return %c0_i32, %c0_i32_0 : i32, i32
  }
  func.func @transform_8(%arg0: i32) -> (i32, i32) {
    %c0_i32 = arith.constant 0 : i32
    %c0_i32_0 = arith.constant 0 : i32
    return %arg0, %c0_i32 : i32, i32
  }
}

</mosaic_0001>

<sc_bundles>
// kernel: kernel.5.cloned.1.call-start
scs
__scs_entry_jumppad:
0x0: {  	(pc) =	sbr.rel $0x88, $3  }
0x1: {  	(tag) =	ssettag $0x0;
	lr =	simm.s32 $0x1  }
0x2: {  	[smem:$0x3F95] =	sst lr;
	_ =	strace $0xD0000000  }
0x3: {  	_ = 	snop  }
0x4: {  	_ = 	snop  }
0x5: {  	_ = 	snop  }
0x6: {  	_ = 	snop  }
0x7: {  	_ = 	snop  }
__scs_overlays_trampoline_lowered:
0x8: {  	[smem:$0x3FA4] =	sst s0  }
0x9: {  	[smem:$0x3FA5] =	sst s1  }
0xa: {  	[smem:$0x3FA6] =	sst s2  }
0xb: {  	[smem:$0x3FA7] =	sst s3  }
0xc: {  	[smem:$0x3FA8] =	sst s4  }
0xd: {  	[smem:$0x3FA9] =	sst s5  }
0xe: {  	[smem:$0x3FAA] =	sst s6  }
0xf: {  	[smem:$0x3FAB] =	sst s7  }
0x10: {  	[smem:$0x3FAC] =	sst s8  }
0x11: {  	[smem:$0x3FAD] =	sst s9;
	s0 =	simm.s32 @!p0 $0x0  }
0x12: {  	s1 =	sld [smem:$0x3F93];
	s0 =	simm.s32 @p0 $0x1  }
0x13: {  	[smem:$0x3FAE] =	sst s0;
	s0 =	simm.s32 @!p1 $0x0  }
0x14: {  	s2 =	sld [smem:$0x3F92];
	s0 =	simm.s32 @p1 $0x1  }
0x15: {  	[smem:$0x3FAF] =	sst s0;
	s0 =	simm.s32 @!p2 $0x0  }
0x16: {  	s3 =	sld [smem:$0x3FDB];
	s0 =	simm.s32 @p2 $0x1  }
0x17: {  	s4 =	simm.s32 $0x1BF5;
	[smem:$0x3FB1] =	sst s0  }
0x18: {  	s0 =	sld [smem:$0x3F94];
	_ =	swait.ge [sflag:s4], $0x0  }
0x19: {  	s7 =	sld [smem:$0x3F95]  }
0x1a: {  	s8 =	sadd.s32 $0xFFFFE003, lr  }
0x1b: {  	s9 =	sadd.s32 $0xFFFFFEF7, lr;
	s5 =	simm.s32 $0xFFFFFFFF;
	p2 =	slt.u32 s8, $0xFFFFF086  }
0x1c: {  	p1 =	slt.u32 s9, $0xF7A;
	s5 =	simm.s32 @!p2 $0x0  }
0x1d: {  	s5 =	simm.s32 @p1 $0x1;
	p0 =	seq.s32 s7, s2  }
0x1e: {  	s7 =	smul.u32 @!p0 $0xF7A, s2;
	p2 =	seq.s32 @!p0 s5, $0x0  }
0x1f: {  	s9 =	smul.u32 $0xF7A, s1;
	s8 =	simm.s32 @!p0 $0x1BF5;
	p2 =	por !p2, p0  }
0x20: {  	[sflag:s8] =	ssyncset.s32 @!p0 $0xFFFFF086;
	s6 =	sadd.s32 @!p0 s3, s7;
	s7 =	simm.s32 @!p0 $0x108  }
0x21: {  	s3 =	sadd.s32 s3, s9;
	s6 =	sadd.s32 @!p0 $0x88, s6;
	s7 =	simm.s32 @p2 $0x1082  }
0x22: {  	[simem:s7], [sflag:s8] =	dma.local @!p0 [hbm:s6], $0xF7A  }
0x23: {  	s9 =	sor.u32 $0xD0000000, s2;
	s6 =	simm.s32 $0x108;
	_ =	swait.ge @!p0 [sflag:s8], $0x0  }
0x24: {  	s3 =	sadd.s32 $0x88, s3;
	s6 =	simm.s32 @!p1 $0x1082;
	[sflag:s4] =	ssyncset.s32 $0xFFFFF086  }
0x25: {  	[simem:s6], [sflag:s4] =	dma.local [hbm:s3], $0xF7A  }
0x26: {  	[smem:$0x3F95] =	sst s1;
	(tag) =	ssettag s2;
	_ =	strace s9  }
0x27: {  	s1 =	sld [smem:$0x3FA5]  }
0x28: {  	s2 =	sld [smem:$0x3FA6]  }
0x29: {  	s4 =	sld [smem:$0x3FA8]  }
0x2a: {  	p0 =	seq.s32 s5, $0x0;
	s5 =	sld [smem:$0x3FA9]  }
0x2b: {  	s6 =	sld [smem:$0x3FAA]  }
0x2c: {  	s7 =	sld [smem:$0x3FAB]  }
0x2d: {  	s3 =	simm.s32 $0x108;
	s8 =	sld [smem:$0x3FAC]  }
0x2e: {  	s3 =	simm.s32 @!p0 $0x1082;
	s9 =	sld [smem:$0x3FAD]  }
0x2f: {  	lr =	sadd.s32 s0, s3;
	s0 =	sld [smem:$0x3FA4]  }
0x30: {  	s3 =	sld [smem:$0x3FA7]  }
0x31: {  	[smem:$0x3FB0] =	sst s10  }
0x32: {  	s10 =	sld [smem:$0x3FAE];
	_ =	sdelay $0x3  }
0x33: {  	p0 =	seq.s32 s10, $0x1;
	s10 =	sld [smem:$0x3FB0];
	_ =	sdelay $0x3  }
0x34: {  	[smem:$0x3FB0] =	sst s10  }
0x35: {  	s10 =	sld [smem:$0x3FAF];
	_ =	sdelay $0x3  }
0x36: {  	p1 =	seq.s32 s10, $0x1;
	s10 =	sld [smem:$0x3FB0];
	_ =	sdelay $0x3  }
0x37: {  	[smem:$0x3FB0] =	sst s10  }
0x38: {  	s10 =	sld [smem:$0x3FB1]  }
0x39: {  	_ = 	snop;
	(pc) =	sbr.ind lr, $3  }
0x3a: {  	_ = 	snop  }
0x3b: {  	_ = 	snop  }
0x3c: {  	p2 =	seq.s32 s10, $0x1;
	s10 =	sld [smem:$0x3FB0]  }
0x3d: {  	_ =	shalt  }
0x3e: {  	_ =	shalt  }
0x3f: {  	_ =	shalt  }
0x40: {  	_ =	shalt  }
0x41: {  	_ =	shalt  }
0x42: {  	_ =	shalt  }
0x43: {  	_ =	shalt  }
0x44: {  	_ =	shalt  }
0x45: {  	_ =	shalt  }
0x46: {  	_ =	shalt  }
0x47: {  	_ =	shalt  }
0x48: {  	_ =	shalt  }
0x49: {  	_ =	shalt  }
0x4a: {  	_ =	shalt  }
0x4b: {  	_ =	shalt  }
0x4c: {  	_ =	shalt  }
0x4d: {  	_ =	shalt  }
0x4e: {  	_ =	shalt  }
0x4f: {  	_ =	shalt  }
0x50: {  	_ =	shalt  }
0x51: {  	_ =	shalt  }
0x52: {  	_ =	shalt  }
0x53: {  	_ =	shalt  }
0x54: {  	_ =	shalt  }
0x55: {  	_ =	shalt  }
0x56: {  	_ =	shalt  }
0x57: {  	_ =	shalt  }
0x58: {  	_ =	shalt  }
0x59: {  	_ =	shalt  }
0x5a: {  	_ =	shalt  }
0x5b: {  	_ =	shalt  }
0x5c: {  	_ =	shalt  }
0x5d: {  	_ =	shalt  }
0x5e: {  	_ =	shalt  }
0x5f: {  	_ =	shalt  }
0x60: {  	_ =	shalt  }
0x61: {  	_ =	shalt  }
0x62: {  	_ =	shalt  }
0x63: {  	_ =	shalt  }
0x64: {  	_ =	shalt  }
0x65: {  	_ =	shalt  }
0x66: {  	_ =	shalt  }
0x67: {  	_ =	shalt  }
0x68: {  	_ =	shalt  }
0x69: {  	_ =	shalt  }
0x6a: {  	_ =	shalt  }
0x6b: {  	_ =	shalt  }
0x6c: {  	_ =	shalt  }
0x6d: {  	_ =	shalt  }
0x6e: {  	_ =	shalt  }
0x6f: {  	_ =	shalt  }
0x70: {  	_ =	shalt  }
0x71: {  	_ =	shalt  }
0x72: {  	_ =	shalt  }
0x73: {  	_ =	shalt  }
0x74: {  	_ =	shalt  }
0x75: {  	_ =	shalt  }
0x76: {  	_ =	shalt  }
0x77: {  	_ =	shalt  }
0x78: {  	_ =	shalt  }
0x79: {  	_ =	shalt  }
0x7a: {  	_ =	shalt  }
0x7b: {  	_ =	shalt  }
0x7c: {  	_ =	shalt  }
0x7d: {  	_ =	shalt  }
0x7e: {  	_ =	shalt  }
0x7f: {  	_ =	shalt  }
0x80: {  	_ =	shalt  }
0x81: {  	_ =	shalt  }
0x82: {  	_ =	shalt  }
0x83: {  	_ =	shalt  }
0x84: {  	_ =	shalt  }
0x85: {  	_ =	shalt  }
0x86: {  	_ =	shalt  }
0x87: {  	_ =	shalt  }
.Lfunc_end0:
.L_simem_size_0:
called_computation_lowered:
.L_overlay_start_0:
0x88: {  	s2 =	sld [smem:$0x3FD9]  }
0x89: {  	s3 =	sld [smem:$0x3FFE];
	_ =	sdelay $0x1  }
0x8a: {  	s1 =	srdreg.scid  }
0x8b: {  	s0 =	sand.u32 $0x1, s1  }
0x8c: {  	s17 =	sshll.u32 s0, $0xA;
	s2 =	sadd.s32 s3, s2  }
0x8d: {  	s2 =	sadd.s32 s2, s17  }
0x8e: {  	[smem:$0x3FBC] =	sst s2  }
0x8f: {  	_ = 	snop  }
0x90: {  	s2 =	sld [smem:$0x3FD0];
	(tm) =	ssettm $0x1  }
0x91: {  	s18 =	sld [smem:$0x3FFB];
	_ =	sdelay $0x3  }
0x92: {  	_ =	strace s18  }
0x93: {  	s3 =	sld [smem:$0x3FFC];
	_ =	sdelay $0x3  }
0x94: {  	_ =	strace s3  }
0x95: {  	s3 =	sld [smem:$0x3FFD];
	_ =	sdelay $0x3  }
0x96: {  	_ =	strace s3  }
0x97: {  	_ =	strace $0x8FFFFFFF  }
0x98: {  	s19 =	sld [smem:$0x3FDB];
	_ =	sdelay $0x1  }
0x99: {  	s4 =	simm.s32 $_scs_section_size  }
0x9a: {  	s5 =	simm.s32 $_size__tile_overlayer_lowered;
	s6 =	simm.s32 $_tile_overlayer_lowered  }
0x9b: {  	s22 =	simm.s32 $0x1BFF;
	s21 =	sshll.u32 s6, $0x1;
	s3 =	sadd.s32 s4, s19  }
0x9c: {  	s7 =	simm.s32 $0x0;
	s20 =	sshll.u32 s5, $0x1;
	s5 =	sadd.s32 s21, s3  }
0x9d: {  	[timem:s7], [sflag:s22] =	dma.local [hbm:s5], s20  }
0x9e: {  	_ =	swait.ge [sflag:s22], s20  }
0x9f: {  	s4 =	ssub.s32 $0x0, s20;
	[sflag:s22] =	ssyncset.done $0x0  }
0xa0: {  	[sflag:s22] =	ssyncadd.s32 s4;
	_ =	sdelay $0x1  }
0xa1: {  	s23 =	simm.s32 $0x1B8B  }
0xa2: {  	_ =	swait.ge [sflag:s23], $0x1  }
0xa3: {  	[sflag:s23] =	ssyncset.done $0x0  }
0xa4: {  	s25 =	simm.s32 $0x1B8E;
	s24 =	sld [smem:$0x3FFE];
	[sflag:s23] =	ssyncadd.s32 $0xFFFFFFFF  }
0xa5: {  	s26 =	simm.s32 $execute0_lowered;
	[smem:$0x3FD2] =	sst s25  }
0xa6: {  	s5 =	sshll.u32 s26, $0x1;
	_ =	strace $0x80000046;
	[dreg:$0x1] =	wrdreg $0xFFFFFFFF  }
0xa7: {  	s28 =	simm.s32 $_size_execute0_lowered;
	s3 =	sadd.s32 s3, s5;
	[dreg:$0x0] =	wrdreg $0x0  }
0xa8: {  	s5 =	sshll.u32 s28, $0x1;
	[dreg:$0x2] =	wrdreg s3  }
0xa9: {  	[dreg:$0x3] =	wrdreg s5  }
0xaa: {  	[dreg:$0x4] =	wrdreg $0xC0  }
0xab: {  	_ =	task [dreg:s7], $0x5FFFF  }
0xac: {  	[dreg:$0x1] =	wrdreg $0xFFFFFFFF  }
0xad: {  	[dreg:$0x0] =	wrdreg $0x60  }
0xae: {  	[dreg:$0x2] =	wrdreg s2  }
0xaf: {  	[dreg:$0x3] =	wrdreg s24  }
0xb0: {  	[dreg:$0x4] =	wrdreg $0x9  }
0xb1: {  	_ =	task.clear_ibuf [dreg:s7], $0x5FFFF;
	_ =	strace $0x90000046  }
0xb2: {  	s29 =	simm.s32 $0x9;
	_ =	strace $0x80000048  }
0xb3: {  	_ =	swait.ge [sflag:s29], $0x1  }
0xb4: {  	[sflag:s29] =	ssyncadd.s32 $0xFFFFFFFF  }
0xb5: {  	_ =	strace $0x90000048  }
0xb6: {  	_ =	sfence  }
0xb7: {  	s30 =	sld [smem:$0x0];
	_ =	sdelay $0x2  }
0xb8: {  	s31 =	sshll.u32 s1, $0xD;
	s1 =	sshrl.u32 s1, $0x2  }
0xb9: {  	s3 =	sand.u32 $0x4000, s31;
	s1 =	sadd.s32 s1, s30  }
0xba: {  	s0 =	sor.u32 s3, s0;
	s1 =	sshll.u32 s1, $0x11  }
0xbb: {  	s0 =	sor.u32 s1, s0  }
0xbc: {  	s0 =	sadd.s32 $0x8F2B, s0  }
0xbd: {  	[sflag:s0] =	ssyncadd.remote.s32 $0x1  }
0xbe: {  	_ =	sfence.sel $0xFFFF  }
0xbf: {  	[dreg:$0x0] =	wrdreg $0xFFFFFFFF;
	(pc) =	sbr.abs _section_cstart, $3  }
0xc0: {  	[dreg:$0x1] =	wrdreg $0xFFFFFFFF  }
0xc1: {  	_ =	task.clear_ibuf [dreg:s7], $0x2FFFF;
	_ =	strace $0x9FFFFFFF  }
0xc2: {  	(tm) =	ssettm $0x7FFFFFFF  }
0xc3: {  	_ =	shalt  }
tec
execute0_lowered:
.L_overlay_start_1:
0x0: {  	(tag) =	ssettag $0x1  }
0x1: {  	s2 =	rddreg [dreg:$0x0]  }
0x2: {  	s0 =	rddreg [dreg:$0x1];
	s1 =	srdreg.scid  }
0x3: {  	s4 =	stileid.u32;
	s3 =	simm.s32 $0x0;
	s15 =	simm.s32 $0x50  }
0x4: {  	s16 =	simm.s32 $0x8000;
	s17 =	simm.s32 $0xF800;
	s19 =	simm.s32 $0xA800  }
0x5: {  	s21 =	simm.s32 $0x12000;
	s28 =	simm.s32 $0x4;
	s29 =	simm.s32 $0x17000  }
0x6: {  	s30 =	simm.s32 $0x2;
	s31 =	simm.s32 $0x5;
	s18 =	simm.s32 $0x6  }
0x7: {  	s20 =	simm.s32 $0x19800;
	s1 =	sand.u32 $0x1, s1;
	s4 =	sshll.u32 s4, $0x1  }
0x8: {  	s10 =	simm.s32 $0x0;
	[smem:$0x7FF] =	sst s3;
	s5 =	sor.u32 s1, s4  }
0x9: {  	_ =	strace $0x80000047;
	s1 =	ssub.s32 $0x2, s1;
	s7 =	smul.u32 $0x9C400, s5  }
0xa: {  	s4 =	sshll.u32 s5, $0xB;
	s23 =	sshrl.u32 s1, $0x1;
	s5 =	smul.u32 $0x2710, s5  }
0xb: {  	s6 =	sadd.s32 s4, s0;
	s4 =	sadd.s32 $0x22600, s0;
	s0 =	ssub.s32 s1, s23  }
0xc: {  	s24 =	sadd.s32 $0x12600, s6;
	s25 =	sshrl.u32 s7, $0x3;
	s6 =	sadd.s32 $0x2600, s6  }
0xd: {  	s8 =	sadd.s32 $0x50, s5;
	s9 =	sadd.s32 $0xA0, s5;
	[dreg:$0x3] =	wrdreg s24  }
0xe: {  	s0 =	smax.u32 s0, $0x1;
	[dreg:$0x4] =	wrdreg s6;
	s1 =	sadd.s32 s4, s25  }
0xf: {  	[dreg:$0x7] =	wrdreg s0;
	s25 =	simm.s32 $0x14800;
	s26 =	sadd.s32 $0x13380, s1  }
0x10: {  	s0 =	simm.s32 $0x18400;
	s1 =	sadd.s32 $0x13600, s1;
	[dreg:$0x5] =	wrdreg s26  }
0x11: {  	[dreg:$0x6] =	wrdreg s1;
	s26 =	simm.s32 $0x1;
	s1 =	simm.s32 $0x3  }
.LBB2_1:
0x12: {  	[dreg:$0x8] =	wrdreg s10  }
0x13: {  	s6 =	rddreg [dreg:$0x3];
	s7 =	simm.s32 $0xA  }
0x14: {  	[tilespmem:s3], [sflag:$0xA] =	stream.linear.gather [hbm4b:s6+s3], $0x3E80, $0x38;
	[tilespmem:$0x1AC00] =	vst v63  }
0x15: {  	_ =	swait.ge [sflag:s7], $0x3E80  }
0x16: {  	[sflag:s7] =	ssyncset.done $0x0  }
0x17: {  	s12 =	simm.s32 $0x4000;
	s11 =	rddreg [dreg:$0x4];
	[sflag:s7] =	ssyncadd.s32 $0xFFFFC180  }
0x18: {  	[tilespmem:s12], [sflag:$0xA] =	stream.linear.gather [hbm4b:s11+s3], $0x3E80, $0x38;
	[tilespmem:$0x1AC00] =	vst v63  }
0x19: {  	_ =	swait.ge [sflag:s7], $0x3E80  }
0x1a: {  	[sflag:s7] =	ssyncset.done $0x0  }
0x1b: {  	[sflag:s7] =	ssyncadd.s32 $0xFFFFC180  }
0x1c: {  	[tilespmem:s16], [sflag:$0x1] =	stream.indirect.gather [hbm4b:s2+s15], $0x80, s3, s15, $0xb8;
	[tilespmem:$0x1AC00] =	vst v63  }
0x1d: {  	_ = 	snop  }
0x1e: {  	[tilespmem:s17], [sflag:$0x4] =	stream.indirect.gather [hbm4b:s2+s15], $0x80, s12, s15, $0xb8;
	[tilespmem:$0x1AC00] =	vst v63  }
0x1f: {  	s13 =	simm.s32 $0x80  }
0x20: {  	[tilespmem:s19], [sflag:$0x2] =	stream.indirect.gather [hbm4b:s2+s15], $0x80, s13, s15, $0xb8;
	[tilespmem:$0x1AC00] =	vst v63  }
0x21: {  	s14 =	simm.s32 $0x4080  }
0x22: {  	[tilespmem:s21], [sflag:$0x5] =	stream.indirect.gather [hbm4b:s2+s15], $0x80, s14, s15, $0xb8;
	[tilespmem:$0x1AC00] =	vst v63  }
0x23: {  	s22 =	simm.s32 $0x100;
	s23 =	simm.s32 $0xD000  }
0x24: {  	[tilespmem:s23], [sflag:$0x3] =	stream.indirect.gather [hbm4b:s2+s15], $0x80, s22, s15, $0xb8;
	[tilespmem:$0x1AC00] =	vst v63  }
0x25: {  	s24 =	simm.s32 $0x4100;
	s7 =	simm.s32 $0x0  }
0x26: {  	[tilespmem:s25], [sflag:$0x6] =	stream.indirect.gather [hbm4b:s2+s15], $0x80, s24, s15, $0xb8;
	[tilespmem:$0x1AC00] =	vst v63  }
.LBB2_2:
0x27: {  	_ =	swait.ge [sflag:s26], $0x2800  }
0x28: {  	[sflag:s26] =	ssyncset.done $0x0  }
0x29: {  	[sflag:s26] =	ssyncadd.s32 $0xFFFFD800  }
0x2a: {  	_ =	swait.ge [sflag:s28], $0x2800  }
0x2b: {  	p0 =	seq.s32 s7, $0x0;
	[sflag:s28] =	ssyncset.done $0x0  }
0x2c: {  	s6 =	simm.s32 @!p0 $0x7;
	[sflag:s28] =	ssyncadd.s32 $0xFFFFD800  }
0x2d: {  	_ =	swait.ge @!p0 [sflag:s6], $0x1400  }
0x2e: {  	[sflag:s6] =	ssyncset.done @!p0 $0x0  }
0x2f: {  	s14 =	simm.s32 $0x8100;
	[sflag:s6] =	ssyncadd.s32 @!p0 $0xFFFFEC00  }
0x30: {  	s24 =	simm.s32 $0xF900;
	v0 =	vld [tilespmem:s14+$0x0]  }
0x31: {  	v1 =	vld [tilespmem:s24+$0x0]  }
0x32: {  	v2 =	vld [tilespmem:s14+$0x80]  }
0x33: {  	v3 =	vld [tilespmem:s24+$0x80];
	_ =	sdelay $0x4  }
0x34: {  	v4 =	vld [tilespmem:s24+$0xFFFFFF00];
	v0 =	vmul.f32 v1, v0;
	v1 =	vmul.f32 v3, v2  }
0x35: {  	v2 =	vld [tilespmem:s14+$0xFFFFFF80]  }
0x36: {  	s10 =	simm.s32 $0x17080;
	v3 =	vld [tilespmem:s24+$0xFFFFFF80];
	v0 =	vpack.i.f32.bf16 v1, v0  }
0x37: {  	v1 =	vld [tilespmem:s14+$0xFFFFFF00];
	[tilespmem:s10+$0x0] =	vst v0  }
0x38: {  	v0 =	vld [tilespmem:s14+$0x10]  }
0x39: {  	v5 =	vld [tilespmem:s24+$0x10]  }
0x3a: {  	v6 =	vld [tilespmem:s14+$0x90]  }
0x3b: {  	v7 =	vld [tilespmem:s24+$0x90]  }
0x3c: {  	v2 =	vmul.f32 v3, v2;
	v1 =	vmul.f32 v4, v1;
	_ =	sdelay $0x1  }
0x3d: {  	v1 =	vpack.i.f32.bf16 v2, v1  }
0x3e: {  	[tilespmem:s10+$0xFFFFFF80] =	vst v1  }
0x3f: {  	v0 =	vmul.f32 v5, v0;
	v2 =	vmul.f32 v7, v6;
	v1 =	vld [tilespmem:s14+$0xFFFFFF10]  }
0x40: {  	v3 =	vld [tilespmem:s24+$0xFFFFFF10]  }
0x41: {  	v4 =	vld [tilespmem:s14+$0xFFFFFF90];
	v0 =	vpack.i.f32.bf16 v2, v0  }
0x42: {  	v2 =	vld [tilespmem:s24+$0xFFFFFF90];
	[tilespmem:s10+$0x10] =	vst v0  }
0x43: {  	v0 =	vld [tilespmem:s14+$0x20]  }
0x44: {  	v5 =	vld [tilespmem:s24+$0x20]  }
0x45: {  	v6 =	vld [tilespmem:s14+$0xA0]  }
0x46: {  	v7 =	vld [tilespmem:s24+$0xA0]  }
0x47: {  	v1 =	vmul.f32 v3, v1;
	v2 =	vmul.f32 v2, v4;
	_ =	sdelay $0x1  }
0x48: {  	v1 =	vpack.i.f32.bf16 v2, v1  }
0x49: {  	[tilespmem:s10+$0xFFFFFF90] =	vst v1  }
0x4a: {  	v0 =	vmul.f32 v5, v0;
	v2 =	vmul.f32 v7, v6;
	v1 =	vld [tilespmem:s14+$0xFFFFFF20]  }
0x4b: {  	v3 =	vld [tilespmem:s24+$0xFFFFFF20]  }
0x4c: {  	v4 =	vld [tilespmem:s14+$0xFFFFFFA0];
	v0 =	vpack.i.f32.bf16 v2, v0  }
0x4d: {  	v2 =	vld [tilespmem:s24+$0xFFFFFFA0];
	[tilespmem:s10+$0x20] =	vst v0  }
0x4e: {  	v0 =	vld [tilespmem:s14+$0x30]  }
0x4f: {  	v5 =	vld [tilespmem:s24+$0x30]  }
0x50: {  	v6 =	vld [tilespmem:s14+$0xB0]  }
0x51: {  	v7 =	vld [tilespmem:s24+$0xB0]  }
0x52: {  	v1 =	vmul.f32 v3, v1;
	v2 =	vmul.f32 v2, v4;
	_ =	sdelay $0x1  }
0x53: {  	v1 =	vpack.i.f32.bf16 v2, v1  }
0x54: {  	[tilespmem:s10+$0xFFFFFFA0] =	vst v1  }
0x55: {  	v0 =	vmul.f32 v5, v0;
	v2 =	vmul.f32 v7, v6;
	v1 =	vld [tilespmem:s14+$0xFFFFFF30]  }
0x56: {  	v3 =	vld [tilespmem:s24+$0xFFFFFF30]  }
0x57: {  	v4 =	vld [tilespmem:s14+$0xFFFFFFB0];
	v0 =	vpack.i.f32.bf16 v2, v0  }
0x58: {  	v2 =	vld [tilespmem:s24+$0xFFFFFFB0];
	[tilespmem:s10+$0x30] =	vst v0  }
0x59: {  	v0 =	vld [tilespmem:s14+$0x40]  }
0x5a: {  	v5 =	vld [tilespmem:s24+$0x40]  }
0x5b: {  	v6 =	vld [tilespmem:s14+$0xC0]  }
0x5c: {  	v7 =	vld [tilespmem:s24+$0xC0];
	_ =	sdelay $0x2  }
0x5d: {  	v1 =	vmul.f32 v3, v1;
	v2 =	vmul.f32 v2, v4  }
0x5e: {  	s11 =	simm.s32 $0x8300  }
0x5f: {  	s13 =	simm.s32 $0xFB00;
	v8 =	vld [tilespmem:s11+$0x0];
	v1 =	vpack.i.f32.bf16 v2, v1;
	v0 =	vmul.f32 v5, v0;
	v2 =	vmul.f32 v7, v6  }
0x60: {  	v9 =	vld [tilespmem:s13+$0x0]  }
0x61: {  	v10 =	vld [tilespmem:s11+$0x80];
	v0 =	vpack.i.f32.bf16 v2, v0  }
0x62: {  	v11 =	vld [tilespmem:s13+$0x80];
	[tilespmem:s10+$0x40] =	vst v0  }
0x63: {  	v0 =	vld [tilespmem:s14+$0x50]  }
0x64: {  	v5 =	vld [tilespmem:s24+$0x50]  }
0x65: {  	v6 =	vld [tilespmem:s14+$0xD0]  }
0x66: {  	[tilespmem:s10+$0xFFFFFFB0] =	vst v1;
	v7 =	vld [tilespmem:s24+$0xD0]  }
0x67: {  	v1 =	vld [tilespmem:s14+$0xFFFFFF40]  }
0x68: {  	v3 =	vld [tilespmem:s24+$0xFFFFFF40]  }
0x69: {  	v4 =	vld [tilespmem:s14+$0xFFFFFFC0]  }
0x6a: {  	v2 =	vld [tilespmem:s24+$0xFFFFFFC0]  }
0x6b: {  	v0 =	vmul.f32 v5, v0;
	v5 =	vld [tilespmem:s13+$0xFFFFFF00];
	v6 =	vmul.f32 v7, v6  }
0x6c: {  	v7 =	vld [tilespmem:s11+$0xFFFFFF80]  }
0x6d: {  	v0 =	vpack.i.f32.bf16 v6, v0;
	v6 =	vld [tilespmem:s13+$0xFFFFFF80]  }
0x6e: {  	[tilespmem:s10+$0x50] =	vst v0;
	v0 =	vld [tilespmem:s11+$0xFFFFFF00]  }
0x6f: {  	v8 =	vmul.f32 v9, v8;
	v47 =	vmul.f32 v11, v10;
	v48 =	vld [tilespmem:s14+$0x60]  }
0x70: {  	v49 =	vld [tilespmem:s24+$0x60]  }
0x71: {  	s12 =	simm.s32 $0x17180;
	v8 =	vpack.i.f32.bf16 v47, v8;
	v50 =	vld [tilespmem:s14+$0xE0]  }
0x72: {  	[tilespmem:s12+$0x0] =	vst v8;
	v8 =	vld [tilespmem:s24+$0xE0]  }
0x73: {  	v6 =	vmul.f32 v6, v7;
	v7 =	vld [tilespmem:s13+$0x10];
	v0 =	vmul.f32 v5, v0  }
0x74: {  	v5 =	vld [tilespmem:s11+$0x10]  }
0x75: {  	v0 =	vpack.i.f32.bf16 v6, v0;
	v6 =	vld [tilespmem:s11+$0x90]  }
0x76: {  	v1 =	vmul.f32 v3, v1;
	v2 =	vmul.f32 v2, v4;
	[tilespmem:s12+$0xFFFFFF80] =	vst v0;
	v0 =	vld [tilespmem:s13+$0x90]  }
0x77: {  	v10 =	vmul.f32 v49, v48;
	v8 =	vmul.f32 v8, v50;
	v51 =	vld [tilespmem:s11+$0xFFFFFF10]  }
0x78: {  	v1 =	vpack.i.f32.bf16 v2, v1;
	v52 =	vld [tilespmem:s13+$0xFFFFFF10]  }
0x79: {  	[tilespmem:s10+$0xFFFFFFC0] =	vst v1;
	v8 =	vpack.i.f32.bf16 v8, v10;
	v53 =	vld [tilespmem:s11+$0xFFFFFF90]  }
0x7a: {  	[tilespmem:s10+$0x60] =	vst v8;
	v8 =	vld [tilespmem:s13+$0xFFFFFF90]  }
0x7b: {  	v56 =	vld [tilespmem:s24+$0xFFFFFF50];
	v5 =	vmul.f32 v7, v5;
	v0 =	vmul.f32 v0, v6  }
0x7c: {  	v57 =	vld [tilespmem:s14+$0xFFFFFFD0]  }
0x7d: {  	v7 =	vld [tilespmem:s24+$0x70];
	v0 =	vpack.i.f32.bf16 v0, v5  }
0x7e: {  	v12 =	vld [tilespmem:s24+$0xF0];
	[tilespmem:s12+$0x10] =	vst v0  }
0x7f: {  	v8 =	vmul.f32 v8, v53;
	v0 =	vmul.f32 v52, v51;
	v54 =	vld [tilespmem:s11+$0x20]  }
0x80: {  	v55 =	vld [tilespmem:s13+$0x20]  }
0x81: {  	v0 =	vpack.i.f32.bf16 v8, v0;
	v8 =	vld [tilespmem:s11+$0xA0]  }
0x82: {  	[tilespmem:s12+$0xFFFFFF90] =	vst v0;
	v0 =	vld [tilespmem:s13+$0xA0]  }
0x83: {  	v3 =	vld [tilespmem:s11+$0xFFFFFF20]  }
0x84: {  	v4 =	vld [tilespmem:s13+$0xFFFFFF20]  }
0x85: {  	v2 =	vld [tilespmem:s11+$0xFFFFFFA0]  }
0x86: {  	v1 =	vld [tilespmem:s13+$0xFFFFFFA0]  }
0x87: {  	v6 =	vld [tilespmem:s14+$0x70];
	v9 =	vmul.f32 v55, v54;
	v0 =	vmul.f32 v0, v8  }
0x88: {  	v5 =	vld [tilespmem:s14+$0xF0]  }
0x89: {  	v8 =	vld [tilespmem:s14+$0xFFFFFF50];
	v0 =	vpack.i.f32.bf16 v0, v9  }
0x8a: {  	[tilespmem:s12+$0x20] =	vst v0;
	v0 =	vld [tilespmem:s24+$0xFFFFFFD0]  }
0x8b: {  	v3 =	vmul.f32 v4, v3;
	v1 =	vmul.f32 v1, v2;
	v2 =	vld [tilespmem:s11+$0x30]  }
0x8c: {  	v4 =	vld [tilespmem:s13+$0x30]  }
0x8d: {  	v1 =	vpack.i.f32.bf16 v1, v3;
	v3 =	vld [tilespmem:s11+$0xB0]  }
0x8e: {  	[tilespmem:s12+$0xFFFFFFA0] =	vst v1;
	v1 =	vld [tilespmem:s13+$0xB0]  }
0x8f: {  	v8 =	vmul.f32 v56, v8;
	v58 =	vld [tilespmem:s11+$0xFFFFFF30];
	v0 =	vmul.f32 v0, v57  }
0x90: {  	v59 =	vld [tilespmem:s13+$0xFFFFFF30]  }
0x91: {  	v0 =	vpack.i.f32.bf16 v0, v8;
	v8 =	vld [tilespmem:s11+$0xFFFFFFB0]  }
0x92: {  	[tilespmem:s10+$0xFFFFFFD0] =	vst v0;
	v0 =	vld [tilespmem:s13+$0xFFFFFFB0]  }
0x93: {  	v2 =	vmul.f32 v4, v2;
	v1 =	vmul.f32 v1, v3;
	v3 =	vld [tilespmem:s14+$0xFFFFFF60]  }
0x94: {  	v4 =	vld [tilespmem:s24+$0xFFFFFF60]  }
0x95: {  	v1 =	vpack.i.f32.bf16 v1, v2;
	v2 =	vld [tilespmem:s14+$0xFFFFFFE0]  }
0x96: {  	[tilespmem:s12+$0x30] =	vst v1;
	v1 =	vld [tilespmem:s24+$0xFFFFFFE0]  }
0x97: {  	v9 =	vmul.f32 v59, v58;
	v60 =	vld [tilespmem:s13+$0x40];
	v0 =	vmul.f32 v0, v8  }
0x98: {  	v61 =	vld [tilespmem:s11+$0xC0]  }
0x99: {  	v8 =	vld [tilespmem:s11+$0x40];
	v0 =	vpack.i.f32.bf16 v0, v9  }
0x9a: {  	[tilespmem:s12+$0xFFFFFFB0] =	vst v0;
	v0 =	vld [tilespmem:s13+$0xC0]  }
0x9b: {  	v3 =	vmul.f32 v4, v3;
	v1 =	vmul.f32 v1, v2;
	v4 =	vld [tilespmem:s11+$0xFFFFFF40]  }
0x9c: {  	v2 =	vld [tilespmem:s13+$0xFFFFFF40]  }
0x9d: {  	v1 =	vpack.i.f32.bf16 v1, v3;
	v3 =	vld [tilespmem:s11+$0xFFFFFFC0]  }
0x9e: {  	[tilespmem:s10+$0xFFFFFFE0] =	vst v1;
	v62 =	vld [tilespmem:s13+$0xFFFFFFC0]  }
0x9f: {  	v1 =	vmul.f32 v60, v8;
	v8 =	vld [tilespmem:s14+$0xFFFFFF70];
	v0 =	vmul.f32 v0, v61  }
0xa0: {  	v63 =	vld [tilespmem:s24+$0xFFFFFF70]  }
0xa1: {  	v1 =	vpack.i.f32.bf16 v0, v1;
	v0 =	vld [tilespmem:s14+$0xFFFFFFF0]  }
0xa2: {  	v6 =	vmul.f32 v7, v6;
	v5 =	vmul.f32 v12, v5;
	[tilespmem:s12+$0x40] =	vst v1;
	v1 =	vld [tilespmem:s24+$0xFFFFFFF0]  }
0xa3: {  	v2 =	vmul.f32 v2, v4;
	v7 =	vmul.f32 v62, v3;
	v3 =	vld [tilespmem:s11+$0x50]  }
0xa4: {  	v5 =	vpack.i.f32.bf16 v5, v6;
	v4 =	vld [tilespmem:s13+$0x50]  }
0xa5: {  	[tilespmem:s10+$0x70] =	vst v5;
	v6 =	vpack.i.f32.bf16 v7, v2;
	v5 =	vld [tilespmem:s11+$0xD0]  }
0xa6: {  	s22 =	simm.s32 $0x2;
	s6 =	simm.s32 $0x8500;
	s14 =	simm.s32 $0xFB00;
	v2 =	vmul.f32 v63, v8;
	[tilespmem:s12+$0xFFFFFFC0] =	vst v6;
	v6 =	vld [tilespmem:s13+$0xD0]  }
.LBB2_3:
0xa7: {  	v7 =	vld [tilespmem:s6+$0x0];
	s13 =	sadd.s32 $0x200, s13;
	v0 =	vmul.f32 v1, v0  }
0xa8: {  	v1 =	vld [tilespmem:s13+$0x0]  }
0xa9: {  	v8 =	vld [tilespmem:s6+$0x80];
	v0 =	vpack.i.f32.bf16 v0, v2  }
0xaa: {  	v2 =	vld [tilespmem:s13+$0x80];
	[tilespmem:s10+$0xFFFFFFF0] =	vst v0;
	s10 =	smov.u32 s12  }
0xab: {  	v3 =	vmul.f32 v4, v3;
	v0 =	vld [tilespmem:s13+$0xFFFFFF00];
	v4 =	vmul.f32 v6, v5  }
0xac: {  	v5 =	vld [tilespmem:s6+$0xFFFFFF80]  }
0xad: {  	v6 =	vld [tilespmem:s13+$0xFFFFFF80];
	v3 =	vpack.i.f32.bf16 v4, v3  }
0xae: {  	v4 =	vld [tilespmem:s6+$0xFFFFFF00];
	[tilespmem:s12+$0x50] =	vst v3  }
0xaf: {  	v1 =	vmul.f32 v1, v7;
	v2 =	vmul.f32 v2, v8;
	v3 =	vld [tilespmem:s11+$0x60]  }
0xb0: {  	v7 =	vld [tilespmem:s14+$0x60]  }
0xb1: {  	s12 =	sadd.s32 $0x100, s12;
	v1 =	vpack.i.f32.bf16 v2, v1;
	v2 =	vld [tilespmem:s11+$0xE0]  }
0xb2: {  	v5 =	vmul.f32 v6, v5;
	[tilespmem:s12+$0x0] =	vst v1;
	v1 =	vld [tilespmem:s14+$0xE0]  }
0xb3: {  	v0 =	vmul.f32 v0, v4;
	v4 =	vld [tilespmem:s6+$0x10]  }
0xb4: {  	v6 =	vld [tilespmem:s13+$0x10]  }
0xb5: {  	v0 =	vpack.i.f32.bf16 v5, v0;
	v5 =	vld [tilespmem:s6+$0x90]  }
0xb6: {  	[tilespmem:s12+$0xFFFFFF80] =	vst v0;
	v0 =	vld [tilespmem:s13+$0x90]  }
0xb7: {  	v3 =	vmul.f32 v7, v3;
	v8 =	vld [tilespmem:s6+$0xFFFFFF10];
	v1 =	vmul.f32 v1, v2  }
0xb8: {  	v2 =	vld [tilespmem:s13+$0xFFFFFF10]  }
0xb9: {  	v7 =	vld [tilespmem:s6+$0xFFFFFF90];
	v1 =	vpack.i.f32.bf16 v1, v3  }
0xba: {  	v3 =	vld [tilespmem:s13+$0xFFFFFF90];
	[tilespmem:s10+$0x60] =	vst v1  }
0xbb: {  	v1 =	vmul.f32 v6, v4;
	v0 =	vmul.f32 v0, v5;
	v4 =	vld [tilespmem:s11+$0x70]  }
0xbc: {  	v5 =	vld [tilespmem:s14+$0x70]  }
0xbd: {  	v2 =	vmul.f32 v2, v8;
	v0 =	vpack.i.f32.bf16 v0, v1;
	v1 =	vld [tilespmem:s11+$0xF0]  }
0xbe: {  	[tilespmem:s12+$0x10] =	vst v0;
	v0 =	vld [tilespmem:s14+$0xF0]  }
0xbf: {  	s22 =	sadd.s32 $0x2, s22;
	v3 =	vmul.f32 v3, v7;
	v6 =	vld [tilespmem:s6+$0x20]  }
0xc0: {  	p1 =	slt.u32 s22, $0x26;
	v7 =	vld [tilespmem:s13+$0x20]  }
0xc1: {  	v2 =	vpack.i.f32.bf16 v3, v2;
	v3 =	vld [tilespmem:s6+$0xA0]  }
0xc2: {  	[tilespmem:s12+$0xFFFFFF90] =	vst v2;
	v2 =	vld [tilespmem:s13+$0xA0]  }
0xc3: {  	v4 =	vmul.f32 v5, v4;
	v8 =	vld [tilespmem:s6+$0xFFFFFF20];
	v0 =	vmul.f32 v0, v1  }
0xc4: {  	v1 =	vld [tilespmem:s13+$0xFFFFFF20]  }
0xc5: {  	v5 =	vld [tilespmem:s6+$0xFFFFFFA0];
	v0 =	vpack.i.f32.bf16 v0, v4  }
0xc6: {  	v4 =	vld [tilespmem:s13+$0xFFFFFFA0];
	[tilespmem:s10+$0x70] =	vst v0  }
0xc7: {  	v0 =	vmul.f32 v7, v6;
	v2 =	vmul.f32 v2, v3;
	v3 =	vld [tilespmem:s11+$0xFFFFFF50]  }
0xc8: {  	v6 =	vld [tilespmem:s14+$0xFFFFFF50]  }
0xc9: {  	v1 =	vmul.f32 v1, v8;
	v0 =	vpack.i.f32.bf16 v2, v0;
	v2 =	vld [tilespmem:s11+$0xFFFFFFD0]  }
0xca: {  	[tilespmem:s12+$0x20] =	vst v0;
	v0 =	vld [tilespmem:s14+$0xFFFFFFD0]  }
0xcb: {  	v4 =	vmul.f32 v4, v5;
	v5 =	vld [tilespmem:s6+$0x30]  }
0xcc: {  	v7 =	vld [tilespmem:s13+$0x30]  }
0xcd: {  	v1 =	vpack.i.f32.bf16 v4, v1;
	v4 =	vld [tilespmem:s6+$0xB0];
	v3 =	vmul.f32 v6, v3  }
0xce: {  	[tilespmem:s12+$0xFFFFFFA0] =	vst v1;
	v1 =	vld [tilespmem:s13+$0xB0]  }
0xcf: {  	v6 =	vld [tilespmem:s6+$0xFFFFFF30];
	v0 =	vmul.f32 v0, v2  }
0xd0: {  	v2 =	vld [tilespmem:s13+$0xFFFFFF30]  }
0xd1: {  	v8 =	vld [tilespmem:s6+$0xFFFFFFB0];
	v0 =	vpack.i.f32.bf16 v0, v3  }
0xd2: {  	v3 =	vld [tilespmem:s13+$0xFFFFFFB0];
	[tilespmem:s10+$0xFFFFFFD0] =	vst v0  }
0xd3: {  	v0 =	vmul.f32 v7, v5;
	v1 =	vmul.f32 v1, v4;
	v4 =	vld [tilespmem:s11+$0xFFFFFF60]  }
0xd4: {  	v5 =	vld [tilespmem:s14+$0xFFFFFF60]  }
0xd5: {  	v2 =	vmul.f32 v2, v6;
	v0 =	vpack.i.f32.bf16 v1, v0;
	v1 =	vld [tilespmem:s11+$0xFFFFFFE0]  }
0xd6: {  	[tilespmem:s12+$0x30] =	vst v0;
	v0 =	vld [tilespmem:s14+$0xFFFFFFE0]  }
0xd7: {  	v3 =	vmul.f32 v3, v8;
	v6 =	vld [tilespmem:s6+$0x40]  }
0xd8: {  	v7 =	vld [tilespmem:s13+$0x40]  }
0xd9: {  	v2 =	vpack.i.f32.bf16 v3, v2;
	v3 =	vld [tilespmem:s6+$0xC0];
	v4 =	vmul.f32 v5, v4  }
0xda: {  	[tilespmem:s12+$0xFFFFFFB0] =	vst v2;
	v2 =	vld [tilespmem:s13+$0xC0]  }
0xdb: {  	v5 =	vld [tilespmem:s6+$0xFFFFFF40];
	v0 =	vmul.f32 v0, v1  }
0xdc: {  	v1 =	vld [tilespmem:s13+$0xFFFFFF40]  }
0xdd: {  	v8 =	vld [tilespmem:s6+$0xFFFFFFC0];
	v0 =	vpack.i.f32.bf16 v0, v4  }
0xde: {  	v4 =	vld [tilespmem:s13+$0xFFFFFFC0];
	[tilespmem:s10+$0xFFFFFFE0] =	vst v0  }
0xdf: {  	v0 =	vmul.f32 v7, v6;
	v2 =	vmul.f32 v2, v3;
	v6 =	vld [tilespmem:s11+$0xFFFFFF70]  }
0xe0: {  	v7 =	vld [tilespmem:s14+$0xFFFFFF70]  }
0xe1: {  	v5 =	vmul.f32 v1, v5;
	v1 =	vpack.i.f32.bf16 v2, v0;
	v0 =	vld [tilespmem:s11+$0xFFFFFFF0];
	s11 =	smov.u32 s6  }
.Ltmp0:
0xe2: {  	[tilespmem:s12+$0x40] =	vst v1;
	v1 =	vld [tilespmem:s14+$0xFFFFFFF0];
	s14 =	smov.u32 s13;
	(pc) =	sbr.rel @p1 .LBB2_3-.Ltmp0, $4  }
0xe3: {  	v2 =	vmul.f32 v4, v8;
	v3 =	vld [tilespmem:s6+$0x50]  }
0xe4: {  	v4 =	vld [tilespmem:s13+$0x50]  }
0xe5: {  	v8 =	vpack.i.f32.bf16 v2, v5;
	v5 =	vld [tilespmem:s6+$0xD0];
	v2 =	vmul.f32 v7, v6  }
0xe6: {  	s6 =	sadd.s32 $0x200, s6;
	[tilespmem:s12+$0xFFFFFFC0] =	vst v8;
	v6 =	vld [tilespmem:s13+$0xD0]  }
0xe7: {  	v7 =	vld [tilespmem:s11+$0xFFFFFF50]  }
0xe8: {  	v8 =	vld [tilespmem:s14+$0xFFFFFF50]  }
0xe9: {  	v9 =	vld [tilespmem:s11+$0xFFFFFFD0]  }
0xea: {  	v10 =	vld [tilespmem:s14+$0xFFFFFFD0]  }
0xeb: {  	v3 =	vmul.f32 v4, v3;
	v4 =	vmul.f32 v6, v5;
	_ =	sdelay $0x1  }
0xec: {  	v3 =	vpack.i.f32.bf16 v4, v3  }
0xed: {  	[tilespmem:s12+$0x50] =	vst v3  }
0xee: {  	v5 =	vmul.f32 v10, v9;
	v4 =	vmul.f32 v8, v7;
	v3 =	vld [tilespmem:s11+$0x60]  }
0xef: {  	v6 =	vld [tilespmem:s14+$0x60]  }
0xf0: {  	v7 =	vld [tilespmem:s11+$0xE0];
	v4 =	vpack.i.f32.bf16 v5, v4  }
0xf1: {  	v5 =	vld [tilespmem:s14+$0xE0];
	[tilespmem:s12+$0xFFFFFFD0] =	vst v4  }
0xf2: {  	v4 =	vld [tilespmem:s11+$0xFFFFFF60]  }
0xf3: {  	v8 =	vld [tilespmem:s14+$0xFFFFFF60]  }
0xf4: {  	v41 =	vld [tilespmem:s11+$0xFFFFFFE0]  }
0xf5: {  	v42 =	vld [tilespmem:s14+$0xFFFFFFE0]  }
0xf6: {  	v3 =	vmul.f32 v6, v3;
	v5 =	vmul.f32 v5, v7;
	_ =	sdelay $0x1  }
0xf7: {  	v3 =	vpack.i.f32.bf16 v5, v3  }
0xf8: {  	[tilespmem:s12+$0x60] =	vst v3  }
0xf9: {  	v4 =	vmul.f32 v8, v4;
	v5 =	vmul.f32 v42, v41;
	v3 =	vld [tilespmem:s11+$0x70]  }
0xfa: {  	v6 =	vld [tilespmem:s14+$0x70]  }
0xfb: {  	v7 =	vld [tilespmem:s11+$0xF0];
	v4 =	vpack.i.f32.bf16 v5, v4  }
0xfc: {  	v5 =	vld [tilespmem:s14+$0xF0];
	[tilespmem:s12+$0xFFFFFFE0] =	vst v4  }
0xfd: {  	v4 =	vld [tilespmem:s11+$0xFFFFFF70]  }
0xfe: {  	v8 =	vld [tilespmem:s14+$0xFFFFFF70]  }
0xff: {  	v43 =	vld [tilespmem:s11+$0xFFFFFFF0]  }
0x100: {  	v44 =	vld [tilespmem:s14+$0xFFFFFFF0];
	_ =	sdelay $0x2  }
0x101: {  	v0 =	vmul.f32 v1, v0  }
0x102: {  	s11 =	smul.u32 $0xF0, s7;
	v1 =	vmul.f32 v6, v3;
	v3 =	vmul.f32 v5, v7  }
0x103: {  	v0 =	vpack.i.f32.bf16 v0, v2;
	v2 =	vmul.f32 v8, v4;
	v4 =	vmul.f32 v44, v43  }
0x104: {  	[tilespmem:s10+$0xFFFFFFF0] =	vst v0;
	s6 =	sadd.s32 s5, s11;
	v0 =	vpack.i.f32.bf16 v3, v1  }
0x105: {  	s6 =	sshll.u32 s6, $0x3;
	[tilespmem:s12+$0x70] =	vst v0;
	v0 =	vpack.i.f32.bf16 v4, v2  }
0x106: {  	s10 =	smul.u32 $0x180, s7;
	s6 =	sadd.s32 s4, s6;
	[tilespmem:s12+$0xFFFFFFF0] =	vst v0  }
0x107: {  	[hbm4b:s6+s3] =	stream.linear.scatter [tilespmem:s29], [sflag:$0x7], $0x1400, $0x38;
	[tilespmem:$0x1AC00] =	vst v63  }
0x108: {  	s22 =	sadd.s32 $0x180, s10  }
0x109: {  	[tilespmem:s16], [sflag:$0x1] =	stream.indirect.gather [hbm4b:s2+s15], $0x80, s22, s15, $0xb8;
	[tilespmem:$0x1AC00] =	vst v63  }
0x10a: {  	s23 =	sadd.s32 $0x4180, s10  }
0x10b: {  	[tilespmem:s17], [sflag:$0x4] =	stream.indirect.gather [hbm4b:s2+s15], $0x80, s23, s15, $0xb8;
	[tilespmem:$0x1AC00] =	vst v63  }
0x10c: {  	_ =	swait.ge [sflag:s30], $0x2800  }
0x10d: {  	[sflag:s30] =	ssyncset.done $0x0  }
0x10e: {  	[sflag:s30] =	ssyncadd.s32 $0xFFFFD800  }
0x10f: {  	_ =	swait.ge [sflag:s31], $0x2800  }
0x110: {  	[sflag:s31] =	ssyncset.done $0x0  }
0x111: {  	s6 =	simm.s32 @!p0 $0x8;
	[sflag:s31] =	ssyncadd.s32 $0xFFFFD800  }
0x112: {  	_ =	swait.ge @!p0 [sflag:s6], $0x1400  }
0x113: {  	[sflag:s6] =	ssyncset.done @!p0 $0x0  }
0x114: {  	s23 =	simm.s32 $0xA900;
	[sflag:s6] =	ssyncadd.s32 @!p0 $0xFFFFEC00  }
0x115: {  	s24 =	simm.s32 $0x12100;
	v0 =	vld [tilespmem:s23+$0x0]  }
0x116: {  	v1 =	vld [tilespmem:s24+$0x0]  }
0x117: {  	v2 =	vld [tilespmem:s23+$0x80]  }
0x118: {  	v3 =	vld [tilespmem:s24+$0x80];
	_ =	sdelay $0x4  }
0x119: {  	v4 =	vld [tilespmem:s24+$0xFFFFFF00];
	v0 =	vmul.f32 v1, v0;
	v1 =	vmul.f32 v3, v2  }
0x11a: {  	v2 =	vld [tilespmem:s23+$0xFFFFFF80]  }
0x11b: {  	s12 =	simm.s32 $0x18480;
	v3 =	vld [tilespmem:s24+$0xFFFFFF80];
	v0 =	vpack.i.f32.bf16 v1, v0  }
0x11c: {  	v1 =	vld [tilespmem:s23+$0xFFFFFF00];
	[tilespmem:s12+$0x0] =	vst v0  }
0x11d: {  	v0 =	vld [tilespmem:s23+$0x10]  }
0x11e: {  	v5 =	vld [tilespmem:s24+$0x10]  }
0x11f: {  	v6 =	vld [tilespmem:s23+$0x90]  }
0x120: {  	v7 =	vld [tilespmem:s24+$0x90]  }
0x121: {  	v2 =	vmul.f32 v3, v2;
	v1 =	vmul.f32 v4, v1;
	_ =	sdelay $0x1  }
0x122: {  	v1 =	vpack.i.f32.bf16 v2, v1  }
0x123: {  	[tilespmem:s12+$0xFFFFFF80] =	vst v1  }
0x124: {  	v0 =	vmul.f32 v5, v0;
	v2 =	vmul.f32 v7, v6;
	v1 =	vld [tilespmem:s23+$0xFFFFFF10]  }
0x125: {  	v3 =	vld [tilespmem:s24+$0xFFFFFF10]  }
0x126: {  	v4 =	vld [tilespmem:s23+$0xFFFFFF90];
	v0 =	vpack.i.f32.bf16 v2, v0  }
0x127: {  	v2 =	vld [tilespmem:s24+$0xFFFFFF90];
	[tilespmem:s12+$0x10] =	vst v0  }
0x128: {  	v0 =	vld [tilespmem:s23+$0x20]  }
0x129: {  	v5 =	vld [tilespmem:s24+$0x20]  }
0x12a: {  	v6 =	vld [tilespmem:s23+$0xA0]  }
0x12b: {  	v7 =	vld [tilespmem:s24+$0xA0]  }
0x12c: {  	v1 =	vmul.f32 v3, v1;
	v2 =	vmul.f32 v2, v4;
	_ =	sdelay $0x1  }
0x12d: {  	v1 =	vpack.i.f32.bf16 v2, v1  }
0x12e: {  	[tilespmem:s12+$0xFFFFFF90] =	vst v1  }
0x12f: {  	v0 =	vmul.f32 v5, v0;
	v2 =	vmul.f32 v7, v6;
	v1 =	vld [tilespmem:s23+$0xFFFFFF20]  }
0x130: {  	v3 =	vld [tilespmem:s24+$0xFFFFFF20]  }
0x131: {  	v4 =	vld [tilespmem:s23+$0xFFFFFFA0];
	v0 =	vpack.i.f32.bf16 v2, v0  }
0x132: {  	v2 =	vld [tilespmem:s24+$0xFFFFFFA0];
	[tilespmem:s12+$0x20] =	vst v0  }
0x133: {  	v0 =	vld [tilespmem:s23+$0x30]  }
0x134: {  	v5 =	vld [tilespmem:s24+$0x30]  }
0x135: {  	v6 =	vld [tilespmem:s23+$0xB0]  }
0x136: {  	v7 =	vld [tilespmem:s24+$0xB0]  }
0x137: {  	v1 =	vmul.f32 v3, v1;
	v2 =	vmul.f32 v2, v4;
	_ =	sdelay $0x1  }
0x138: {  	v1 =	vpack.i.f32.bf16 v2, v1  }
0x139: {  	[tilespmem:s12+$0xFFFFFFA0] =	vst v1  }
0x13a: {  	v0 =	vmul.f32 v5, v0;
	v2 =	vmul.f32 v7, v6;
	v1 =	vld [tilespmem:s23+$0xFFFFFF30]  }
0x13b: {  	v3 =	vld [tilespmem:s24+$0xFFFFFF30]  }
0x13c: {  	v4 =	vld [tilespmem:s23+$0xFFFFFFB0];
	v0 =	vpack.i.f32.bf16 v2, v0  }
0x13d: {  	v2 =	vld [tilespmem:s24+$0xFFFFFFB0];
	[tilespmem:s12+$0x30] =	vst v0  }
0x13e: {  	v0 =	vld [tilespmem:s23+$0x40]  }
0x13f: {  	v5 =	vld [tilespmem:s24+$0x40]  }
0x140: {  	v6 =	vld [tilespmem:s23+$0xC0]  }
0x141: {  	v7 =	vld [tilespmem:s24+$0xC0];
	_ =	sdelay $0x2  }
0x142: {  	v1 =	vmul.f32 v3, v1;
	v2 =	vmul.f32 v2, v4  }
0x143: {  	s14 =	simm.s32 $0xAB00  }
0x144: {  	s22 =	simm.s32 $0x12300;
	v8 =	vld [tilespmem:s14+$0x0];
	v1 =	vpack.i.f32.bf16 v2, v1;
	v0 =	vmul.f32 v5, v0;
	v2 =	vmul.f32 v7, v6  }
0x145: {  	v45 =	vld [tilespmem:s22+$0x0]  }
0x146: {  	v46 =	vld [tilespmem:s14+$0x80];
	v0 =	vpack.i.f32.bf16 v2, v0  }
0x147: {  	v11 =	vld [tilespmem:s22+$0x80];
	[tilespmem:s12+$0x40] =	vst v0  }
0x148: {  	v0 =	vld [tilespmem:s23+$0x50]  }
0x149: {  	v5 =	vld [tilespmem:s24+$0x50]  }
0x14a: {  	v6 =	vld [tilespmem:s23+$0xD0]  }
0x14b: {  	[tilespmem:s12+$0xFFFFFFB0] =	vst v1;
	v7 =	vld [tilespmem:s24+$0xD0]  }
0x14c: {  	v1 =	vld [tilespmem:s23+$0xFFFFFF40]  }
0x14d: {  	v3 =	vld [tilespmem:s24+$0xFFFFFF40]  }
0x14e: {  	v4 =	vld [tilespmem:s23+$0xFFFFFFC0]  }
0x14f: {  	v2 =	vld [tilespmem:s24+$0xFFFFFFC0]  }
0x150: {  	v0 =	vmul.f32 v5, v0;
	v5 =	vld [tilespmem:s22+$0xFFFFFF00];
	v6 =	vmul.f32 v7, v6  }
0x151: {  	v7 =	vld [tilespmem:s14+$0xFFFFFF80]  }
0x152: {  	v0 =	vpack.i.f32.bf16 v6, v0;
	v6 =	vld [tilespmem:s22+$0xFFFFFF80]  }
0x153: {  	[tilespmem:s12+$0x50] =	vst v0;
	v0 =	vld [tilespmem:s14+$0xFFFFFF00]  }
0x154: {  	v8 =	vmul.f32 v45, v8;
	v47 =	vmul.f32 v11, v46;
	v48 =	vld [tilespmem:s23+$0x60]  }
0x155: {  	v49 =	vld [tilespmem:s24+$0x60]  }
0x156: {  	s13 =	simm.s32 $0x18580;
	v8 =	vpack.i.f32.bf16 v47, v8;
	v50 =	vld [tilespmem:s23+$0xE0]  }
0x157: {  	[tilespmem:s13+$0x0] =	vst v8;
	v8 =	vld [tilespmem:s24+$0xE0]  }
0x158: {  	v6 =	vmul.f32 v6, v7;
	v7 =	vld [tilespmem:s22+$0x10];
	v0 =	vmul.f32 v5, v0  }
0x159: {  	v5 =	vld [tilespmem:s14+$0x10]  }
0x15a: {  	v0 =	vpack.i.f32.bf16 v6, v0;
	v6 =	vld [tilespmem:s14+$0x90]  }
0x15b: {  	v1 =	vmul.f32 v3, v1;
	v2 =	vmul.f32 v2, v4;
	[tilespmem:s13+$0xFFFFFF80] =	vst v0;
	v0 =	vld [tilespmem:s22+$0x90]  }
0x15c: {  	v10 =	vmul.f32 v49, v48;
	v8 =	vmul.f32 v8, v50;
	v51 =	vld [tilespmem:s14+$0xFFFFFF10]  }
0x15d: {  	v1 =	vpack.i.f32.bf16 v2, v1;
	v52 =	vld [tilespmem:s22+$0xFFFFFF10]  }
0x15e: {  	[tilespmem:s12+$0xFFFFFFC0] =	vst v1;
	v8 =	vpack.i.f32.bf16 v8, v10;
	v53 =	vld [tilespmem:s14+$0xFFFFFF90]  }
0x15f: {  	[tilespmem:s12+$0x60] =	vst v8;
	v8 =	vld [tilespmem:s22+$0xFFFFFF90]  }
0x160: {  	v56 =	vld [tilespmem:s24+$0xFFFFFF50];
	v5 =	vmul.f32 v7, v5;
	v0 =	vmul.f32 v0, v6  }
0x161: {  	v57 =	vld [tilespmem:s23+$0xFFFFFFD0]  }
0x162: {  	v7 =	vld [tilespmem:s24+$0x70];
	v0 =	vpack.i.f32.bf16 v0, v5  }
0x163: {  	v12 =	vld [tilespmem:s24+$0xF0];
	[tilespmem:s13+$0x10] =	vst v0  }
0x164: {  	v8 =	vmul.f32 v8, v53;
	v0 =	vmul.f32 v52, v51;
	v54 =	vld [tilespmem:s14+$0x20]  }
0x165: {  	v55 =	vld [tilespmem:s22+$0x20]  }
0x166: {  	v0 =	vpack.i.f32.bf16 v8, v0;
	v8 =	vld [tilespmem:s14+$0xA0]  }
0x167: {  	[tilespmem:s13+$0xFFFFFF90] =	vst v0;
	v0 =	vld [tilespmem:s22+$0xA0]  }
0x168: {  	v3 =	vld [tilespmem:s14+$0xFFFFFF20]  }
0x169: {  	v4 =	vld [tilespmem:s22+$0xFFFFFF20]  }
0x16a: {  	v2 =	vld [tilespmem:s14+$0xFFFFFFA0]  }
0x16b: {  	v1 =	vld [tilespmem:s22+$0xFFFFFFA0]  }
0x16c: {  	v6 =	vld [tilespmem:s23+$0x70];
	v9 =	vmul.f32 v55, v54;
	v0 =	vmul.f32 v0, v8  }
0x16d: {  	v5 =	vld [tilespmem:s23+$0xF0]  }
0x16e: {  	v8 =	vld [tilespmem:s23+$0xFFFFFF50];
	v0 =	vpack.i.f32.bf16 v0, v9  }
0x16f: {  	[tilespmem:s13+$0x20] =	vst v0;
	v0 =	vld [tilespmem:s24+$0xFFFFFFD0]  }
0x170: {  	v3 =	vmul.f32 v4, v3;
	v1 =	vmul.f32 v1, v2;
	v2 =	vld [tilespmem:s14+$0x30]  }
0x171: {  	v4 =	vld [tilespmem:s22+$0x30]  }
0x172: {  	v1 =	vpack.i.f32.bf16 v1, v3;
	v3 =	vld [tilespmem:s14+$0xB0]  }
0x173: {  	[tilespmem:s13+$0xFFFFFFA0] =	vst v1;
	v1 =	vld [tilespmem:s22+$0xB0]  }
0x174: {  	v8 =	vmul.f32 v56, v8;
	v58 =	vld [tilespmem:s14+$0xFFFFFF30];
	v0 =	vmul.f32 v0, v57  }
0x175: {  	v59 =	vld [tilespmem:s22+$0xFFFFFF30]  }
0x176: {  	v0 =	vpack.i.f32.bf16 v0, v8;
	v8 =	vld [tilespmem:s14+$0xFFFFFFB0]  }
0x177: {  	[tilespmem:s12+$0xFFFFFFD0] =	vst v0;
	v0 =	vld [tilespmem:s22+$0xFFFFFFB0]  }
0x178: {  	v2 =	vmul.f32 v4, v2;
	v1 =	vmul.f32 v1, v3;
	v3 =	vld [tilespmem:s23+$0xFFFFFF60]  }
0x179: {  	v4 =	vld [tilespmem:s24+$0xFFFFFF60]  }
0x17a: {  	v1 =	vpack.i.f32.bf16 v1, v2;
	v2 =	vld [tilespmem:s23+$0xFFFFFFE0]  }
0x17b: {  	[tilespmem:s13+$0x30] =	vst v1;
	v1 =	vld [tilespmem:s24+$0xFFFFFFE0]  }
0x17c: {  	v9 =	vmul.f32 v59, v58;
	v60 =	vld [tilespmem:s22+$0x40];
	v0 =	vmul.f32 v0, v8  }
0x17d: {  	v61 =	vld [tilespmem:s14+$0xC0]  }
0x17e: {  	v8 =	vld [tilespmem:s14+$0x40];
	v0 =	vpack.i.f32.bf16 v0, v9  }
0x17f: {  	[tilespmem:s13+$0xFFFFFFB0] =	vst v0;
	v0 =	vld [tilespmem:s22+$0xC0]  }
0x180: {  	v3 =	vmul.f32 v4, v3;
	v1 =	vmul.f32 v1, v2;
	v4 =	vld [tilespmem:s14+$0xFFFFFF40]  }
0x181: {  	v2 =	vld [tilespmem:s22+$0xFFFFFF40]  }
0x182: {  	v1 =	vpack.i.f32.bf16 v1, v3;
	v3 =	vld [tilespmem:s14+$0xFFFFFFC0]  }
0x183: {  	[tilespmem:s12+$0xFFFFFFE0] =	vst v1;
	v62 =	vld [tilespmem:s22+$0xFFFFFFC0]  }
0x184: {  	v1 =	vmul.f32 v60, v8;
	v8 =	vld [tilespmem:s23+$0xFFFFFF70];
	v0 =	vmul.f32 v0, v61  }
0x185: {  	v63 =	vld [tilespmem:s24+$0xFFFFFF70]  }
0x186: {  	v1 =	vpack.i.f32.bf16 v0, v1;
	v0 =	vld [tilespmem:s23+$0xFFFFFFF0]  }
0x187: {  	v6 =	vmul.f32 v7, v6;
	v5 =	vmul.f32 v12, v5;
	[tilespmem:s13+$0x40] =	vst v1;
	v1 =	vld [tilespmem:s24+$0xFFFFFFF0]  }
0x188: {  	v2 =	vmul.f32 v2, v4;
	v7 =	vmul.f32 v62, v3;
	v3 =	vld [tilespmem:s14+$0x50]  }
0x189: {  	v5 =	vpack.i.f32.bf16 v5, v6;
	v4 =	vld [tilespmem:s22+$0x50]  }
0x18a: {  	[tilespmem:s12+$0x70] =	vst v5;
	v6 =	vpack.i.f32.bf16 v7, v2;
	v5 =	vld [tilespmem:s14+$0xD0]  }
0x18b: {  	s6 =	simm.s32 $0x2;
	s23 =	simm.s32 $0xAD00;
	v2 =	vmul.f32 v63, v8;
	s24 =	simm.s32 $0x12300;
	[tilespmem:s13+$0xFFFFFFC0] =	vst v6;
	v6 =	vld [tilespmem:s22+$0xD0]  }
.LBB2_5:
0x18c: {  	v7 =	vld [tilespmem:s23+$0x0];
	s22 =	sadd.s32 $0x200, s22;
	v0 =	vmul.f32 v1, v0  }
0x18d: {  	v1 =	vld [tilespmem:s22+$0x0]  }
0x18e: {  	v8 =	vld [tilespmem:s23+$0x80];
	v0 =	vpack.i.f32.bf16 v0, v2  }
0x18f: {  	v2 =	vld [tilespmem:s22+$0x80];
	[tilespmem:s12+$0xFFFFFFF0] =	vst v0;
	s12 =	smov.u32 s13  }
0x190: {  	v3 =	vmul.f32 v4, v3;
	v0 =	vld [tilespmem:s22+$0xFFFFFF00];
	v4 =	vmul.f32 v6, v5  }
0x191: {  	v5 =	vld [tilespmem:s23+$0xFFFFFF80]  }
0x192: {  	v6 =	vld [tilespmem:s22+$0xFFFFFF80];
	v3 =	vpack.i.f32.bf16 v4, v3  }
0x193: {  	v4 =	vld [tilespmem:s23+$0xFFFFFF00];
	[tilespmem:s13+$0x50] =	vst v3  }
0x194: {  	v1 =	vmul.f32 v1, v7;
	v2 =	vmul.f32 v2, v8;
	v3 =	vld [tilespmem:s14+$0x60]  }
0x195: {  	v7 =	vld [tilespmem:s24+$0x60]  }
0x196: {  	s13 =	sadd.s32 $0x100, s13;
	v1 =	vpack.i.f32.bf16 v2, v1;
	v2 =	vld [tilespmem:s14+$0xE0]  }
0x197: {  	v5 =	vmul.f32 v6, v5;
	[tilespmem:s13+$0x0] =	vst v1;
	v1 =	vld [tilespmem:s24+$0xE0]  }
0x198: {  	v0 =	vmul.f32 v0, v4;
	v4 =	vld [tilespmem:s23+$0x10]  }
0x199: {  	v6 =	vld [tilespmem:s22+$0x10]  }
0x19a: {  	v0 =	vpack.i.f32.bf16 v5, v0;
	v5 =	vld [tilespmem:s23+$0x90]  }
0x19b: {  	[tilespmem:s13+$0xFFFFFF80] =	vst v0;
	v0 =	vld [tilespmem:s22+$0x90]  }
0x19c: {  	v3 =	vmul.f32 v7, v3;
	v8 =	vld [tilespmem:s23+$0xFFFFFF10];
	v1 =	vmul.f32 v1, v2  }
0x19d: {  	v2 =	vld [tilespmem:s22+$0xFFFFFF10]  }
0x19e: {  	v7 =	vld [tilespmem:s23+$0xFFFFFF90];
	v1 =	vpack.i.f32.bf16 v1, v3  }
0x19f: {  	v3 =	vld [tilespmem:s22+$0xFFFFFF90];
	[tilespmem:s12+$0x60] =	vst v1  }
0x1a0: {  	v1 =	vmul.f32 v6, v4;
	v0 =	vmul.f32 v0, v5;
	v4 =	vld [tilespmem:s14+$0x70]  }
0x1a1: {  	v5 =	vld [tilespmem:s24+$0x70]  }
0x1a2: {  	v2 =	vmul.f32 v2, v8;
	v0 =	vpack.i.f32.bf16 v0, v1;
	v1 =	vld [tilespmem:s14+$0xF0]  }
0x1a3: {  	[tilespmem:s13+$0x10] =	vst v0;
	v0 =	vld [tilespmem:s24+$0xF0]  }
0x1a4: {  	s6 =	sadd.s32 $0x2, s6;
	v3 =	vmul.f32 v3, v7;
	v6 =	vld [tilespmem:s23+$0x20]  }
0x1a5: {  	p1 =	slt.u32 s6, $0x26;
	v7 =	vld [tilespmem:s22+$0x20]  }
0x1a6: {  	v2 =	vpack.i.f32.bf16 v3, v2;
	v3 =	vld [tilespmem:s23+$0xA0]  }
0x1a7: {  	[tilespmem:s13+$0xFFFFFF90] =	vst v2;
	v2 =	vld [tilespmem:s22+$0xA0]  }
0x1a8: {  	v4 =	vmul.f32 v5, v4;
	v8 =	vld [tilespmem:s23+$0xFFFFFF20];
	v0 =	vmul.f32 v0, v1  }
0x1a9: {  	v1 =	vld [tilespmem:s22+$0xFFFFFF20]  }
0x1aa: {  	v5 =	vld [tilespmem:s23+$0xFFFFFFA0];
	v0 =	vpack.i.f32.bf16 v0, v4  }
0x1ab: {  	v4 =	vld [tilespmem:s22+$0xFFFFFFA0];
	[tilespmem:s12+$0x70] =	vst v0  }
0x1ac: {  	v0 =	vmul.f32 v7, v6;
	v2 =	vmul.f32 v2, v3;
	v3 =	vld [tilespmem:s14+$0xFFFFFF50]  }
0x1ad: {  	v6 =	vld [tilespmem:s24+$0xFFFFFF50]  }
0x1ae: {  	v1 =	vmul.f32 v1, v8;
	v0 =	vpack.i.f32.bf16 v2, v0;
	v2 =	vld [tilespmem:s14+$0xFFFFFFD0]  }
0x1af: {  	[tilespmem:s13+$0x20] =	vst v0;
	v0 =	vld [tilespmem:s24+$0xFFFFFFD0]  }
0x1b0: {  	v4 =	vmul.f32 v4, v5;
	v5 =	vld [tilespmem:s23+$0x30]  }
0x1b1: {  	v7 =	vld [tilespmem:s22+$0x30]  }
0x1b2: {  	v1 =	vpack.i.f32.bf16 v4, v1;
	v4 =	vld [tilespmem:s23+$0xB0];
	v3 =	vmul.f32 v6, v3  }
0x1b3: {  	[tilespmem:s13+$0xFFFFFFA0] =	vst v1;
	v1 =	vld [tilespmem:s22+$0xB0]  }
0x1b4: {  	v6 =	vld [tilespmem:s23+$0xFFFFFF30];
	v0 =	vmul.f32 v0, v2  }
0x1b5: {  	v2 =	vld [tilespmem:s22+$0xFFFFFF30]  }
0x1b6: {  	v8 =	vld [tilespmem:s23+$0xFFFFFFB0];
	v0 =	vpack.i.f32.bf16 v0, v3  }
0x1b7: {  	v3 =	vld [tilespmem:s22+$0xFFFFFFB0];
	[tilespmem:s12+$0xFFFFFFD0] =	vst v0  }
0x1b8: {  	v0 =	vmul.f32 v7, v5;
	v1 =	vmul.f32 v1, v4;
	v4 =	vld [tilespmem:s14+$0xFFFFFF60]  }
0x1b9: {  	v5 =	vld [tilespmem:s24+$0xFFFFFF60]  }
0x1ba: {  	v2 =	vmul.f32 v2, v6;
	v0 =	vpack.i.f32.bf16 v1, v0;
	v1 =	vld [tilespmem:s14+$0xFFFFFFE0]  }
0x1bb: {  	[tilespmem:s13+$0x30] =	vst v0;
	v0 =	vld [tilespmem:s24+$0xFFFFFFE0]  }
0x1bc: {  	v3 =	vmul.f32 v3, v8;
	v6 =	vld [tilespmem:s23+$0x40]  }
0x1bd: {  	v7 =	vld [tilespmem:s22+$0x40]  }
0x1be: {  	v2 =	vpack.i.f32.bf16 v3, v2;
	v3 =	vld [tilespmem:s23+$0xC0];
	v4 =	vmul.f32 v5, v4  }
0x1bf: {  	[tilespmem:s13+$0xFFFFFFB0] =	vst v2;
	v2 =	vld [tilespmem:s22+$0xC0]  }
0x1c0: {  	v5 =	vld [tilespmem:s23+$0xFFFFFF40];
	v0 =	vmul.f32 v0, v1  }
0x1c1: {  	v1 =	vld [tilespmem:s22+$0xFFFFFF40]  }
0x1c2: {  	v8 =	vld [tilespmem:s23+$0xFFFFFFC0];
	v0 =	vpack.i.f32.bf16 v0, v4  }
0x1c3: {  	v4 =	vld [tilespmem:s22+$0xFFFFFFC0];
	[tilespmem:s12+$0xFFFFFFE0] =	vst v0  }
0x1c4: {  	v0 =	vmul.f32 v7, v6;
	v2 =	vmul.f32 v2, v3;
	v6 =	vld [tilespmem:s14+$0xFFFFFF70]  }
0x1c5: {  	v7 =	vld [tilespmem:s24+$0xFFFFFF70]  }
0x1c6: {  	v5 =	vmul.f32 v1, v5;
	v1 =	vpack.i.f32.bf16 v2, v0;
	v0 =	vld [tilespmem:s14+$0xFFFFFFF0];
	s14 =	smov.u32 s23  }
.Ltmp1:
0x1c7: {  	[tilespmem:s13+$0x40] =	vst v1;
	v1 =	vld [tilespmem:s24+$0xFFFFFFF0];
	s24 =	smov.u32 s22;
	(pc) =	sbr.rel @p1 .LBB2_5-.Ltmp1, $4  }
0x1c8: {  	v2 =	vmul.f32 v4, v8;
	v3 =	vld [tilespmem:s23+$0x50]  }
0x1c9: {  	v4 =	vld [tilespmem:s22+$0x50]  }
0x1ca: {  	v8 =	vpack.i.f32.bf16 v2, v5;
	v5 =	vld [tilespmem:s23+$0xD0];
	v2 =	vmul.f32 v7, v6  }
0x1cb: {  	s23 =	sadd.s32 $0x200, s23;
	[tilespmem:s13+$0xFFFFFFC0] =	vst v8;
	v6 =	vld [tilespmem:s22+$0xD0]  }
0x1cc: {  	v7 =	vld [tilespmem:s14+$0xFFFFFF50]  }
0x1cd: {  	v8 =	vld [tilespmem:s24+$0xFFFFFF50]  }
0x1ce: {  	v9 =	vld [tilespmem:s14+$0xFFFFFFD0]  }
0x1cf: {  	v10 =	vld [tilespmem:s24+$0xFFFFFFD0]  }
0x1d0: {  	v3 =	vmul.f32 v4, v3;
	v4 =	vmul.f32 v6, v5;
	_ =	sdelay $0x1  }
0x1d1: {  	v3 =	vpack.i.f32.bf16 v4, v3  }
0x1d2: {  	[tilespmem:s13+$0x50] =	vst v3  }
0x1d3: {  	v5 =	vmul.f32 v10, v9;
	v4 =	vmul.f32 v8, v7;
	v3 =	vld [tilespmem:s14+$0x60]  }
0x1d4: {  	v6 =	vld [tilespmem:s24+$0x60]  }
0x1d5: {  	v7 =	vld [tilespmem:s14+$0xE0];
	v4 =	vpack.i.f32.bf16 v5, v4  }
0x1d6: {  	v5 =	vld [tilespmem:s24+$0xE0];
	[tilespmem:s13+$0xFFFFFFD0] =	vst v4  }
0x1d7: {  	v4 =	vld [tilespmem:s14+$0xFFFFFF60]  }
0x1d8: {  	v8 =	vld [tilespmem:s24+$0xFFFFFF60]  }
0x1d9: {  	v41 =	vld [tilespmem:s14+$0xFFFFFFE0]  }
0x1da: {  	v42 =	vld [tilespmem:s24+$0xFFFFFFE0]  }
0x1db: {  	v3 =	vmul.f32 v6, v3;
	v5 =	vmul.f32 v5, v7;
	_ =	sdelay $0x1  }
0x1dc: {  	v3 =	vpack.i.f32.bf16 v5, v3  }
0x1dd: {  	[tilespmem:s13+$0x60] =	vst v3  }
0x1de: {  	v4 =	vmul.f32 v8, v4;
	v5 =	vmul.f32 v42, v41;
	v3 =	vld [tilespmem:s14+$0x70]  }
0x1df: {  	v6 =	vld [tilespmem:s24+$0x70]  }
0x1e0: {  	v7 =	vld [tilespmem:s14+$0xF0];
	v4 =	vpack.i.f32.bf16 v5, v4  }
0x1e1: {  	v5 =	vld [tilespmem:s24+$0xF0];
	[tilespmem:s13+$0xFFFFFFE0] =	vst v4  }
0x1e2: {  	v4 =	vld [tilespmem:s14+$0xFFFFFF70]  }
0x1e3: {  	v8 =	vld [tilespmem:s24+$0xFFFFFF70]  }
0x1e4: {  	v43 =	vld [tilespmem:s14+$0xFFFFFFF0]  }
0x1e5: {  	v44 =	vld [tilespmem:s24+$0xFFFFFFF0];
	_ =	sdelay $0x2  }
0x1e6: {  	v0 =	vmul.f32 v1, v0  }
0x1e7: {  	v1 =	vmul.f32 v6, v3;
	v3 =	vmul.f32 v5, v7  }
0x1e8: {  	v0 =	vpack.i.f32.bf16 v0, v2;
	v2 =	vmul.f32 v8, v4;
	v4 =	vmul.f32 v44, v43  }
0x1e9: {  	s6 =	sadd.s32 s11, s8;
	[tilespmem:s12+$0xFFFFFFF0] =	vst v0;
	v0 =	vpack.i.f32.bf16 v3, v1  }
0x1ea: {  	s6 =	sshll.u32 s6, $0x3;
	[tilespmem:s13+$0x70] =	vst v0;
	v0 =	vpack.i.f32.bf16 v4, v2  }
0x1eb: {  	s6 =	sadd.s32 s4, s6;
	[tilespmem:s13+$0xFFFFFFF0] =	vst v0  }
0x1ec: {  	[hbm4b:s6+s3] =	stream.linear.scatter [tilespmem:s0], [sflag:$0x8], $0x1400, $0x38;
	[tilespmem:$0x1AC00] =	vst v63  }
0x1ed: {  	s22 =	sadd.s32 $0x200, s10  }
0x1ee: {  	[tilespmem:s19], [sflag:$0x2] =	stream.indirect.gather [hbm4b:s2+s15], $0x80, s22, s15, $0xb8;
	[tilespmem:$0x1AC00] =	vst v63  }
0x1ef: {  	s23 =	sadd.s32 $0x4200, s10  }
0x1f0: {  	[tilespmem:s21], [sflag:$0x5] =	stream.indirect.gather [hbm4b:s2+s15], $0x80, s23, s15, $0xb8;
	[tilespmem:$0x1AC00] =	vst v63  }
0x1f1: {  	_ =	swait.ge [sflag:s1], $0x2800  }
0x1f2: {  	[sflag:s1] =	ssyncset.done $0x0  }
0x1f3: {  	[sflag:s1] =	ssyncadd.s32 $0xFFFFD800  }
0x1f4: {  	_ =	swait.ge [sflag:s18], $0x2800  }
0x1f5: {  	[sflag:s18] =	ssyncset.done $0x0  }
0x1f6: {  	s6 =	simm.s32 @!p0 $0x9;
	[sflag:s18] =	ssyncadd.s32 $0xFFFFD800  }
0x1f7: {  	_ =	swait.ge @!p0 [sflag:s6], $0x1400  }
0x1f8: {  	[sflag:s6] =	ssyncset.done @!p0 $0x0  }
0x1f9: {  	s23 =	simm.s32 $0xD100;
	[sflag:s6] =	ssyncadd.s32 @!p0 $0xFFFFEC00  }
0x1fa: {  	s24 =	simm.s32 $0x14900;
	v0 =	vld [tilespmem:s23+$0x0]  }
0x1fb: {  	v1 =	vld [tilespmem:s24+$0x0]  }
0x1fc: {  	v2 =	vld [tilespmem:s23+$0x80]  }
0x1fd: {  	v3 =	vld [tilespmem:s24+$0x80];
	_ =	sdelay $0x4  }
0x1fe: {  	v4 =	vld [tilespmem:s24+$0xFFFFFF00];
	v0 =	vmul.f32 v1, v0;
	v1 =	vmul.f32 v3, v2  }
0x1ff: {  	v2 =	vld [tilespmem:s23+$0xFFFFFF80]  }
0x200: {  	s12 =	simm.s32 $0x19880;
	v3 =	vld [tilespmem:s24+$0xFFFFFF80];
	v0 =	vpack.i.f32.bf16 v1, v0  }
0x201: {  	v1 =	vld [tilespmem:s23+$0xFFFFFF00];
	[tilespmem:s12+$0x0] =	vst v0  }
0x202: {  	v0 =	vld [tilespmem:s23+$0x10]  }
0x203: {  	v5 =	vld [tilespmem:s24+$0x10]  }
0x204: {  	v6 =	vld [tilespmem:s23+$0x90]  }
0x205: {  	v7 =	vld [tilespmem:s24+$0x90]  }
0x206: {  	v2 =	vmul.f32 v3, v2;
	v1 =	vmul.f32 v4, v1;
	_ =	sdelay $0x1  }
0x207: {  	v1 =	vpack.i.f32.bf16 v2, v1  }
0x208: {  	[tilespmem:s12+$0xFFFFFF80] =	vst v1  }
0x209: {  	v0 =	vmul.f32 v5, v0;
	v2 =	vmul.f32 v7, v6;
	v1 =	vld [tilespmem:s23+$0xFFFFFF10]  }
0x20a: {  	v3 =	vld [tilespmem:s24+$0xFFFFFF10]  }
0x20b: {  	v4 =	vld [tilespmem:s23+$0xFFFFFF90];
	v0 =	vpack.i.f32.bf16 v2, v0  }
0x20c: {  	v2 =	vld [tilespmem:s24+$0xFFFFFF90];
	[tilespmem:s12+$0x10] =	vst v0  }
0x20d: {  	v0 =	vld [tilespmem:s23+$0x20]  }
0x20e: {  	v5 =	vld [tilespmem:s24+$0x20]  }
0x20f: {  	v6 =	vld [tilespmem:s23+$0xA0]  }
0x210: {  	v7 =	vld [tilespmem:s24+$0xA0]  }
0x211: {  	v1 =	vmul.f32 v3, v1;
	v2 =	vmul.f32 v2, v4;
	_ =	sdelay $0x1  }
0x212: {  	v1 =	vpack.i.f32.bf16 v2, v1  }
0x213: {  	[tilespmem:s12+$0xFFFFFF90] =	vst v1  }
0x214: {  	v0 =	vmul.f32 v5, v0;
	v2 =	vmul.f32 v7, v6;
	v1 =	vld [tilespmem:s23+$0xFFFFFF20]  }
0x215: {  	v3 =	vld [tilespmem:s24+$0xFFFFFF20]  }
0x216: {  	v4 =	vld [tilespmem:s23+$0xFFFFFFA0];
	v0 =	vpack.i.f32.bf16 v2, v0  }
0x217: {  	v2 =	vld [tilespmem:s24+$0xFFFFFFA0];
	[tilespmem:s12+$0x20] =	vst v0  }
0x218: {  	v0 =	vld [tilespmem:s23+$0x30]  }
0x219: {  	v5 =	vld [tilespmem:s24+$0x30]  }
0x21a: {  	v6 =	vld [tilespmem:s23+$0xB0]  }
0x21b: {  	v7 =	vld [tilespmem:s24+$0xB0]  }
0x21c: {  	v1 =	vmul.f32 v3, v1;
	v2 =	vmul.f32 v2, v4;
	_ =	sdelay $0x1  }
0x21d: {  	v1 =	vpack.i.f32.bf16 v2, v1  }
0x21e: {  	[tilespmem:s12+$0xFFFFFFA0] =	vst v1  }
0x21f: {  	v0 =	vmul.f32 v5, v0;
	v2 =	vmul.f32 v7, v6;
	v1 =	vld [tilespmem:s23+$0xFFFFFF30]  }
0x220: {  	v3 =	vld [tilespmem:s24+$0xFFFFFF30]  }
0x221: {  	v4 =	vld [tilespmem:s23+$0xFFFFFFB0];
	v0 =	vpack.i.f32.bf16 v2, v0  }
0x222: {  	v2 =	vld [tilespmem:s24+$0xFFFFFFB0];
	[tilespmem:s12+$0x30] =	vst v0  }
0x223: {  	v0 =	vld [tilespmem:s23+$0x40]  }
0x224: {  	v5 =	vld [tilespmem:s24+$0x40]  }
0x225: {  	v6 =	vld [tilespmem:s23+$0xC0]  }
0x226: {  	v7 =	vld [tilespmem:s24+$0xC0];
	_ =	sdelay $0x2  }
0x227: {  	v1 =	vmul.f32 v3, v1;
	v2 =	vmul.f32 v2, v4  }
0x228: {  	s14 =	simm.s32 $0xD300  }
0x229: {  	s22 =	simm.s32 $0x14B00;
	v8 =	vld [tilespmem:s14+$0x0];
	v1 =	vpack.i.f32.bf16 v2, v1;
	v0 =	vmul.f32 v5, v0;
	v2 =	vmul.f32 v7, v6  }
0x22a: {  	v45 =	vld [tilespmem:s22+$0x0]  }
0x22b: {  	v46 =	vld [tilespmem:s14+$0x80];
	v0 =	vpack.i.f32.bf16 v2, v0  }
0x22c: {  	v11 =	vld [tilespmem:s22+$0x80];
	[tilespmem:s12+$0x40] =	vst v0  }
0x22d: {  	v0 =	vld [tilespmem:s23+$0x50]  }
0x22e: {  	v5 =	vld [tilespmem:s24+$0x50]  }
0x22f: {  	v6 =	vld [tilespmem:s23+$0xD0]  }
0x230: {  	[tilespmem:s12+$0xFFFFFFB0] =	vst v1;
	v7 =	vld [tilespmem:s24+$0xD0]  }
0x231: {  	v1 =	vld [tilespmem:s23+$0xFFFFFF40]  }
0x232: {  	v3 =	vld [tilespmem:s24+$0xFFFFFF40]  }
0x233: {  	v4 =	vld [tilespmem:s23+$0xFFFFFFC0]  }
0x234: {  	v2 =	vld [tilespmem:s24+$0xFFFFFFC0]  }
0x235: {  	v0 =	vmul.f32 v5, v0;
	v5 =	vld [tilespmem:s22+$0xFFFFFF00];
	v6 =	vmul.f32 v7, v6  }
0x236: {  	v7 =	vld [tilespmem:s14+$0xFFFFFF80]  }
0x237: {  	v0 =	vpack.i.f32.bf16 v6, v0;
	v6 =	vld [tilespmem:s22+$0xFFFFFF80]  }
0x238: {  	[tilespmem:s12+$0x50] =	vst v0;
	v0 =	vld [tilespmem:s14+$0xFFFFFF00]  }
0x239: {  	v8 =	vmul.f32 v45, v8;
	v47 =	vmul.f32 v11, v46;
	v48 =	vld [tilespmem:s23+$0x60]  }
0x23a: {  	v49 =	vld [tilespmem:s24+$0x60]  }
0x23b: {  	s13 =	simm.s32 $0x19980;
	v8 =	vpack.i.f32.bf16 v47, v8;
	v50 =	vld [tilespmem:s23+$0xE0]  }
0x23c: {  	[tilespmem:s13+$0x0] =	vst v8;
	v8 =	vld [tilespmem:s24+$0xE0]  }
0x23d: {  	v6 =	vmul.f32 v6, v7;
	v7 =	vld [tilespmem:s22+$0x10];
	v0 =	vmul.f32 v5, v0  }
0x23e: {  	v5 =	vld [tilespmem:s14+$0x10]  }
0x23f: {  	v0 =	vpack.i.f32.bf16 v6, v0;
	v6 =	vld [tilespmem:s14+$0x90]  }
0x240: {  	v1 =	vmul.f32 v3, v1;
	v2 =	vmul.f32 v2, v4;
	[tilespmem:s13+$0xFFFFFF80] =	vst v0;
	v0 =	vld [tilespmem:s22+$0x90]  }
0x241: {  	v10 =	vmul.f32 v49, v48;
	v8 =	vmul.f32 v8, v50;
	v51 =	vld [tilespmem:s14+$0xFFFFFF10]  }
0x242: {  	v1 =	vpack.i.f32.bf16 v2, v1;
	v52 =	vld [tilespmem:s22+$0xFFFFFF10]  }
0x243: {  	[tilespmem:s12+$0xFFFFFFC0] =	vst v1;
	v8 =	vpack.i.f32.bf16 v8, v10;
	v53 =	vld [tilespmem:s14+$0xFFFFFF90]  }
0x244: {  	[tilespmem:s12+$0x60] =	vst v8;
	v8 =	vld [tilespmem:s22+$0xFFFFFF90]  }
0x245: {  	v56 =	vld [tilespmem:s24+$0xFFFFFF50];
	v5 =	vmul.f32 v7, v5;
	v0 =	vmul.f32 v0, v6  }
0x246: {  	v57 =	vld [tilespmem:s23+$0xFFFFFFD0]  }
0x247: {  	v7 =	vld [tilespmem:s24+$0x70];
	v0 =	vpack.i.f32.bf16 v0, v5  }
0x248: {  	v12 =	vld [tilespmem:s24+$0xF0];
	[tilespmem:s13+$0x10] =	vst v0  }
0x249: {  	v8 =	vmul.f32 v8, v53;
	v0 =	vmul.f32 v52, v51;
	v54 =	vld [tilespmem:s14+$0x20]  }
0x24a: {  	v55 =	vld [tilespmem:s22+$0x20]  }
0x24b: {  	v0 =	vpack.i.f32.bf16 v8, v0;
	v8 =	vld [tilespmem:s14+$0xA0]  }
0x24c: {  	[tilespmem:s13+$0xFFFFFF90] =	vst v0;
	v0 =	vld [tilespmem:s22+$0xA0]  }
0x24d: {  	v3 =	vld [tilespmem:s14+$0xFFFFFF20]  }
0x24e: {  	v4 =	vld [tilespmem:s22+$0xFFFFFF20]  }
0x24f: {  	v2 =	vld [tilespmem:s14+$0xFFFFFFA0]  }
0x250: {  	v1 =	vld [tilespmem:s22+$0xFFFFFFA0]  }
0x251: {  	v6 =	vld [tilespmem:s23+$0x70];
	v9 =	vmul.f32 v55, v54;
	v0 =	vmul.f32 v0, v8  }
0x252: {  	v5 =	vld [tilespmem:s23+$0xF0]  }
0x253: {  	v8 =	vld [tilespmem:s23+$0xFFFFFF50];
	v0 =	vpack.i.f32.bf16 v0, v9  }
0x254: {  	[tilespmem:s13+$0x20] =	vst v0;
	v0 =	vld [tilespmem:s24+$0xFFFFFFD0]  }
0x255: {  	v3 =	vmul.f32 v4, v3;
	v1 =	vmul.f32 v1, v2;
	v2 =	vld [tilespmem:s14+$0x30]  }
0x256: {  	v4 =	vld [tilespmem:s22+$0x30]  }
0x257: {  	v1 =	vpack.i.f32.bf16 v1, v3;
	v3 =	vld [tilespmem:s14+$0xB0]  }
0x258: {  	[tilespmem:s13+$0xFFFFFFA0] =	vst v1;
	v1 =	vld [tilespmem:s22+$0xB0]  }
0x259: {  	v8 =	vmul.f32 v56, v8;
	v58 =	vld [tilespmem:s14+$0xFFFFFF30];
	v0 =	vmul.f32 v0, v57  }
0x25a: {  	v59 =	vld [tilespmem:s22+$0xFFFFFF30]  }
0x25b: {  	v0 =	vpack.i.f32.bf16 v0, v8;
	v8 =	vld [tilespmem:s14+$0xFFFFFFB0]  }
0x25c: {  	[tilespmem:s12+$0xFFFFFFD0] =	vst v0;
	v0 =	vld [tilespmem:s22+$0xFFFFFFB0]  }
0x25d: {  	v2 =	vmul.f32 v4, v2;
	v1 =	vmul.f32 v1, v3;
	v3 =	vld [tilespmem:s23+$0xFFFFFF60]  }
0x25e: {  	v4 =	vld [tilespmem:s24+$0xFFFFFF60]  }
0x25f: {  	v1 =	vpack.i.f32.bf16 v1, v2;
	v2 =	vld [tilespmem:s23+$0xFFFFFFE0]  }
0x260: {  	[tilespmem:s13+$0x30] =	vst v1;
	v1 =	vld [tilespmem:s24+$0xFFFFFFE0]  }
0x261: {  	v9 =	vmul.f32 v59, v58;
	v60 =	vld [tilespmem:s22+$0x40];
	v0 =	vmul.f32 v0, v8  }
0x262: {  	v61 =	vld [tilespmem:s14+$0xC0]  }
0x263: {  	v8 =	vld [tilespmem:s14+$0x40];
	v0 =	vpack.i.f32.bf16 v0, v9  }
0x264: {  	[tilespmem:s13+$0xFFFFFFB0] =	vst v0;
	v0 =	vld [tilespmem:s22+$0xC0]  }
0x265: {  	v3 =	vmul.f32 v4, v3;
	v1 =	vmul.f32 v1, v2;
	v4 =	vld [tilespmem:s14+$0xFFFFFF40]  }
0x266: {  	v2 =	vld [tilespmem:s22+$0xFFFFFF40]  }
0x267: {  	v1 =	vpack.i.f32.bf16 v1, v3;
	v3 =	vld [tilespmem:s14+$0xFFFFFFC0]  }
0x268: {  	[tilespmem:s12+$0xFFFFFFE0] =	vst v1;
	v62 =	vld [tilespmem:s22+$0xFFFFFFC0]  }
0x269: {  	v1 =	vmul.f32 v60, v8;
	v8 =	vld [tilespmem:s23+$0xFFFFFF70];
	v0 =	vmul.f32 v0, v61  }
0x26a: {  	v63 =	vld [tilespmem:s24+$0xFFFFFF70]  }
0x26b: {  	v1 =	vpack.i.f32.bf16 v0, v1;
	v0 =	vld [tilespmem:s23+$0xFFFFFFF0]  }
0x26c: {  	v6 =	vmul.f32 v7, v6;
	v5 =	vmul.f32 v12, v5;
	[tilespmem:s13+$0x40] =	vst v1;
	v1 =	vld [tilespmem:s24+$0xFFFFFFF0]  }
0x26d: {  	v2 =	vmul.f32 v2, v4;
	v7 =	vmul.f32 v62, v3;
	v3 =	vld [tilespmem:s14+$0x50]  }
0x26e: {  	v5 =	vpack.i.f32.bf16 v5, v6;
	v4 =	vld [tilespmem:s22+$0x50]  }
0x26f: {  	[tilespmem:s12+$0x70] =	vst v5;
	v6 =	vpack.i.f32.bf16 v7, v2;
	v5 =	vld [tilespmem:s14+$0xD0]  }
0x270: {  	s6 =	simm.s32 $0x2;
	s23 =	simm.s32 $0xD500;
	v2 =	vmul.f32 v63, v8;
	s24 =	simm.s32 $0x14B00;
	[tilespmem:s13+$0xFFFFFFC0] =	vst v6;
	v6 =	vld [tilespmem:s22+$0xD0]  }
.LBB2_7:
0x271: {  	v7 =	vld [tilespmem:s23+$0x0];
	s22 =	sadd.s32 $0x200, s22;
	v0 =	vmul.f32 v1, v0  }
0x272: {  	v1 =	vld [tilespmem:s22+$0x0]  }
0x273: {  	v8 =	vld [tilespmem:s23+$0x80];
	v0 =	vpack.i.f32.bf16 v0, v2  }
0x274: {  	v2 =	vld [tilespmem:s22+$0x80];
	[tilespmem:s12+$0xFFFFFFF0] =	vst v0;
	s12 =	smov.u32 s13  }
0x275: {  	v3 =	vmul.f32 v4, v3;
	v0 =	vld [tilespmem:s22+$0xFFFFFF00];
	v4 =	vmul.f32 v6, v5  }
0x276: {  	v5 =	vld [tilespmem:s23+$0xFFFFFF80]  }
0x277: {  	v6 =	vld [tilespmem:s22+$0xFFFFFF80];
	v3 =	vpack.i.f32.bf16 v4, v3  }
0x278: {  	v4 =	vld [tilespmem:s23+$0xFFFFFF00];
	[tilespmem:s13+$0x50] =	vst v3  }
0x279: {  	v1 =	vmul.f32 v1, v7;
	v2 =	vmul.f32 v2, v8;
	v3 =	vld [tilespmem:s14+$0x60]  }
0x27a: {  	v7 =	vld [tilespmem:s24+$0x60]  }
0x27b: {  	s13 =	sadd.s32 $0x100, s13;
	v1 =	vpack.i.f32.bf16 v2, v1;
	v2 =	vld [tilespmem:s14+$0xE0]  }
0x27c: {  	v5 =	vmul.f32 v6, v5;
	[tilespmem:s13+$0x0] =	vst v1;
	v1 =	vld [tilespmem:s24+$0xE0]  }
0x27d: {  	v0 =	vmul.f32 v0, v4;
	v4 =	vld [tilespmem:s23+$0x10]  }
0x27e: {  	v6 =	vld [tilespmem:s22+$0x10]  }
0x27f: {  	v0 =	vpack.i.f32.bf16 v5, v0;
	v5 =	vld [tilespmem:s23+$0x90]  }
0x280: {  	[tilespmem:s13+$0xFFFFFF80] =	vst v0;
	v0 =	vld [tilespmem:s22+$0x90]  }
0x281: {  	v3 =	vmul.f32 v7, v3;
	v8 =	vld [tilespmem:s23+$0xFFFFFF10];
	v1 =	vmul.f32 v1, v2  }
0x282: {  	v2 =	vld [tilespmem:s22+$0xFFFFFF10]  }
0x283: {  	v7 =	vld [tilespmem:s23+$0xFFFFFF90];
	v1 =	vpack.i.f32.bf16 v1, v3  }
0x284: {  	v3 =	vld [tilespmem:s22+$0xFFFFFF90];
	[tilespmem:s12+$0x60] =	vst v1  }
0x285: {  	v1 =	vmul.f32 v6, v4;
	v0 =	vmul.f32 v0, v5;
	v4 =	vld [tilespmem:s14+$0x70]  }
0x286: {  	v5 =	vld [tilespmem:s24+$0x70]  }
0x287: {  	v2 =	vmul.f32 v2, v8;
	v0 =	vpack.i.f32.bf16 v0, v1;
	v1 =	vld [tilespmem:s14+$0xF0]  }
0x288: {  	[tilespmem:s13+$0x10] =	vst v0;
	v0 =	vld [tilespmem:s24+$0xF0]  }
0x289: {  	s6 =	sadd.s32 $0x2, s6;
	v3 =	vmul.f32 v3, v7;
	v6 =	vld [tilespmem:s23+$0x20]  }
0x28a: {  	p0 =	slt.u32 s6, $0x26;
	v7 =	vld [tilespmem:s22+$0x20]  }
0x28b: {  	v2 =	vpack.i.f32.bf16 v3, v2;
	v3 =	vld [tilespmem:s23+$0xA0]  }
0x28c: {  	[tilespmem:s13+$0xFFFFFF90] =	vst v2;
	v2 =	vld [tilespmem:s22+$0xA0]  }
0x28d: {  	v4 =	vmul.f32 v5, v4;
	v8 =	vld [tilespmem:s23+$0xFFFFFF20];
	v0 =	vmul.f32 v0, v1  }
0x28e: {  	v1 =	vld [tilespmem:s22+$0xFFFFFF20]  }
0x28f: {  	v5 =	vld [tilespmem:s23+$0xFFFFFFA0];
	v0 =	vpack.i.f32.bf16 v0, v4  }
0x290: {  	v4 =	vld [tilespmem:s22+$0xFFFFFFA0];
	[tilespmem:s12+$0x70] =	vst v0  }
0x291: {  	v0 =	vmul.f32 v7, v6;
	v2 =	vmul.f32 v2, v3;
	v3 =	vld [tilespmem:s14+$0xFFFFFF50]  }
0x292: {  	v6 =	vld [tilespmem:s24+$0xFFFFFF50]  }
0x293: {  	v1 =	vmul.f32 v1, v8;
	v0 =	vpack.i.f32.bf16 v2, v0;
	v2 =	vld [tilespmem:s14+$0xFFFFFFD0]  }
0x294: {  	[tilespmem:s13+$0x20] =	vst v0;
	v0 =	vld [tilespmem:s24+$0xFFFFFFD0]  }
0x295: {  	v4 =	vmul.f32 v4, v5;
	v5 =	vld [tilespmem:s23+$0x30]  }
0x296: {  	v7 =	vld [tilespmem:s22+$0x30]  }
0x297: {  	v1 =	vpack.i.f32.bf16 v4, v1;
	v4 =	vld [tilespmem:s23+$0xB0];
	v3 =	vmul.f32 v6, v3  }
0x298: {  	[tilespmem:s13+$0xFFFFFFA0] =	vst v1;
	v1 =	vld [tilespmem:s22+$0xB0]  }
0x299: {  	v6 =	vld [tilespmem:s23+$0xFFFFFF30];
	v0 =	vmul.f32 v0, v2  }
0x29a: {  	v2 =	vld [tilespmem:s22+$0xFFFFFF30]  }
0x29b: {  	v8 =	vld [tilespmem:s23+$0xFFFFFFB0];
	v0 =	vpack.i.f32.bf16 v0, v3  }
0x29c: {  	v3 =	vld [tilespmem:s22+$0xFFFFFFB0];
	[tilespmem:s12+$0xFFFFFFD0] =	vst v0  }
0x29d: {  	v0 =	vmul.f32 v7, v5;
	v1 =	vmul.f32 v1, v4;
	v4 =	vld [tilespmem:s14+$0xFFFFFF60]  }
0x29e: {  	v5 =	vld [tilespmem:s24+$0xFFFFFF60]  }
0x29f: {  	v2 =	vmul.f32 v2, v6;
	v0 =	vpack.i.f32.bf16 v1, v0;
	v1 =	vld [tilespmem:s14+$0xFFFFFFE0]  }
0x2a0: {  	[tilespmem:s13+$0x30] =	vst v0;
	v0 =	vld [tilespmem:s24+$0xFFFFFFE0]  }
0x2a1: {  	v3 =	vmul.f32 v3, v8;
	v6 =	vld [tilespmem:s23+$0x40]  }
0x2a2: {  	v7 =	vld [tilespmem:s22+$0x40]  }
0x2a3: {  	v2 =	vpack.i.f32.bf16 v3, v2;
	v3 =	vld [tilespmem:s23+$0xC0];
	v4 =	vmul.f32 v5, v4  }
0x2a4: {  	[tilespmem:s13+$0xFFFFFFB0] =	vst v2;
	v2 =	vld [tilespmem:s22+$0xC0]  }
0x2a5: {  	v5 =	vld [tilespmem:s23+$0xFFFFFF40];
	v0 =	vmul.f32 v0, v1  }
0x2a6: {  	v1 =	vld [tilespmem:s22+$0xFFFFFF40]  }
0x2a7: {  	v8 =	vld [tilespmem:s23+$0xFFFFFFC0];
	v0 =	vpack.i.f32.bf16 v0, v4  }
0x2a8: {  	v4 =	vld [tilespmem:s22+$0xFFFFFFC0];
	[tilespmem:s12+$0xFFFFFFE0] =	vst v0  }
0x2a9: {  	v0 =	vmul.f32 v7, v6;
	v2 =	vmul.f32 v2, v3;
	v6 =	vld [tilespmem:s14+$0xFFFFFF70]  }
0x2aa: {  	v7 =	vld [tilespmem:s24+$0xFFFFFF70]  }
0x2ab: {  	v5 =	vmul.f32 v1, v5;
	v1 =	vpack.i.f32.bf16 v2, v0;
	v0 =	vld [tilespmem:s14+$0xFFFFFFF0];
	s14 =	smov.u32 s23  }
.Ltmp2:
0x2ac: {  	[tilespmem:s13+$0x40] =	vst v1;
	v1 =	vld [tilespmem:s24+$0xFFFFFFF0];
	s24 =	smov.u32 s22;
	(pc) =	sbr.rel @p0 .LBB2_7-.Ltmp2, $4  }
0x2ad: {  	v2 =	vmul.f32 v4, v8;
	v3 =	vld [tilespmem:s23+$0x50]  }
0x2ae: {  	v4 =	vld [tilespmem:s22+$0x50]  }
0x2af: {  	v8 =	vpack.i.f32.bf16 v2, v5;
	v5 =	vld [tilespmem:s23+$0xD0];
	v2 =	vmul.f32 v7, v6  }
0x2b0: {  	s23 =	sadd.s32 $0x200, s23;
	[tilespmem:s13+$0xFFFFFFC0] =	vst v8;
	v6 =	vld [tilespmem:s22+$0xD0]  }
0x2b1: {  	v7 =	vld [tilespmem:s14+$0xFFFFFF50]  }
0x2b2: {  	v8 =	vld [tilespmem:s24+$0xFFFFFF50]  }
0x2b3: {  	v9 =	vld [tilespmem:s14+$0xFFFFFFD0]  }
0x2b4: {  	v10 =	vld [tilespmem:s24+$0xFFFFFFD0]  }
0x2b5: {  	v3 =	vmul.f32 v4, v3;
	v42 =	vmul.f32 v6, v5;
	_ =	sdelay $0x1  }
0x2b6: {  	v3 =	vpack.i.f32.bf16 v42, v3  }
0x2b7: {  	[tilespmem:s13+$0x50] =	vst v3  }
0x2b8: {  	v43 =	vmul.f32 v8, v7;
	v44 =	vmul.f32 v10, v9;
	v3 =	vld [tilespmem:s14+$0x60]  }
0x2b9: {  	v45 =	vld [tilespmem:s24+$0x60]  }
0x2ba: {  	v4 =	vpack.i.f32.bf16 v44, v43;
	v46 =	vld [tilespmem:s14+$0xE0]  }
0x2bb: {  	v47 =	vld [tilespmem:s24+$0xE0];
	[tilespmem:s13+$0xFFFFFFD0] =	vst v4  }
0x2bc: {  	v4 =	vld [tilespmem:s14+$0xFFFFFF60]  }
0x2bd: {  	v48 =	vld [tilespmem:s24+$0xFFFFFF60]  }
0x2be: {  	v49 =	vld [tilespmem:s14+$0xFFFFFFE0]  }
0x2bf: {  	v50 =	vld [tilespmem:s24+$0xFFFFFFE0]  }
0x2c0: {  	v3 =	vmul.f32 v45, v3;
	v5 =	vmul.f32 v47, v46;
	_ =	sdelay $0x1  }
0x2c1: {  	v3 =	vpack.i.f32.bf16 v5, v3  }
0x2c2: {  	[tilespmem:s13+$0x60] =	vst v3  }
0x2c3: {  	v4 =	vmul.f32 v48, v4;
	v51 =	vmul.f32 v50, v49;
	v3 =	vld [tilespmem:s14+$0x70]  }
0x2c4: {  	v52 =	vld [tilespmem:s24+$0x70]  }
0x2c5: {  	v4 =	vpack.i.f32.bf16 v51, v4;
	v53 =	vld [tilespmem:s14+$0xF0]  }
0x2c6: {  	v54 =	vld [tilespmem:s24+$0xF0];
	[tilespmem:s13+$0xFFFFFFE0] =	vst v4  }
0x2c7: {  	v4 =	vld [tilespmem:s14+$0xFFFFFF70]  }
0x2c8: {  	v55 =	vld [tilespmem:s24+$0xFFFFFF70]  }
0x2c9: {  	v56 =	vld [tilespmem:s14+$0xFFFFFFF0]  }
0x2ca: {  	v57 =	vld [tilespmem:s24+$0xFFFFFFF0];
	_ =	sdelay $0x2  }
0x2cb: {  	v0 =	vmul.f32 v1, v0  }
0x2cc: {  	p0 =	seq.s32 s7, $0x28;
	v58 =	vmul.f32 v52, v3;
	v59 =	vmul.f32 v54, v53  }
.Ltmp3:
0x2cd: {  	v0 =	vpack.i.f32.bf16 v0, v2;
	v60 =	vmul.f32 v55, v4;
	v61 =	vmul.f32 v57, v56;
	(pc) =	sbr.rel @p0 .LBB2_10-.Ltmp3, $4  }
0x2ce: {  	s6 =	sadd.s32 s11, s9;
	[tilespmem:s12+$0xFFFFFFF0] =	vst v0;
	v62 =	vpack.i.f32.bf16 v59, v58  }
0x2cf: {  	s6 =	sshll.u32 s6, $0x3;
	[tilespmem:s13+$0x70] =	vst v62;
	v63 =	vpack.i.f32.bf16 v61, v60  }
0x2d0: {  	s6 =	sadd.s32 s4, s6;
	[tilespmem:s13+$0xFFFFFFF0] =	vst v63  }
0x2d1: {  	[hbm4b:s6+s3] =	stream.linear.scatter [tilespmem:s20], [sflag:$0x9], $0x1400, $0x38;
	[tilespmem:$0x1AC00] =	vst v63  }
.Ltmp4:
0x2d2: {  	(pc) =	sbr.rel .LBB2_2-.Ltmp4, $4  }
0x2d3: {  	s6 =	sadd.s32 $0x280, s10;
	s11 =	simm.s32 $0xD000  }
0x2d4: {  	[tilespmem:s11], [sflag:$0x3] =	stream.indirect.gather [hbm4b:s2+s15], $0x80, s6, s15, $0xb8;
	[tilespmem:$0x1AC00] =	vst v63  }
0x2d5: {  	s24 =	sadd.s32 $0x4280, s10;
	s7 =	sadd.s32 $0x1, s7  }
0x2d6: {  	[tilespmem:s25], [sflag:$0x6] =	stream.indirect.gather [hbm4b:s2+s15], $0x80, s24, s15, $0xb8;
	[tilespmem:$0x1AC00] =	vst v63  }
.LBB2_10:
0x2d7: {  	_ =	swait.ge [sflag:s26], $0x2800  }
0x2d8: {  	[sflag:s26] =	ssyncset.done $0x0  }
0x2d9: {  	[sflag:s26] =	ssyncadd.s32 $0xFFFFD800  }
0x2da: {  	_ =	swait.ge [sflag:s28], $0x2800  }
0x2db: {  	[sflag:s28] =	ssyncset.done $0x0  }
0x2dc: {  	s22 =	simm.s32 $0x7;
	[sflag:s28] =	ssyncadd.s32 $0xFFFFD800  }
0x2dd: {  	_ =	swait.ge [sflag:s22], $0x1400  }
0x2de: {  	[sflag:s22] =	ssyncset.done $0x0  }
0x2df: {  	s13 =	simm.s32 $0x8100;
	[sflag:s22] =	ssyncadd.s32 $0xFFFFEC00  }
0x2e0: {  	s6 =	simm.s32 $0xF900;
	v0 =	vld [tilespmem:s13+$0x0]  }
0x2e1: {  	v1 =	vld [tilespmem:s6+$0x0]  }
0x2e2: {  	v2 =	vld [tilespmem:s13+$0x80]  }
0x2e3: {  	v3 =	vld [tilespmem:s6+$0x80];
	_ =	sdelay $0x4  }
0x2e4: {  	v4 =	vld [tilespmem:s6+$0xFFFFFF00];
	v0 =	vmul.f32 v1, v0;
	v1 =	vmul.f32 v3, v2  }
0x2e5: {  	v2 =	vld [tilespmem:s13+$0xFFFFFF80]  }
0x2e6: {  	s7 =	simm.s32 $0x17080;
	v3 =	vld [tilespmem:s6+$0xFFFFFF80];
	v0 =	vpack.i.f32.bf16 v1, v0  }
0x2e7: {  	v1 =	vld [tilespmem:s13+$0xFFFFFF00];
	[tilespmem:s7+$0x0] =	vst v0  }
0x2e8: {  	v0 =	vld [tilespmem:s13+$0x10]  }
0x2e9: {  	v5 =	vld [tilespmem:s6+$0x10]  }
0x2ea: {  	v6 =	vld [tilespmem:s13+$0x90]  }
0x2eb: {  	v7 =	vld [tilespmem:s6+$0x90]  }
0x2ec: {  	v2 =	vmul.f32 v3, v2;
	v1 =	vmul.f32 v4, v1;
	_ =	sdelay $0x1  }
0x2ed: {  	v1 =	vpack.i.f32.bf16 v2, v1  }
0x2ee: {  	[tilespmem:s7+$0xFFFFFF80] =	vst v1  }
0x2ef: {  	v0 =	vmul.f32 v5, v0;
	v2 =	vmul.f32 v7, v6;
	v1 =	vld [tilespmem:s13+$0xFFFFFF10]  }
0x2f0: {  	v3 =	vld [tilespmem:s6+$0xFFFFFF10]  }
0x2f1: {  	v4 =	vld [tilespmem:s13+$0xFFFFFF90];
	v0 =	vpack.i.f32.bf16 v2, v0  }
0x2f2: {  	v2 =	vld [tilespmem:s6+$0xFFFFFF90];
	[tilespmem:s7+$0x10] =	vst v0  }
0x2f3: {  	v0 =	vld [tilespmem:s13+$0x20]  }
0x2f4: {  	v5 =	vld [tilespmem:s6+$0x20]  }
0x2f5: {  	v6 =	vld [tilespmem:s13+$0xA0]  }
0x2f6: {  	v7 =	vld [tilespmem:s6+$0xA0]  }
0x2f7: {  	v1 =	vmul.f32 v3, v1;
	v2 =	vmul.f32 v2, v4;
	_ =	sdelay $0x1  }
0x2f8: {  	v1 =	vpack.i.f32.bf16 v2, v1  }
0x2f9: {  	[tilespmem:s7+$0xFFFFFF90] =	vst v1  }
0x2fa: {  	v0 =	vmul.f32 v5, v0;
	v2 =	vmul.f32 v7, v6;
	v1 =	vld [tilespmem:s13+$0xFFFFFF20]  }
0x2fb: {  	v3 =	vld [tilespmem:s6+$0xFFFFFF20]  }
0x2fc: {  	v4 =	vld [tilespmem:s13+$0xFFFFFFA0];
	v0 =	vpack.i.f32.bf16 v2, v0  }
0x2fd: {  	v2 =	vld [tilespmem:s6+$0xFFFFFFA0];
	[tilespmem:s7+$0x20] =	vst v0  }
0x2fe: {  	v0 =	vld [tilespmem:s13+$0x30]  }
0x2ff: {  	v5 =	vld [tilespmem:s6+$0x30]  }
0x300: {  	v6 =	vld [tilespmem:s13+$0xB0]  }
0x301: {  	v7 =	vld [tilespmem:s6+$0xB0]  }
0x302: {  	v1 =	vmul.f32 v3, v1;
	v2 =	vmul.f32 v2, v4;
	_ =	sdelay $0x1  }
0x303: {  	v1 =	vpack.i.f32.bf16 v2, v1  }
0x304: {  	[tilespmem:s7+$0xFFFFFFA0] =	vst v1  }
0x305: {  	v0 =	vmul.f32 v5, v0;
	v2 =	vmul.f32 v7, v6;
	v1 =	vld [tilespmem:s13+$0xFFFFFF30]  }
0x306: {  	v3 =	vld [tilespmem:s6+$0xFFFFFF30]  }
0x307: {  	v4 =	vld [tilespmem:s13+$0xFFFFFFB0];
	v0 =	vpack.i.f32.bf16 v2, v0  }
0x308: {  	v2 =	vld [tilespmem:s6+$0xFFFFFFB0];
	[tilespmem:s7+$0x30] =	vst v0  }
0x309: {  	v0 =	vld [tilespmem:s13+$0x40]  }
0x30a: {  	v5 =	vld [tilespmem:s6+$0x40]  }
0x30b: {  	v6 =	vld [tilespmem:s13+$0xC0]  }
0x30c: {  	v7 =	vld [tilespmem:s6+$0xC0];
	_ =	sdelay $0x2  }
0x30d: {  	v1 =	vmul.f32 v3, v1;
	v2 =	vmul.f32 v2, v4  }
0x30e: {  	s10 =	simm.s32 $0x8300  }
0x30f: {  	s12 =	simm.s32 $0xFB00;
	v8 =	vld [tilespmem:s10+$0x0];
	v1 =	vpack.i.f32.bf16 v2, v1;
	v0 =	vmul.f32 v5, v0;
	v2 =	vmul.f32 v7, v6  }
0x310: {  	v9 =	vld [tilespmem:s12+$0x0]  }
0x311: {  	v10 =	vld [tilespmem:s10+$0x80];
	v0 =	vpack.i.f32.bf16 v2, v0  }
0x312: {  	v11 =	vld [tilespmem:s12+$0x80];
	[tilespmem:s7+$0x40] =	vst v0  }
0x313: {  	v0 =	vld [tilespmem:s13+$0x50]  }
0x314: {  	v5 =	vld [tilespmem:s6+$0x50]  }
0x315: {  	v6 =	vld [tilespmem:s13+$0xD0]  }
0x316: {  	[tilespmem:s7+$0xFFFFFFB0] =	vst v1;
	v7 =	vld [tilespmem:s6+$0xD0]  }
0x317: {  	v1 =	vld [tilespmem:s13+$0xFFFFFF40]  }
0x318: {  	v3 =	vld [tilespmem:s6+$0xFFFFFF40]  }
0x319: {  	v4 =	vld [tilespmem:s13+$0xFFFFFFC0]  }
0x31a: {  	v2 =	vld [tilespmem:s6+$0xFFFFFFC0]  }
0x31b: {  	v0 =	vmul.f32 v5, v0;
	v5 =	vld [tilespmem:s12+$0xFFFFFF00];
	v6 =	vmul.f32 v7, v6  }
0x31c: {  	v7 =	vld [tilespmem:s10+$0xFFFFFF80]  }
0x31d: {  	v0 =	vpack.i.f32.bf16 v6, v0;
	v6 =	vld [tilespmem:s12+$0xFFFFFF80]  }
0x31e: {  	[tilespmem:s7+$0x50] =	vst v0;
	v0 =	vld [tilespmem:s10+$0xFFFFFF00]  }
0x31f: {  	v8 =	vmul.f32 v9, v8;
	v47 =	vmul.f32 v11, v10;
	v48 =	vld [tilespmem:s13+$0x60]  }
0x320: {  	v49 =	vld [tilespmem:s6+$0x60]  }
0x321: {  	s11 =	simm.s32 $0x17180;
	v8 =	vpack.i.f32.bf16 v47, v8;
	v50 =	vld [tilespmem:s13+$0xE0]  }
0x322: {  	[tilespmem:s11+$0x0] =	vst v8;
	v8 =	vld [tilespmem:s6+$0xE0]  }
0x323: {  	v6 =	vmul.f32 v6, v7;
	v7 =	vld [tilespmem:s12+$0x10];
	v0 =	vmul.f32 v5, v0  }
0x324: {  	v5 =	vld [tilespmem:s10+$0x10]  }
0x325: {  	v0 =	vpack.i.f32.bf16 v6, v0;
	v6 =	vld [tilespmem:s10+$0x90]  }
0x326: {  	v1 =	vmul.f32 v3, v1;
	v2 =	vmul.f32 v2, v4;
	[tilespmem:s11+$0xFFFFFF80] =	vst v0;
	v0 =	vld [tilespmem:s12+$0x90]  }
0x327: {  	v10 =	vmul.f32 v49, v48;
	v8 =	vmul.f32 v8, v50;
	v51 =	vld [tilespmem:s10+$0xFFFFFF10]  }
0x328: {  	v1 =	vpack.i.f32.bf16 v2, v1;
	v52 =	vld [tilespmem:s12+$0xFFFFFF10]  }
0x329: {  	[tilespmem:s7+$0xFFFFFFC0] =	vst v1;
	v8 =	vpack.i.f32.bf16 v8, v10;
	v53 =	vld [tilespmem:s10+$0xFFFFFF90]  }
0x32a: {  	[tilespmem:s7+$0x60] =	vst v8;
	v8 =	vld [tilespmem:s12+$0xFFFFFF90]  }
0x32b: {  	v56 =	vld [tilespmem:s6+$0xFFFFFF50];
	v5 =	vmul.f32 v7, v5;
	v0 =	vmul.f32 v0, v6  }
0x32c: {  	v57 =	vld [tilespmem:s13+$0xFFFFFFD0]  }
0x32d: {  	v7 =	vld [tilespmem:s6+$0x70];
	v0 =	vpack.i.f32.bf16 v0, v5  }
0x32e: {  	v12 =	vld [tilespmem:s6+$0xF0];
	[tilespmem:s11+$0x10] =	vst v0  }
0x32f: {  	v8 =	vmul.f32 v8, v53;
	v0 =	vmul.f32 v52, v51;
	v54 =	vld [tilespmem:s10+$0x20]  }
0x330: {  	v55 =	vld [tilespmem:s12+$0x20]  }
0x331: {  	v0 =	vpack.i.f32.bf16 v8, v0;
	v8 =	vld [tilespmem:s10+$0xA0]  }
0x332: {  	[tilespmem:s11+$0xFFFFFF90] =	vst v0;
	v0 =	vld [tilespmem:s12+$0xA0]  }
0x333: {  	v3 =	vld [tilespmem:s10+$0xFFFFFF20]  }
0x334: {  	v4 =	vld [tilespmem:s12+$0xFFFFFF20]  }
0x335: {  	v2 =	vld [tilespmem:s10+$0xFFFFFFA0]  }
0x336: {  	v1 =	vld [tilespmem:s12+$0xFFFFFFA0]  }
0x337: {  	v6 =	vld [tilespmem:s13+$0x70];
	v9 =	vmul.f32 v55, v54;
	v0 =	vmul.f32 v0, v8  }
0x338: {  	v5 =	vld [tilespmem:s13+$0xF0]  }
0x339: {  	v8 =	vld [tilespmem:s13+$0xFFFFFF50];
	v0 =	vpack.i.f32.bf16 v0, v9  }
0x33a: {  	[tilespmem:s11+$0x20] =	vst v0;
	v0 =	vld [tilespmem:s6+$0xFFFFFFD0]  }
0x33b: {  	v3 =	vmul.f32 v4, v3;
	v1 =	vmul.f32 v1, v2;
	v2 =	vld [tilespmem:s10+$0x30]  }
0x33c: {  	v4 =	vld [tilespmem:s12+$0x30]  }
0x33d: {  	v1 =	vpack.i.f32.bf16 v1, v3;
	v3 =	vld [tilespmem:s10+$0xB0]  }
0x33e: {  	[tilespmem:s11+$0xFFFFFFA0] =	vst v1;
	v1 =	vld [tilespmem:s12+$0xB0]  }
0x33f: {  	v8 =	vmul.f32 v56, v8;
	v58 =	vld [tilespmem:s10+$0xFFFFFF30];
	v0 =	vmul.f32 v0, v57  }
0x340: {  	v59 =	vld [tilespmem:s12+$0xFFFFFF30]  }
0x341: {  	v0 =	vpack.i.f32.bf16 v0, v8;
	v8 =	vld [tilespmem:s10+$0xFFFFFFB0]  }
0x342: {  	[tilespmem:s7+$0xFFFFFFD0] =	vst v0;
	v0 =	vld [tilespmem:s12+$0xFFFFFFB0]  }
0x343: {  	v2 =	vmul.f32 v4, v2;
	v1 =	vmul.f32 v1, v3;
	v3 =	vld [tilespmem:s13+$0xFFFFFF60]  }
0x344: {  	v4 =	vld [tilespmem:s6+$0xFFFFFF60]  }
0x345: {  	v1 =	vpack.i.f32.bf16 v1, v2;
	v2 =	vld [tilespmem:s13+$0xFFFFFFE0]  }
0x346: {  	[tilespmem:s11+$0x30] =	vst v1;
	v1 =	vld [tilespmem:s6+$0xFFFFFFE0]  }
0x347: {  	v9 =	vmul.f32 v59, v58;
	v60 =	vld [tilespmem:s12+$0x40];
	v0 =	vmul.f32 v0, v8  }
0x348: {  	v61 =	vld [tilespmem:s10+$0xC0]  }
0x349: {  	v8 =	vld [tilespmem:s10+$0x40];
	v0 =	vpack.i.f32.bf16 v0, v9  }
0x34a: {  	[tilespmem:s11+$0xFFFFFFB0] =	vst v0;
	v0 =	vld [tilespmem:s12+$0xC0]  }
0x34b: {  	v3 =	vmul.f32 v4, v3;
	v1 =	vmul.f32 v1, v2;
	v4 =	vld [tilespmem:s10+$0xFFFFFF40]  }
0x34c: {  	v2 =	vld [tilespmem:s12+$0xFFFFFF40]  }
0x34d: {  	v1 =	vpack.i.f32.bf16 v1, v3;
	v3 =	vld [tilespmem:s10+$0xFFFFFFC0]  }
0x34e: {  	[tilespmem:s7+$0xFFFFFFE0] =	vst v1;
	v62 =	vld [tilespmem:s12+$0xFFFFFFC0]  }
0x34f: {  	v1 =	vmul.f32 v60, v8;
	v8 =	vld [tilespmem:s13+$0xFFFFFF70];
	v0 =	vmul.f32 v0, v61  }
0x350: {  	v63 =	vld [tilespmem:s6+$0xFFFFFF70]  }
0x351: {  	v1 =	vpack.i.f32.bf16 v0, v1;
	v0 =	vld [tilespmem:s13+$0xFFFFFFF0]  }
0x352: {  	v6 =	vmul.f32 v7, v6;
	v5 =	vmul.f32 v12, v5;
	[tilespmem:s11+$0x40] =	vst v1;
	v1 =	vld [tilespmem:s6+$0xFFFFFFF0]  }
0x353: {  	v2 =	vmul.f32 v2, v4;
	v7 =	vmul.f32 v62, v3;
	v3 =	vld [tilespmem:s10+$0x50]  }
0x354: {  	v5 =	vpack.i.f32.bf16 v5, v6;
	v4 =	vld [tilespmem:s12+$0x50]  }
0x355: {  	[tilespmem:s7+$0x70] =	vst v5;
	v6 =	vpack.i.f32.bf16 v7, v2;
	v5 =	vld [tilespmem:s10+$0xD0]  }
0x356: {  	s14 =	simm.s32 $0x8500;
	s13 =	simm.s32 $0xFB00;
	s6 =	simm.s32 $0x2;
	v2 =	vmul.f32 v63, v8;
	[tilespmem:s11+$0xFFFFFFC0] =	vst v6;
	v6 =	vld [tilespmem:s12+$0xD0]  }
.LBB2_11:
0x357: {  	v7 =	vld [tilespmem:s14+$0x0];
	s12 =	sadd.s32 $0x200, s12;
	v0 =	vmul.f32 v1, v0  }
0x358: {  	v1 =	vld [tilespmem:s12+$0x0]  }
0x359: {  	v8 =	vld [tilespmem:s14+$0x80];
	v0 =	vpack.i.f32.bf16 v0, v2  }
0x35a: {  	v2 =	vld [tilespmem:s12+$0x80];
	[tilespmem:s7+$0xFFFFFFF0] =	vst v0;
	s7 =	smov.u32 s11  }
0x35b: {  	v3 =	vmul.f32 v4, v3;
	v0 =	vld [tilespmem:s12+$0xFFFFFF00];
	v4 =	vmul.f32 v6, v5  }
0x35c: {  	v5 =	vld [tilespmem:s14+$0xFFFFFF80]  }
0x35d: {  	v6 =	vld [tilespmem:s12+$0xFFFFFF80];
	v3 =	vpack.i.f32.bf16 v4, v3  }
0x35e: {  	v4 =	vld [tilespmem:s14+$0xFFFFFF00];
	[tilespmem:s11+$0x50] =	vst v3  }
0x35f: {  	v1 =	vmul.f32 v1, v7;
	v2 =	vmul.f32 v2, v8;
	v3 =	vld [tilespmem:s10+$0x60]  }
0x360: {  	v7 =	vld [tilespmem:s13+$0x60]  }
0x361: {  	s11 =	sadd.s32 $0x100, s11;
	v1 =	vpack.i.f32.bf16 v2, v1;
	v2 =	vld [tilespmem:s10+$0xE0]  }
0x362: {  	v5 =	vmul.f32 v6, v5;
	[tilespmem:s11+$0x0] =	vst v1;
	v1 =	vld [tilespmem:s13+$0xE0]  }
0x363: {  	v0 =	vmul.f32 v0, v4;
	v4 =	vld [tilespmem:s14+$0x10]  }
0x364: {  	v6 =	vld [tilespmem:s12+$0x10]  }
0x365: {  	v0 =	vpack.i.f32.bf16 v5, v0;
	v5 =	vld [tilespmem:s14+$0x90]  }
0x366: {  	[tilespmem:s11+$0xFFFFFF80] =	vst v0;
	v0 =	vld [tilespmem:s12+$0x90]  }
0x367: {  	v3 =	vmul.f32 v7, v3;
	v8 =	vld [tilespmem:s14+$0xFFFFFF10];
	v1 =	vmul.f32 v1, v2  }
0x368: {  	v2 =	vld [tilespmem:s12+$0xFFFFFF10]  }
0x369: {  	v7 =	vld [tilespmem:s14+$0xFFFFFF90];
	v1 =	vpack.i.f32.bf16 v1, v3  }
0x36a: {  	v3 =	vld [tilespmem:s12+$0xFFFFFF90];
	[tilespmem:s7+$0x60] =	vst v1  }
0x36b: {  	v1 =	vmul.f32 v6, v4;
	v0 =	vmul.f32 v0, v5;
	v4 =	vld [tilespmem:s10+$0x70]  }
0x36c: {  	v5 =	vld [tilespmem:s13+$0x70]  }
0x36d: {  	v2 =	vmul.f32 v2, v8;
	v0 =	vpack.i.f32.bf16 v0, v1;
	v1 =	vld [tilespmem:s10+$0xF0]  }
0x36e: {  	[tilespmem:s11+$0x10] =	vst v0;
	v0 =	vld [tilespmem:s13+$0xF0]  }
0x36f: {  	s6 =	sadd.s32 $0x2, s6;
	v3 =	vmul.f32 v3, v7;
	v6 =	vld [tilespmem:s14+$0x20]  }
0x370: {  	p0 =	slt.u32 s6, $0x26;
	v7 =	vld [tilespmem:s12+$0x20]  }
0x371: {  	v2 =	vpack.i.f32.bf16 v3, v2;
	v3 =	vld [tilespmem:s14+$0xA0]  }
0x372: {  	[tilespmem:s11+$0xFFFFFF90] =	vst v2;
	v2 =	vld [tilespmem:s12+$0xA0]  }
0x373: {  	v4 =	vmul.f32 v5, v4;
	v8 =	vld [tilespmem:s14+$0xFFFFFF20];
	v0 =	vmul.f32 v0, v1  }
0x374: {  	v1 =	vld [tilespmem:s12+$0xFFFFFF20]  }
0x375: {  	v5 =	vld [tilespmem:s14+$0xFFFFFFA0];
	v0 =	vpack.i.f32.bf16 v0, v4  }
0x376: {  	v4 =	vld [tilespmem:s12+$0xFFFFFFA0];
	[tilespmem:s7+$0x70] =	vst v0  }
0x377: {  	v0 =	vmul.f32 v7, v6;
	v2 =	vmul.f32 v2, v3;
	v3 =	vld [tilespmem:s10+$0xFFFFFF50]  }
0x378: {  	v6 =	vld [tilespmem:s13+$0xFFFFFF50]  }
0x379: {  	v1 =	vmul.f32 v1, v8;
	v0 =	vpack.i.f32.bf16 v2, v0;
	v2 =	vld [tilespmem:s10+$0xFFFFFFD0]  }
0x37a: {  	[tilespmem:s11+$0x20] =	vst v0;
	v0 =	vld [tilespmem:s13+$0xFFFFFFD0]  }
0x37b: {  	v4 =	vmul.f32 v4, v5;
	v5 =	vld [tilespmem:s14+$0x30]  }
0x37c: {  	v7 =	vld [tilespmem:s12+$0x30]  }
0x37d: {  	v1 =	vpack.i.f32.bf16 v4, v1;
	v4 =	vld [tilespmem:s14+$0xB0];
	v3 =	vmul.f32 v6, v3  }
0x37e: {  	[tilespmem:s11+$0xFFFFFFA0] =	vst v1;
	v1 =	vld [tilespmem:s12+$0xB0]  }
0x37f: {  	v6 =	vld [tilespmem:s14+$0xFFFFFF30];
	v0 =	vmul.f32 v0, v2  }
0x380: {  	v2 =	vld [tilespmem:s12+$0xFFFFFF30]  }
0x381: {  	v8 =	vld [tilespmem:s14+$0xFFFFFFB0];
	v0 =	vpack.i.f32.bf16 v0, v3  }
0x382: {  	v3 =	vld [tilespmem:s12+$0xFFFFFFB0];
	[tilespmem:s7+$0xFFFFFFD0] =	vst v0  }
0x383: {  	v0 =	vmul.f32 v7, v5;
	v1 =	vmul.f32 v1, v4;
	v4 =	vld [tilespmem:s10+$0xFFFFFF60]  }
0x384: {  	v5 =	vld [tilespmem:s13+$0xFFFFFF60]  }
0x385: {  	v2 =	vmul.f32 v2, v6;
	v0 =	vpack.i.f32.bf16 v1, v0;
	v1 =	vld [tilespmem:s10+$0xFFFFFFE0]  }
0x386: {  	[tilespmem:s11+$0x30] =	vst v0;
	v0 =	vld [tilespmem:s13+$0xFFFFFFE0]  }
0x387: {  	v3 =	vmul.f32 v3, v8;
	v6 =	vld [tilespmem:s14+$0x40]  }
0x388: {  	v7 =	vld [tilespmem:s12+$0x40]  }
0x389: {  	v2 =	vpack.i.f32.bf16 v3, v2;
	v3 =	vld [tilespmem:s14+$0xC0];
	v4 =	vmul.f32 v5, v4  }
0x38a: {  	[tilespmem:s11+$0xFFFFFFB0] =	vst v2;
	v2 =	vld [tilespmem:s12+$0xC0]  }
0x38b: {  	v5 =	vld [tilespmem:s14+$0xFFFFFF40];
	v0 =	vmul.f32 v0, v1  }
0x38c: {  	v1 =	vld [tilespmem:s12+$0xFFFFFF40]  }
0x38d: {  	v8 =	vld [tilespmem:s14+$0xFFFFFFC0];
	v0 =	vpack.i.f32.bf16 v0, v4  }
0x38e: {  	v4 =	vld [tilespmem:s12+$0xFFFFFFC0];
	[tilespmem:s7+$0xFFFFFFE0] =	vst v0  }
0x38f: {  	v0 =	vmul.f32 v7, v6;
	v2 =	vmul.f32 v2, v3;
	v6 =	vld [tilespmem:s10+$0xFFFFFF70]  }
0x390: {  	v7 =	vld [tilespmem:s13+$0xFFFFFF70]  }
0x391: {  	v5 =	vmul.f32 v1, v5;
	v1 =	vpack.i.f32.bf16 v2, v0;
	v0 =	vld [tilespmem:s10+$0xFFFFFFF0];
	s10 =	smov.u32 s14  }
.Ltmp5:
0x392: {  	[tilespmem:s11+$0x40] =	vst v1;
	v1 =	vld [tilespmem:s13+$0xFFFFFFF0];
	s13 =	smov.u32 s12;
	(pc) =	sbr.rel @p0 .LBB2_11-.Ltmp5, $4  }
0x393: {  	v2 =	vmul.f32 v4, v8;
	v3 =	vld [tilespmem:s14+$0x50]  }
0x394: {  	v4 =	vld [tilespmem:s12+$0x50]  }
0x395: {  	v8 =	vpack.i.f32.bf16 v2, v5;
	v5 =	vld [tilespmem:s14+$0xD0];
	v2 =	vmul.f32 v7, v6  }
0x396: {  	s14 =	sadd.s32 $0x200, s14;
	[tilespmem:s11+$0xFFFFFFC0] =	vst v8;
	v6 =	vld [tilespmem:s12+$0xD0]  }
0x397: {  	v7 =	vld [tilespmem:s10+$0xFFFFFF50]  }
0x398: {  	v8 =	vld [tilespmem:s13+$0xFFFFFF50]  }
0x399: {  	v9 =	vld [tilespmem:s10+$0xFFFFFFD0]  }
0x39a: {  	v10 =	vld [tilespmem:s13+$0xFFFFFFD0]  }
0x39b: {  	v3 =	vmul.f32 v4, v3;
	v4 =	vmul.f32 v6, v5;
	_ =	sdelay $0x1  }
0x39c: {  	v3 =	vpack.i.f32.bf16 v4, v3  }
0x39d: {  	[tilespmem:s11+$0x50] =	vst v3  }
0x39e: {  	v5 =	vmul.f32 v10, v9;
	v4 =	vmul.f32 v8, v7;
	v3 =	vld [tilespmem:s10+$0x60]  }
0x39f: {  	v6 =	vld [tilespmem:s13+$0x60]  }
0x3a0: {  	v7 =	vld [tilespmem:s10+$0xE0];
	v4 =	vpack.i.f32.bf16 v5, v4  }
0x3a1: {  	v5 =	vld [tilespmem:s13+$0xE0];
	[tilespmem:s11+$0xFFFFFFD0] =	vst v4  }
0x3a2: {  	v4 =	vld [tilespmem:s10+$0xFFFFFF60]  }
0x3a3: {  	v8 =	vld [tilespmem:s13+$0xFFFFFF60]  }
0x3a4: {  	v41 =	vld [tilespmem:s10+$0xFFFFFFE0]  }
0x3a5: {  	v42 =	vld [tilespmem:s13+$0xFFFFFFE0]  }
0x3a6: {  	v3 =	vmul.f32 v6, v3;
	v5 =	vmul.f32 v5, v7;
	_ =	sdelay $0x1  }
0x3a7: {  	v3 =	vpack.i.f32.bf16 v5, v3  }
0x3a8: {  	[tilespmem:s11+$0x60] =	vst v3  }
0x3a9: {  	v4 =	vmul.f32 v8, v4;
	v5 =	vmul.f32 v42, v41;
	v3 =	vld [tilespmem:s10+$0x70]  }
0x3aa: {  	v6 =	vld [tilespmem:s13+$0x70]  }
0x3ab: {  	v7 =	vld [tilespmem:s10+$0xF0];
	v4 =	vpack.i.f32.bf16 v5, v4  }
0x3ac: {  	v5 =	vld [tilespmem:s13+$0xF0];
	[tilespmem:s11+$0xFFFFFFE0] =	vst v4  }
0x3ad: {  	v4 =	vld [tilespmem:s10+$0xFFFFFF70]  }
0x3ae: {  	v8 =	vld [tilespmem:s13+$0xFFFFFF70]  }
0x3af: {  	v43 =	vld [tilespmem:s10+$0xFFFFFFF0]  }
0x3b0: {  	v44 =	vld [tilespmem:s13+$0xFFFFFFF0];
	_ =	sdelay $0x2  }
0x3b1: {  	v0 =	vmul.f32 v1, v0  }
0x3b2: {  	v1 =	vmul.f32 v6, v3;
	v3 =	vmul.f32 v5, v7  }
0x3b3: {  	v0 =	vpack.i.f32.bf16 v0, v2;
	v2 =	vmul.f32 v8, v4;
	v4 =	vmul.f32 v44, v43  }
0x3b4: {  	[tilespmem:s7+$0xFFFFFFF0] =	vst v0;
	v0 =	vpack.i.f32.bf16 v3, v1  }
0x3b5: {  	[tilespmem:s11+$0x70] =	vst v0;
	v0 =	vpack.i.f32.bf16 v4, v2  }
0x3b6: {  	[tilespmem:s11+$0xFFFFFFF0] =	vst v0  }
0x3b7: {  	s6 =	rddreg [dreg:$0x5]  }
0x3b8: {  	[hbm4b:s6+s3] =	stream.linear.scatter [tilespmem:s29], [sflag:$0x7], $0x1400, $0x38;
	[tilespmem:$0x1AC00] =	vst v63  }
0x3b9: {  	_ =	swait.ge [sflag:s30], $0x2800  }
0x3ba: {  	[sflag:s30] =	ssyncset.done $0x0  }
0x3bb: {  	[sflag:s30] =	ssyncadd.s32 $0xFFFFD800  }
0x3bc: {  	_ =	swait.ge [sflag:s31], $0x2800  }
0x3bd: {  	[sflag:s31] =	ssyncset.done $0x0  }
0x3be: {  	s14 =	simm.s32 $0x8;
	[sflag:s31] =	ssyncadd.s32 $0xFFFFD800  }
0x3bf: {  	_ =	swait.ge [sflag:s14], $0x1400  }
0x3c0: {  	[sflag:s14] =	ssyncset.done $0x0  }
0x3c1: {  	s23 =	simm.s32 $0xA900;
	[sflag:s14] =	ssyncadd.s32 $0xFFFFEC00  }
0x3c2: {  	s24 =	simm.s32 $0x12100;
	v0 =	vld [tilespmem:s23+$0x0]  }
0x3c3: {  	v1 =	vld [tilespmem:s24+$0x0]  }
0x3c4: {  	v2 =	vld [tilespmem:s23+$0x80]  }
0x3c5: {  	v3 =	vld [tilespmem:s24+$0x80];
	_ =	sdelay $0x4  }
0x3c6: {  	v4 =	vld [tilespmem:s24+$0xFFFFFF00];
	v0 =	vmul.f32 v1, v0;
	v1 =	vmul.f32 v3, v2  }
0x3c7: {  	v2 =	vld [tilespmem:s23+$0xFFFFFF80]  }
0x3c8: {  	s7 =	simm.s32 $0x18480;
	v3 =	vld [tilespmem:s24+$0xFFFFFF80];
	v0 =	vpack.i.f32.bf16 v1, v0  }
0x3c9: {  	v1 =	vld [tilespmem:s23+$0xFFFFFF00];
	[tilespmem:s7+$0x0] =	vst v0  }
0x3ca: {  	v0 =	vld [tilespmem:s23+$0x10]  }
0x3cb: {  	v5 =	vld [tilespmem:s24+$0x10]  }
0x3cc: {  	v6 =	vld [tilespmem:s23+$0x90]  }
0x3cd: {  	v7 =	vld [tilespmem:s24+$0x90]  }
0x3ce: {  	v2 =	vmul.f32 v3, v2;
	v1 =	vmul.f32 v4, v1;
	_ =	sdelay $0x1  }
0x3cf: {  	v1 =	vpack.i.f32.bf16 v2, v1  }
0x3d0: {  	[tilespmem:s7+$0xFFFFFF80] =	vst v1  }
0x3d1: {  	v0 =	vmul.f32 v5, v0;
	v2 =	vmul.f32 v7, v6;
	v1 =	vld [tilespmem:s23+$0xFFFFFF10]  }
0x3d2: {  	v3 =	vld [tilespmem:s24+$0xFFFFFF10]  }
0x3d3: {  	v4 =	vld [tilespmem:s23+$0xFFFFFF90];
	v0 =	vpack.i.f32.bf16 v2, v0  }
0x3d4: {  	v2 =	vld [tilespmem:s24+$0xFFFFFF90];
	[tilespmem:s7+$0x10] =	vst v0  }
0x3d5: {  	v0 =	vld [tilespmem:s23+$0x20]  }
0x3d6: {  	v5 =	vld [tilespmem:s24+$0x20]  }
0x3d7: {  	v6 =	vld [tilespmem:s23+$0xA0]  }
0x3d8: {  	v7 =	vld [tilespmem:s24+$0xA0]  }
0x3d9: {  	v1 =	vmul.f32 v3, v1;
	v2 =	vmul.f32 v2, v4;
	_ =	sdelay $0x1  }
0x3da: {  	v1 =	vpack.i.f32.bf16 v2, v1  }
0x3db: {  	[tilespmem:s7+$0xFFFFFF90] =	vst v1  }
0x3dc: {  	v0 =	vmul.f32 v5, v0;
	v2 =	vmul.f32 v7, v6;
	v1 =	vld [tilespmem:s23+$0xFFFFFF20]  }
0x3dd: {  	v3 =	vld [tilespmem:s24+$0xFFFFFF20]  }
0x3de: {  	v4 =	vld [tilespmem:s23+$0xFFFFFFA0];
	v0 =	vpack.i.f32.bf16 v2, v0  }
0x3df: {  	v2 =	vld [tilespmem:s24+$0xFFFFFFA0];
	[tilespmem:s7+$0x20] =	vst v0  }
0x3e0: {  	v0 =	vld [tilespmem:s23+$0x30]  }
0x3e1: {  	v5 =	vld [tilespmem:s24+$0x30]  }
0x3e2: {  	v6 =	vld [tilespmem:s23+$0xB0]  }
0x3e3: {  	v7 =	vld [tilespmem:s24+$0xB0]  }
0x3e4: {  	v1 =	vmul.f32 v3, v1;
	v2 =	vmul.f32 v2, v4;
	_ =	sdelay $0x1  }
0x3e5: {  	v1 =	vpack.i.f32.bf16 v2, v1  }
0x3e6: {  	[tilespmem:s7+$0xFFFFFFA0] =	vst v1  }
0x3e7: {  	v0 =	vmul.f32 v5, v0;
	v2 =	vmul.f32 v7, v6;
	v1 =	vld [tilespmem:s23+$0xFFFFFF30]  }
0x3e8: {  	v3 =	vld [tilespmem:s24+$0xFFFFFF30]  }
0x3e9: {  	v4 =	vld [tilespmem:s23+$0xFFFFFFB0];
	v0 =	vpack.i.f32.bf16 v2, v0  }
0x3ea: {  	v2 =	vld [tilespmem:s24+$0xFFFFFFB0];
	[tilespmem:s7+$0x30] =	vst v0  }
0x3eb: {  	v0 =	vld [tilespmem:s23+$0x40]  }
0x3ec: {  	v5 =	vld [tilespmem:s24+$0x40]  }
0x3ed: {  	v6 =	vld [tilespmem:s23+$0xC0]  }
0x3ee: {  	v7 =	vld [tilespmem:s24+$0xC0];
	_ =	sdelay $0x2  }
0x3ef: {  	v1 =	vmul.f32 v3, v1;
	v2 =	vmul.f32 v2, v4  }
0x3f0: {  	s10 =	simm.s32 $0xAB00  }
0x3f1: {  	s12 =	simm.s32 $0x12300;
	v8 =	vld [tilespmem:s10+$0x0];
	v1 =	vpack.i.f32.bf16 v2, v1;
	v0 =	vmul.f32 v5, v0;
	v2 =	vmul.f32 v7, v6  }
0x3f2: {  	v45 =	vld [tilespmem:s12+$0x0]  }
0x3f3: {  	v46 =	vld [tilespmem:s10+$0x80];
	v0 =	vpack.i.f32.bf16 v2, v0  }
0x3f4: {  	v11 =	vld [tilespmem:s12+$0x80];
	[tilespmem:s7+$0x40] =	vst v0  }
0x3f5: {  	v0 =	vld [tilespmem:s23+$0x50]  }
0x3f6: {  	v5 =	vld [tilespmem:s24+$0x50]  }
0x3f7: {  	v6 =	vld [tilespmem:s23+$0xD0]  }
0x3f8: {  	[tilespmem:s7+$0xFFFFFFB0] =	vst v1;
	v7 =	vld [tilespmem:s24+$0xD0]  }
0x3f9: {  	v1 =	vld [tilespmem:s23+$0xFFFFFF40]  }
0x3fa: {  	v3 =	vld [tilespmem:s24+$0xFFFFFF40]  }
0x3fb: {  	v4 =	vld [tilespmem:s23+$0xFFFFFFC0]  }
0x3fc: {  	v2 =	vld [tilespmem:s24+$0xFFFFFFC0]  }
0x3fd: {  	v0 =	vmul.f32 v5, v0;
	v5 =	vld [tilespmem:s12+$0xFFFFFF00];
	v6 =	vmul.f32 v7, v6  }
0x3fe: {  	v7 =	vld [tilespmem:s10+$0xFFFFFF80]  }
0x3ff: {  	v0 =	vpack.i.f32.bf16 v6, v0;
	v6 =	vld [tilespmem:s12+$0xFFFFFF80]  }
0x400: {  	[tilespmem:s7+$0x50] =	vst v0;
	v0 =	vld [tilespmem:s10+$0xFFFFFF00]  }
0x401: {  	v8 =	vmul.f32 v45, v8;
	v47 =	vmul.f32 v11, v46;
	v48 =	vld [tilespmem:s23+$0x60]  }
0x402: {  	v49 =	vld [tilespmem:s24+$0x60]  }
0x403: {  	s11 =	simm.s32 $0x18580;
	v8 =	vpack.i.f32.bf16 v47, v8;
	v50 =	vld [tilespmem:s23+$0xE0]  }
0x404: {  	[tilespmem:s11+$0x0] =	vst v8;
	v8 =	vld [tilespmem:s24+$0xE0]  }
0x405: {  	v6 =	vmul.f32 v6, v7;
	v7 =	vld [tilespmem:s12+$0x10];
	v0 =	vmul.f32 v5, v0  }
0x406: {  	v5 =	vld [tilespmem:s10+$0x10]  }
0x407: {  	v0 =	vpack.i.f32.bf16 v6, v0;
	v6 =	vld [tilespmem:s10+$0x90]  }
0x408: {  	v1 =	vmul.f32 v3, v1;
	v2 =	vmul.f32 v2, v4;
	[tilespmem:s11+$0xFFFFFF80] =	vst v0;
	v0 =	vld [tilespmem:s12+$0x90]  }
0x409: {  	v10 =	vmul.f32 v49, v48;
	v8 =	vmul.f32 v8, v50;
	v51 =	vld [tilespmem:s10+$0xFFFFFF10]  }
0x40a: {  	v1 =	vpack.i.f32.bf16 v2, v1;
	v52 =	vld [tilespmem:s12+$0xFFFFFF10]  }
0x40b: {  	[tilespmem:s7+$0xFFFFFFC0] =	vst v1;
	v8 =	vpack.i.f32.bf16 v8, v10;
	v53 =	vld [tilespmem:s10+$0xFFFFFF90]  }
0x40c: {  	[tilespmem:s7+$0x60] =	vst v8;
	v8 =	vld [tilespmem:s12+$0xFFFFFF90]  }
0x40d: {  	v56 =	vld [tilespmem:s24+$0xFFFFFF50];
	v5 =	vmul.f32 v7, v5;
	v0 =	vmul.f32 v0, v6  }
0x40e: {  	v57 =	vld [tilespmem:s23+$0xFFFFFFD0]  }
0x40f: {  	v7 =	vld [tilespmem:s24+$0x70];
	v0 =	vpack.i.f32.bf16 v0, v5  }
0x410: {  	v12 =	vld [tilespmem:s24+$0xF0];
	[tilespmem:s11+$0x10] =	vst v0  }
0x411: {  	v8 =	vmul.f32 v8, v53;
	v0 =	vmul.f32 v52, v51;
	v54 =	vld [tilespmem:s10+$0x20]  }
0x412: {  	v55 =	vld [tilespmem:s12+$0x20]  }
0x413: {  	v0 =	vpack.i.f32.bf16 v8, v0;
	v8 =	vld [tilespmem:s10+$0xA0]  }
0x414: {  	[tilespmem:s11+$0xFFFFFF90] =	vst v0;
	v0 =	vld [tilespmem:s12+$0xA0]  }
0x415: {  	v3 =	vld [tilespmem:s10+$0xFFFFFF20]  }
0x416: {  	v4 =	vld [tilespmem:s12+$0xFFFFFF20]  }
0x417: {  	v2 =	vld [tilespmem:s10+$0xFFFFFFA0]  }
0x418: {  	v1 =	vld [tilespmem:s12+$0xFFFFFFA0]  }
0x419: {  	v6 =	vld [tilespmem:s23+$0x70];
	v9 =	vmul.f32 v55, v54;
	v0 =	vmul.f32 v0, v8  }
0x41a: {  	v5 =	vld [tilespmem:s23+$0xF0]  }
0x41b: {  	v8 =	vld [tilespmem:s23+$0xFFFFFF50];
	v0 =	vpack.i.f32.bf16 v0, v9  }
0x41c: {  	[tilespmem:s11+$0x20] =	vst v0;
	v0 =	vld [tilespmem:s24+$0xFFFFFFD0]  }
0x41d: {  	v3 =	vmul.f32 v4, v3;
	v1 =	vmul.f32 v1, v2;
	v2 =	vld [tilespmem:s10+$0x30]  }
0x41e: {  	v4 =	vld [tilespmem:s12+$0x30]  }
0x41f: {  	v1 =	vpack.i.f32.bf16 v1, v3;
	v3 =	vld [tilespmem:s10+$0xB0]  }
0x420: {  	[tilespmem:s11+$0xFFFFFFA0] =	vst v1;
	v1 =	vld [tilespmem:s12+$0xB0]  }
0x421: {  	v8 =	vmul.f32 v56, v8;
	v58 =	vld [tilespmem:s10+$0xFFFFFF30];
	v0 =	vmul.f32 v0, v57  }
0x422: {  	v59 =	vld [tilespmem:s12+$0xFFFFFF30]  }
0x423: {  	v0 =	vpack.i.f32.bf16 v0, v8;
	v8 =	vld [tilespmem:s10+$0xFFFFFFB0]  }
0x424: {  	[tilespmem:s7+$0xFFFFFFD0] =	vst v0;
	v0 =	vld [tilespmem:s12+$0xFFFFFFB0]  }
0x425: {  	v2 =	vmul.f32 v4, v2;
	v1 =	vmul.f32 v1, v3;
	v3 =	vld [tilespmem:s23+$0xFFFFFF60]  }
0x426: {  	v4 =	vld [tilespmem:s24+$0xFFFFFF60]  }
0x427: {  	v1 =	vpack.i.f32.bf16 v1, v2;
	v2 =	vld [tilespmem:s23+$0xFFFFFFE0]  }
0x428: {  	[tilespmem:s11+$0x30] =	vst v1;
	v1 =	vld [tilespmem:s24+$0xFFFFFFE0]  }
0x429: {  	v9 =	vmul.f32 v59, v58;
	v60 =	vld [tilespmem:s12+$0x40];
	v0 =	vmul.f32 v0, v8  }
0x42a: {  	v61 =	vld [tilespmem:s10+$0xC0]  }
0x42b: {  	v8 =	vld [tilespmem:s10+$0x40];
	v0 =	vpack.i.f32.bf16 v0, v9  }
0x42c: {  	[tilespmem:s11+$0xFFFFFFB0] =	vst v0;
	v0 =	vld [tilespmem:s12+$0xC0]  }
0x42d: {  	v3 =	vmul.f32 v4, v3;
	v1 =	vmul.f32 v1, v2;
	v4 =	vld [tilespmem:s10+$0xFFFFFF40]  }
0x42e: {  	v2 =	vld [tilespmem:s12+$0xFFFFFF40]  }
0x42f: {  	v1 =	vpack.i.f32.bf16 v1, v3;
	v3 =	vld [tilespmem:s10+$0xFFFFFFC0]  }
0x430: {  	[tilespmem:s7+$0xFFFFFFE0] =	vst v1;
	v62 =	vld [tilespmem:s12+$0xFFFFFFC0]  }
0x431: {  	v1 =	vmul.f32 v60, v8;
	v8 =	vld [tilespmem:s23+$0xFFFFFF70];
	v0 =	vmul.f32 v0, v61  }
0x432: {  	v63 =	vld [tilespmem:s24+$0xFFFFFF70]  }
0x433: {  	v1 =	vpack.i.f32.bf16 v0, v1;
	v0 =	vld [tilespmem:s23+$0xFFFFFFF0]  }
0x434: {  	v6 =	vmul.f32 v7, v6;
	v5 =	vmul.f32 v12, v5;
	[tilespmem:s11+$0x40] =	vst v1;
	v1 =	vld [tilespmem:s24+$0xFFFFFFF0]  }
0x435: {  	v2 =	vmul.f32 v2, v4;
	v7 =	vmul.f32 v62, v3;
	v3 =	vld [tilespmem:s10+$0x50]  }
0x436: {  	v5 =	vpack.i.f32.bf16 v5, v6;
	v4 =	vld [tilespmem:s12+$0x50]  }
0x437: {  	[tilespmem:s7+$0x70] =	vst v5;
	v6 =	vpack.i.f32.bf16 v7, v2;
	v5 =	vld [tilespmem:s10+$0xD0]  }
0x438: {  	s13 =	simm.s32 $0x12300;
	s6 =	simm.s32 $0x2;
	s14 =	simm.s32 $0xAD00;
	v2 =	vmul.f32 v63, v8;
	[tilespmem:s11+$0xFFFFFFC0] =	vst v6;
	v6 =	vld [tilespmem:s12+$0xD0]  }
.LBB2_13:
0x439: {  	v7 =	vld [tilespmem:s14+$0x0];
	s12 =	sadd.s32 $0x200, s12;
	v0 =	vmul.f32 v1, v0  }
0x43a: {  	v1 =	vld [tilespmem:s12+$0x0]  }
0x43b: {  	v8 =	vld [tilespmem:s14+$0x80];
	v0 =	vpack.i.f32.bf16 v0, v2  }
0x43c: {  	v2 =	vld [tilespmem:s12+$0x80];
	[tilespmem:s7+$0xFFFFFFF0] =	vst v0;
	s7 =	smov.u32 s11  }
0x43d: {  	v3 =	vmul.f32 v4, v3;
	v0 =	vld [tilespmem:s12+$0xFFFFFF00];
	v4 =	vmul.f32 v6, v5  }
0x43e: {  	v5 =	vld [tilespmem:s14+$0xFFFFFF80]  }
0x43f: {  	v6 =	vld [tilespmem:s12+$0xFFFFFF80];
	v3 =	vpack.i.f32.bf16 v4, v3  }
0x440: {  	v4 =	vld [tilespmem:s14+$0xFFFFFF00];
	[tilespmem:s11+$0x50] =	vst v3  }
0x441: {  	v1 =	vmul.f32 v1, v7;
	v2 =	vmul.f32 v2, v8;
	v3 =	vld [tilespmem:s10+$0x60]  }
0x442: {  	v7 =	vld [tilespmem:s13+$0x60]  }
0x443: {  	s11 =	sadd.s32 $0x100, s11;
	v1 =	vpack.i.f32.bf16 v2, v1;
	v2 =	vld [tilespmem:s10+$0xE0]  }
0x444: {  	v5 =	vmul.f32 v6, v5;
	[tilespmem:s11+$0x0] =	vst v1;
	v1 =	vld [tilespmem:s13+$0xE0]  }
0x445: {  	v0 =	vmul.f32 v0, v4;
	v4 =	vld [tilespmem:s14+$0x10]  }
0x446: {  	v6 =	vld [tilespmem:s12+$0x10]  }
0x447: {  	v0 =	vpack.i.f32.bf16 v5, v0;
	v5 =	vld [tilespmem:s14+$0x90]  }
0x448: {  	[tilespmem:s11+$0xFFFFFF80] =	vst v0;
	v0 =	vld [tilespmem:s12+$0x90]  }
0x449: {  	v3 =	vmul.f32 v7, v3;
	v8 =	vld [tilespmem:s14+$0xFFFFFF10];
	v1 =	vmul.f32 v1, v2  }
0x44a: {  	v2 =	vld [tilespmem:s12+$0xFFFFFF10]  }
0x44b: {  	v7 =	vld [tilespmem:s14+$0xFFFFFF90];
	v1 =	vpack.i.f32.bf16 v1, v3  }
0x44c: {  	v3 =	vld [tilespmem:s12+$0xFFFFFF90];
	[tilespmem:s7+$0x60] =	vst v1  }
0x44d: {  	v1 =	vmul.f32 v6, v4;
	v0 =	vmul.f32 v0, v5;
	v4 =	vld [tilespmem:s10+$0x70]  }
0x44e: {  	v5 =	vld [tilespmem:s13+$0x70]  }
0x44f: {  	v2 =	vmul.f32 v2, v8;
	v0 =	vpack.i.f32.bf16 v0, v1;
	v1 =	vld [tilespmem:s10+$0xF0]  }
0x450: {  	[tilespmem:s11+$0x10] =	vst v0;
	v0 =	vld [tilespmem:s13+$0xF0]  }
0x451: {  	s6 =	sadd.s32 $0x2, s6;
	v3 =	vmul.f32 v3, v7;
	v6 =	vld [tilespmem:s14+$0x20]  }
0x452: {  	p0 =	slt.u32 s6, $0x26;
	v7 =	vld [tilespmem:s12+$0x20]  }
0x453: {  	v2 =	vpack.i.f32.bf16 v3, v2;
	v3 =	vld [tilespmem:s14+$0xA0]  }
0x454: {  	[tilespmem:s11+$0xFFFFFF90] =	vst v2;
	v2 =	vld [tilespmem:s12+$0xA0]  }
0x455: {  	v4 =	vmul.f32 v5, v4;
	v8 =	vld [tilespmem:s14+$0xFFFFFF20];
	v0 =	vmul.f32 v0, v1  }
0x456: {  	v1 =	vld [tilespmem:s12+$0xFFFFFF20]  }
0x457: {  	v5 =	vld [tilespmem:s14+$0xFFFFFFA0];
	v0 =	vpack.i.f32.bf16 v0, v4  }
0x458: {  	v4 =	vld [tilespmem:s12+$0xFFFFFFA0];
	[tilespmem:s7+$0x70] =	vst v0  }
0x459: {  	v0 =	vmul.f32 v7, v6;
	v2 =	vmul.f32 v2, v3;
	v3 =	vld [tilespmem:s10+$0xFFFFFF50]  }
0x45a: {  	v6 =	vld [tilespmem:s13+$0xFFFFFF50]  }
0x45b: {  	v1 =	vmul.f32 v1, v8;
	v0 =	vpack.i.f32.bf16 v2, v0;
	v2 =	vld [tilespmem:s10+$0xFFFFFFD0]  }
0x45c: {  	[tilespmem:s11+$0x20] =	vst v0;
	v0 =	vld [tilespmem:s13+$0xFFFFFFD0]  }
0x45d: {  	v4 =	vmul.f32 v4, v5;
	v5 =	vld [tilespmem:s14+$0x30]  }
0x45e: {  	v7 =	vld [tilespmem:s12+$0x30]  }
0x45f: {  	v1 =	vpack.i.f32.bf16 v4, v1;
	v4 =	vld [tilespmem:s14+$0xB0];
	v3 =	vmul.f32 v6, v3  }
0x460: {  	[tilespmem:s11+$0xFFFFFFA0] =	vst v1;
	v1 =	vld [tilespmem:s12+$0xB0]  }
0x461: {  	v6 =	vld [tilespmem:s14+$0xFFFFFF30];
	v0 =	vmul.f32 v0, v2  }
0x462: {  	v2 =	vld [tilespmem:s12+$0xFFFFFF30]  }
0x463: {  	v8 =	vld [tilespmem:s14+$0xFFFFFFB0];
	v0 =	vpack.i.f32.bf16 v0, v3  }
0x464: {  	v3 =	vld [tilespmem:s12+$0xFFFFFFB0];
	[tilespmem:s7+$0xFFFFFFD0] =	vst v0  }
0x465: {  	v0 =	vmul.f32 v7, v5;
	v1 =	vmul.f32 v1, v4;
	v4 =	vld [tilespmem:s10+$0xFFFFFF60]  }
0x466: {  	v5 =	vld [tilespmem:s13+$0xFFFFFF60]  }
0x467: {  	v2 =	vmul.f32 v2, v6;
	v0 =	vpack.i.f32.bf16 v1, v0;
	v1 =	vld [tilespmem:s10+$0xFFFFFFE0]  }
0x468: {  	[tilespmem:s11+$0x30] =	vst v0;
	v0 =	vld [tilespmem:s13+$0xFFFFFFE0]  }
0x469: {  	v3 =	vmul.f32 v3, v8;
	v6 =	vld [tilespmem:s14+$0x40]  }
0x46a: {  	v7 =	vld [tilespmem:s12+$0x40]  }
0x46b: {  	v2 =	vpack.i.f32.bf16 v3, v2;
	v3 =	vld [tilespmem:s14+$0xC0];
	v4 =	vmul.f32 v5, v4  }
0x46c: {  	[tilespmem:s11+$0xFFFFFFB0] =	vst v2;
	v2 =	vld [tilespmem:s12+$0xC0]  }
0x46d: {  	v5 =	vld [tilespmem:s14+$0xFFFFFF40];
	v0 =	vmul.f32 v0, v1  }
0x46e: {  	v1 =	vld [tilespmem:s12+$0xFFFFFF40]  }
0x46f: {  	v8 =	vld [tilespmem:s14+$0xFFFFFFC0];
	v0 =	vpack.i.f32.bf16 v0, v4  }
0x470: {  	v4 =	vld [tilespmem:s12+$0xFFFFFFC0];
	[tilespmem:s7+$0xFFFFFFE0] =	vst v0  }
0x471: {  	v0 =	vmul.f32 v7, v6;
	v2 =	vmul.f32 v2, v3;
	v6 =	vld [tilespmem:s10+$0xFFFFFF70]  }
0x472: {  	v7 =	vld [tilespmem:s13+$0xFFFFFF70]  }
0x473: {  	v5 =	vmul.f32 v1, v5;
	v1 =	vpack.i.f32.bf16 v2, v0;
	v0 =	vld [tilespmem:s10+$0xFFFFFFF0];
	s10 =	smov.u32 s14  }
.Ltmp6:
0x474: {  	[tilespmem:s11+$0x40] =	vst v1;
	v1 =	vld [tilespmem:s13+$0xFFFFFFF0];
	s13 =	smov.u32 s12;
	(pc) =	sbr.rel @p0 .LBB2_13-.Ltmp6, $4  }
0x475: {  	v2 =	vmul.f32 v4, v8;
	v3 =	vld [tilespmem:s14+$0x50]  }
0x476: {  	v4 =	vld [tilespmem:s12+$0x50]  }
0x477: {  	v8 =	vpack.i.f32.bf16 v2, v5;
	v5 =	vld [tilespmem:s14+$0xD0];
	v2 =	vmul.f32 v7, v6  }
0x478: {  	s14 =	sadd.s32 $0x200, s14;
	[tilespmem:s11+$0xFFFFFFC0] =	vst v8;
	v6 =	vld [tilespmem:s12+$0xD0]  }
0x479: {  	v7 =	vld [tilespmem:s10+$0xFFFFFF50]  }
0x47a: {  	v8 =	vld [tilespmem:s13+$0xFFFFFF50]  }
0x47b: {  	v9 =	vld [tilespmem:s10+$0xFFFFFFD0]  }
0x47c: {  	v10 =	vld [tilespmem:s13+$0xFFFFFFD0]  }
0x47d: {  	v3 =	vmul.f32 v4, v3;
	v42 =	vmul.f32 v6, v5;
	_ =	sdelay $0x1  }
0x47e: {  	v3 =	vpack.i.f32.bf16 v42, v3  }
0x47f: {  	[tilespmem:s11+$0x50] =	vst v3  }
0x480: {  	v43 =	vmul.f32 v8, v7;
	v44 =	vmul.f32 v10, v9;
	v3 =	vld [tilespmem:s10+$0x60]  }
0x481: {  	v45 =	vld [tilespmem:s13+$0x60]  }
0x482: {  	v4 =	vpack.i.f32.bf16 v44, v43;
	v46 =	vld [tilespmem:s10+$0xE0]  }
0x483: {  	v47 =	vld [tilespmem:s13+$0xE0];
	[tilespmem:s11+$0xFFFFFFD0] =	vst v4  }
0x484: {  	v4 =	vld [tilespmem:s10+$0xFFFFFF60]  }
0x485: {  	v48 =	vld [tilespmem:s13+$0xFFFFFF60]  }
0x486: {  	v49 =	vld [tilespmem:s10+$0xFFFFFFE0]  }
0x487: {  	v50 =	vld [tilespmem:s13+$0xFFFFFFE0]  }
0x488: {  	v3 =	vmul.f32 v45, v3;
	v5 =	vmul.f32 v47, v46;
	_ =	sdelay $0x1  }
0x489: {  	v3 =	vpack.i.f32.bf16 v5, v3  }
0x48a: {  	[tilespmem:s11+$0x60] =	vst v3  }
0x48b: {  	v4 =	vmul.f32 v48, v4;
	v51 =	vmul.f32 v50, v49;
	v3 =	vld [tilespmem:s10+$0x70]  }
0x48c: {  	v52 =	vld [tilespmem:s13+$0x70]  }
0x48d: {  	v4 =	vpack.i.f32.bf16 v51, v4;
	v53 =	vld [tilespmem:s10+$0xF0]  }
0x48e: {  	v54 =	vld [tilespmem:s13+$0xF0];
	[tilespmem:s11+$0xFFFFFFE0] =	vst v4  }
0x48f: {  	v4 =	vld [tilespmem:s10+$0xFFFFFF70]  }
0x490: {  	v55 =	vld [tilespmem:s13+$0xFFFFFF70]  }
0x491: {  	v56 =	vld [tilespmem:s10+$0xFFFFFFF0]  }
0x492: {  	v57 =	vld [tilespmem:s13+$0xFFFFFFF0];
	_ =	sdelay $0x2  }
0x493: {  	v0 =	vmul.f32 v1, v0  }
0x494: {  	v58 =	vmul.f32 v52, v3;
	v59 =	vmul.f32 v54, v53  }
0x495: {  	v0 =	vpack.i.f32.bf16 v0, v2;
	v60 =	vmul.f32 v55, v4;
	v61 =	vmul.f32 v57, v56  }
0x496: {  	[tilespmem:s7+$0xFFFFFFF0] =	vst v0;
	v62 =	vpack.i.f32.bf16 v59, v58  }
0x497: {  	[tilespmem:s11+$0x70] =	vst v62;
	v63 =	vpack.i.f32.bf16 v61, v60  }
0x498: {  	[tilespmem:s11+$0xFFFFFFF0] =	vst v63  }
0x499: {  	s14 =	simm.s32 $0x9;
	s6 =	rddreg [dreg:$0x6]  }
0x49a: {  	[hbm4b:s6+s3] =	stream.linear.scatter [tilespmem:s0], [sflag:$0x8], $0x1400, $0x38;
	[tilespmem:$0x1AC00] =	vst v63  }
0x49b: {  	_ =	swait.ge [sflag:s14], $0x1400  }
0x49c: {  	[sflag:s14] =	ssyncset.done $0x0  }
0x49d: {  	[sflag:s14] =	ssyncadd.s32 $0xFFFFEC00  }
0x49e: {  	_ =	swait.ge [sflag:s22], $0x1400  }
0x49f: {  	[sflag:s22] =	ssyncset.done $0x0  }
0x4a0: {  	[sflag:s22] =	ssyncadd.s32 $0xFFFFEC00;
	s22 =	simm.s32 $0x8  }
0x4a1: {  	_ =	swait.ge [sflag:s22], $0x1400  }
0x4a2: {  	s23 =	rddreg [dreg:$0x8]  }
0x4a3: {  	s24 =	rddreg [dreg:$0x7];
	s10 =	sadd.s32 $0x1, s23  }
0x4a4: {  	p0 =	sne.s32 s10, s24  }
.Ltmp7:
0x4a5: {  	_ = 	snop;
	(pc) =	sbr.rel @p0 .LBB2_1-.Ltmp7, $3  }
0x4a6: {  	_ =	sdelay $0x1  }
0x4a7: {  	[sflag:s22] =	ssyncset.done $0x0  }
0x4a8: {  	[sflag:s22] =	ssyncadd.s32 $0xFFFFEC00  }
0x4a9: {  	_ =	sfence.sel $0x180000  }
0x4aa: {  	[bflag:$0x0] =	sbarrier.arrive $0xFFFF  }
0x4ab: {  	_ =	strace $0x90000047  }
0x4ac: {  	s0 =	stileid.u32;
	[bflag:$0x2] =	sbarrier.arrive $0xFFFF  }
0x4ad: {  	p0 =	sne.s32 s0, $0x0;
	s0 =	rddreg [dreg:$0x2]  }
0x4ae: {  	s0 =	sadd.s32 @!p0 $0x100000, s0  }
0x4af: {  	[sflag:s0] =	ssyncadd.tile.s32 @!p0 $0x1;
	_ =	shalt  }
.Lfunc_end2:
_tile_overlayer_lowered:
.L_overlay_start_2:
0x4b0: {  	(tag) =	ssettag $0x2  }
0x4b1: {  	s0 =	rddreg [dreg:$0x0];
	s2 =	stileid.u32  }
0x4b2: {  	s1 =	rddreg [dreg:$0x1];
	p0 =	sne.s32 s2, $0x0  }
0x4b3: {  	s3 =	rddreg [dreg:$0x2];
	[bflag:$0x3] =	sbarrier.arrive $0xFFFF;
	s2 =	simm.s32 @!p0 $0x1C0A  }
0x4b4: {  	[timem:s3], [sflag:s2] =	dma.local @!p0 [hbm:s0], s1  }
0x4b5: {  	s0 =	simm.s32 @!p0 $0xA  }
0x4b6: {  	_ =	swait.ge @!p0 [sflag:s0], s1  }
0x4b7: {  	s1 =	ssub.s32 @!p0 $0x0, s1;
	[sflag:s0] =	ssyncset.done @!p0 $0x0  }
0x4b8: {  	[sflag:s0] =	ssyncadd.s32 @!p0 s1  }
0x4b9: {  	[bflag:$0x3] =	sbarrier.arrive $0xFFFF  }
0x4ba: {  	_ =	shalt  }

</sc_bundles>
